<compile_context>
chip_gen: v7x
topology: tpu7x:2x2x1
jax: 0.10.2.dev20260603
libtpu: 0.0.44.dev20260713+nightly
codegen_flags: <defaults>
</compile_context>

<pallas_src>
import functools

import jax
import jax.numpy as jnp
from jax import lax
from jax.experimental import pallas as pl
from jax.experimental.pallas import tpu as pltpu
from jax.experimental.pallas import tpu_sc as plsc

L = 16
CHUNK = 8192
NB = 4096
WMAX = 15


def _interp_kernel(B, K, N, NC, NS):
    NW = NC * NS
    wpr = NW // B
    qw = N // wpr
    n_chunks = qw // CHUNK
    eps = float(jnp.finfo(jnp.float32).eps)
    nb_pad = NB + 4 * L

    mesh = plsc.VectorSubcoreMesh(
        core_axis_name="c", subcore_axis_name="s", num_cores=NC, num_subcores=NS
    )

    @functools.partial(
        pl.kernel,
        out_type=jax.ShapeDtypeStruct((B, N), jnp.float32),
        mesh=mesh,
        compiler_params=pltpu.CompilerParams(needs_layout_passes=False),
        scratch_types=[
            pltpu.VMEM((K + L,), jnp.float32),
            pltpu.VMEM((K,), jnp.float32),
            pltpu.VMEM((K,), jnp.float32),
            pltpu.VMEM((nb_pad,), jnp.int32),
            pltpu.VMEM((CHUNK,), jnp.float32),
            pltpu.VMEM((CHUNK,), jnp.float32),
            pltpu.VMEM((CHUNK,), jnp.float32),
            pltpu.VMEM((CHUNK,), jnp.float32),
            pltpu.SemaphoreType.DMA,
            pltpu.SemaphoreType.DMA,
            pltpu.SemaphoreType.DMA,
            pltpu.SemaphoreType.DMA,
        ],
    )
    def body(xq_hbm, x_hbm, y_hbm, out_hbm, xr, yr, sr, lut, qb0, qb1,
             ob0, ob1, sin0, sin1, sout0, sout1):
        wid = lax.axis_index("s") * NC + lax.axis_index("c")
        row = wid // wpr
        qoff = (wid % wpr) * qw

        pltpu.sync_copy(x_hbm.at[row], xr.at[pl.ds(0, K)])
        pltpu.sync_copy(y_hbm.at[row], yr)
        xr[pl.ds(K, L)] = jnp.full((L,), jnp.inf, jnp.float32)

        iota = lax.iota(jnp.int32, L)
        zeros = jnp.zeros((L,), jnp.int32)

        @plsc.parallel_loop(0, K, step=L, unroll=4)
        def _(base):
            idx1 = jnp.minimum(base + iota + 1, K - 1)
            x0 = xr[pl.ds(base, L)]
            y0 = yr[pl.ds(base, L)]
            x1 = plsc.load_gather(xr, [idx1])
            y1 = plsc.load_gather(yr, [idx1])
            sr[pl.ds(base, L)] = (y1 - y0) / (eps + (x1 - x0))

        @plsc.parallel_loop(0, K, step=L, unroll=4)
        def _(base):
            yr[pl.ds(base, L)] = (
                yr[pl.ds(base, L)] - sr[pl.ds(base, L)] * xr[pl.ds(base, L)]
            )

        def count_below(q):
            pos = zeros
            s = K // 2
            while s >= 1:
                xv = plsc.load_gather(xr, [pos + (s - 1)])
                pos = jnp.where(xv < q, pos + s, pos)
                s //= 2
            return pos

        head = xr[pl.ds(0, L)]
        tail = xr[pl.ds(K - L, L)]
        xmin_v = jnp.full((L,), head[0], jnp.float32)
        rng = jnp.full((L,), tail[L - 1] - head[0], jnp.float32)
        inv_v = rng * (1.0 / NB)
        sc_v = NB / jnp.maximum(rng, 1e-30)

        @plsc.parallel_loop(0, nb_pad, step=L, unroll=4)
        def _(bb):
            b = bb + iota
            edge = xmin_v + (b - 1).astype(jnp.float32) * inv_v
            cnt = count_below(edge)
            lut[pl.ds(bb, L)] = jnp.where(b >= NB, K, cnt)

        def wb(i, carry):
            b = i * L + iota
            hi = plsc.load_gather(lut, [b + 3])
            lo = plsc.load_gather(lut, [b])
            return jnp.maximum(carry, hi - lo)
        wmax = jnp.max(lax.fori_loop(0, NB // L, wb, zeros))

        def make_search(steps):
            def search_fast(q):
                t = jnp.clip((q - xmin_v) * sc_v, 0.0, float(NB - 1))
                b = t.astype(jnp.int32)
                pos = plsc.load_gather(lut, [b])
                for s in steps:
                    cand = pos + s
                    xv = plsc.load_gather(xr, [cand - 1])
                    pos = jnp.where(xv < q, cand, pos)
                return pos
            return search_fast

        sin = (sin0, sin1)
        sout = (sout0, sout1)
        qb = (qb0, qb1)
        ob = (ob0, ob1)

        def in_copy(c, p):
            return pltpu.make_async_copy(
                xq_hbm.at[row, pl.ds(qoff + c * CHUNK, CHUNK)], qb[p], sin[p]
            )

        def out_copy(c, p):
            return pltpu.make_async_copy(
                ob[p], out_hbm.at[row, pl.ds(qoff + c * CHUNK, CHUNK)], sout[p]
            )

        def chunk_loop(search_fn):
            def compute(qbp, obp):
                @plsc.parallel_loop(0, CHUNK, step=L, unroll=4)
                def _(i):
                    q = qbp[pl.ds(i, L)]
                    ind = jnp.clip(search_fn(q) - 1, 0, K - 2)
                    av = plsc.load_gather(yr, [ind])
                    sv = plsc.load_gather(sr, [ind])
                    obp[pl.ds(i, L)] = av + sv * q

            in_copy(0, 0).start()
            in_copy(1, 1).start()

            def pair(i, carry):
                c0 = 2 * i
                for p in range(2):
                    in_copy(c0 + p, p).wait()

                    @pl.when(i > 0)
                    def _():
                        out_copy(c0 + p - 2, p).wait()

                    compute(qb[p], ob[p])
                    out_copy(c0 + p, p).start()

                    @pl.when(c0 + p + 2 < n_chunks)
                    def _():
                        in_copy(c0 + p + 2, p).start()

                return carry

            lax.fori_loop(0, n_chunks // 2, pair, 0)
            out_copy(n_chunks - 2, 0).wait()
            out_copy(n_chunks - 1, 1).wait()

        @pl.when(wmax <= 7)
        def _():
            chunk_loop(make_search((4, 2, 1)))

        @pl.when((wmax > 7) & (wmax <= WMAX))
        def _():
            chunk_loop(make_search((8, 4, 2, 1)))

        @pl.when(wmax > WMAX)
        def _():
            chunk_loop(count_below)

    return body


@jax.jit
def kernel(x_new, x, y, T):
    del T
    B, N = x_new.shape
    K = x.shape[1]
    info = plsc.get_sparse_core_info()
    fn = _interp_kernel(B, K, N, info.num_cores, info.num_subcores)
    return fn(x_new, x, y)

# --- scband reference (transcript-rebuilt; emitter-appended) ---
"""Pipeline reference for scband-inter1d-scaling-9809705305133 (READ-ONLY COPY).

The authoritative reference and input builder live on the scoring server;
editing this copy changes nothing except your own understanding.
"""

import jax, jax.numpy as jnp
import numpy as np

B, K, N = 16, 4096, 262144


def setup_inputs(seed: int = 0) -> dict:
    key = jax.random.key(seed)
    k1, k2, k3, k4 = jax.random.split(key, 4)
    # x must be sorted along axis 1 for searchsorted semantics
    x = jnp.sort(jax.random.uniform(k1, (B, K), dtype=jnp.float32) * 100.0, axis=1)
    y = jax.random.normal(k2, (B, K), dtype=jnp.float32)
    x_new = jax.random.uniform(k3, (B, N), dtype=jnp.float32) * 100.0
    T = jax.random.uniform(k4, (1,), dtype=jnp.float32)
    return {"x_new": x_new, "x": x, "y": y, "T": T}


def reference(x_new, x, y, T):
    # Faithful translation of Inter1dScaling.value(T) followed by identity scaling.
    # T is accepted but unused, exactly as in the torch module (value() ignores T).
    eps = jnp.finfo(y.dtype).eps
    # torch.searchsorted(self.x, self.x_new) with default right=False == side='left', batched per row
    ind = jax.vmap(lambda xs, q: jnp.searchsorted(xs, q, side='left'))(x, x_new)
    ind = ind - 1
    ind = jnp.clip(ind, 0, x.shape[1] - 1 - 1)
    slopes = (y[:, 1:] - y[:, :-1]) / (eps + (x[:, 1:] - x[:, :-1]))
    sel = lambda a: jnp.take_along_axis(a, ind, axis=1)  # torch.gather(a, 1, ind)
    out = sel(y) + sel(slopes) * (x_new - sel(x))
    # scaling defaults to identity (lambda x: x)
    return out

if __name__ == "__main__":
    import jax
    _d = setup_inputs()
    print(jax.jit(kernel)(*tuple(_d.values())))

</pallas_src>

<mosaic_0001>
#map = affine_map<(d0, d1) -> (0, 0)>
module attributes {stable_mosaic.version = 14 : i64} {
  func.func @body(%arg0: i32, %arg1: i32, %arg2: memref<16x262144xf32, #tpu.memory_space<hbm>>, %arg3: memref<16x4096xf32, #tpu.memory_space<hbm>>, %arg4: memref<16x4096xf32, #tpu.memory_space<hbm>>, %arg5: memref<16x262144xf32, #tpu.memory_space<hbm>>, %arg6: memref<4112xf32, #tpu.memory_space<vmem>>, %arg7: memref<4096xf32, #tpu.memory_space<vmem>>, %arg8: memref<4096xf32, #tpu.memory_space<vmem>>, %arg9: memref<4160xi32, #tpu.memory_space<vmem>>, %arg10: memref<8192xf32, #tpu.memory_space<vmem>>, %arg11: memref<8192xf32, #tpu.memory_space<vmem>>, %arg12: memref<8192xf32, #tpu.memory_space<vmem>>, %arg13: memref<8192xf32, #tpu.memory_space<vmem>>, %arg14: memref<!tpu.dma_semaphore, #tpu.memory_space<semaphore_mem>>, %arg15: memref<!tpu.dma_semaphore, #tpu.memory_space<semaphore_mem>>, %arg16: memref<!tpu.dma_semaphore, #tpu.memory_space<semaphore_mem>>, %arg17: memref<!tpu.dma_semaphore, #tpu.memory_space<semaphore_mem>>) attributes {dimension_semantics = [#tpu.dimension_semantics<core_parallel>, #tpu.dimension_semantics<subcore_parallel>], iteration_bounds = array<i64: 2, 16>, scalar_prefetch = 0 : i64, scratch_operands = 12 : i64, tpu.core_type = #tpu.core_type<sc_vector_subcore>, window_params = [{transform_indices = #map}, {transform_indices = #map}, {transform_indices = #map}, {transform_indices = #map}]} {
    %mul3A = arith.constant 2 : i32
    %mul3A_0 = arith.muli %arg1, %mul3A : i32
    %add3A = arith.addi %mul3A_0, %arg0 : i32
    %jit3A = arith.constant 2 : i32
    %div3A = arith.divsi %add3A, %jit3A : i32
    %sign3A = arith.constant 0 : i32
    %sign3A_1 = arith.cmpi sgt, %add3A, %sign3A : i32
    %sign3A_2 = arith.extui %sign3A_1 : i1 to i32
    %sign3A_3 = arith.constant 0 : i32
    %sign3A_4 = arith.cmpi slt, %add3A, %sign3A_3 : i32
    %sign3A_5 = arith.extui %sign3A_4 : i1 to i32
    %sign3A_6 = arith.subi %sign3A_2, %sign3A_5 : i32
    %sign3A_7 = arith.constant 0 : i32
    %sign3A_8 = arith.cmpi sgt, %jit3A, %sign3A_7 : i32
    %sign3A_9 = arith.extui %sign3A_8 : i1 to i32
    %sign3A_10 = arith.constant 0 : i32
    %sign3A_11 = arith.cmpi slt, %jit3A, %sign3A_10 : i32
    %sign3A_12 = arith.extui %sign3A_11 : i1 to i32
    %sign3A_13 = arith.subi %sign3A_9, %sign3A_12 : i32
    %ne3A = arith.cmpi ne, %sign3A_6, %sign3A_13 : i32
    %rem3A = arith.remsi %add3A, %jit3A : i32
    %ne3A_14 = arith.constant 0 : i32
    %ne3A_15 = arith.cmpi ne, %rem3A, %ne3A_14 : i32
    %and3A = arith.andi %ne3A, %ne3A_15 : i1
    %sub3A = arith.constant 1 : i32
    %sub3A_16 = arith.subi %div3A, %sub3A : i32
    %select_n3A = arith.select %and3A, %sub3A_16, %div3A : i32
    %jit3A_17 = arith.constant 2 : i32
    %eq3A = arith.constant 0 : i32
    %eq3A_18 = arith.cmpi eq, %jit3A_17, %eq3A : i32
    %jit3A_19 = arith.constant 1 : i32
    %select_n3A_20 = arith.select %eq3A_18, %jit3A_19, %jit3A_17 : i32
    %rem3A_21 = arith.remsi %add3A, %select_n3A_20 : i32
    %ne3A_22 = arith.constant 0 : i32
    %ne3A_23 = arith.cmpi ne, %rem3A_21, %ne3A_22 : i32
    %lt3A = arith.constant 0 : i32
    %lt3A_24 = arith.cmpi slt, %rem3A_21, %lt3A : i32
    %lt3A_25 = arith.constant 0 : i32
    %lt3A_26 = arith.cmpi slt, %select_n3A_20, %lt3A_25 : i32
    %ne3A_27 = arith.xori %lt3A_24, %lt3A_26 : i1
    %and3A_28 = arith.andi %ne3A_27, %ne3A_23 : i1
    %add3A_29 = arith.addi %rem3A_21, %select_n3A_20 : i32
    %select_n3A_30 = arith.select %and3A_28, %add3A_29, %rem3A_21 : i32
    %mul3A_31 = arith.constant 131072 : i32
    %mul3A_32 = arith.muli %select_n3A_30, %mul3A_31 : i32
    "tpu.region"() ({
      %run_scoped3A = tpu.sem_alloc : memref<!tpu.dma_semaphore, #tpu.memory_space<semaphore_mem>>
      %dma_start3A = arith.constant 0 : i32
      %dma_start3A_89 = tpu.memref_slice %arg6[%dma_start3A] : memref<4112xf32, #tpu.memory_space<vmem>> -> memref<4096xf32, #tpu.memory_space<vmem>>
      %dma_start3A_90 = arith.constant 0 : i32
      %dma_start3A_91 = tpu.memref_slice %arg3[%select_n3A, %dma_start3A_90] : memref<16x4096xf32, #tpu.memory_space<hbm>> -> memref<1x4096xf32, #tpu.memory_space<hbm>>
      %dma_start3A_92 = tpu.memref_squeeze %dma_start3A_91 : memref<1x4096xf32, #tpu.memory_space<hbm>> -> memref<4096xf32, #tpu.memory_space<hbm>>
      %dma_start3A_93 = arith.constant 0 : i32
      %dma_start3A_94 = tpu.memref_slice %arg6[%dma_start3A_93] : memref<4112xf32, #tpu.memory_space<vmem>> -> memref<4096xf32, #tpu.memory_space<vmem>>
      %dma_start3A_95 = arith.constant 0 : i32
      %dma_start3A_96 = tpu.memref_slice %arg3[%select_n3A, %dma_start3A_95] : memref<16x4096xf32, #tpu.memory_space<hbm>> -> memref<1x4096xf32, #tpu.memory_space<hbm>>
      %dma_start3A_97 = tpu.memref_squeeze %dma_start3A_96 : memref<1x4096xf32, #tpu.memory_space<hbm>> -> memref<4096xf32, #tpu.memory_space<hbm>>
      tpu.enqueue_dma source(%dma_start3A_97 : memref<4096xf32, #tpu.memory_space<hbm>>) target(%dma_start3A_94 : memref<4096xf32, #tpu.memory_space<vmem>>) target_semaphore(%run_scoped3A : memref<!tpu.dma_semaphore, #tpu.memory_space<semaphore_mem>>)
      %dma_wait3A = arith.constant 0 : i32
      %dma_wait3A_98 = tpu.memref_slice %arg6[%dma_wait3A] : memref<4112xf32, #tpu.memory_space<vmem>> -> memref<4096xf32, #tpu.memory_space<vmem>>
      %dma_wait3A_99 = arith.constant 0 : i32
      %dma_wait3A_100 = tpu.memref_slice %arg3[%select_n3A, %dma_wait3A_99] : memref<16x4096xf32, #tpu.memory_space<hbm>> -> memref<1x4096xf32, #tpu.memory_space<hbm>>
      %dma_wait3A_101 = tpu.memref_squeeze %dma_wait3A_100 : memref<1x4096xf32, #tpu.memory_space<hbm>> -> memref<4096xf32, #tpu.memory_space<hbm>>
      %dma_wait3A_102 = arith.constant 0 : i32
      %dma_wait3A_103 = tpu.memref_slice %arg6[%dma_wait3A_102] : memref<4112xf32, #tpu.memory_space<vmem>> -> memref<4096xf32, #tpu.memory_space<vmem>>
      %dma_wait3A_104 = arith.constant 0 : i32
      %dma_wait3A_105 = tpu.memref_slice %arg3[%select_n3A, %dma_wait3A_104] : memref<16x4096xf32, #tpu.memory_space<hbm>> -> memref<1x4096xf32, #tpu.memory_space<hbm>>
      %dma_wait3A_106 = tpu.memref_squeeze %dma_wait3A_105 : memref<1x4096xf32, #tpu.memory_space<hbm>> -> memref<4096xf32, #tpu.memory_space<hbm>>
      tpu.wait_dma2 semaphore(%run_scoped3A : memref<!tpu.dma_semaphore, #tpu.memory_space<semaphore_mem>>) src(%dma_wait3A_106 : memref<4096xf32, #tpu.memory_space<hbm>>) dst(%dma_wait3A_103 : memref<4096xf32, #tpu.memory_space<vmem>>)
      tpu.yield
    }) : () -> ()
    "tpu.region"() ({
      %run_scoped3A = tpu.sem_alloc : memref<!tpu.dma_semaphore, #tpu.memory_space<semaphore_mem>>
      %dma_start3A = arith.constant 0 : i32
      %dma_start3A_89 = tpu.memref_slice %arg4[%select_n3A, %dma_start3A] : memref<16x4096xf32, #tpu.memory_space<hbm>> -> memref<1x4096xf32, #tpu.memory_space<hbm>>
      %dma_start3A_90 = tpu.memref_squeeze %dma_start3A_89 : memref<1x4096xf32, #tpu.memory_space<hbm>> -> memref<4096xf32, #tpu.memory_space<hbm>>
      %dma_start3A_91 = arith.constant 0 : i32
      %dma_start3A_92 = tpu.memref_slice %arg4[%select_n3A, %dma_start3A_91] : memref<16x4096xf32, #tpu.memory_space<hbm>> -> memref<1x4096xf32, #tpu.memory_space<hbm>>
      %dma_start3A_93 = tpu.memref_squeeze %dma_start3A_92 : memref<1x4096xf32, #tpu.memory_space<hbm>> -> memref<4096xf32, #tpu.memory_space<hbm>>
      tpu.enqueue_dma source(%dma_start3A_93 : memref<4096xf32, #tpu.memory_space<hbm>>) target(%arg7 : memref<4096xf32, #tpu.memory_space<vmem>>) target_semaphore(%run_scoped3A : memref<!tpu.dma_semaphore, #tpu.memory_space<semaphore_mem>>)
      %dma_wait3A = arith.constant 0 : i32
      %dma_wait3A_94 = tpu.memref_slice %arg4[%select_n3A, %dma_wait3A] : memref<16x4096xf32, #tpu.memory_space<hbm>> -> memref<1x4096xf32, #tpu.memory_space<hbm>>
      %dma_wait3A_95 = tpu.memref_squeeze %dma_wait3A_94 : memref<1x4096xf32, #tpu.memory_space<hbm>> -> memref<4096xf32, #tpu.memory_space<hbm>>
      %dma_wait3A_96 = arith.constant 0 : i32
      %dma_wait3A_97 = tpu.memref_slice %arg4[%select_n3A, %dma_wait3A_96] : memref<16x4096xf32, #tpu.memory_space<hbm>> -> memref<1x4096xf32, #tpu.memory_space<hbm>>
      %dma_wait3A_98 = tpu.memref_squeeze %dma_wait3A_97 : memref<1x4096xf32, #tpu.memory_space<hbm>> -> memref<4096xf32, #tpu.memory_space<hbm>>
      tpu.wait_dma2 semaphore(%run_scoped3A : memref<!tpu.dma_semaphore, #tpu.memory_space<semaphore_mem>>) src(%dma_wait3A_98 : memref<4096xf32, #tpu.memory_space<hbm>>) dst(%arg7 : memref<4096xf32, #tpu.memory_space<vmem>>)
      tpu.yield
    }) : () -> ()
    %broadcast_in_dim3A = arith.constant 0x7F800000 : f32
    %broadcast_in_dim3A_33 = vector.broadcast %broadcast_in_dim3A : f32 to vector<16xf32>
    %swap3A = arith.constant 4096 : index
    %swap3A_34 = tpu.vector_load %arg6[%swap3A] {strides = array<i32>} : memref<4112xf32, #tpu.memory_space<vmem>>, vector<16xf32>,
    tpu.vector_store %arg6[%swap3A], %broadcast_in_dim3A_33 {strides = array<i32>} : memref<4112xf32, #tpu.memory_space<vmem>>, vector<16xf32>,
    %iota3A = tpu.iota {dimensions = array<i32: 0>} : vector<16xi32>
    %broadcast_in_dim3A_35 = arith.constant 0 : i32
    %broadcast_in_dim3A_36 = vector.broadcast %broadcast_in_dim3A_35 : i32 to vector<16xi32>
    %parallel_loop3A = arith.constant 0 : i32
    %parallel_loop3A_37 = arith.constant 4096 : i32
    %parallel_loop3A_38 = arith.constant 16 : i32
    scf.for %parallel_loop3A_89 = %parallel_loop3A to %parallel_loop3A_37 step %parallel_loop3A_38  : i32 {
      %parallel_loop3A_90 = vector.broadcast %parallel_loop3A_89 : i32 to vector<16xi32>
      %parallel_loop3A_91 = arith.addi %parallel_loop3A_90, %iota3A : vector<16xi32>
      %parallel_loop3A_92 = arith.constant 1 : i32
      %parallel_loop3A_93 = vector.broadcast %parallel_loop3A_92 : i32 to vector<16xi32>
      %parallel_loop3A_94 = arith.addi %parallel_loop3A_91, %parallel_loop3A_93 : vector<16xi32>
      %parallel_loop3A_95 = arith.constant 4095 : i32
      %parallel_loop3A_96 = vector.broadcast %parallel_loop3A_95 : i32 to vector<16xi32>
      %parallel_loop3A_97 = arith.minsi %parallel_loop3A_94, %parallel_loop3A_96 : vector<16xi32>
      %parallel_loop3A_98 = arith.index_cast %parallel_loop3A_89 : i32 to index
      %parallel_loop3A_99 = tpu.vector_load %arg6[%parallel_loop3A_98] {strides = array<i32>} : memref<4112xf32, #tpu.memory_space<vmem>>, vector<16xf32>,
      %parallel_loop3A_100 = arith.index_cast %parallel_loop3A_89 : i32 to index
      %parallel_loop3A_101 = tpu.vector_load %arg7[%parallel_loop3A_100] {strides = array<i32>} : memref<4096xf32, #tpu.memory_space<vmem>>, vector<16xf32>,
      %parallel_loop3A_102 = tpu.vector_load_idx %arg6[%parallel_loop3A_97] : memref<4112xf32, #tpu.memory_space<vmem>>[vector<16xi32>], vector<16xf32>,
      %parallel_loop3A_103 = tpu.vector_load_idx %arg7[%parallel_loop3A_97] : memref<4096xf32, #tpu.memory_space<vmem>>[vector<16xi32>], vector<16xf32>,
      %parallel_loop3A_104 = arith.subf %parallel_loop3A_103, %parallel_loop3A_101 : vector<16xf32>
      %parallel_loop3A_105 = arith.subf %parallel_loop3A_102, %parallel_loop3A_99 : vector<16xf32>
      %parallel_loop3A_106 = arith.constant 1.1920929E-7 : f32
      %parallel_loop3A_107 = vector.broadcast %parallel_loop3A_106 : f32 to vector<16xf32>
      %parallel_loop3A_108 = arith.addf %parallel_loop3A_107, %parallel_loop3A_105 : vector<16xf32>
      %parallel_loop3A_109 = arith.divf %parallel_loop3A_104, %parallel_loop3A_108 : vector<16xf32>
      %parallel_loop3A_110 = arith.index_cast %parallel_loop3A_89 : i32 to index
      %parallel_loop3A_111 = tpu.vector_load %arg8[%parallel_loop3A_110] {strides = array<i32>} : memref<4096xf32, #tpu.memory_space<vmem>>, vector<16xf32>,
      tpu.vector_store %arg8[%parallel_loop3A_110], %parallel_loop3A_109 {strides = array<i32>} : memref<4096xf32, #tpu.memory_space<vmem>>, vector<16xf32>,
    } {sc.loop_unroll_factor = 4 : i64, sc.parallel_access}
    %parallel_loop3A_39 = arith.constant 0 : i32
    %parallel_loop3A_40 = arith.constant 4096 : i32
    %parallel_loop3A_41 = arith.constant 16 : i32
    scf.for %parallel_loop3A_89 = %parallel_loop3A_39 to %parallel_loop3A_40 step %parallel_loop3A_41  : i32 {
      %parallel_loop3A_90 = arith.index_cast %parallel_loop3A_89 : i32 to index
      %parallel_loop3A_91 = tpu.vector_load %arg7[%parallel_loop3A_90] {strides = array<i32>} : memref<4096xf32, #tpu.memory_space<vmem>>, vector<16xf32>,
      %parallel_loop3A_92 = arith.index_cast %parallel_loop3A_89 : i32 to index
      %parallel_loop3A_93 = tpu.vector_load %arg8[%parallel_loop3A_92] {strides = array<i32>} : memref<4096xf32, #tpu.memory_space<vmem>>, vector<16xf32>,
      %parallel_loop3A_94 = arith.index_cast %parallel_loop3A_89 : i32 to index
      %parallel_loop3A_95 = tpu.vector_load %arg6[%parallel_loop3A_94] {strides = array<i32>} : memref<4112xf32, #tpu.memory_space<vmem>>, vector<16xf32>,
      %parallel_loop3A_96 = arith.mulf %parallel_loop3A_93, %parallel_loop3A_95 : vector<16xf32>
      %parallel_loop3A_97 = arith.subf %parallel_loop3A_91, %parallel_loop3A_96 : vector<16xf32>
      %parallel_loop3A_98 = arith.index_cast %parallel_loop3A_89 : i32 to index
      %parallel_loop3A_99 = tpu.vector_load %arg7[%parallel_loop3A_98] {strides = array<i32>} : memref<4096xf32, #tpu.memory_space<vmem>>, vector<16xf32>,
      tpu.vector_store %arg7[%parallel_loop3A_98], %parallel_loop3A_97 {strides = array<i32>} : memref<4096xf32, #tpu.memory_space<vmem>>, vector<16xf32>,
    } {sc.loop_unroll_factor = 4 : i64, sc.parallel_access}
    %get3A = arith.constant 0 : index
    %get3A_42 = tpu.vector_load %arg6[%get3A] {strides = array<i32>} : memref<4112xf32, #tpu.memory_space<vmem>>, vector<16xf32>,
    %get3A_43 = arith.constant 4080 : index
    %get3A_44 = tpu.vector_load %arg6[%get3A_43] {strides = array<i32>} : memref<4112xf32, #tpu.memory_space<vmem>>, vector<16xf32>,
    %slice3A = vector.extract_strided_slice %get3A_42 {offsets = [0], sizes = [1], strides = [1]} : vector<16xf32> to vector<1xf32>
    %squeeze3A = vector.extract %slice3A[0] : f32 from vector<1xf32>
    %broadcast_in_dim3A_45 = vector.broadcast %squeeze3A : f32 to vector<16xf32>
    %slice3A_46 = vector.extract_strided_slice %get3A_44 {offsets = [15], sizes = [1], strides = [1]} : vector<16xf32> to vector<1xf32>
    %squeeze3A_47 = vector.extract %slice3A_46[0] : f32 from vector<1xf32>
    %slice3A_48 = vector.extract_strided_slice %get3A_42 {offsets = [0], sizes = [1], strides = [1]} : vector<16xf32> to vector<1xf32>
    %squeeze3A_49 = vector.extract %slice3A_48[0] : f32 from vector<1xf32>
    %sub3A_50 = arith.subf %squeeze3A_47, %squeeze3A_49 : f32
    %broadcast_in_dim3A_51 = vector.broadcast %sub3A_50 : f32 to vector<16xf32>
    %mul3A_52 = arith.constant 2.44140625E-4 : f32
    %mul3A_53 = vector.broadcast %mul3A_52 : f32 to vector<16xf32>
    %mul3A_54 = arith.mulf %broadcast_in_dim3A_51, %mul3A_53 : vector<16xf32>
    %max3A = arith.constant 1.000000e-30 : f32
    %max3A_55 = vector.broadcast %max3A : f32 to vector<16xf32>
    %max3A_56 = arith.maximumf %broadcast_in_dim3A_51, %max3A_55 : vector<16xf32>
    %div3A_57 = arith.constant 4.096000e+03 : f32
    %div3A_58 = vector.broadcast %div3A_57 : f32 to vector<16xf32>
    %div3A_59 = arith.divf %div3A_58, %max3A_56 : vector<16xf32>
    %parallel_loop3A_60 = arith.constant 0 : i32
    %parallel_loop3A_61 = arith.constant 4160 : i32
    %parallel_loop3A_62 = arith.constant 16 : i32
    scf.for %parallel_loop3A_89 = %parallel_loop3A_60 to %parallel_loop3A_61 step %parallel_loop3A_62  : i32 {
      %parallel_loop3A_90 = vector.broadcast %parallel_loop3A_89 : i32 to vector<16xi32>
      %parallel_loop3A_91 = arith.addi %parallel_loop3A_90, %iota3A : vector<16xi32>
      %parallel_loop3A_92 = arith.constant 1 : i32
      %parallel_loop3A_93 = vector.broadcast %parallel_loop3A_92 : i32 to vector<16xi32>
      %parallel_loop3A_94 = arith.subi %parallel_loop3A_91, %parallel_loop3A_93 : vector<16xi32>
      %parallel_loop3A_95 = arith.sitofp %parallel_loop3A_94 : vector<16xi32> to vector<16xf32>
      %parallel_loop3A_96 = arith.mulf %parallel_loop3A_95, %mul3A_54 : vector<16xf32>
      %parallel_loop3A_97 = arith.addf %broadcast_in_dim3A_45, %parallel_loop3A_96 : vector<16xf32>
      %parallel_loop3A_98 = arith.constant 2047 : i32
      %parallel_loop3A_99 = vector.broadcast %parallel_loop3A_98 : i32 to vector<16xi32>
      %parallel_loop3A_100 = arith.addi %broadcast_in_dim3A_36, %parallel_loop3A_99 : vector<16xi32>
      %parallel_loop3A_101 = tpu.vector_load_idx %arg6[%parallel_loop3A_100] : memref<4112xf32, #tpu.memory_space<vmem>>[vector<16xi32>], vector<16xf32>,
      %parallel_loop3A_102 = arith.cmpf olt, %parallel_loop3A_101, %parallel_loop3A_97 : vector<16xf32>
      %parallel_loop3A_103 = arith.constant 2048 : i32
      %parallel_loop3A_104 = vector.broadcast %parallel_loop3A_103 : i32 to vector<16xi32>
      %parallel_loop3A_105 = arith.addi %broadcast_in_dim3A_36, %parallel_loop3A_104 : vector<16xi32>
      %parallel_loop3A_106 = arith.select %parallel_loop3A_102, %parallel_loop3A_105, %broadcast_in_dim3A_36 : vector<16xi1>, vector<16xi32>
      %parallel_loop3A_107 = arith.constant 1023 : i32
      %parallel_loop3A_108 = vector.broadcast %parallel_loop3A_107 : i32 to vector<16xi32>
      %parallel_loop3A_109 = arith.addi %parallel_loop3A_106, %parallel_loop3A_108 : vector<16xi32>
      %parallel_loop3A_110 = tpu.vector_load_idx %arg6[%parallel_loop3A_109] : memref<4112xf32, #tpu.memory_space<vmem>>[vector<16xi32>], vector<16xf32>,
      %parallel_loop3A_111 = arith.cmpf olt, %parallel_loop3A_110, %parallel_loop3A_97 : vector<16xf32>
      %parallel_loop3A_112 = arith.constant 1024 : i32
      %parallel_loop3A_113 = vector.broadcast %parallel_loop3A_112 : i32 to vector<16xi32>
      %parallel_loop3A_114 = arith.addi %parallel_loop3A_106, %parallel_loop3A_113 : vector<16xi32>
      %parallel_loop3A_115 = arith.select %parallel_loop3A_111, %parallel_loop3A_114, %parallel_loop3A_106 : vector<16xi1>, vector<16xi32>
      %parallel_loop3A_116 = arith.constant 511 : i32
      %parallel_loop3A_117 = vector.broadcast %parallel_loop3A_116 : i32 to vector<16xi32>
      %parallel_loop3A_118 = arith.addi %parallel_loop3A_115, %parallel_loop3A_117 : vector<16xi32>
      %parallel_loop3A_119 = tpu.vector_load_idx %arg6[%parallel_loop3A_118] : memref<4112xf32, #tpu.memory_space<vmem>>[vector<16xi32>], vector<16xf32>,
      %parallel_loop3A_120 = arith.cmpf olt, %parallel_loop3A_119, %parallel_loop3A_97 : vector<16xf32>
      %parallel_loop3A_121 = arith.constant 512 : i32
      %parallel_loop3A_122 = vector.broadcast %parallel_loop3A_121 : i32 to vector<16xi32>
      %parallel_loop3A_123 = arith.addi %parallel_loop3A_115, %parallel_loop3A_122 : vector<16xi32>
      %parallel_loop3A_124 = arith.select %parallel_loop3A_120, %parallel_loop3A_123, %parallel_loop3A_115 : vector<16xi1>, vector<16xi32>
      %parallel_loop3A_125 = arith.constant 255 : i32
      %parallel_loop3A_126 = vector.broadcast %parallel_loop3A_125 : i32 to vector<16xi32>
      %parallel_loop3A_127 = arith.addi %parallel_loop3A_124, %parallel_loop3A_126 : vector<16xi32>
      %parallel_loop3A_128 = tpu.vector_load_idx %arg6[%parallel_loop3A_127] : memref<4112xf32, #tpu.memory_space<vmem>>[vector<16xi32>], vector<16xf32>,
      %parallel_loop3A_129 = arith.cmpf olt, %parallel_loop3A_128, %parallel_loop3A_97 : vector<16xf32>
      %parallel_loop3A_130 = arith.constant 256 : i32
      %parallel_loop3A_131 = vector.broadcast %parallel_loop3A_130 : i32 to vector<16xi32>
      %parallel_loop3A_132 = arith.addi %parallel_loop3A_124, %parallel_loop3A_131 : vector<16xi32>
      %parallel_loop3A_133 = arith.select %parallel_loop3A_129, %parallel_loop3A_132, %parallel_loop3A_124 : vector<16xi1>, vector<16xi32>
      %parallel_loop3A_134 = arith.constant 127 : i32
      %parallel_loop3A_135 = vector.broadcast %parallel_loop3A_134 : i32 to vector<16xi32>
      %parallel_loop3A_136 = arith.addi %parallel_loop3A_133, %parallel_loop3A_135 : vector<16xi32>
      %parallel_loop3A_137 = tpu.vector_load_idx %arg6[%parallel_loop3A_136] : memref<4112xf32, #tpu.memory_space<vmem>>[vector<16xi32>], vector<16xf32>,
      %parallel_loop3A_138 = arith.cmpf olt, %parallel_loop3A_137, %parallel_loop3A_97 : vector<16xf32>
      %parallel_loop3A_139 = arith.constant 128 : i32
      %parallel_loop3A_140 = vector.broadcast %parallel_loop3A_139 : i32 to vector<16xi32>
      %parallel_loop3A_141 = arith.addi %parallel_loop3A_133, %parallel_loop3A_140 : vector<16xi32>
      %parallel_loop3A_142 = arith.select %parallel_loop3A_138, %parallel_loop3A_141, %parallel_loop3A_133 : vector<16xi1>, vector<16xi32>
      %parallel_loop3A_143 = arith.constant 63 : i32
      %parallel_loop3A_144 = vector.broadcast %parallel_loop3A_143 : i32 to vector<16xi32>
      %parallel_loop3A_145 = arith.addi %parallel_loop3A_142, %parallel_loop3A_144 : vector<16xi32>
      %parallel_loop3A_146 = tpu.vector_load_idx %arg6[%parallel_loop3A_145] : memref<4112xf32, #tpu.memory_space<vmem>>[vector<16xi32>], vector<16xf32>,
      %parallel_loop3A_147 = arith.cmpf olt, %parallel_loop3A_146, %parallel_loop3A_97 : vector<16xf32>
      %parallel_loop3A_148 = arith.constant 64 : i32
      %parallel_loop3A_149 = vector.broadcast %parallel_loop3A_148 : i32 to vector<16xi32>
      %parallel_loop3A_150 = arith.addi %parallel_loop3A_142, %parallel_loop3A_149 : vector<16xi32>
      %parallel_loop3A_151 = arith.select %parallel_loop3A_147, %parallel_loop3A_150, %parallel_loop3A_142 : vector<16xi1>, vector<16xi32>
      %parallel_loop3A_152 = arith.constant 31 : i32
      %parallel_loop3A_153 = vector.broadcast %parallel_loop3A_152 : i32 to vector<16xi32>
      %parallel_loop3A_154 = arith.addi %parallel_loop3A_151, %parallel_loop3A_153 : vector<16xi32>
      %parallel_loop3A_155 = tpu.vector_load_idx %arg6[%parallel_loop3A_154] : memref<4112xf32, #tpu.memory_space<vmem>>[vector<16xi32>], vector<16xf32>,
      %parallel_loop3A_156 = arith.cmpf olt, %parallel_loop3A_155, %parallel_loop3A_97 : vector<16xf32>
      %parallel_loop3A_157 = arith.constant 32 : i32
      %parallel_loop3A_158 = vector.broadcast %parallel_loop3A_157 : i32 to vector<16xi32>
      %parallel_loop3A_159 = arith.addi %parallel_loop3A_151, %parallel_loop3A_158 : vector<16xi32>
      %parallel_loop3A_160 = arith.select %parallel_loop3A_156, %parallel_loop3A_159, %parallel_loop3A_151 : vector<16xi1>, vector<16xi32>
      %parallel_loop3A_161 = arith.constant 15 : i32
      %parallel_loop3A_162 = vector.broadcast %parallel_loop3A_161 : i32 to vector<16xi32>
      %parallel_loop3A_163 = arith.addi %parallel_loop3A_160, %parallel_loop3A_162 : vector<16xi32>
      %parallel_loop3A_164 = tpu.vector_load_idx %arg6[%parallel_loop3A_163] : memref<4112xf32, #tpu.memory_space<vmem>>[vector<16xi32>], vector<16xf32>,
      %parallel_loop3A_165 = arith.cmpf olt, %parallel_loop3A_164, %parallel_loop3A_97 : vector<16xf32>
      %parallel_loop3A_166 = arith.constant 16 : i32
      %parallel_loop3A_167 = vector.broadcast %parallel_loop3A_166 : i32 to vector<16xi32>
      %parallel_loop3A_168 = arith.addi %parallel_loop3A_160, %parallel_loop3A_167 : vector<16xi32>
      %parallel_loop3A_169 = arith.select %parallel_loop3A_165, %parallel_loop3A_168, %parallel_loop3A_160 : vector<16xi1>, vector<16xi32>
      %parallel_loop3A_170 = arith.constant 7 : i32
      %parallel_loop3A_171 = vector.broadcast %parallel_loop3A_170 : i32 to vector<16xi32>
      %parallel_loop3A_172 = arith.addi %parallel_loop3A_169, %parallel_loop3A_171 : vector<16xi32>
      %parallel_loop3A_173 = tpu.vector_load_idx %arg6[%parallel_loop3A_172] : memref<4112xf32, #tpu.memory_space<vmem>>[vector<16xi32>], vector<16xf32>,
      %parallel_loop3A_174 = arith.cmpf olt, %parallel_loop3A_173, %parallel_loop3A_97 : vector<16xf32>
      %parallel_loop3A_175 = arith.constant 8 : i32
      %parallel_loop3A_176 = vector.broadcast %parallel_loop3A_175 : i32 to vector<16xi32>
      %parallel_loop3A_177 = arith.addi %parallel_loop3A_169, %parallel_loop3A_176 : vector<16xi32>
      %parallel_loop3A_178 = arith.select %parallel_loop3A_174, %parallel_loop3A_177, %parallel_loop3A_169 : vector<16xi1>, vector<16xi32>
      %parallel_loop3A_179 = arith.constant 3 : i32
      %parallel_loop3A_180 = vector.broadcast %parallel_loop3A_179 : i32 to vector<16xi32>
      %parallel_loop3A_181 = arith.addi %parallel_loop3A_178, %parallel_loop3A_180 : vector<16xi32>
      %parallel_loop3A_182 = tpu.vector_load_idx %arg6[%parallel_loop3A_181] : memref<4112xf32, #tpu.memory_space<vmem>>[vector<16xi32>], vector<16xf32>,
      %parallel_loop3A_183 = arith.cmpf olt, %parallel_loop3A_182, %parallel_loop3A_97 : vector<16xf32>
      %parallel_loop3A_184 = arith.constant 4 : i32
      %parallel_loop3A_185 = vector.broadcast %parallel_loop3A_184 : i32 to vector<16xi32>
      %parallel_loop3A_186 = arith.addi %parallel_loop3A_178, %parallel_loop3A_185 : vector<16xi32>
      %parallel_loop3A_187 = arith.select %parallel_loop3A_183, %parallel_loop3A_186, %parallel_loop3A_178 : vector<16xi1>, vector<16xi32>
      %parallel_loop3A_188 = arith.constant 1 : i32
      %parallel_loop3A_189 = vector.broadcast %parallel_loop3A_188 : i32 to vector<16xi32>
      %parallel_loop3A_190 = arith.addi %parallel_loop3A_187, %parallel_loop3A_189 : vector<16xi32>
      %parallel_loop3A_191 = tpu.vector_load_idx %arg6[%parallel_loop3A_190] : memref<4112xf32, #tpu.memory_space<vmem>>[vector<16xi32>], vector<16xf32>,
      %parallel_loop3A_192 = arith.cmpf olt, %parallel_loop3A_191, %parallel_loop3A_97 : vector<16xf32>
      %parallel_loop3A_193 = arith.constant 2 : i32
      %parallel_loop3A_194 = vector.broadcast %parallel_loop3A_193 : i32 to vector<16xi32>
      %parallel_loop3A_195 = arith.addi %parallel_loop3A_187, %parallel_loop3A_194 : vector<16xi32>
      %parallel_loop3A_196 = arith.select %parallel_loop3A_192, %parallel_loop3A_195, %parallel_loop3A_187 : vector<16xi1>, vector<16xi32>
      %parallel_loop3A_197 = arith.constant 0 : i32
      %parallel_loop3A_198 = vector.broadcast %parallel_loop3A_197 : i32 to vector<16xi32>
      %parallel_loop3A_199 = arith.addi %parallel_loop3A_196, %parallel_loop3A_198 : vector<16xi32>
      %parallel_loop3A_200 = tpu.vector_load_idx %arg6[%parallel_loop3A_199] : memref<4112xf32, #tpu.memory_space<vmem>>[vector<16xi32>], vector<16xf32>,
      %parallel_loop3A_201 = arith.cmpf olt, %parallel_loop3A_200, %parallel_loop3A_97 : vector<16xf32>
      %parallel_loop3A_202 = arith.constant 1 : i32
      %parallel_loop3A_203 = vector.broadcast %parallel_loop3A_202 : i32 to vector<16xi32>
      %parallel_loop3A_204 = arith.addi %parallel_loop3A_196, %parallel_loop3A_203 : vector<16xi32>
      %parallel_loop3A_205 = arith.select %parallel_loop3A_201, %parallel_loop3A_204, %parallel_loop3A_196 : vector<16xi1>, vector<16xi32>
      %parallel_loop3A_206 = arith.constant 4096 : i32
      %parallel_loop3A_207 = vector.broadcast %parallel_loop3A_206 : i32 to vector<16xi32>
      %parallel_loop3A_208 = arith.cmpi sge, %parallel_loop3A_91, %parallel_loop3A_207 : vector<16xi32>
      %parallel_loop3A_209 = arith.constant 4096 : i32
      %parallel_loop3A_210 = vector.broadcast %parallel_loop3A_209 : i32 to vector<16xi32>
      %parallel_loop3A_211 = arith.select %parallel_loop3A_208, %parallel_loop3A_210, %parallel_loop3A_205 : vector<16xi1>, vector<16xi32>
      %parallel_loop3A_212 = arith.index_cast %parallel_loop3A_89 : i32 to index
      %parallel_loop3A_213 = tpu.vector_load %arg9[%parallel_loop3A_212] {strides = array<i32>} : memref<4160xi32, #tpu.memory_space<vmem>>, vector<16xi32>,
      tpu.vector_store %arg9[%parallel_loop3A_212], %parallel_loop3A_211 {strides = array<i32>} : memref<4160xi32, #tpu.memory_space<vmem>>, vector<16xi32>,
    } {sc.loop_unroll_factor = 4 : i64, sc.parallel_access}
    %scan3A = arith.constant 0 : i32
    %scan3A_63 = arith.constant 256 : i32
    %scan3A_64 = arith.addi %scan3A, %scan3A_63 : i32
    %scan3A_65 = arith.constant 1 : i32
    %scan3A_66 = scf.for %scan3A_89 = %scan3A to %scan3A_64 step %scan3A_65 iter_args(%scan3A_90 = %broadcast_in_dim3A_36) -> (vector<16xi32>)  : i32 {
      %mul3A_91 = arith.constant 16 : i32
      %mul3A_92 = arith.muli %scan3A_89, %mul3A_91 : i32
      %add3A_93 = vector.broadcast %mul3A_92 : i32 to vector<16xi32>
      %add3A_94 = arith.addi %add3A_93, %iota3A : vector<16xi32>
      %add3A_95 = arith.constant 3 : i32
      %add3A_96 = vector.broadcast %add3A_95 : i32 to vector<16xi32>
      %add3A_97 = arith.addi %add3A_94, %add3A_96 : vector<16xi32>
      %gather3A = tpu.vector_load_idx %arg9[%add3A_97] : memref<4160xi32, #tpu.memory_space<vmem>>[vector<16xi32>], vector<16xi32>,
      %gather3A_98 = tpu.vector_load_idx %arg9[%add3A_94] : memref<4160xi32, #tpu.memory_space<vmem>>[vector<16xi32>], vector<16xi32>,
      %sub3A_99 = arith.subi %gather3A, %gather3A_98 : vector<16xi32>
      %max3A_100 = arith.maxsi %scan3A_90, %sub3A_99 : vector<16xi32>
      scf.yield %max3A_100 : vector<16xi32>
    }
    %scan3A_67 = arith.constant 256 : i32
    %reduce_max3A = arith.constant true
    %reduce_max3A_68 = vector.broadcast %reduce_max3A : i1 to vector<16xi1>
    %reduce_max3A_69 = arith.constant -2147483648 : i32
    %reduce_max3A_70 = vector.broadcast %reduce_max3A_69 : i32 to vector<16xi32>
    %reduce_max3A_71 = arith.xori %scan3A_66, %reduce_max3A_70 : vector<16xi32>
    %reduce_max3A_72 = tpu.scan <max>, %reduce_max3A_71 masked %reduce_max3A_68 : vector<16xi32>, vector<16xi1> -> vector<16xi32>
    %reduce_max3A_73 = arith.xori %reduce_max3A_72, %reduce_max3A_70 : vector<16xi32>
    %reduce_max3A_74 = vector.extract %reduce_max3A_73[15] : i32 from vector<16xi32>
    %le3A = arith.constant 7 : i32
    %le3A_75 = arith.cmpi sle, %reduce_max3A_74, %le3A : i32
    %convert_element_type3A = arith.extui %le3A_75 : i1 to i32
    %cond3A = arith.constant 0 : i32
    %cond3A_76 = arith.cmpi ne, %convert_element_type3A, %cond3A : i32
    scf.if %cond3A_76 {
      %add3A_89 = arith.constant 0 : i32
      %add3A_90 = arith.addi %mul3A_32, %add3A_89 : i32
      %dma_start3A = tpu.memref_slice %arg2[%select_n3A, %add3A_90] : memref<16x262144xf32, #tpu.memory_space<hbm>> -> memref<1x8192xf32, #tpu.memory_space<hbm>>
      %dma_start3A_91 = tpu.memref_squeeze %dma_start3A : memref<1x8192xf32, #tpu.memory_space<hbm>> -> memref<8192xf32, #tpu.memory_space<hbm>>
      %dma_start3A_92 = tpu.memref_slice %arg2[%select_n3A, %add3A_90] : memref<16x262144xf32, #tpu.memory_space<hbm>> -> memref<1x8192xf32, #tpu.memory_space<hbm>>
      %dma_start3A_93 = tpu.memref_squeeze %dma_start3A_92 : memref<1x8192xf32, #tpu.memory_space<hbm>> -> memref<8192xf32, #tpu.memory_space<hbm>>
      tpu.enqueue_dma source(%dma_start3A_93 : memref<8192xf32, #tpu.memory_space<hbm>>) target(%arg10 : memref<8192xf32, #tpu.memory_space<vmem>>) target_semaphore(%arg14 : memref<!tpu.dma_semaphore, #tpu.memory_space<semaphore_mem>>)
      %add3A_94 = arith.constant 8192 : i32
      %add3A_95 = arith.addi %mul3A_32, %add3A_94 : i32
      %dma_start3A_96 = tpu.memref_slice %arg2[%select_n3A, %add3A_95] : memref<16x262144xf32, #tpu.memory_space<hbm>> -> memref<1x8192xf32, #tpu.memory_space<hbm>>
      %dma_start3A_97 = tpu.memref_squeeze %dma_start3A_96 : memref<1x8192xf32, #tpu.memory_space<hbm>> -> memref<8192xf32, #tpu.memory_space<hbm>>
      %dma_start3A_98 = tpu.memref_slice %arg2[%select_n3A, %add3A_95] : memref<16x262144xf32, #tpu.memory_space<hbm>> -> memref<1x8192xf32, #tpu.memory_space<hbm>>
      %dma_start3A_99 = tpu.memref_squeeze %dma_start3A_98 : memref<1x8192xf32, #tpu.memory_space<hbm>> -> memref<8192xf32, #tpu.memory_space<hbm>>
      tpu.enqueue_dma source(%dma_start3A_99 : memref<8192xf32, #tpu.memory_space<hbm>>) target(%arg11 : memref<8192xf32, #tpu.memory_space<vmem>>) target_semaphore(%arg15 : memref<!tpu.dma_semaphore, #tpu.memory_space<semaphore_mem>>)
      %scan3A_100 = arith.constant 0 : i32
      %scan3A_101 = arith.constant 0 : i32
      %scan3A_102 = arith.constant 8 : i32
      %scan3A_103 = arith.addi %scan3A_101, %scan3A_102 : i32
      %scan3A_104 = arith.constant 1 : i32
      scf.for %scan3A_117 = %scan3A_101 to %scan3A_103 step %scan3A_104  : i32 {
        %mul3A_118 = arith.constant 2 : i32
        %mul3A_119 = arith.muli %mul3A_118, %scan3A_117 : i32
        %add3A_120 = arith.constant 0 : i32
        %add3A_121 = arith.addi %mul3A_119, %add3A_120 : i32
        %mul3A_122 = arith.constant 8192 : i32
        %mul3A_123 = arith.muli %add3A_121, %mul3A_122 : i32
        %add3A_124 = arith.addi %mul3A_32, %mul3A_123 : i32
        %dma_wait3A_125 = tpu.memref_slice %arg2[%select_n3A, %add3A_124] : memref<16x262144xf32, #tpu.memory_space<hbm>> -> memref<1x8192xf32, #tpu.memory_space<hbm>>
        %dma_wait3A_126 = tpu.memref_squeeze %dma_wait3A_125 : memref<1x8192xf32, #tpu.memory_space<hbm>> -> memref<8192xf32, #tpu.memory_space<hbm>>
        %dma_wait3A_127 = tpu.memref_slice %arg2[%select_n3A, %add3A_124] : memref<16x262144xf32, #tpu.memory_space<hbm>> -> memref<1x8192xf32, #tpu.memory_space<hbm>>
        %dma_wait3A_128 = tpu.memref_squeeze %dma_wait3A_127 : memref<1x8192xf32, #tpu.memory_space<hbm>> -> memref<8192xf32, #tpu.memory_space<hbm>>
        tpu.wait_dma2 semaphore(%arg14 : memref<!tpu.dma_semaphore, #tpu.memory_space<semaphore_mem>>) src(%dma_wait3A_128 : memref<8192xf32, #tpu.memory_space<hbm>>) dst(%arg10 : memref<8192xf32, #tpu.memory_space<vmem>>)
        %gt3A_129 = arith.constant 0 : i32
        %gt3A_130 = arith.cmpi sgt, %scan3A_117, %gt3A_129 : i32
        %convert_element_type3A_131 = arith.extui %gt3A_130 : i1 to i32
        %cond3A_132 = arith.constant 0 : i32
        %cond3A_133 = arith.cmpi ne, %convert_element_type3A_131, %cond3A_132 : i32
        scf.if %cond3A_133 {
          %add3A_190 = arith.constant 0 : i32
          %add3A_191 = arith.addi %mul3A_119, %add3A_190 : i32
          %sub3A_192 = arith.constant 2 : i32
          %sub3A_193 = arith.subi %add3A_191, %sub3A_192 : i32
          %mul3A_194 = arith.constant 8192 : i32
          %mul3A_195 = arith.muli %sub3A_193, %mul3A_194 : i32
          %add3A_196 = arith.addi %mul3A_32, %mul3A_195 : i32
          %dma_wait3A_197 = tpu.memref_slice %arg5[%select_n3A, %add3A_196] : memref<16x262144xf32, #tpu.memory_space<hbm>> -> memref<1x8192xf32, #tpu.memory_space<hbm>>
          %dma_wait3A_198 = tpu.memref_squeeze %dma_wait3A_197 : memref<1x8192xf32, #tpu.memory_space<hbm>> -> memref<8192xf32, #tpu.memory_space<hbm>>
          %dma_wait3A_199 = tpu.memref_slice %arg5[%select_n3A, %add3A_196] : memref<16x262144xf32, #tpu.memory_space<hbm>> -> memref<1x8192xf32, #tpu.memory_space<hbm>>
          %dma_wait3A_200 = tpu.memref_squeeze %dma_wait3A_199 : memref<1x8192xf32, #tpu.memory_space<hbm>> -> memref<8192xf32, #tpu.memory_space<hbm>>
          tpu.wait_dma2 semaphore(%arg16 : memref<!tpu.dma_semaphore, #tpu.memory_space<semaphore_mem>>) src(%arg12 : memref<8192xf32, #tpu.memory_space<vmem>>) dst(%dma_wait3A_200 : memref<8192xf32, #tpu.memory_space<hbm>>)
        } else {
        }
        %parallel_loop3A_134 = arith.constant 0 : i32
        %parallel_loop3A_135 = arith.constant 8192 : i32
        %parallel_loop3A_136 = arith.constant 16 : i32
        scf.for %parallel_loop3A_190 = %parallel_loop3A_134 to %parallel_loop3A_135 step %parallel_loop3A_136  : i32 {
          %parallel_loop3A_191 = arith.index_cast %parallel_loop3A_190 : i32 to index
          %parallel_loop3A_192 = tpu.vector_load %arg10[%parallel_loop3A_191] {strides = array<i32>} : memref<8192xf32, #tpu.memory_space<vmem>>, vector<16xf32>,
          %parallel_loop3A_193 = arith.subf %parallel_loop3A_192, %broadcast_in_dim3A_45 : vector<16xf32>
          %parallel_loop3A_194 = arith.mulf %parallel_loop3A_193, %div3A_59 : vector<16xf32>
          %parallel_loop3A_195 = arith.constant 0.000000e+00 : f32
          %parallel_loop3A_196 = arith.constant 4.095000e+03 : f32
          %parallel_loop3A_197 = vector.broadcast %parallel_loop3A_195 : f32 to vector<16xf32>
          %parallel_loop3A_198 = arith.maximumf %parallel_loop3A_197, %parallel_loop3A_194 : vector<16xf32>
          %parallel_loop3A_199 = vector.broadcast %parallel_loop3A_196 : f32 to vector<16xf32>
          %parallel_loop3A_200 = arith.minimumf %parallel_loop3A_199, %parallel_loop3A_198 : vector<16xf32>
          %parallel_loop3A_201 = arith.fptosi %parallel_loop3A_200 : vector<16xf32> to vector<16xi32>
          %parallel_loop3A_202 = tpu.vector_load_idx %arg9[%parallel_loop3A_201] : memref<4160xi32, #tpu.memory_space<vmem>>[vector<16xi32>], vector<16xi32>,
          %parallel_loop3A_203 = arith.constant 4 : i32
          %parallel_loop3A_204 = vector.broadcast %parallel_loop3A_203 : i32 to vector<16xi32>
          %parallel_loop3A_205 = arith.addi %parallel_loop3A_202, %parallel_loop3A_204 : vector<16xi32>
          %parallel_loop3A_206 = arith.constant 1 : i32
          %parallel_loop3A_207 = vector.broadcast %parallel_loop3A_206 : i32 to vector<16xi32>
          %parallel_loop3A_208 = arith.subi %parallel_loop3A_205, %parallel_loop3A_207 : vector<16xi32>
          %parallel_loop3A_209 = tpu.vector_load_idx %arg6[%parallel_loop3A_208] : memref<4112xf32, #tpu.memory_space<vmem>>[vector<16xi32>], vector<16xf32>,
          %parallel_loop3A_210 = arith.cmpf olt, %parallel_loop3A_209, %parallel_loop3A_192 : vector<16xf32>
          %parallel_loop3A_211 = arith.select %parallel_loop3A_210, %parallel_loop3A_205, %parallel_loop3A_202 : vector<16xi1>, vector<16xi32>
          %parallel_loop3A_212 = arith.constant 2 : i32
          %parallel_loop3A_213 = vector.broadcast %parallel_loop3A_212 : i32 to vector<16xi32>
          %parallel_loop3A_214 = arith.addi %parallel_loop3A_211, %parallel_loop3A_213 : vector<16xi32>
          %parallel_loop3A_215 = arith.constant 1 : i32
          %parallel_loop3A_216 = vector.broadcast %parallel_loop3A_215 : i32 to vector<16xi32>
          %parallel_loop3A_217 = arith.subi %parallel_loop3A_214, %parallel_loop3A_216 : vector<16xi32>
          %parallel_loop3A_218 = tpu.vector_load_idx %arg6[%parallel_loop3A_217] : memref<4112xf32, #tpu.memory_space<vmem>>[vector<16xi32>], vector<16xf32>,
          %parallel_loop3A_219 = arith.cmpf olt, %parallel_loop3A_218, %parallel_loop3A_192 : vector<16xf32>
          %parallel_loop3A_220 = arith.select %parallel_loop3A_219, %parallel_loop3A_214, %parallel_loop3A_211 : vector<16xi1>, vector<16xi32>
          %parallel_loop3A_221 = arith.constant 1 : i32
          %parallel_loop3A_222 = vector.broadcast %parallel_loop3A_221 : i32 to vector<16xi32>
          %parallel_loop3A_223 = arith.addi %parallel_loop3A_220, %parallel_loop3A_222 : vector<16xi32>
          %parallel_loop3A_224 = arith.constant 1 : i32
          %parallel_loop3A_225 = vector.broadcast %parallel_loop3A_224 : i32 to vector<16xi32>
          %parallel_loop3A_226 = arith.subi %parallel_loop3A_223, %parallel_loop3A_225 : vector<16xi32>
          %parallel_loop3A_227 = tpu.vector_load_idx %arg6[%parallel_loop3A_226] : memref<4112xf32, #tpu.memory_space<vmem>>[vector<16xi32>], vector<16xf32>,
          %parallel_loop3A_228 = arith.cmpf olt, %parallel_loop3A_227, %parallel_loop3A_192 : vector<16xf32>
          %parallel_loop3A_229 = arith.select %parallel_loop3A_228, %parallel_loop3A_223, %parallel_loop3A_220 : vector<16xi1>, vector<16xi32>
          %parallel_loop3A_230 = arith.constant 1 : i32
          %parallel_loop3A_231 = vector.broadcast %parallel_loop3A_230 : i32 to vector<16xi32>
          %parallel_loop3A_232 = arith.subi %parallel_loop3A_229, %parallel_loop3A_231 : vector<16xi32>
          %parallel_loop3A_233 = arith.constant 0 : i32
          %parallel_loop3A_234 = arith.constant 4094 : i32
          %parallel_loop3A_235 = vector.broadcast %parallel_loop3A_233 : i32 to vector<16xi32>
          %parallel_loop3A_236 = arith.maxsi %parallel_loop3A_235, %parallel_loop3A_232 : vector<16xi32>
          %parallel_loop3A_237 = vector.broadcast %parallel_loop3A_234 : i32 to vector<16xi32>
          %parallel_loop3A_238 = arith.minsi %parallel_loop3A_237, %parallel_loop3A_236 : vector<16xi32>
          %parallel_loop3A_239 = tpu.vector_load_idx %arg7[%parallel_loop3A_238] : memref<4096xf32, #tpu.memory_space<vmem>>[vector<16xi32>], vector<16xf32>,
          %parallel_loop3A_240 = tpu.vector_load_idx %arg8[%parallel_loop3A_238] : memref<4096xf32, #tpu.memory_space<vmem>>[vector<16xi32>], vector<16xf32>,
          %parallel_loop3A_241 = arith.mulf %parallel_loop3A_240, %parallel_loop3A_192 : vector<16xf32>
          %parallel_loop3A_242 = arith.addf %parallel_loop3A_239, %parallel_loop3A_241 : vector<16xf32>
          %parallel_loop3A_243 = arith.index_cast %parallel_loop3A_190 : i32 to index
          %parallel_loop3A_244 = tpu.vector_load %arg12[%parallel_loop3A_243] {strides = array<i32>} : memref<8192xf32, #tpu.memory_space<vmem>>, vector<16xf32>,
          tpu.vector_store %arg12[%parallel_loop3A_243], %parallel_loop3A_242 {strides = array<i32>} : memref<8192xf32, #tpu.memory_space<vmem>>, vector<16xf32>,
        } {sc.loop_unroll_factor = 4 : i64, sc.parallel_access}
        %add3A_137 = arith.constant 0 : i32
        %add3A_138 = arith.addi %mul3A_119, %add3A_137 : i32
        %mul3A_139 = arith.constant 8192 : i32
        %mul3A_140 = arith.muli %add3A_138, %mul3A_139 : i32
        %add3A_141 = arith.addi %mul3A_32, %mul3A_140 : i32
        %dma_start3A_142 = tpu.memref_slice %arg5[%select_n3A, %add3A_141] : memref<16x262144xf32, #tpu.memory_space<hbm>> -> memref<1x8192xf32, #tpu.memory_space<hbm>>
        %dma_start3A_143 = tpu.memref_squeeze %dma_start3A_142 : memref<1x8192xf32, #tpu.memory_space<hbm>> -> memref<8192xf32, #tpu.memory_space<hbm>>
        %dma_start3A_144 = tpu.memref_slice %arg5[%select_n3A, %add3A_141] : memref<16x262144xf32, #tpu.memory_space<hbm>> -> memref<1x8192xf32, #tpu.memory_space<hbm>>
        %dma_start3A_145 = tpu.memref_squeeze %dma_start3A_144 : memref<1x8192xf32, #tpu.memory_space<hbm>> -> memref<8192xf32, #tpu.memory_space<hbm>>
        tpu.enqueue_dma source(%arg12 : memref<8192xf32, #tpu.memory_space<vmem>>) target(%dma_start3A_145 : memref<8192xf32, #tpu.memory_space<hbm>>) target_semaphore(%arg16 : memref<!tpu.dma_semaphore, #tpu.memory_space<semaphore_mem>>)
        %add3A_146 = arith.constant 0 : i32
        %add3A_147 = arith.addi %mul3A_119, %add3A_146 : i32
        %add3A_148 = arith.constant 2 : i32
        %add3A_149 = arith.addi %add3A_147, %add3A_148 : i32
        %lt3A_150 = arith.constant 16 : i32
        %lt3A_151 = arith.cmpi slt, %add3A_149, %lt3A_150 : i32
        %convert_element_type3A_152 = arith.extui %lt3A_151 : i1 to i32
        %cond3A_153 = arith.constant 0 : i32
        %cond3A_154 = arith.cmpi ne, %convert_element_type3A_152, %cond3A_153 : i32
        scf.if %cond3A_154 {
          %add3A_190 = arith.constant 0 : i32
          %add3A_191 = arith.addi %mul3A_119, %add3A_190 : i32
          %add3A_192 = arith.constant 2 : i32
          %add3A_193 = arith.addi %add3A_191, %add3A_192 : i32
          %mul3A_194 = arith.constant 8192 : i32
          %mul3A_195 = arith.muli %add3A_193, %mul3A_194 : i32
          %add3A_196 = arith.addi %mul3A_32, %mul3A_195 : i32
          %dma_start3A_197 = tpu.memref_slice %arg2[%select_n3A, %add3A_196] : memref<16x262144xf32, #tpu.memory_space<hbm>> -> memref<1x8192xf32, #tpu.memory_space<hbm>>
          %dma_start3A_198 = tpu.memref_squeeze %dma_start3A_197 : memref<1x8192xf32, #tpu.memory_space<hbm>> -> memref<8192xf32, #tpu.memory_space<hbm>>
          %dma_start3A_199 = tpu.memref_slice %arg2[%select_n3A, %add3A_196] : memref<16x262144xf32, #tpu.memory_space<hbm>> -> memref<1x8192xf32, #tpu.memory_space<hbm>>
          %dma_start3A_200 = tpu.memref_squeeze %dma_start3A_199 : memref<1x8192xf32, #tpu.memory_space<hbm>> -> memref<8192xf32, #tpu.memory_space<hbm>>
          tpu.enqueue_dma source(%dma_start3A_200 : memref<8192xf32, #tpu.memory_space<hbm>>) target(%arg10 : memref<8192xf32, #tpu.memory_space<vmem>>) target_semaphore(%arg14 : memref<!tpu.dma_semaphore, #tpu.memory_space<semaphore_mem>>)
        } else {
        }
        %add3A_155 = arith.constant 1 : i32
        %add3A_156 = arith.addi %mul3A_119, %add3A_155 : i32
        %mul3A_157 = arith.constant 8192 : i32
        %mul3A_158 = arith.muli %add3A_156, %mul3A_157 : i32
        %add3A_159 = arith.addi %mul3A_32, %mul3A_158 : i32
        %dma_wait3A_160 = tpu.memref_slice %arg2[%select_n3A, %add3A_159] : memref<16x262144xf32, #tpu.memory_space<hbm>> -> memref<1x8192xf32, #tpu.memory_space<hbm>>
        %dma_wait3A_161 = tpu.memref_squeeze %dma_wait3A_160 : memref<1x8192xf32, #tpu.memory_space<hbm>> -> memref<8192xf32, #tpu.memory_space<hbm>>
        %dma_wait3A_162 = tpu.memref_slice %arg2[%select_n3A, %add3A_159] : memref<16x262144xf32, #tpu.memory_space<hbm>> -> memref<1x8192xf32, #tpu.memory_space<hbm>>
        %dma_wait3A_163 = tpu.memref_squeeze %dma_wait3A_162 : memref<1x8192xf32, #tpu.memory_space<hbm>> -> memref<8192xf32, #tpu.memory_space<hbm>>
        tpu.wait_dma2 semaphore(%arg15 : memref<!tpu.dma_semaphore, #tpu.memory_space<semaphore_mem>>) src(%dma_wait3A_163 : memref<8192xf32, #tpu.memory_space<hbm>>) dst(%arg11 : memref<8192xf32, #tpu.memory_space<vmem>>)
        %gt3A_164 = arith.constant 0 : i32
        %gt3A_165 = arith.cmpi sgt, %scan3A_117, %gt3A_164 : i32
        %convert_element_type3A_166 = arith.extui %gt3A_165 : i1 to i32
        %cond3A_167 = arith.constant 0 : i32
        %cond3A_168 = arith.cmpi ne, %convert_element_type3A_166, %cond3A_167 : i32
        scf.if %cond3A_168 {
          %add3A_190 = arith.constant 1 : i32
          %add3A_191 = arith.addi %mul3A_119, %add3A_190 : i32
          %sub3A_192 = arith.constant 2 : i32
          %sub3A_193 = arith.subi %add3A_191, %sub3A_192 : i32
          %mul3A_194 = arith.constant 8192 : i32
          %mul3A_195 = arith.muli %sub3A_193, %mul3A_194 : i32
          %add3A_196 = arith.addi %mul3A_32, %mul3A_195 : i32
          %dma_wait3A_197 = tpu.memref_slice %arg5[%select_n3A, %add3A_196] : memref<16x262144xf32, #tpu.memory_space<hbm>> -> memref<1x8192xf32, #tpu.memory_space<hbm>>
          %dma_wait3A_198 = tpu.memref_squeeze %dma_wait3A_197 : memref<1x8192xf32, #tpu.memory_space<hbm>> -> memref<8192xf32, #tpu.memory_space<hbm>>
          %dma_wait3A_199 = tpu.memref_slice %arg5[%select_n3A, %add3A_196] : memref<16x262144xf32, #tpu.memory_space<hbm>> -> memref<1x8192xf32, #tpu.memory_space<hbm>>
          %dma_wait3A_200 = tpu.memref_squeeze %dma_wait3A_199 : memref<1x8192xf32, #tpu.memory_space<hbm>> -> memref<8192xf32, #tpu.memory_space<hbm>>
          tpu.wait_dma2 semaphore(%arg17 : memref<!tpu.dma_semaphore, #tpu.memory_space<semaphore_mem>>) src(%arg13 : memref<8192xf32, #tpu.memory_space<vmem>>) dst(%dma_wait3A_200 : memref<8192xf32, #tpu.memory_space<hbm>>)
        } else {
        }
        %parallel_loop3A_169 = arith.constant 0 : i32
        %parallel_loop3A_170 = arith.constant 8192 : i32
        %parallel_loop3A_171 = arith.constant 16 : i32
        scf.for %parallel_loop3A_190 = %parallel_loop3A_169 to %parallel_loop3A_170 step %parallel_loop3A_171  : i32 {
          %parallel_loop3A_191 = arith.index_cast %parallel_loop3A_190 : i32 to index
          %parallel_loop3A_192 = tpu.vector_load %arg11[%parallel_loop3A_191] {strides = array<i32>} : memref<8192xf32, #tpu.memory_space<vmem>>, vector<16xf32>,
          %parallel_loop3A_193 = arith.subf %parallel_loop3A_192, %broadcast_in_dim3A_45 : vector<16xf32>
          %parallel_loop3A_194 = arith.mulf %parallel_loop3A_193, %div3A_59 : vector<16xf32>
          %parallel_loop3A_195 = arith.constant 0.000000e+00 : f32
          %parallel_loop3A_196 = arith.constant 4.095000e+03 : f32
          %parallel_loop3A_197 = vector.broadcast %parallel_loop3A_195 : f32 to vector<16xf32>
          %parallel_loop3A_198 = arith.maximumf %parallel_loop3A_197, %parallel_loop3A_194 : vector<16xf32>
          %parallel_loop3A_199 = vector.broadcast %parallel_loop3A_196 : f32 to vector<16xf32>
          %parallel_loop3A_200 = arith.minimumf %parallel_loop3A_199, %parallel_loop3A_198 : vector<16xf32>
          %parallel_loop3A_201 = arith.fptosi %parallel_loop3A_200 : vector<16xf32> to vector<16xi32>
          %parallel_loop3A_202 = tpu.vector_load_idx %arg9[%parallel_loop3A_201] : memref<4160xi32, #tpu.memory_space<vmem>>[vector<16xi32>], vector<16xi32>,
          %parallel_loop3A_203 = arith.constant 4 : i32
          %parallel_loop3A_204 = vector.broadcast %parallel_loop3A_203 : i32 to vector<16xi32>
          %parallel_loop3A_205 = arith.addi %parallel_loop3A_202, %parallel_loop3A_204 : vector<16xi32>
          %parallel_loop3A_206 = arith.constant 1 : i32
          %parallel_loop3A_207 = vector.broadcast %parallel_loop3A_206 : i32 to vector<16xi32>
          %parallel_loop3A_208 = arith.subi %parallel_loop3A_205, %parallel_loop3A_207 : vector<16xi32>
          %parallel_loop3A_209 = tpu.vector_load_idx %arg6[%parallel_loop3A_208] : memref<4112xf32, #tpu.memory_space<vmem>>[vector<16xi32>], vector<16xf32>,
          %parallel_loop3A_210 = arith.cmpf olt, %parallel_loop3A_209, %parallel_loop3A_192 : vector<16xf32>
          %parallel_loop3A_211 = arith.select %parallel_loop3A_210, %parallel_loop3A_205, %parallel_loop3A_202 : vector<16xi1>, vector<16xi32>
          %parallel_loop3A_212 = arith.constant 2 : i32
          %parallel_loop3A_213 = vector.broadcast %parallel_loop3A_212 : i32 to vector<16xi32>
          %parallel_loop3A_214 = arith.addi %parallel_loop3A_211, %parallel_loop3A_213 : vector<16xi32>
          %parallel_loop3A_215 = arith.constant 1 : i32
          %parallel_loop3A_216 = vector.broadcast %parallel_loop3A_215 : i32 to vector<16xi32>
          %parallel_loop3A_217 = arith.subi %parallel_loop3A_214, %parallel_loop3A_216 : vector<16xi32>
          %parallel_loop3A_218 = tpu.vector_load_idx %arg6[%parallel_loop3A_217] : memref<4112xf32, #tpu.memory_space<vmem>>[vector<16xi32>], vector<16xf32>,
          %parallel_loop3A_219 = arith.cmpf olt, %parallel_loop3A_218, %parallel_loop3A_192 : vector<16xf32>
          %parallel_loop3A_220 = arith.select %parallel_loop3A_219, %parallel_loop3A_214, %parallel_loop3A_211 : vector<16xi1>, vector<16xi32>
          %parallel_loop3A_221 = arith.constant 1 : i32
          %parallel_loop3A_222 = vector.broadcast %parallel_loop3A_221 : i32 to vector<16xi32>
          %parallel_loop3A_223 = arith.addi %parallel_loop3A_220, %parallel_loop3A_222 : vector<16xi32>
          %parallel_loop3A_224 = arith.constant 1 : i32
          %parallel_loop3A_225 = vector.broadcast %parallel_loop3A_224 : i32 to vector<16xi32>
          %parallel_loop3A_226 = arith.subi %parallel_loop3A_223, %parallel_loop3A_225 : vector<16xi32>
          %parallel_loop3A_227 = tpu.vector_load_idx %arg6[%parallel_loop3A_226] : memref<4112xf32, #tpu.memory_space<vmem>>[vector<16xi32>], vector<16xf32>,
          %parallel_loop3A_228 = arith.cmpf olt, %parallel_loop3A_227, %parallel_loop3A_192 : vector<16xf32>
          %parallel_loop3A_229 = arith.select %parallel_loop3A_228, %parallel_loop3A_223, %parallel_loop3A_220 : vector<16xi1>, vector<16xi32>
          %parallel_loop3A_230 = arith.constant 1 : i32
          %parallel_loop3A_231 = vector.broadcast %parallel_loop3A_230 : i32 to vector<16xi32>
          %parallel_loop3A_232 = arith.subi %parallel_loop3A_229, %parallel_loop3A_231 : vector<16xi32>
          %parallel_loop3A_233 = arith.constant 0 : i32
          %parallel_loop3A_234 = arith.constant 4094 : i32
          %parallel_loop3A_235 = vector.broadcast %parallel_loop3A_233 : i32 to vector<16xi32>
          %parallel_loop3A_236 = arith.maxsi %parallel_loop3A_235, %parallel_loop3A_232 : vector<16xi32>
          %parallel_loop3A_237 = vector.broadcast %parallel_loop3A_234 : i32 to vector<16xi32>
          %parallel_loop3A_238 = arith.minsi %parallel_loop3A_237, %parallel_loop3A_236 : vector<16xi32>
          %parallel_loop3A_239 = tpu.vector_load_idx %arg7[%parallel_loop3A_238] : memref<4096xf32, #tpu.memory_space<vmem>>[vector<16xi32>], vector<16xf32>,
          %parallel_loop3A_240 = tpu.vector_load_idx %arg8[%parallel_loop3A_238] : memref<4096xf32, #tpu.memory_space<vmem>>[vector<16xi32>], vector<16xf32>,
          %parallel_loop3A_241 = arith.mulf %parallel_loop3A_240, %parallel_loop3A_192 : vector<16xf32>
          %parallel_loop3A_242 = arith.addf %parallel_loop3A_239, %parallel_loop3A_241 : vector<16xf32>
          %parallel_loop3A_243 = arith.index_cast %parallel_loop3A_190 : i32 to index
          %parallel_loop3A_244 = tpu.vector_load %arg13[%parallel_loop3A_243] {strides = array<i32>} : memref<8192xf32, #tpu.memory_space<vmem>>, vector<16xf32>,
          tpu.vector_store %arg13[%parallel_loop3A_243], %parallel_loop3A_242 {strides = array<i32>} : memref<8192xf32, #tpu.memory_space<vmem>>, vector<16xf32>,
        } {sc.loop_unroll_factor = 4 : i64, sc.parallel_access}
        %add3A_172 = arith.constant 1 : i32
        %add3A_173 = arith.addi %mul3A_119, %add3A_172 : i32
        %mul3A_174 = arith.constant 8192 : i32
        %mul3A_175 = arith.muli %add3A_173, %mul3A_174 : i32
        %add3A_176 = arith.addi %mul3A_32, %mul3A_175 : i32
        %dma_start3A_177 = tpu.memref_slice %arg5[%select_n3A, %add3A_176] : memref<16x262144xf32, #tpu.memory_space<hbm>> -> memref<1x8192xf32, #tpu.memory_space<hbm>>
        %dma_start3A_178 = tpu.memref_squeeze %dma_start3A_177 : memref<1x8192xf32, #tpu.memory_space<hbm>> -> memref<8192xf32, #tpu.memory_space<hbm>>
        %dma_start3A_179 = tpu.memref_slice %arg5[%select_n3A, %add3A_176] : memref<16x262144xf32, #tpu.memory_space<hbm>> -> memref<1x8192xf32, #tpu.memory_space<hbm>>
        %dma_start3A_180 = tpu.memref_squeeze %dma_start3A_179 : memref<1x8192xf32, #tpu.memory_space<hbm>> -> memref<8192xf32, #tpu.memory_space<hbm>>
        tpu.enqueue_dma source(%arg13 : memref<8192xf32, #tpu.memory_space<vmem>>) target(%dma_start3A_180 : memref<8192xf32, #tpu.memory_space<hbm>>) target_semaphore(%arg17 : memref<!tpu.dma_semaphore, #tpu.memory_space<semaphore_mem>>)
        %add3A_181 = arith.constant 1 : i32
        %add3A_182 = arith.addi %mul3A_119, %add3A_181 : i32
        %add3A_183 = arith.constant 2 : i32
        %add3A_184 = arith.addi %add3A_182, %add3A_183 : i32
        %lt3A_185 = arith.constant 16 : i32
        %lt3A_186 = arith.cmpi slt, %add3A_184, %lt3A_185 : i32
        %convert_element_type3A_187 = arith.extui %lt3A_186 : i1 to i32
        %cond3A_188 = arith.constant 0 : i32
        %cond3A_189 = arith.cmpi ne, %convert_element_type3A_187, %cond3A_188 : i32
        scf.if %cond3A_189 {
          %add3A_190 = arith.constant 1 : i32
          %add3A_191 = arith.addi %mul3A_119, %add3A_190 : i32
          %add3A_192 = arith.constant 2 : i32
          %add3A_193 = arith.addi %add3A_191, %add3A_192 : i32
          %mul3A_194 = arith.constant 8192 : i32
          %mul3A_195 = arith.muli %add3A_193, %mul3A_194 : i32
          %add3A_196 = arith.addi %mul3A_32, %mul3A_195 : i32
          %dma_start3A_197 = tpu.memref_slice %arg2[%select_n3A, %add3A_196] : memref<16x262144xf32, #tpu.memory_space<hbm>> -> memref<1x8192xf32, #tpu.memory_space<hbm>>
          %dma_start3A_198 = tpu.memref_squeeze %dma_start3A_197 : memref<1x8192xf32, #tpu.memory_space<hbm>> -> memref<8192xf32, #tpu.memory_space<hbm>>
          %dma_start3A_199 = tpu.memref_slice %arg2[%select_n3A, %add3A_196] : memref<16x262144xf32, #tpu.memory_space<hbm>> -> memref<1x8192xf32, #tpu.memory_space<hbm>>
          %dma_start3A_200 = tpu.memref_squeeze %dma_start3A_199 : memref<1x8192xf32, #tpu.memory_space<hbm>> -> memref<8192xf32, #tpu.memory_space<hbm>>
          tpu.enqueue_dma source(%dma_start3A_200 : memref<8192xf32, #tpu.memory_space<hbm>>) target(%arg11 : memref<8192xf32, #tpu.memory_space<vmem>>) target_semaphore(%arg15 : memref<!tpu.dma_semaphore, #tpu.memory_space<semaphore_mem>>)
        } else {
        }
      }
      %scan3A_105 = arith.constant 8 : i32
      %add3A_106 = arith.constant 114688 : i32
      %add3A_107 = arith.addi %mul3A_32, %add3A_106 : i32
      %dma_wait3A = tpu.memref_slice %arg5[%select_n3A, %add3A_107] : memref<16x262144xf32, #tpu.memory_space<hbm>> -> memref<1x8192xf32, #tpu.memory_space<hbm>>
      %dma_wait3A_108 = tpu.memref_squeeze %dma_wait3A : memref<1x8192xf32, #tpu.memory_space<hbm>> -> memref<8192xf32, #tpu.memory_space<hbm>>
      %dma_wait3A_109 = tpu.memref_slice %arg5[%select_n3A, %add3A_107] : memref<16x262144xf32, #tpu.memory_space<hbm>> -> memref<1x8192xf32, #tpu.memory_space<hbm>>
      %dma_wait3A_110 = tpu.memref_squeeze %dma_wait3A_109 : memref<1x8192xf32, #tpu.memory_space<hbm>> -> memref<8192xf32, #tpu.memory_space<hbm>>
      tpu.wait_dma2 semaphore(%arg16 : memref<!tpu.dma_semaphore, #tpu.memory_space<semaphore_mem>>) src(%arg12 : memref<8192xf32, #tpu.memory_space<vmem>>) dst(%dma_wait3A_110 : memref<8192xf32, #tpu.memory_space<hbm>>)
      %add3A_111 = arith.constant 122880 : i32
      %add3A_112 = arith.addi %mul3A_32, %add3A_111 : i32
      %dma_wait3A_113 = tpu.memref_slice %arg5[%select_n3A, %add3A_112] : memref<16x262144xf32, #tpu.memory_space<hbm>> -> memref<1x8192xf32, #tpu.memory_space<hbm>>
      %dma_wait3A_114 = tpu.memref_squeeze %dma_wait3A_113 : memref<1x8192xf32, #tpu.memory_space<hbm>> -> memref<8192xf32, #tpu.memory_space<hbm>>
      %dma_wait3A_115 = tpu.memref_slice %arg5[%select_n3A, %add3A_112] : memref<16x262144xf32, #tpu.memory_space<hbm>> -> memref<1x8192xf32, #tpu.memory_space<hbm>>
      %dma_wait3A_116 = tpu.memref_squeeze %dma_wait3A_115 : memref<1x8192xf32, #tpu.memory_space<hbm>> -> memref<8192xf32, #tpu.memory_space<hbm>>
      tpu.wait_dma2 semaphore(%arg17 : memref<!tpu.dma_semaphore, #tpu.memory_space<semaphore_mem>>) src(%arg13 : memref<8192xf32, #tpu.memory_space<vmem>>) dst(%dma_wait3A_116 : memref<8192xf32, #tpu.memory_space<hbm>>)
    } else {
    }
    %gt3A = arith.constant 7 : i32
    %gt3A_77 = arith.cmpi sgt, %reduce_max3A_74, %gt3A : i32
    %le3A_78 = arith.constant 15 : i32
    %le3A_79 = arith.cmpi sle, %reduce_max3A_74, %le3A_78 : i32
    %and3A_80 = arith.andi %gt3A_77, %le3A_79 : i1
    %convert_element_type3A_81 = arith.extui %and3A_80 : i1 to i32
    %cond3A_82 = arith.constant 0 : i32
    %cond3A_83 = arith.cmpi ne, %convert_element_type3A_81, %cond3A_82 : i32
    scf.if %cond3A_83 {
      %add3A_89 = arith.constant 0 : i32
      %add3A_90 = arith.addi %mul3A_32, %add3A_89 : i32
      %dma_start3A = tpu.memref_slice %arg2[%select_n3A, %add3A_90] : memref<16x262144xf32, #tpu.memory_space<hbm>> -> memref<1x8192xf32, #tpu.memory_space<hbm>>
      %dma_start3A_91 = tpu.memref_squeeze %dma_start3A : memref<1x8192xf32, #tpu.memory_space<hbm>> -> memref<8192xf32, #tpu.memory_space<hbm>>
      %dma_start3A_92 = tpu.memref_slice %arg2[%select_n3A, %add3A_90] : memref<16x262144xf32, #tpu.memory_space<hbm>> -> memref<1x8192xf32, #tpu.memory_space<hbm>>
      %dma_start3A_93 = tpu.memref_squeeze %dma_start3A_92 : memref<1x8192xf32, #tpu.memory_space<hbm>> -> memref<8192xf32, #tpu.memory_space<hbm>>
      tpu.enqueue_dma source(%dma_start3A_93 : memref<8192xf32, #tpu.memory_space<hbm>>) target(%arg10 : memref<8192xf32, #tpu.memory_space<vmem>>) target_semaphore(%arg14 : memref<!tpu.dma_semaphore, #tpu.memory_space<semaphore_mem>>)
      %add3A_94 = arith.constant 8192 : i32
      %add3A_95 = arith.addi %mul3A_32, %add3A_94 : i32
      %dma_start3A_96 = tpu.memref_slice %arg2[%select_n3A, %add3A_95] : memref<16x262144xf32, #tpu.memory_space<hbm>> -> memref<1x8192xf32, #tpu.memory_space<hbm>>
      %dma_start3A_97 = tpu.memref_squeeze %dma_start3A_96 : memref<1x8192xf32, #tpu.memory_space<hbm>> -> memref<8192xf32, #tpu.memory_space<hbm>>
      %dma_start3A_98 = tpu.memref_slice %arg2[%select_n3A, %add3A_95] : memref<16x262144xf32, #tpu.memory_space<hbm>> -> memref<1x8192xf32, #tpu.memory_space<hbm>>
      %dma_start3A_99 = tpu.memref_squeeze %dma_start3A_98 : memref<1x8192xf32, #tpu.memory_space<hbm>> -> memref<8192xf32, #tpu.memory_space<hbm>>
      tpu.enqueue_dma source(%dma_start3A_99 : memref<8192xf32, #tpu.memory_space<hbm>>) target(%arg11 : memref<8192xf32, #tpu.memory_space<vmem>>) target_semaphore(%arg15 : memref<!tpu.dma_semaphore, #tpu.memory_space<semaphore_mem>>)
      %scan3A_100 = arith.constant 0 : i32
      %scan3A_101 = arith.constant 0 : i32
      %scan3A_102 = arith.constant 8 : i32
      %scan3A_103 = arith.addi %scan3A_101, %scan3A_102 : i32
      %scan3A_104 = arith.constant 1 : i32
      scf.for %scan3A_117 = %scan3A_101 to %scan3A_103 step %scan3A_104  : i32 {
        %mul3A_118 = arith.constant 2 : i32
        %mul3A_119 = arith.muli %mul3A_118, %scan3A_117 : i32
        %add3A_120 = arith.constant 0 : i32
        %add3A_121 = arith.addi %mul3A_119, %add3A_120 : i32
        %mul3A_122 = arith.constant 8192 : i32
        %mul3A_123 = arith.muli %add3A_121, %mul3A_122 : i32
        %add3A_124 = arith.addi %mul3A_32, %mul3A_123 : i32
        %dma_wait3A_125 = tpu.memref_slice %arg2[%select_n3A, %add3A_124] : memref<16x262144xf32, #tpu.memory_space<hbm>> -> memref<1x8192xf32, #tpu.memory_space<hbm>>
        %dma_wait3A_126 = tpu.memref_squeeze %dma_wait3A_125 : memref<1x8192xf32, #tpu.memory_space<hbm>> -> memref<8192xf32, #tpu.memory_space<hbm>>
        %dma_wait3A_127 = tpu.memref_slice %arg2[%select_n3A, %add3A_124] : memref<16x262144xf32, #tpu.memory_space<hbm>> -> memref<1x8192xf32, #tpu.memory_space<hbm>>
        %dma_wait3A_128 = tpu.memref_squeeze %dma_wait3A_127 : memref<1x8192xf32, #tpu.memory_space<hbm>> -> memref<8192xf32, #tpu.memory_space<hbm>>
        tpu.wait_dma2 semaphore(%arg14 : memref<!tpu.dma_semaphore, #tpu.memory_space<semaphore_mem>>) src(%dma_wait3A_128 : memref<8192xf32, #tpu.memory_space<hbm>>) dst(%arg10 : memref<8192xf32, #tpu.memory_space<vmem>>)
        %gt3A_129 = arith.constant 0 : i32
        %gt3A_130 = arith.cmpi sgt, %scan3A_117, %gt3A_129 : i32
        %convert_element_type3A_131 = arith.extui %gt3A_130 : i1 to i32
        %cond3A_132 = arith.constant 0 : i32
        %cond3A_133 = arith.cmpi ne, %convert_element_type3A_131, %cond3A_132 : i32
        scf.if %cond3A_133 {
          %add3A_190 = arith.constant 0 : i32
          %add3A_191 = arith.addi %mul3A_119, %add3A_190 : i32
          %sub3A_192 = arith.constant 2 : i32
          %sub3A_193 = arith.subi %add3A_191, %sub3A_192 : i32
          %mul3A_194 = arith.constant 8192 : i32
          %mul3A_195 = arith.muli %sub3A_193, %mul3A_194 : i32
          %add3A_196 = arith.addi %mul3A_32, %mul3A_195 : i32
          %dma_wait3A_197 = tpu.memref_slice %arg5[%select_n3A, %add3A_196] : memref<16x262144xf32, #tpu.memory_space<hbm>> -> memref<1x8192xf32, #tpu.memory_space<hbm>>
          %dma_wait3A_198 = tpu.memref_squeeze %dma_wait3A_197 : memref<1x8192xf32, #tpu.memory_space<hbm>> -> memref<8192xf32, #tpu.memory_space<hbm>>
          %dma_wait3A_199 = tpu.memref_slice %arg5[%select_n3A, %add3A_196] : memref<16x262144xf32, #tpu.memory_space<hbm>> -> memref<1x8192xf32, #tpu.memory_space<hbm>>
          %dma_wait3A_200 = tpu.memref_squeeze %dma_wait3A_199 : memref<1x8192xf32, #tpu.memory_space<hbm>> -> memref<8192xf32, #tpu.memory_space<hbm>>
          tpu.wait_dma2 semaphore(%arg16 : memref<!tpu.dma_semaphore, #tpu.memory_space<semaphore_mem>>) src(%arg12 : memref<8192xf32, #tpu.memory_space<vmem>>) dst(%dma_wait3A_200 : memref<8192xf32, #tpu.memory_space<hbm>>)
        } else {
        }
        %parallel_loop3A_134 = arith.constant 0 : i32
        %parallel_loop3A_135 = arith.constant 8192 : i32
        %parallel_loop3A_136 = arith.constant 16 : i32
        scf.for %parallel_loop3A_190 = %parallel_loop3A_134 to %parallel_loop3A_135 step %parallel_loop3A_136  : i32 {
          %parallel_loop3A_191 = arith.index_cast %parallel_loop3A_190 : i32 to index
          %parallel_loop3A_192 = tpu.vector_load %arg10[%parallel_loop3A_191] {strides = array<i32>} : memref<8192xf32, #tpu.memory_space<vmem>>, vector<16xf32>,
          %parallel_loop3A_193 = arith.subf %parallel_loop3A_192, %broadcast_in_dim3A_45 : vector<16xf32>
          %parallel_loop3A_194 = arith.mulf %parallel_loop3A_193, %div3A_59 : vector<16xf32>
          %parallel_loop3A_195 = arith.constant 0.000000e+00 : f32
          %parallel_loop3A_196 = arith.constant 4.095000e+03 : f32
          %parallel_loop3A_197 = vector.broadcast %parallel_loop3A_195 : f32 to vector<16xf32>
          %parallel_loop3A_198 = arith.maximumf %parallel_loop3A_197, %parallel_loop3A_194 : vector<16xf32>
          %parallel_loop3A_199 = vector.broadcast %parallel_loop3A_196 : f32 to vector<16xf32>
          %parallel_loop3A_200 = arith.minimumf %parallel_loop3A_199, %parallel_loop3A_198 : vector<16xf32>
          %parallel_loop3A_201 = arith.fptosi %parallel_loop3A_200 : vector<16xf32> to vector<16xi32>
          %parallel_loop3A_202 = tpu.vector_load_idx %arg9[%parallel_loop3A_201] : memref<4160xi32, #tpu.memory_space<vmem>>[vector<16xi32>], vector<16xi32>,
          %parallel_loop3A_203 = arith.constant 8 : i32
          %parallel_loop3A_204 = vector.broadcast %parallel_loop3A_203 : i32 to vector<16xi32>
          %parallel_loop3A_205 = arith.addi %parallel_loop3A_202, %parallel_loop3A_204 : vector<16xi32>
          %parallel_loop3A_206 = arith.constant 1 : i32
          %parallel_loop3A_207 = vector.broadcast %parallel_loop3A_206 : i32 to vector<16xi32>
          %parallel_loop3A_208 = arith.subi %parallel_loop3A_205, %parallel_loop3A_207 : vector<16xi32>
          %parallel_loop3A_209 = tpu.vector_load_idx %arg6[%parallel_loop3A_208] : memref<4112xf32, #tpu.memory_space<vmem>>[vector<16xi32>], vector<16xf32>,
          %parallel_loop3A_210 = arith.cmpf olt, %parallel_loop3A_209, %parallel_loop3A_192 : vector<16xf32>
          %parallel_loop3A_211 = arith.select %parallel_loop3A_210, %parallel_loop3A_205, %parallel_loop3A_202 : vector<16xi1>, vector<16xi32>
          %parallel_loop3A_212 = arith.constant 4 : i32
          %parallel_loop3A_213 = vector.broadcast %parallel_loop3A_212 : i32 to vector<16xi32>
          %parallel_loop3A_214 = arith.addi %parallel_loop3A_211, %parallel_loop3A_213 : vector<16xi32>
          %parallel_loop3A_215 = arith.constant 1 : i32
          %parallel_loop3A_216 = vector.broadcast %parallel_loop3A_215 : i32 to vector<16xi32>
          %parallel_loop3A_217 = arith.subi %parallel_loop3A_214, %parallel_loop3A_216 : vector<16xi32>
          %parallel_loop3A_218 = tpu.vector_load_idx %arg6[%parallel_loop3A_217] : memref<4112xf32, #tpu.memory_space<vmem>>[vector<16xi32>], vector<16xf32>,
          %parallel_loop3A_219 = arith.cmpf olt, %parallel_loop3A_218, %parallel_loop3A_192 : vector<16xf32>
          %parallel_loop3A_220 = arith.select %parallel_loop3A_219, %parallel_loop3A_214, %parallel_loop3A_211 : vector<16xi1>, vector<16xi32>
          %parallel_loop3A_221 = arith.constant 2 : i32
          %parallel_loop3A_222 = vector.broadcast %parallel_loop3A_221 : i32 to vector<16xi32>
          %parallel_loop3A_223 = arith.addi %parallel_loop3A_220, %parallel_loop3A_222 : vector<16xi32>
          %parallel_loop3A_224 = arith.constant 1 : i32
          %parallel_loop3A_225 = vector.broadcast %parallel_loop3A_224 : i32 to vector<16xi32>
          %parallel_loop3A_226 = arith.subi %parallel_loop3A_223, %parallel_loop3A_225 : vector<16xi32>
          %parallel_loop3A_227 = tpu.vector_load_idx %arg6[%parallel_loop3A_226] : memref<4112xf32, #tpu.memory_space<vmem>>[vector<16xi32>], vector<16xf32>,
          %parallel_loop3A_228 = arith.cmpf olt, %parallel_loop3A_227, %parallel_loop3A_192 : vector<16xf32>
          %parallel_loop3A_229 = arith.select %parallel_loop3A_228, %parallel_loop3A_223, %parallel_loop3A_220 : vector<16xi1>, vector<16xi32>
          %parallel_loop3A_230 = arith.constant 1 : i32
          %parallel_loop3A_231 = vector.broadcast %parallel_loop3A_230 : i32 to vector<16xi32>
          %parallel_loop3A_232 = arith.addi %parallel_loop3A_229, %parallel_loop3A_231 : vector<16xi32>
          %parallel_loop3A_233 = arith.constant 1 : i32
          %parallel_loop3A_234 = vector.broadcast %parallel_loop3A_233 : i32 to vector<16xi32>
          %parallel_loop3A_235 = arith.subi %parallel_loop3A_232, %parallel_loop3A_234 : vector<16xi32>
          %parallel_loop3A_236 = tpu.vector_load_idx %arg6[%parallel_loop3A_235] : memref<4112xf32, #tpu.memory_space<vmem>>[vector<16xi32>], vector<16xf32>,
          %parallel_loop3A_237 = arith.cmpf olt, %parallel_loop3A_236, %parallel_loop3A_192 : vector<16xf32>
          %parallel_loop3A_238 = arith.select %parallel_loop3A_237, %parallel_loop3A_232, %parallel_loop3A_229 : vector<16xi1>, vector<16xi32>
          %parallel_loop3A_239 = arith.constant 1 : i32
          %parallel_loop3A_240 = vector.broadcast %parallel_loop3A_239 : i32 to vector<16xi32>
          %parallel_loop3A_241 = arith.subi %parallel_loop3A_238, %parallel_loop3A_240 : vector<16xi32>
          %parallel_loop3A_242 = arith.constant 0 : i32
          %parallel_loop3A_243 = arith.constant 4094 : i32
          %parallel_loop3A_244 = vector.broadcast %parallel_loop3A_242 : i32 to vector<16xi32>
          %parallel_loop3A_245 = arith.maxsi %parallel_loop3A_244, %parallel_loop3A_241 : vector<16xi32>
          %parallel_loop3A_246 = vector.broadcast %parallel_loop3A_243 : i32 to vector<16xi32>
          %parallel_loop3A_247 = arith.minsi %parallel_loop3A_246, %parallel_loop3A_245 : vector<16xi32>
          %parallel_loop3A_248 = tpu.vector_load_idx %arg7[%parallel_loop3A_247] : memref<4096xf32, #tpu.memory_space<vmem>>[vector<16xi32>], vector<16xf32>,
          %parallel_loop3A_249 = tpu.vector_load_idx %arg8[%parallel_loop3A_247] : memref<4096xf32, #tpu.memory_space<vmem>>[vector<16xi32>], vector<16xf32>,
          %parallel_loop3A_250 = arith.mulf %parallel_loop3A_249, %parallel_loop3A_192 : vector<16xf32>
          %parallel_loop3A_251 = arith.addf %parallel_loop3A_248, %parallel_loop3A_250 : vector<16xf32>
          %parallel_loop3A_252 = arith.index_cast %parallel_loop3A_190 : i32 to index
          %parallel_loop3A_253 = tpu.vector_load %arg12[%parallel_loop3A_252] {strides = array<i32>} : memref<8192xf32, #tpu.memory_space<vmem>>, vector<16xf32>,
          tpu.vector_store %arg12[%parallel_loop3A_252], %parallel_loop3A_251 {strides = array<i32>} : memref<8192xf32, #tpu.memory_space<vmem>>, vector<16xf32>,
        } {sc.loop_unroll_factor = 4 : i64, sc.parallel_access}
        %add3A_137 = arith.constant 0 : i32
        %add3A_138 = arith.addi %mul3A_119, %add3A_137 : i32
        %mul3A_139 = arith.constant 8192 : i32
        %mul3A_140 = arith.muli %add3A_138, %mul3A_139 : i32
        %add3A_141 = arith.addi %mul3A_32, %mul3A_140 : i32
        %dma_start3A_142 = tpu.memref_slice %arg5[%select_n3A, %add3A_141] : memref<16x262144xf32, #tpu.memory_space<hbm>> -> memref<1x8192xf32, #tpu.memory_space<hbm>>
        %dma_start3A_143 = tpu.memref_squeeze %dma_start3A_142 : memref<1x8192xf32, #tpu.memory_space<hbm>> -> memref<8192xf32, #tpu.memory_space<hbm>>
        %dma_start3A_144 = tpu.memref_slice %arg5[%select_n3A, %add3A_141] : memref<16x262144xf32, #tpu.memory_space<hbm>> -> memref<1x8192xf32, #tpu.memory_space<hbm>>
        %dma_start3A_145 = tpu.memref_squeeze %dma_start3A_144 : memref<1x8192xf32, #tpu.memory_space<hbm>> -> memref<8192xf32, #tpu.memory_space<hbm>>
        tpu.enqueue_dma source(%arg12 : memref<8192xf32, #tpu.memory_space<vmem>>) target(%dma_start3A_145 : memref<8192xf32, #tpu.memory_space<hbm>>) target_semaphore(%arg16 : memref<!tpu.dma_semaphore, #tpu.memory_space<semaphore_mem>>)
        %add3A_146 = arith.constant 0 : i32
        %add3A_147 = arith.addi %mul3A_119, %add3A_146 : i32
        %add3A_148 = arith.constant 2 : i32
        %add3A_149 = arith.addi %add3A_147, %add3A_148 : i32
        %lt3A_150 = arith.constant 16 : i32
        %lt3A_151 = arith.cmpi slt, %add3A_149, %lt3A_150 : i32
        %convert_element_type3A_152 = arith.extui %lt3A_151 : i1 to i32
        %cond3A_153 = arith.constant 0 : i32
        %cond3A_154 = arith.cmpi ne, %convert_element_type3A_152, %cond3A_153 : i32
        scf.if %cond3A_154 {
          %add3A_190 = arith.constant 0 : i32
          %add3A_191 = arith.addi %mul3A_119, %add3A_190 : i32
          %add3A_192 = arith.constant 2 : i32
          %add3A_193 = arith.addi %add3A_191, %add3A_192 : i32
          %mul3A_194 = arith.constant 8192 : i32
          %mul3A_195 = arith.muli %add3A_193, %mul3A_194 : i32
          %add3A_196 = arith.addi %mul3A_32, %mul3A_195 : i32
          %dma_start3A_197 = tpu.memref_slice %arg2[%select_n3A, %add3A_196] : memref<16x262144xf32, #tpu.memory_space<hbm>> -> memref<1x8192xf32, #tpu.memory_space<hbm>>
          %dma_start3A_198 = tpu.memref_squeeze %dma_start3A_197 : memref<1x8192xf32, #tpu.memory_space<hbm>> -> memref<8192xf32, #tpu.memory_space<hbm>>
          %dma_start3A_199 = tpu.memref_slice %arg2[%select_n3A, %add3A_196] : memref<16x262144xf32, #tpu.memory_space<hbm>> -> memref<1x8192xf32, #tpu.memory_space<hbm>>
          %dma_start3A_200 = tpu.memref_squeeze %dma_start3A_199 : memref<1x8192xf32, #tpu.memory_space<hbm>> -> memref<8192xf32, #tpu.memory_space<hbm>>
          tpu.enqueue_dma source(%dma_start3A_200 : memref<8192xf32, #tpu.memory_space<hbm>>) target(%arg10 : memref<8192xf32, #tpu.memory_space<vmem>>) target_semaphore(%arg14 : memref<!tpu.dma_semaphore, #tpu.memory_space<semaphore_mem>>)
        } else {
        }
        %add3A_155 = arith.constant 1 : i32
        %add3A_156 = arith.addi %mul3A_119, %add3A_155 : i32
        %mul3A_157 = arith.constant 8192 : i32
        %mul3A_158 = arith.muli %add3A_156, %mul3A_157 : i32
        %add3A_159 = arith.addi %mul3A_32, %mul3A_158 : i32
        %dma_wait3A_160 = tpu.memref_slice %arg2[%select_n3A, %add3A_159] : memref<16x262144xf32, #tpu.memory_space<hbm>> -> memref<1x8192xf32, #tpu.memory_space<hbm>>
        %dma_wait3A_161 = tpu.memref_squeeze %dma_wait3A_160 : memref<1x8192xf32, #tpu.memory_space<hbm>> -> memref<8192xf32, #tpu.memory_space<hbm>>
        %dma_wait3A_162 = tpu.memref_slice %arg2[%select_n3A, %add3A_159] : memref<16x262144xf32, #tpu.memory_space<hbm>> -> memref<1x8192xf32, #tpu.memory_space<hbm>>
        %dma_wait3A_163 = tpu.memref_squeeze %dma_wait3A_162 : memref<1x8192xf32, #tpu.memory_space<hbm>> -> memref<8192xf32, #tpu.memory_space<hbm>>
        tpu.wait_dma2 semaphore(%arg15 : memref<!tpu.dma_semaphore, #tpu.memory_space<semaphore_mem>>) src(%dma_wait3A_163 : memref<8192xf32, #tpu.memory_space<hbm>>) dst(%arg11 : memref<8192xf32, #tpu.memory_space<vmem>>)
        %gt3A_164 = arith.constant 0 : i32
        %gt3A_165 = arith.cmpi sgt, %scan3A_117, %gt3A_164 : i32
        %convert_element_type3A_166 = arith.extui %gt3A_165 : i1 to i32
        %cond3A_167 = arith.constant 0 : i32
        %cond3A_168 = arith.cmpi ne, %convert_element_type3A_166, %cond3A_167 : i32
        scf.if %cond3A_168 {
          %add3A_190 = arith.constant 1 : i32
          %add3A_191 = arith.addi %mul3A_119, %add3A_190 : i32
          %sub3A_192 = arith.constant 2 : i32
          %sub3A_193 = arith.subi %add3A_191, %sub3A_192 : i32
          %mul3A_194 = arith.constant 8192 : i32
          %mul3A_195 = arith.muli %sub3A_193, %mul3A_194 : i32
          %add3A_196 = arith.addi %mul3A_32, %mul3A_195 : i32
          %dma_wait3A_197 = tpu.memref_slice %arg5[%select_n3A, %add3A_196] : memref<16x262144xf32, #tpu.memory_space<hbm>> -> memref<1x8192xf32, #tpu.memory_space<hbm>>
          %dma_wait3A_198 = tpu.memref_squeeze %dma_wait3A_197 : memref<1x8192xf32, #tpu.memory_space<hbm>> -> memref<8192xf32, #tpu.memory_space<hbm>>
          %dma_wait3A_199 = tpu.memref_slice %arg5[%select_n3A, %add3A_196] : memref<16x262144xf32, #tpu.memory_space<hbm>> -> memref<1x8192xf32, #tpu.memory_space<hbm>>
          %dma_wait3A_200 = tpu.memref_squeeze %dma_wait3A_199 : memref<1x8192xf32, #tpu.memory_space<hbm>> -> memref<8192xf32, #tpu.memory_space<hbm>>
          tpu.wait_dma2 semaphore(%arg17 : memref<!tpu.dma_semaphore, #tpu.memory_space<semaphore_mem>>) src(%arg13 : memref<8192xf32, #tpu.memory_space<vmem>>) dst(%dma_wait3A_200 : memref<8192xf32, #tpu.memory_space<hbm>>)
        } else {
        }
        %parallel_loop3A_169 = arith.constant 0 : i32
        %parallel_loop3A_170 = arith.constant 8192 : i32
        %parallel_loop3A_171 = arith.constant 16 : i32
        scf.for %parallel_loop3A_190 = %parallel_loop3A_169 to %parallel_loop3A_170 step %parallel_loop3A_171  : i32 {
          %parallel_loop3A_191 = arith.index_cast %parallel_loop3A_190 : i32 to index
          %parallel_loop3A_192 = tpu.vector_load %arg11[%parallel_loop3A_191] {strides = array<i32>} : memref<8192xf32, #tpu.memory_space<vmem>>, vector<16xf32>,
          %parallel_loop3A_193 = arith.subf %parallel_loop3A_192, %broadcast_in_dim3A_45 : vector<16xf32>
          %parallel_loop3A_194 = arith.mulf %parallel_loop3A_193, %div3A_59 : vector<16xf32>
          %parallel_loop3A_195 = arith.constant 0.000000e+00 : f32
          %parallel_loop3A_196 = arith.constant 4.095000e+03 : f32
          %parallel_loop3A_197 = vector.broadcast %parallel_loop3A_195 : f32 to vector<16xf32>
          %parallel_loop3A_198 = arith.maximumf %parallel_loop3A_197, %parallel_loop3A_194 : vector<16xf32>
          %parallel_loop3A_199 = vector.broadcast %parallel_loop3A_196 : f32 to vector<16xf32>
          %parallel_loop3A_200 = arith.minimumf %parallel_loop3A_199, %parallel_loop3A_198 : vector<16xf32>
          %parallel_loop3A_201 = arith.fptosi %parallel_loop3A_200 : vector<16xf32> to vector<16xi32>
          %parallel_loop3A_202 = tpu.vector_load_idx %arg9[%parallel_loop3A_201] : memref<4160xi32, #tpu.memory_space<vmem>>[vector<16xi32>], vector<16xi32>,
          %parallel_loop3A_203 = arith.constant 8 : i32
          %parallel_loop3A_204 = vector.broadcast %parallel_loop3A_203 : i32 to vector<16xi32>
          %parallel_loop3A_205 = arith.addi %parallel_loop3A_202, %parallel_loop3A_204 : vector<16xi32>
          %parallel_loop3A_206 = arith.constant 1 : i32
          %parallel_loop3A_207 = vector.broadcast %parallel_loop3A_206 : i32 to vector<16xi32>
          %parallel_loop3A_208 = arith.subi %parallel_loop3A_205, %parallel_loop3A_207 : vector<16xi32>
          %parallel_loop3A_209 = tpu.vector_load_idx %arg6[%parallel_loop3A_208] : memref<4112xf32, #tpu.memory_space<vmem>>[vector<16xi32>], vector<16xf32>,
          %parallel_loop3A_210 = arith.cmpf olt, %parallel_loop3A_209, %parallel_loop3A_192 : vector<16xf32>
          %parallel_loop3A_211 = arith.select %parallel_loop3A_210, %parallel_loop3A_205, %parallel_loop3A_202 : vector<16xi1>, vector<16xi32>
          %parallel_loop3A_212 = arith.constant 4 : i32
          %parallel_loop3A_213 = vector.broadcast %parallel_loop3A_212 : i32 to vector<16xi32>
          %parallel_loop3A_214 = arith.addi %parallel_loop3A_211, %parallel_loop3A_213 : vector<16xi32>
          %parallel_loop3A_215 = arith.constant 1 : i32
          %parallel_loop3A_216 = vector.broadcast %parallel_loop3A_215 : i32 to vector<16xi32>
          %parallel_loop3A_217 = arith.subi %parallel_loop3A_214, %parallel_loop3A_216 : vector<16xi32>
          %parallel_loop3A_218 = tpu.vector_load_idx %arg6[%parallel_loop3A_217] : memref<4112xf32, #tpu.memory_space<vmem>>[vector<16xi32>], vector<16xf32>,
          %parallel_loop3A_219 = arith.cmpf olt, %parallel_loop3A_218, %parallel_loop3A_192 : vector<16xf32>
          %parallel_loop3A_220 = arith.select %parallel_loop3A_219, %parallel_loop3A_214, %parallel_loop3A_211 : vector<16xi1>, vector<16xi32>
          %parallel_loop3A_221 = arith.constant 2 : i32
          %parallel_loop3A_222 = vector.broadcast %parallel_loop3A_221 : i32 to vector<16xi32>
          %parallel_loop3A_223 = arith.addi %parallel_loop3A_220, %parallel_loop3A_222 : vector<16xi32>
          %parallel_loop3A_224 = arith.constant 1 : i32
          %parallel_loop3A_225 = vector.broadcast %parallel_loop3A_224 : i32 to vector<16xi32>
          %parallel_loop3A_226 = arith.subi %parallel_loop3A_223, %parallel_loop3A_225 : vector<16xi32>
          %parallel_loop3A_227 = tpu.vector_load_idx %arg6[%parallel_loop3A_226] : memref<4112xf32, #tpu.memory_space<vmem>>[vector<16xi32>], vector<16xf32>,
          %parallel_loop3A_228 = arith.cmpf olt, %parallel_loop3A_227, %parallel_loop3A_192 : vector<16xf32>
          %parallel_loop3A_229 = arith.select %parallel_loop3A_228, %parallel_loop3A_223, %parallel_loop3A_220 : vector<16xi1>, vector<16xi32>
          %parallel_loop3A_230 = arith.constant 1 : i32
          %parallel_loop3A_231 = vector.broadcast %parallel_loop3A_230 : i32 to vector<16xi32>
          %parallel_loop3A_232 = arith.addi %parallel_loop3A_229, %parallel_loop3A_231 : vector<16xi32>
          %parallel_loop3A_233 = arith.constant 1 : i32
          %parallel_loop3A_234 = vector.broadcast %parallel_loop3A_233 : i32 to vector<16xi32>
          %parallel_loop3A_235 = arith.subi %parallel_loop3A_232, %parallel_loop3A_234 : vector<16xi32>
          %parallel_loop3A_236 = tpu.vector_load_idx %arg6[%parallel_loop3A_235] : memref<4112xf32, #tpu.memory_space<vmem>>[vector<16xi32>], vector<16xf32>,
          %parallel_loop3A_237 = arith.cmpf olt, %parallel_loop3A_236, %parallel_loop3A_192 : vector<16xf32>
          %parallel_loop3A_238 = arith.select %parallel_loop3A_237, %parallel_loop3A_232, %parallel_loop3A_229 : vector<16xi1>, vector<16xi32>
          %parallel_loop3A_239 = arith.constant 1 : i32
          %parallel_loop3A_240 = vector.broadcast %parallel_loop3A_239 : i32 to vector<16xi32>
          %parallel_loop3A_241 = arith.subi %parallel_loop3A_238, %parallel_loop3A_240 : vector<16xi32>
          %parallel_loop3A_242 = arith.constant 0 : i32
          %parallel_loop3A_243 = arith.constant 4094 : i32
          %parallel_loop3A_244 = vector.broadcast %parallel_loop3A_242 : i32 to vector<16xi32>
          %parallel_loop3A_245 = arith.maxsi %parallel_loop3A_244, %parallel_loop3A_241 : vector<16xi32>
          %parallel_loop3A_246 = vector.broadcast %parallel_loop3A_243 : i32 to vector<16xi32>
          %parallel_loop3A_247 = arith.minsi %parallel_loop3A_246, %parallel_loop3A_245 : vector<16xi32>
          %parallel_loop3A_248 = tpu.vector_load_idx %arg7[%parallel_loop3A_247] : memref<4096xf32, #tpu.memory_space<vmem>>[vector<16xi32>], vector<16xf32>,
          %parallel_loop3A_249 = tpu.vector_load_idx %arg8[%parallel_loop3A_247] : memref<4096xf32, #tpu.memory_space<vmem>>[vector<16xi32>], vector<16xf32>,
          %parallel_loop3A_250 = arith.mulf %parallel_loop3A_249, %parallel_loop3A_192 : vector<16xf32>
          %parallel_loop3A_251 = arith.addf %parallel_loop3A_248, %parallel_loop3A_250 : vector<16xf32>
          %parallel_loop3A_252 = arith.index_cast %parallel_loop3A_190 : i32 to index
          %parallel_loop3A_253 = tpu.vector_load %arg13[%parallel_loop3A_252] {strides = array<i32>} : memref<8192xf32, #tpu.memory_space<vmem>>, vector<16xf32>,
          tpu.vector_store %arg13[%parallel_loop3A_252], %parallel_loop3A_251 {strides = array<i32>} : memref<8192xf32, #tpu.memory_space<vmem>>, vector<16xf32>,
        } {sc.loop_unroll_factor = 4 : i64, sc.parallel_access}
        %add3A_172 = arith.constant 1 : i32
        %add3A_173 = arith.addi %mul3A_119, %add3A_172 : i32
        %mul3A_174 = arith.constant 8192 : i32
        %mul3A_175 = arith.muli %add3A_173, %mul3A_174 : i32
        %add3A_176 = arith.addi %mul3A_32, %mul3A_175 : i32
        %dma_start3A_177 = tpu.memref_slice %arg5[%select_n3A, %add3A_176] : memref<16x262144xf32, #tpu.memory_space<hbm>> -> memref<1x8192xf32, #tpu.memory_space<hbm>>
        %dma_start3A_178 = tpu.memref_squeeze %dma_start3A_177 : memref<1x8192xf32, #tpu.memory_space<hbm>> -> memref<8192xf32, #tpu.memory_space<hbm>>
        %dma_start3A_179 = tpu.memref_slice %arg5[%select_n3A, %add3A_176] : memref<16x262144xf32, #tpu.memory_space<hbm>> -> memref<1x8192xf32, #tpu.memory_space<hbm>>
        %dma_start3A_180 = tpu.memref_squeeze %dma_start3A_179 : memref<1x8192xf32, #tpu.memory_space<hbm>> -> memref<8192xf32, #tpu.memory_space<hbm>>
        tpu.enqueue_dma source(%arg13 : memref<8192xf32, #tpu.memory_space<vmem>>) target(%dma_start3A_180 : memref<8192xf32, #tpu.memory_space<hbm>>) target_semaphore(%arg17 : memref<!tpu.dma_semaphore, #tpu.memory_space<semaphore_mem>>)
        %add3A_181 = arith.constant 1 : i32
        %add3A_182 = arith.addi %mul3A_119, %add3A_181 : i32
        %add3A_183 = arith.constant 2 : i32
        %add3A_184 = arith.addi %add3A_182, %add3A_183 : i32
        %lt3A_185 = arith.constant 16 : i32
        %lt3A_186 = arith.cmpi slt, %add3A_184, %lt3A_185 : i32
        %convert_element_type3A_187 = arith.extui %lt3A_186 : i1 to i32
        %cond3A_188 = arith.constant 0 : i32
        %cond3A_189 = arith.cmpi ne, %convert_element_type3A_187, %cond3A_188 : i32
        scf.if %cond3A_189 {
          %add3A_190 = arith.constant 1 : i32
          %add3A_191 = arith.addi %mul3A_119, %add3A_190 : i32
          %add3A_192 = arith.constant 2 : i32
          %add3A_193 = arith.addi %add3A_191, %add3A_192 : i32
          %mul3A_194 = arith.constant 8192 : i32
          %mul3A_195 = arith.muli %add3A_193, %mul3A_194 : i32
          %add3A_196 = arith.addi %mul3A_32, %mul3A_195 : i32
          %dma_start3A_197 = tpu.memref_slice %arg2[%select_n3A, %add3A_196] : memref<16x262144xf32, #tpu.memory_space<hbm>> -> memref<1x8192xf32, #tpu.memory_space<hbm>>
          %dma_start3A_198 = tpu.memref_squeeze %dma_start3A_197 : memref<1x8192xf32, #tpu.memory_space<hbm>> -> memref<8192xf32, #tpu.memory_space<hbm>>
          %dma_start3A_199 = tpu.memref_slice %arg2[%select_n3A, %add3A_196] : memref<16x262144xf32, #tpu.memory_space<hbm>> -> memref<1x8192xf32, #tpu.memory_space<hbm>>
          %dma_start3A_200 = tpu.memref_squeeze %dma_start3A_199 : memref<1x8192xf32, #tpu.memory_space<hbm>> -> memref<8192xf32, #tpu.memory_space<hbm>>
          tpu.enqueue_dma source(%dma_start3A_200 : memref<8192xf32, #tpu.memory_space<hbm>>) target(%arg11 : memref<8192xf32, #tpu.memory_space<vmem>>) target_semaphore(%arg15 : memref<!tpu.dma_semaphore, #tpu.memory_space<semaphore_mem>>)
        } else {
        }
      }
      %scan3A_105 = arith.constant 8 : i32
      %add3A_106 = arith.constant 114688 : i32
      %add3A_107 = arith.addi %mul3A_32, %add3A_106 : i32
      %dma_wait3A = tpu.memref_slice %arg5[%select_n3A, %add3A_107] : memref<16x262144xf32, #tpu.memory_space<hbm>> -> memref<1x8192xf32, #tpu.memory_space<hbm>>
      %dma_wait3A_108 = tpu.memref_squeeze %dma_wait3A : memref<1x8192xf32, #tpu.memory_space<hbm>> -> memref<8192xf32, #tpu.memory_space<hbm>>
      %dma_wait3A_109 = tpu.memref_slice %arg5[%select_n3A, %add3A_107] : memref<16x262144xf32, #tpu.memory_space<hbm>> -> memref<1x8192xf32, #tpu.memory_space<hbm>>
      %dma_wait3A_110 = tpu.memref_squeeze %dma_wait3A_109 : memref<1x8192xf32, #tpu.memory_space<hbm>> -> memref<8192xf32, #tpu.memory_space<hbm>>
      tpu.wait_dma2 semaphore(%arg16 : memref<!tpu.dma_semaphore, #tpu.memory_space<semaphore_mem>>) src(%arg12 : memref<8192xf32, #tpu.memory_space<vmem>>) dst(%dma_wait3A_110 : memref<8192xf32, #tpu.memory_space<hbm>>)
      %add3A_111 = arith.constant 122880 : i32
      %add3A_112 = arith.addi %mul3A_32, %add3A_111 : i32
      %dma_wait3A_113 = tpu.memref_slice %arg5[%select_n3A, %add3A_112] : memref<16x262144xf32, #tpu.memory_space<hbm>> -> memref<1x8192xf32, #tpu.memory_space<hbm>>
      %dma_wait3A_114 = tpu.memref_squeeze %dma_wait3A_113 : memref<1x8192xf32, #tpu.memory_space<hbm>> -> memref<8192xf32, #tpu.memory_space<hbm>>
      %dma_wait3A_115 = tpu.memref_slice %arg5[%select_n3A, %add3A_112] : memref<16x262144xf32, #tpu.memory_space<hbm>> -> memref<1x8192xf32, #tpu.memory_space<hbm>>
      %dma_wait3A_116 = tpu.memref_squeeze %dma_wait3A_115 : memref<1x8192xf32, #tpu.memory_space<hbm>> -> memref<8192xf32, #tpu.memory_space<hbm>>
      tpu.wait_dma2 semaphore(%arg17 : memref<!tpu.dma_semaphore, #tpu.memory_space<semaphore_mem>>) src(%arg13 : memref<8192xf32, #tpu.memory_space<vmem>>) dst(%dma_wait3A_116 : memref<8192xf32, #tpu.memory_space<hbm>>)
    } else {
    }
    %gt3A_84 = arith.constant 15 : i32
    %gt3A_85 = arith.cmpi sgt, %reduce_max3A_74, %gt3A_84 : i32
    %convert_element_type3A_86 = arith.extui %gt3A_85 : i1 to i32
    %cond3A_87 = arith.constant 0 : i32
    %cond3A_88 = arith.cmpi ne, %convert_element_type3A_86, %cond3A_87 : i32
    scf.if %cond3A_88 {
      %add3A_89 = arith.constant 0 : i32
      %add3A_90 = arith.addi %mul3A_32, %add3A_89 : i32
      %dma_start3A = tpu.memref_slice %arg2[%select_n3A, %add3A_90] : memref<16x262144xf32, #tpu.memory_space<hbm>> -> memref<1x8192xf32, #tpu.memory_space<hbm>>
      %dma_start3A_91 = tpu.memref_squeeze %dma_start3A : memref<1x8192xf32, #tpu.memory_space<hbm>> -> memref<8192xf32, #tpu.memory_space<hbm>>
      %dma_start3A_92 = tpu.memref_slice %arg2[%select_n3A, %add3A_90] : memref<16x262144xf32, #tpu.memory_space<hbm>> -> memref<1x8192xf32, #tpu.memory_space<hbm>>
      %dma_start3A_93 = tpu.memref_squeeze %dma_start3A_92 : memref<1x8192xf32, #tpu.memory_space<hbm>> -> memref<8192xf32, #tpu.memory_space<hbm>>
      tpu.enqueue_dma source(%dma_start3A_93 : memref<8192xf32, #tpu.memory_space<hbm>>) target(%arg10 : memref<8192xf32, #tpu.memory_space<vmem>>) target_semaphore(%arg14 : memref<!tpu.dma_semaphore, #tpu.memory_space<semaphore_mem>>)
      %add3A_94 = arith.constant 8192 : i32
      %add3A_95 = arith.addi %mul3A_32, %add3A_94 : i32
      %dma_start3A_96 = tpu.memref_slice %arg2[%select_n3A, %add3A_95] : memref<16x262144xf32, #tpu.memory_space<hbm>> -> memref<1x8192xf32, #tpu.memory_space<hbm>>
      %dma_start3A_97 = tpu.memref_squeeze %dma_start3A_96 : memref<1x8192xf32, #tpu.memory_space<hbm>> -> memref<8192xf32, #tpu.memory_space<hbm>>
      %dma_start3A_98 = tpu.memref_slice %arg2[%select_n3A, %add3A_95] : memref<16x262144xf32, #tpu.memory_space<hbm>> -> memref<1x8192xf32, #tpu.memory_space<hbm>>
      %dma_start3A_99 = tpu.memref_squeeze %dma_start3A_98 : memref<1x8192xf32, #tpu.memory_space<hbm>> -> memref<8192xf32, #tpu.memory_space<hbm>>
      tpu.enqueue_dma source(%dma_start3A_99 : memref<8192xf32, #tpu.memory_space<hbm>>) target(%arg11 : memref<8192xf32, #tpu.memory_space<vmem>>) target_semaphore(%arg15 : memref<!tpu.dma_semaphore, #tpu.memory_space<semaphore_mem>>)
      %scan3A_100 = arith.constant 0 : i32
      %scan3A_101 = arith.constant 0 : i32
      %scan3A_102 = arith.constant 8 : i32
      %scan3A_103 = arith.addi %scan3A_101, %scan3A_102 : i32
      %scan3A_104 = arith.constant 1 : i32
      scf.for %scan3A_117 = %scan3A_101 to %scan3A_103 step %scan3A_104  : i32 {
        %mul3A_118 = arith.constant 2 : i32
        %mul3A_119 = arith.muli %mul3A_118, %scan3A_117 : i32
        %add3A_120 = arith.constant 0 : i32
        %add3A_121 = arith.addi %mul3A_119, %add3A_120 : i32
        %mul3A_122 = arith.constant 8192 : i32
        %mul3A_123 = arith.muli %add3A_121, %mul3A_122 : i32
        %add3A_124 = arith.addi %mul3A_32, %mul3A_123 : i32
        %dma_wait3A_125 = tpu.memref_slice %arg2[%select_n3A, %add3A_124] : memref<16x262144xf32, #tpu.memory_space<hbm>> -> memref<1x8192xf32, #tpu.memory_space<hbm>>
        %dma_wait3A_126 = tpu.memref_squeeze %dma_wait3A_125 : memref<1x8192xf32, #tpu.memory_space<hbm>> -> memref<8192xf32, #tpu.memory_space<hbm>>
        %dma_wait3A_127 = tpu.memref_slice %arg2[%select_n3A, %add3A_124] : memref<16x262144xf32, #tpu.memory_space<hbm>> -> memref<1x8192xf32, #tpu.memory_space<hbm>>
        %dma_wait3A_128 = tpu.memref_squeeze %dma_wait3A_127 : memref<1x8192xf32, #tpu.memory_space<hbm>> -> memref<8192xf32, #tpu.memory_space<hbm>>
        tpu.wait_dma2 semaphore(%arg14 : memref<!tpu.dma_semaphore, #tpu.memory_space<semaphore_mem>>) src(%dma_wait3A_128 : memref<8192xf32, #tpu.memory_space<hbm>>) dst(%arg10 : memref<8192xf32, #tpu.memory_space<vmem>>)
        %gt3A_129 = arith.constant 0 : i32
        %gt3A_130 = arith.cmpi sgt, %scan3A_117, %gt3A_129 : i32
        %convert_element_type3A_131 = arith.extui %gt3A_130 : i1 to i32
        %cond3A_132 = arith.constant 0 : i32
        %cond3A_133 = arith.cmpi ne, %convert_element_type3A_131, %cond3A_132 : i32
        scf.if %cond3A_133 {
          %add3A_190 = arith.constant 0 : i32
          %add3A_191 = arith.addi %mul3A_119, %add3A_190 : i32
          %sub3A_192 = arith.constant 2 : i32
          %sub3A_193 = arith.subi %add3A_191, %sub3A_192 : i32
          %mul3A_194 = arith.constant 8192 : i32
          %mul3A_195 = arith.muli %sub3A_193, %mul3A_194 : i32
          %add3A_196 = arith.addi %mul3A_32, %mul3A_195 : i32
          %dma_wait3A_197 = tpu.memref_slice %arg5[%select_n3A, %add3A_196] : memref<16x262144xf32, #tpu.memory_space<hbm>> -> memref<1x8192xf32, #tpu.memory_space<hbm>>
          %dma_wait3A_198 = tpu.memref_squeeze %dma_wait3A_197 : memref<1x8192xf32, #tpu.memory_space<hbm>> -> memref<8192xf32, #tpu.memory_space<hbm>>
          %dma_wait3A_199 = tpu.memref_slice %arg5[%select_n3A, %add3A_196] : memref<16x262144xf32, #tpu.memory_space<hbm>> -> memref<1x8192xf32, #tpu.memory_space<hbm>>
          %dma_wait3A_200 = tpu.memref_squeeze %dma_wait3A_199 : memref<1x8192xf32, #tpu.memory_space<hbm>> -> memref<8192xf32, #tpu.memory_space<hbm>>
          tpu.wait_dma2 semaphore(%arg16 : memref<!tpu.dma_semaphore, #tpu.memory_space<semaphore_mem>>) src(%arg12 : memref<8192xf32, #tpu.memory_space<vmem>>) dst(%dma_wait3A_200 : memref<8192xf32, #tpu.memory_space<hbm>>)
        } else {
        }
        %parallel_loop3A_134 = arith.constant 0 : i32
        %parallel_loop3A_135 = arith.constant 8192 : i32
        %parallel_loop3A_136 = arith.constant 16 : i32
        scf.for %parallel_loop3A_190 = %parallel_loop3A_134 to %parallel_loop3A_135 step %parallel_loop3A_136  : i32 {
          %parallel_loop3A_191 = arith.index_cast %parallel_loop3A_190 : i32 to index
          %parallel_loop3A_192 = tpu.vector_load %arg10[%parallel_loop3A_191] {strides = array<i32>} : memref<8192xf32, #tpu.memory_space<vmem>>, vector<16xf32>,
          %parallel_loop3A_193 = arith.constant 2047 : i32
          %parallel_loop3A_194 = vector.broadcast %parallel_loop3A_193 : i32 to vector<16xi32>
          %parallel_loop3A_195 = arith.addi %broadcast_in_dim3A_36, %parallel_loop3A_194 : vector<16xi32>
          %parallel_loop3A_196 = tpu.vector_load_idx %arg6[%parallel_loop3A_195] : memref<4112xf32, #tpu.memory_space<vmem>>[vector<16xi32>], vector<16xf32>,
          %parallel_loop3A_197 = arith.cmpf olt, %parallel_loop3A_196, %parallel_loop3A_192 : vector<16xf32>
          %parallel_loop3A_198 = arith.constant 2048 : i32
          %parallel_loop3A_199 = vector.broadcast %parallel_loop3A_198 : i32 to vector<16xi32>
          %parallel_loop3A_200 = arith.addi %broadcast_in_dim3A_36, %parallel_loop3A_199 : vector<16xi32>
          %parallel_loop3A_201 = arith.select %parallel_loop3A_197, %parallel_loop3A_200, %broadcast_in_dim3A_36 : vector<16xi1>, vector<16xi32>
          %parallel_loop3A_202 = arith.constant 1023 : i32
          %parallel_loop3A_203 = vector.broadcast %parallel_loop3A_202 : i32 to vector<16xi32>
          %parallel_loop3A_204 = arith.addi %parallel_loop3A_201, %parallel_loop3A_203 : vector<16xi32>
          %parallel_loop3A_205 = tpu.vector_load_idx %arg6[%parallel_loop3A_204] : memref<4112xf32, #tpu.memory_space<vmem>>[vector<16xi32>], vector<16xf32>,
          %parallel_loop3A_206 = arith.cmpf olt, %parallel_loop3A_205, %parallel_loop3A_192 : vector<16xf32>
          %parallel_loop3A_207 = arith.constant 1024 : i32
          %parallel_loop3A_208 = vector.broadcast %parallel_loop3A_207 : i32 to vector<16xi32>
          %parallel_loop3A_209 = arith.addi %parallel_loop3A_201, %parallel_loop3A_208 : vector<16xi32>
          %parallel_loop3A_210 = arith.select %parallel_loop3A_206, %parallel_loop3A_209, %parallel_loop3A_201 : vector<16xi1>, vector<16xi32>
          %parallel_loop3A_211 = arith.constant 511 : i32
          %parallel_loop3A_212 = vector.broadcast %parallel_loop3A_211 : i32 to vector<16xi32>
          %parallel_loop3A_213 = arith.addi %parallel_loop3A_210, %parallel_loop3A_212 : vector<16xi32>
          %parallel_loop3A_214 = tpu.vector_load_idx %arg6[%parallel_loop3A_213] : memref<4112xf32, #tpu.memory_space<vmem>>[vector<16xi32>], vector<16xf32>,
          %parallel_loop3A_215 = arith.cmpf olt, %parallel_loop3A_214, %parallel_loop3A_192 : vector<16xf32>
          %parallel_loop3A_216 = arith.constant 512 : i32
          %parallel_loop3A_217 = vector.broadcast %parallel_loop3A_216 : i32 to vector<16xi32>
          %parallel_loop3A_218 = arith.addi %parallel_loop3A_210, %parallel_loop3A_217 : vector<16xi32>
          %parallel_loop3A_219 = arith.select %parallel_loop3A_215, %parallel_loop3A_218, %parallel_loop3A_210 : vector<16xi1>, vector<16xi32>
          %parallel_loop3A_220 = arith.constant 255 : i32
          %parallel_loop3A_221 = vector.broadcast %parallel_loop3A_220 : i32 to vector<16xi32>
          %parallel_loop3A_222 = arith.addi %parallel_loop3A_219, %parallel_loop3A_221 : vector<16xi32>
          %parallel_loop3A_223 = tpu.vector_load_idx %arg6[%parallel_loop3A_222] : memref<4112xf32, #tpu.memory_space<vmem>>[vector<16xi32>], vector<16xf32>,
          %parallel_loop3A_224 = arith.cmpf olt, %parallel_loop3A_223, %parallel_loop3A_192 : vector<16xf32>
          %parallel_loop3A_225 = arith.constant 256 : i32
          %parallel_loop3A_226 = vector.broadcast %parallel_loop3A_225 : i32 to vector<16xi32>
          %parallel_loop3A_227 = arith.addi %parallel_loop3A_219, %parallel_loop3A_226 : vector<16xi32>
          %parallel_loop3A_228 = arith.select %parallel_loop3A_224, %parallel_loop3A_227, %parallel_loop3A_219 : vector<16xi1>, vector<16xi32>
          %parallel_loop3A_229 = arith.constant 127 : i32
          %parallel_loop3A_230 = vector.broadcast %parallel_loop3A_229 : i32 to vector<16xi32>
          %parallel_loop3A_231 = arith.addi %parallel_loop3A_228, %parallel_loop3A_230 : vector<16xi32>
          %parallel_loop3A_232 = tpu.vector_load_idx %arg6[%parallel_loop3A_231] : memref<4112xf32, #tpu.memory_space<vmem>>[vector<16xi32>], vector<16xf32>,
          %parallel_loop3A_233 = arith.cmpf olt, %parallel_loop3A_232, %parallel_loop3A_192 : vector<16xf32>
          %parallel_loop3A_234 = arith.constant 128 : i32
          %parallel_loop3A_235 = vector.broadcast %parallel_loop3A_234 : i32 to vector<16xi32>
          %parallel_loop3A_236 = arith.addi %parallel_loop3A_228, %parallel_loop3A_235 : vector<16xi32>
          %parallel_loop3A_237 = arith.select %parallel_loop3A_233, %parallel_loop3A_236, %parallel_loop3A_228 : vector<16xi1>, vector<16xi32>
          %parallel_loop3A_238 = arith.constant 63 : i32
          %parallel_loop3A_239 = vector.broadcast %parallel_loop3A_238 : i32 to vector<16xi32>
          %parallel_loop3A_240 = arith.addi %parallel_loop3A_237, %parallel_loop3A_239 : vector<16xi32>
          %parallel_loop3A_241 = tpu.vector_load_idx %arg6[%parallel_loop3A_240] : memref<4112xf32, #tpu.memory_space<vmem>>[vector<16xi32>], vector<16xf32>,
          %parallel_loop3A_242 = arith.cmpf olt, %parallel_loop3A_241, %parallel_loop3A_192 : vector<16xf32>
          %parallel_loop3A_243 = arith.constant 64 : i32
          %parallel_loop3A_244 = vector.broadcast %parallel_loop3A_243 : i32 to vector<16xi32>
          %parallel_loop3A_245 = arith.addi %parallel_loop3A_237, %parallel_loop3A_244 : vector<16xi32>
          %parallel_loop3A_246 = arith.select %parallel_loop3A_242, %parallel_loop3A_245, %parallel_loop3A_237 : vector<16xi1>, vector<16xi32>
          %parallel_loop3A_247 = arith.constant 31 : i32
          %parallel_loop3A_248 = vector.broadcast %parallel_loop3A_247 : i32 to vector<16xi32>
          %parallel_loop3A_249 = arith.addi %parallel_loop3A_246, %parallel_loop3A_248 : vector<16xi32>
          %parallel_loop3A_250 = tpu.vector_load_idx %arg6[%parallel_loop3A_249] : memref<4112xf32, #tpu.memory_space<vmem>>[vector<16xi32>], vector<16xf32>,
          %parallel_loop3A_251 = arith.cmpf olt, %parallel_loop3A_250, %parallel_loop3A_192 : vector<16xf32>
          %parallel_loop3A_252 = arith.constant 32 : i32
          %parallel_loop3A_253 = vector.broadcast %parallel_loop3A_252 : i32 to vector<16xi32>
          %parallel_loop3A_254 = arith.addi %parallel_loop3A_246, %parallel_loop3A_253 : vector<16xi32>
          %parallel_loop3A_255 = arith.select %parallel_loop3A_251, %parallel_loop3A_254, %parallel_loop3A_246 : vector<16xi1>, vector<16xi32>
          %parallel_loop3A_256 = arith.constant 15 : i32
          %parallel_loop3A_257 = vector.broadcast %parallel_loop3A_256 : i32 to vector<16xi32>
          %parallel_loop3A_258 = arith.addi %parallel_loop3A_255, %parallel_loop3A_257 : vector<16xi32>
          %parallel_loop3A_259 = tpu.vector_load_idx %arg6[%parallel_loop3A_258] : memref<4112xf32, #tpu.memory_space<vmem>>[vector<16xi32>], vector<16xf32>,
          %parallel_loop3A_260 = arith.cmpf olt, %parallel_loop3A_259, %parallel_loop3A_192 : vector<16xf32>
          %parallel_loop3A_261 = arith.constant 16 : i32
          %parallel_loop3A_262 = vector.broadcast %parallel_loop3A_261 : i32 to vector<16xi32>
          %parallel_loop3A_263 = arith.addi %parallel_loop3A_255, %parallel_loop3A_262 : vector<16xi32>
          %parallel_loop3A_264 = arith.select %parallel_loop3A_260, %parallel_loop3A_263, %parallel_loop3A_255 : vector<16xi1>, vector<16xi32>
          %parallel_loop3A_265 = arith.constant 7 : i32
          %parallel_loop3A_266 = vector.broadcast %parallel_loop3A_265 : i32 to vector<16xi32>
          %parallel_loop3A_267 = arith.addi %parallel_loop3A_264, %parallel_loop3A_266 : vector<16xi32>
          %parallel_loop3A_268 = tpu.vector_load_idx %arg6[%parallel_loop3A_267] : memref<4112xf32, #tpu.memory_space<vmem>>[vector<16xi32>], vector<16xf32>,
          %parallel_loop3A_269 = arith.cmpf olt, %parallel_loop3A_268, %parallel_loop3A_192 : vector<16xf32>
          %parallel_loop3A_270 = arith.constant 8 : i32
          %parallel_loop3A_271 = vector.broadcast %parallel_loop3A_270 : i32 to vector<16xi32>
          %parallel_loop3A_272 = arith.addi %parallel_loop3A_264, %parallel_loop3A_271 : vector<16xi32>
          %parallel_loop3A_273 = arith.select %parallel_loop3A_269, %parallel_loop3A_272, %parallel_loop3A_264 : vector<16xi1>, vector<16xi32>
          %parallel_loop3A_274 = arith.constant 3 : i32
          %parallel_loop3A_275 = vector.broadcast %parallel_loop3A_274 : i32 to vector<16xi32>
          %parallel_loop3A_276 = arith.addi %parallel_loop3A_273, %parallel_loop3A_275 : vector<16xi32>
          %parallel_loop3A_277 = tpu.vector_load_idx %arg6[%parallel_loop3A_276] : memref<4112xf32, #tpu.memory_space<vmem>>[vector<16xi32>], vector<16xf32>,
          %parallel_loop3A_278 = arith.cmpf olt, %parallel_loop3A_277, %parallel_loop3A_192 : vector<16xf32>
          %parallel_loop3A_279 = arith.constant 4 : i32
          %parallel_loop3A_280 = vector.broadcast %parallel_loop3A_279 : i32 to vector<16xi32>
          %parallel_loop3A_281 = arith.addi %parallel_loop3A_273, %parallel_loop3A_280 : vector<16xi32>
          %parallel_loop3A_282 = arith.select %parallel_loop3A_278, %parallel_loop3A_281, %parallel_loop3A_273 : vector<16xi1>, vector<16xi32>
          %parallel_loop3A_283 = arith.constant 1 : i32
          %parallel_loop3A_284 = vector.broadcast %parallel_loop3A_283 : i32 to vector<16xi32>
          %parallel_loop3A_285 = arith.addi %parallel_loop3A_282, %parallel_loop3A_284 : vector<16xi32>
          %parallel_loop3A_286 = tpu.vector_load_idx %arg6[%parallel_loop3A_285] : memref<4112xf32, #tpu.memory_space<vmem>>[vector<16xi32>], vector<16xf32>,
          %parallel_loop3A_287 = arith.cmpf olt, %parallel_loop3A_286, %parallel_loop3A_192 : vector<16xf32>
          %parallel_loop3A_288 = arith.constant 2 : i32
          %parallel_loop3A_289 = vector.broadcast %parallel_loop3A_288 : i32 to vector<16xi32>
          %parallel_loop3A_290 = arith.addi %parallel_loop3A_282, %parallel_loop3A_289 : vector<16xi32>
          %parallel_loop3A_291 = arith.select %parallel_loop3A_287, %parallel_loop3A_290, %parallel_loop3A_282 : vector<16xi1>, vector<16xi32>
          %parallel_loop3A_292 = arith.constant 0 : i32
          %parallel_loop3A_293 = vector.broadcast %parallel_loop3A_292 : i32 to vector<16xi32>
          %parallel_loop3A_294 = arith.addi %parallel_loop3A_291, %parallel_loop3A_293 : vector<16xi32>
          %parallel_loop3A_295 = tpu.vector_load_idx %arg6[%parallel_loop3A_294] : memref<4112xf32, #tpu.memory_space<vmem>>[vector<16xi32>], vector<16xf32>,
          %parallel_loop3A_296 = arith.cmpf olt, %parallel_loop3A_295, %parallel_loop3A_192 : vector<16xf32>
          %parallel_loop3A_297 = arith.constant 1 : i32
          %parallel_loop3A_298 = vector.broadcast %parallel_loop3A_297 : i32 to vector<16xi32>
          %parallel_loop3A_299 = arith.addi %parallel_loop3A_291, %parallel_loop3A_298 : vector<16xi32>
          %parallel_loop3A_300 = arith.select %parallel_loop3A_296, %parallel_loop3A_299, %parallel_loop3A_291 : vector<16xi1>, vector<16xi32>
          %parallel_loop3A_301 = arith.constant 1 : i32
          %parallel_loop3A_302 = vector.broadcast %parallel_loop3A_301 : i32 to vector<16xi32>
          %parallel_loop3A_303 = arith.subi %parallel_loop3A_300, %parallel_loop3A_302 : vector<16xi32>
          %parallel_loop3A_304 = arith.constant 0 : i32
          %parallel_loop3A_305 = arith.constant 4094 : i32
          %parallel_loop3A_306 = vector.broadcast %parallel_loop3A_304 : i32 to vector<16xi32>
          %parallel_loop3A_307 = arith.maxsi %parallel_loop3A_306, %parallel_loop3A_303 : vector<16xi32>
          %parallel_loop3A_308 = vector.broadcast %parallel_loop3A_305 : i32 to vector<16xi32>
          %parallel_loop3A_309 = arith.minsi %parallel_loop3A_308, %parallel_loop3A_307 : vector<16xi32>
          %parallel_loop3A_310 = tpu.vector_load_idx %arg7[%parallel_loop3A_309] : memref<4096xf32, #tpu.memory_space<vmem>>[vector<16xi32>], vector<16xf32>,
          %parallel_loop3A_311 = tpu.vector_load_idx %arg8[%parallel_loop3A_309] : memref<4096xf32, #tpu.memory_space<vmem>>[vector<16xi32>], vector<16xf32>,
          %parallel_loop3A_312 = arith.mulf %parallel_loop3A_311, %parallel_loop3A_192 : vector<16xf32>
          %parallel_loop3A_313 = arith.addf %parallel_loop3A_310, %parallel_loop3A_312 : vector<16xf32>
          %parallel_loop3A_314 = arith.index_cast %parallel_loop3A_190 : i32 to index
          %parallel_loop3A_315 = tpu.vector_load %arg12[%parallel_loop3A_314] {strides = array<i32>} : memref<8192xf32, #tpu.memory_space<vmem>>, vector<16xf32>,
          tpu.vector_store %arg12[%parallel_loop3A_314], %parallel_loop3A_313 {strides = array<i32>} : memref<8192xf32, #tpu.memory_space<vmem>>, vector<16xf32>,
        } {sc.loop_unroll_factor = 4 : i64, sc.parallel_access}
        %add3A_137 = arith.constant 0 : i32
        %add3A_138 = arith.addi %mul3A_119, %add3A_137 : i32
        %mul3A_139 = arith.constant 8192 : i32
        %mul3A_140 = arith.muli %add3A_138, %mul3A_139 : i32
        %add3A_141 = arith.addi %mul3A_32, %mul3A_140 : i32
        %dma_start3A_142 = tpu.memref_slice %arg5[%select_n3A, %add3A_141] : memref<16x262144xf32, #tpu.memory_space<hbm>> -> memref<1x8192xf32, #tpu.memory_space<hbm>>
        %dma_start3A_143 = tpu.memref_squeeze %dma_start3A_142 : memref<1x8192xf32, #tpu.memory_space<hbm>> -> memref<8192xf32, #tpu.memory_space<hbm>>
        %dma_start3A_144 = tpu.memref_slice %arg5[%select_n3A, %add3A_141] : memref<16x262144xf32, #tpu.memory_space<hbm>> -> memref<1x8192xf32, #tpu.memory_space<hbm>>
        %dma_start3A_145 = tpu.memref_squeeze %dma_start3A_144 : memref<1x8192xf32, #tpu.memory_space<hbm>> -> memref<8192xf32, #tpu.memory_space<hbm>>
        tpu.enqueue_dma source(%arg12 : memref<8192xf32, #tpu.memory_space<vmem>>) target(%dma_start3A_145 : memref<8192xf32, #tpu.memory_space<hbm>>) target_semaphore(%arg16 : memref<!tpu.dma_semaphore, #tpu.memory_space<semaphore_mem>>)
        %add3A_146 = arith.constant 0 : i32
        %add3A_147 = arith.addi %mul3A_119, %add3A_146 : i32
        %add3A_148 = arith.constant 2 : i32
        %add3A_149 = arith.addi %add3A_147, %add3A_148 : i32
        %lt3A_150 = arith.constant 16 : i32
        %lt3A_151 = arith.cmpi slt, %add3A_149, %lt3A_150 : i32
        %convert_element_type3A_152 = arith.extui %lt3A_151 : i1 to i32
        %cond3A_153 = arith.constant 0 : i32
        %cond3A_154 = arith.cmpi ne, %convert_element_type3A_152, %cond3A_153 : i32
        scf.if %cond3A_154 {
          %add3A_190 = arith.constant 0 : i32
          %add3A_191 = arith.addi %mul3A_119, %add3A_190 : i32
          %add3A_192 = arith.constant 2 : i32
          %add3A_193 = arith.addi %add3A_191, %add3A_192 : i32
          %mul3A_194 = arith.constant 8192 : i32
          %mul3A_195 = arith.muli %add3A_193, %mul3A_194 : i32
          %add3A_196 = arith.addi %mul3A_32, %mul3A_195 : i32
          %dma_start3A_197 = tpu.memref_slice %arg2[%select_n3A, %add3A_196] : memref<16x262144xf32, #tpu.memory_space<hbm>> -> memref<1x8192xf32, #tpu.memory_space<hbm>>
          %dma_start3A_198 = tpu.memref_squeeze %dma_start3A_197 : memref<1x8192xf32, #tpu.memory_space<hbm>> -> memref<8192xf32, #tpu.memory_space<hbm>>
          %dma_start3A_199 = tpu.memref_slice %arg2[%select_n3A, %add3A_196] : memref<16x262144xf32, #tpu.memory_space<hbm>> -> memref<1x8192xf32, #tpu.memory_space<hbm>>
          %dma_start3A_200 = tpu.memref_squeeze %dma_start3A_199 : memref<1x8192xf32, #tpu.memory_space<hbm>> -> memref<8192xf32, #tpu.memory_space<hbm>>
          tpu.enqueue_dma source(%dma_start3A_200 : memref<8192xf32, #tpu.memory_space<hbm>>) target(%arg10 : memref<8192xf32, #tpu.memory_space<vmem>>) target_semaphore(%arg14 : memref<!tpu.dma_semaphore, #tpu.memory_space<semaphore_mem>>)
        } else {
        }
        %add3A_155 = arith.constant 1 : i32
        %add3A_156 = arith.addi %mul3A_119, %add3A_155 : i32
        %mul3A_157 = arith.constant 8192 : i32
        %mul3A_158 = arith.muli %add3A_156, %mul3A_157 : i32
        %add3A_159 = arith.addi %mul3A_32, %mul3A_158 : i32
        %dma_wait3A_160 = tpu.memref_slice %arg2[%select_n3A, %add3A_159] : memref<16x262144xf32, #tpu.memory_space<hbm>> -> memref<1x8192xf32, #tpu.memory_space<hbm>>
        %dma_wait3A_161 = tpu.memref_squeeze %dma_wait3A_160 : memref<1x8192xf32, #tpu.memory_space<hbm>> -> memref<8192xf32, #tpu.memory_space<hbm>>
        %dma_wait3A_162 = tpu.memref_slice %arg2[%select_n3A, %add3A_159] : memref<16x262144xf32, #tpu.memory_space<hbm>> -> memref<1x8192xf32, #tpu.memory_space<hbm>>
        %dma_wait3A_163 = tpu.memref_squeeze %dma_wait3A_162 : memref<1x8192xf32, #tpu.memory_space<hbm>> -> memref<8192xf32, #tpu.memory_space<hbm>>
        tpu.wait_dma2 semaphore(%arg15 : memref<!tpu.dma_semaphore, #tpu.memory_space<semaphore_mem>>) src(%dma_wait3A_163 : memref<8192xf32, #tpu.memory_space<hbm>>) dst(%arg11 : memref<8192xf32, #tpu.memory_space<vmem>>)
        %gt3A_164 = arith.constant 0 : i32
        %gt3A_165 = arith.cmpi sgt, %scan3A_117, %gt3A_164 : i32
        %convert_element_type3A_166 = arith.extui %gt3A_165 : i1 to i32
        %cond3A_167 = arith.constant 0 : i32
        %cond3A_168 = arith.cmpi ne, %convert_element_type3A_166, %cond3A_167 : i32
        scf.if %cond3A_168 {
          %add3A_190 = arith.constant 1 : i32
          %add3A_191 = arith.addi %mul3A_119, %add3A_190 : i32
          %sub3A_192 = arith.constant 2 : i32
          %sub3A_193 = arith.subi %add3A_191, %sub3A_192 : i32
          %mul3A_194 = arith.constant 8192 : i32
          %mul3A_195 = arith.muli %sub3A_193, %mul3A_194 : i32
          %add3A_196 = arith.addi %mul3A_32, %mul3A_195 : i32
          %dma_wait3A_197 = tpu.memref_slice %arg5[%select_n3A, %add3A_196] : memref<16x262144xf32, #tpu.memory_space<hbm>> -> memref<1x8192xf32, #tpu.memory_space<hbm>>
          %dma_wait3A_198 = tpu.memref_squeeze %dma_wait3A_197 : memref<1x8192xf32, #tpu.memory_space<hbm>> -> memref<8192xf32, #tpu.memory_space<hbm>>
          %dma_wait3A_199 = tpu.memref_slice %arg5[%select_n3A, %add3A_196] : memref<16x262144xf32, #tpu.memory_space<hbm>> -> memref<1x8192xf32, #tpu.memory_space<hbm>>
          %dma_wait3A_200 = tpu.memref_squeeze %dma_wait3A_199 : memref<1x8192xf32, #tpu.memory_space<hbm>> -> memref<8192xf32, #tpu.memory_space<hbm>>
          tpu.wait_dma2 semaphore(%arg17 : memref<!tpu.dma_semaphore, #tpu.memory_space<semaphore_mem>>) src(%arg13 : memref<8192xf32, #tpu.memory_space<vmem>>) dst(%dma_wait3A_200 : memref<8192xf32, #tpu.memory_space<hbm>>)
        } else {
        }
        %parallel_loop3A_169 = arith.constant 0 : i32
        %parallel_loop3A_170 = arith.constant 8192 : i32
        %parallel_loop3A_171 = arith.constant 16 : i32
        scf.for %parallel_loop3A_190 = %parallel_loop3A_169 to %parallel_loop3A_170 step %parallel_loop3A_171  : i32 {
          %parallel_loop3A_191 = arith.index_cast %parallel_loop3A_190 : i32 to index
          %parallel_loop3A_192 = tpu.vector_load %arg11[%parallel_loop3A_191] {strides = array<i32>} : memref<8192xf32, #tpu.memory_space<vmem>>, vector<16xf32>,
          %parallel_loop3A_193 = arith.constant 2047 : i32
          %parallel_loop3A_194 = vector.broadcast %parallel_loop3A_193 : i32 to vector<16xi32>
          %parallel_loop3A_195 = arith.addi %broadcast_in_dim3A_36, %parallel_loop3A_194 : vector<16xi32>
          %parallel_loop3A_196 = tpu.vector_load_idx %arg6[%parallel_loop3A_195] : memref<4112xf32, #tpu.memory_space<vmem>>[vector<16xi32>], vector<16xf32>,
          %parallel_loop3A_197 = arith.cmpf olt, %parallel_loop3A_196, %parallel_loop3A_192 : vector<16xf32>
          %parallel_loop3A_198 = arith.constant 2048 : i32
          %parallel_loop3A_199 = vector.broadcast %parallel_loop3A_198 : i32 to vector<16xi32>
          %parallel_loop3A_200 = arith.addi %broadcast_in_dim3A_36, %parallel_loop3A_199 : vector<16xi32>
          %parallel_loop3A_201 = arith.select %parallel_loop3A_197, %parallel_loop3A_200, %broadcast_in_dim3A_36 : vector<16xi1>, vector<16xi32>
          %parallel_loop3A_202 = arith.constant 1023 : i32
          %parallel_loop3A_203 = vector.broadcast %parallel_loop3A_202 : i32 to vector<16xi32>
          %parallel_loop3A_204 = arith.addi %parallel_loop3A_201, %parallel_loop3A_203 : vector<16xi32>
          %parallel_loop3A_205 = tpu.vector_load_idx %arg6[%parallel_loop3A_204] : memref<4112xf32, #tpu.memory_space<vmem>>[vector<16xi32>], vector<16xf32>,
          %parallel_loop3A_206 = arith.cmpf olt, %parallel_loop3A_205, %parallel_loop3A_192 : vector<16xf32>
          %parallel_loop3A_207 = arith.constant 1024 : i32
          %parallel_loop3A_208 = vector.broadcast %parallel_loop3A_207 : i32 to vector<16xi32>
          %parallel_loop3A_209 = arith.addi %parallel_loop3A_201, %parallel_loop3A_208 : vector<16xi32>
          %parallel_loop3A_210 = arith.select %parallel_loop3A_206, %parallel_loop3A_209, %parallel_loop3A_201 : vector<16xi1>, vector<16xi32>
          %parallel_loop3A_211 = arith.constant 511 : i32
          %parallel_loop3A_212 = vector.broadcast %parallel_loop3A_211 : i32 to vector<16xi32>
          %parallel_loop3A_213 = arith.addi %parallel_loop3A_210, %parallel_loop3A_212 : vector<16xi32>
          %parallel_loop3A_214 = tpu.vector_load_idx %arg6[%parallel_loop3A_213] : memref<4112xf32, #tpu.memory_space<vmem>>[vector<16xi32>], vector<16xf32>,
          %parallel_loop3A_215 = arith.cmpf olt, %parallel_loop3A_214, %parallel_loop3A_192 : vector<16xf32>
          %parallel_loop3A_216 = arith.constant 512 : i32
          %parallel_loop3A_217 = vector.broadcast %parallel_loop3A_216 : i32 to vector<16xi32>
          %parallel_loop3A_218 = arith.addi %parallel_loop3A_210, %parallel_loop3A_217 : vector<16xi32>
          %parallel_loop3A_219 = arith.select %parallel_loop3A_215, %parallel_loop3A_218, %parallel_loop3A_210 : vector<16xi1>, vector<16xi32>
          %parallel_loop3A_220 = arith.constant 255 : i32
          %parallel_loop3A_221 = vector.broadcast %parallel_loop3A_220 : i32 to vector<16xi32>
          %parallel_loop3A_222 = arith.addi %parallel_loop3A_219, %parallel_loop3A_221 : vector<16xi32>
          %parallel_loop3A_223 = tpu.vector_load_idx %arg6[%parallel_loop3A_222] : memref<4112xf32, #tpu.memory_space<vmem>>[vector<16xi32>], vector<16xf32>,
          %parallel_loop3A_224 = arith.cmpf olt, %parallel_loop3A_223, %parallel_loop3A_192 : vector<16xf32>
          %parallel_loop3A_225 = arith.constant 256 : i32
          %parallel_loop3A_226 = vector.broadcast %parallel_loop3A_225 : i32 to vector<16xi32>
          %parallel_loop3A_227 = arith.addi %parallel_loop3A_219, %parallel_loop3A_226 : vector<16xi32>
          %parallel_loop3A_228 = arith.select %parallel_loop3A_224, %parallel_loop3A_227, %parallel_loop3A_219 : vector<16xi1>, vector<16xi32>
          %parallel_loop3A_229 = arith.constant 127 : i32
          %parallel_loop3A_230 = vector.broadcast %parallel_loop3A_229 : i32 to vector<16xi32>
          %parallel_loop3A_231 = arith.addi %parallel_loop3A_228, %parallel_loop3A_230 : vector<16xi32>
          %parallel_loop3A_232 = tpu.vector_load_idx %arg6[%parallel_loop3A_231] : memref<4112xf32, #tpu.memory_space<vmem>>[vector<16xi32>], vector<16xf32>,
          %parallel_loop3A_233 = arith.cmpf olt, %parallel_loop3A_232, %parallel_loop3A_192 : vector<16xf32>
          %parallel_loop3A_234 = arith.constant 128 : i32
          %parallel_loop3A_235 = vector.broadcast %parallel_loop3A_234 : i32 to vector<16xi32>
          %parallel_loop3A_236 = arith.addi %parallel_loop3A_228, %parallel_loop3A_235 : vector<16xi32>
          %parallel_loop3A_237 = arith.select %parallel_loop3A_233, %parallel_loop3A_236, %parallel_loop3A_228 : vector<16xi1>, vector<16xi32>
          %parallel_loop3A_238 = arith.constant 63 : i32
          %parallel_loop3A_239 = vector.broadcast %parallel_loop3A_238 : i32 to vector<16xi32>
          %parallel_loop3A_240 = arith.addi %parallel_loop3A_237, %parallel_loop3A_239 : vector<16xi32>
          %parallel_loop3A_241 = tpu.vector_load_idx %arg6[%parallel_loop3A_240] : memref<4112xf32, #tpu.memory_space<vmem>>[vector<16xi32>], vector<16xf32>,
          %parallel_loop3A_242 = arith.cmpf olt, %parallel_loop3A_241, %parallel_loop3A_192 : vector<16xf32>
          %parallel_loop3A_243 = arith.constant 64 : i32
          %parallel_loop3A_244 = vector.broadcast %parallel_loop3A_243 : i32 to vector<16xi32>
          %parallel_loop3A_245 = arith.addi %parallel_loop3A_237, %parallel_loop3A_244 : vector<16xi32>
          %parallel_loop3A_246 = arith.select %parallel_loop3A_242, %parallel_loop3A_245, %parallel_loop3A_237 : vector<16xi1>, vector<16xi32>
          %parallel_loop3A_247 = arith.constant 31 : i32
          %parallel_loop3A_248 = vector.broadcast %parallel_loop3A_247 : i32 to vector<16xi32>
          %parallel_loop3A_249 = arith.addi %parallel_loop3A_246, %parallel_loop3A_248 : vector<16xi32>
          %parallel_loop3A_250 = tpu.vector_load_idx %arg6[%parallel_loop3A_249] : memref<4112xf32, #tpu.memory_space<vmem>>[vector<16xi32>], vector<16xf32>,
          %parallel_loop3A_251 = arith.cmpf olt, %parallel_loop3A_250, %parallel_loop3A_192 : vector<16xf32>
          %parallel_loop3A_252 = arith.constant 32 : i32
          %parallel_loop3A_253 = vector.broadcast %parallel_loop3A_252 : i32 to vector<16xi32>
          %parallel_loop3A_254 = arith.addi %parallel_loop3A_246, %parallel_loop3A_253 : vector<16xi32>
          %parallel_loop3A_255 = arith.select %parallel_loop3A_251, %parallel_loop3A_254, %parallel_loop3A_246 : vector<16xi1>, vector<16xi32>
          %parallel_loop3A_256 = arith.constant 15 : i32
          %parallel_loop3A_257 = vector.broadcast %parallel_loop3A_256 : i32 to vector<16xi32>
          %parallel_loop3A_258 = arith.addi %parallel_loop3A_255, %parallel_loop3A_257 : vector<16xi32>
          %parallel_loop3A_259 = tpu.vector_load_idx %arg6[%parallel_loop3A_258] : memref<4112xf32, #tpu.memory_space<vmem>>[vector<16xi32>], vector<16xf32>,
          %parallel_loop3A_260 = arith.cmpf olt, %parallel_loop3A_259, %parallel_loop3A_192 : vector<16xf32>
          %parallel_loop3A_261 = arith.constant 16 : i32
          %parallel_loop3A_262 = vector.broadcast %parallel_loop3A_261 : i32 to vector<16xi32>
          %parallel_loop3A_263 = arith.addi %parallel_loop3A_255, %parallel_loop3A_262 : vector<16xi32>
          %parallel_loop3A_264 = arith.select %parallel_loop3A_260, %parallel_loop3A_263, %parallel_loop3A_255 : vector<16xi1>, vector<16xi32>
          %parallel_loop3A_265 = arith.constant 7 : i32
          %parallel_loop3A_266 = vector.broadcast %parallel_loop3A_265 : i32 to vector<16xi32>
          %parallel_loop3A_267 = arith.addi %parallel_loop3A_264, %parallel_loop3A_266 : vector<16xi32>
          %parallel_loop3A_268 = tpu.vector_load_idx %arg6[%parallel_loop3A_267] : memref<4112xf32, #tpu.memory_space<vmem>>[vector<16xi32>], vector<16xf32>,
          %parallel_loop3A_269 = arith.cmpf olt, %parallel_loop3A_268, %parallel_loop3A_192 : vector<16xf32>
          %parallel_loop3A_270 = arith.constant 8 : i32
          %parallel_loop3A_271 = vector.broadcast %parallel_loop3A_270 : i32 to vector<16xi32>
          %parallel_loop3A_272 = arith.addi %parallel_loop3A_264, %parallel_loop3A_271 : vector<16xi32>
          %parallel_loop3A_273 = arith.select %parallel_loop3A_269, %parallel_loop3A_272, %parallel_loop3A_264 : vector<16xi1>, vector<16xi32>
          %parallel_loop3A_274 = arith.constant 3 : i32
          %parallel_loop3A_275 = vector.broadcast %parallel_loop3A_274 : i32 to vector<16xi32>
          %parallel_loop3A_276 = arith.addi %parallel_loop3A_273, %parallel_loop3A_275 : vector<16xi32>
          %parallel_loop3A_277 = tpu.vector_load_idx %arg6[%parallel_loop3A_276] : memref<4112xf32, #tpu.memory_space<vmem>>[vector<16xi32>], vector<16xf32>,
          %parallel_loop3A_278 = arith.cmpf olt, %parallel_loop3A_277, %parallel_loop3A_192 : vector<16xf32>
          %parallel_loop3A_279 = arith.constant 4 : i32
          %parallel_loop3A_280 = vector.broadcast %parallel_loop3A_279 : i32 to vector<16xi32>
          %parallel_loop3A_281 = arith.addi %parallel_loop3A_273, %parallel_loop3A_280 : vector<16xi32>
          %parallel_loop3A_282 = arith.select %parallel_loop3A_278, %parallel_loop3A_281, %parallel_loop3A_273 : vector<16xi1>, vector<16xi32>
          %parallel_loop3A_283 = arith.constant 1 : i32
          %parallel_loop3A_284 = vector.broadcast %parallel_loop3A_283 : i32 to vector<16xi32>
          %parallel_loop3A_285 = arith.addi %parallel_loop3A_282, %parallel_loop3A_284 : vector<16xi32>
          %parallel_loop3A_286 = tpu.vector_load_idx %arg6[%parallel_loop3A_285] : memref<4112xf32, #tpu.memory_space<vmem>>[vector<16xi32>], vector<16xf32>,
          %parallel_loop3A_287 = arith.cmpf olt, %parallel_loop3A_286, %parallel_loop3A_192 : vector<16xf32>
          %parallel_loop3A_288 = arith.constant 2 : i32
          %parallel_loop3A_289 = vector.broadcast %parallel_loop3A_288 : i32 to vector<16xi32>
          %parallel_loop3A_290 = arith.addi %parallel_loop3A_282, %parallel_loop3A_289 : vector<16xi32>
          %parallel_loop3A_291 = arith.select %parallel_loop3A_287, %parallel_loop3A_290, %parallel_loop3A_282 : vector<16xi1>, vector<16xi32>
          %parallel_loop3A_292 = arith.constant 0 : i32
          %parallel_loop3A_293 = vector.broadcast %parallel_loop3A_292 : i32 to vector<16xi32>
          %parallel_loop3A_294 = arith.addi %parallel_loop3A_291, %parallel_loop3A_293 : vector<16xi32>
          %parallel_loop3A_295 = tpu.vector_load_idx %arg6[%parallel_loop3A_294] : memref<4112xf32, #tpu.memory_space<vmem>>[vector<16xi32>], vector<16xf32>,
          %parallel_loop3A_296 = arith.cmpf olt, %parallel_loop3A_295, %parallel_loop3A_192 : vector<16xf32>
          %parallel_loop3A_297 = arith.constant 1 : i32
          %parallel_loop3A_298 = vector.broadcast %parallel_loop3A_297 : i32 to vector<16xi32>
          %parallel_loop3A_299 = arith.addi %parallel_loop3A_291, %parallel_loop3A_298 : vector<16xi32>
          %parallel_loop3A_300 = arith.select %parallel_loop3A_296, %parallel_loop3A_299, %parallel_loop3A_291 : vector<16xi1>, vector<16xi32>
          %parallel_loop3A_301 = arith.constant 1 : i32
          %parallel_loop3A_302 = vector.broadcast %parallel_loop3A_301 : i32 to vector<16xi32>
          %parallel_loop3A_303 = arith.subi %parallel_loop3A_300, %parallel_loop3A_302 : vector<16xi32>
          %parallel_loop3A_304 = arith.constant 0 : i32
          %parallel_loop3A_305 = arith.constant 4094 : i32
          %parallel_loop3A_306 = vector.broadcast %parallel_loop3A_304 : i32 to vector<16xi32>
          %parallel_loop3A_307 = arith.maxsi %parallel_loop3A_306, %parallel_loop3A_303 : vector<16xi32>
          %parallel_loop3A_308 = vector.broadcast %parallel_loop3A_305 : i32 to vector<16xi32>
          %parallel_loop3A_309 = arith.minsi %parallel_loop3A_308, %parallel_loop3A_307 : vector<16xi32>
          %parallel_loop3A_310 = tpu.vector_load_idx %arg7[%parallel_loop3A_309] : memref<4096xf32, #tpu.memory_space<vmem>>[vector<16xi32>], vector<16xf32>,
          %parallel_loop3A_311 = tpu.vector_load_idx %arg8[%parallel_loop3A_309] : memref<4096xf32, #tpu.memory_space<vmem>>[vector<16xi32>], vector<16xf32>,
          %parallel_loop3A_312 = arith.mulf %parallel_loop3A_311, %parallel_loop3A_192 : vector<16xf32>
          %parallel_loop3A_313 = arith.addf %parallel_loop3A_310, %parallel_loop3A_312 : vector<16xf32>
          %parallel_loop3A_314 = arith.index_cast %parallel_loop3A_190 : i32 to index
          %parallel_loop3A_315 = tpu.vector_load %arg13[%parallel_loop3A_314] {strides = array<i32>} : memref<8192xf32, #tpu.memory_space<vmem>>, vector<16xf32>,
          tpu.vector_store %arg13[%parallel_loop3A_314], %parallel_loop3A_313 {strides = array<i32>} : memref<8192xf32, #tpu.memory_space<vmem>>, vector<16xf32>,
        } {sc.loop_unroll_factor = 4 : i64, sc.parallel_access}
        %add3A_172 = arith.constant 1 : i32
        %add3A_173 = arith.addi %mul3A_119, %add3A_172 : i32
        %mul3A_174 = arith.constant 8192 : i32
        %mul3A_175 = arith.muli %add3A_173, %mul3A_174 : i32
        %add3A_176 = arith.addi %mul3A_32, %mul3A_175 : i32
        %dma_start3A_177 = tpu.memref_slice %arg5[%select_n3A, %add3A_176] : memref<16x262144xf32, #tpu.memory_space<hbm>> -> memref<1x8192xf32, #tpu.memory_space<hbm>>
        %dma_start3A_178 = tpu.memref_squeeze %dma_start3A_177 : memref<1x8192xf32, #tpu.memory_space<hbm>> -> memref<8192xf32, #tpu.memory_space<hbm>>
        %dma_start3A_179 = tpu.memref_slice %arg5[%select_n3A, %add3A_176] : memref<16x262144xf32, #tpu.memory_space<hbm>> -> memref<1x8192xf32, #tpu.memory_space<hbm>>
        %dma_start3A_180 = tpu.memref_squeeze %dma_start3A_179 : memref<1x8192xf32, #tpu.memory_space<hbm>> -> memref<8192xf32, #tpu.memory_space<hbm>>
        tpu.enqueue_dma source(%arg13 : memref<8192xf32, #tpu.memory_space<vmem>>) target(%dma_start3A_180 : memref<8192xf32, #tpu.memory_space<hbm>>) target_semaphore(%arg17 : memref<!tpu.dma_semaphore, #tpu.memory_space<semaphore_mem>>)
        %add3A_181 = arith.constant 1 : i32
        %add3A_182 = arith.addi %mul3A_119, %add3A_181 : i32
        %add3A_183 = arith.constant 2 : i32
        %add3A_184 = arith.addi %add3A_182, %add3A_183 : i32
        %lt3A_185 = arith.constant 16 : i32
        %lt3A_186 = arith.cmpi slt, %add3A_184, %lt3A_185 : i32
        %convert_element_type3A_187 = arith.extui %lt3A_186 : i1 to i32
        %cond3A_188 = arith.constant 0 : i32
        %cond3A_189 = arith.cmpi ne, %convert_element_type3A_187, %cond3A_188 : i32
        scf.if %cond3A_189 {
          %add3A_190 = arith.constant 1 : i32
          %add3A_191 = arith.addi %mul3A_119, %add3A_190 : i32
          %add3A_192 = arith.constant 2 : i32
          %add3A_193 = arith.addi %add3A_191, %add3A_192 : i32
          %mul3A_194 = arith.constant 8192 : i32
          %mul3A_195 = arith.muli %add3A_193, %mul3A_194 : i32
          %add3A_196 = arith.addi %mul3A_32, %mul3A_195 : i32
          %dma_start3A_197 = tpu.memref_slice %arg2[%select_n3A, %add3A_196] : memref<16x262144xf32, #tpu.memory_space<hbm>> -> memref<1x8192xf32, #tpu.memory_space<hbm>>
          %dma_start3A_198 = tpu.memref_squeeze %dma_start3A_197 : memref<1x8192xf32, #tpu.memory_space<hbm>> -> memref<8192xf32, #tpu.memory_space<hbm>>
          %dma_start3A_199 = tpu.memref_slice %arg2[%select_n3A, %add3A_196] : memref<16x262144xf32, #tpu.memory_space<hbm>> -> memref<1x8192xf32, #tpu.memory_space<hbm>>
          %dma_start3A_200 = tpu.memref_squeeze %dma_start3A_199 : memref<1x8192xf32, #tpu.memory_space<hbm>> -> memref<8192xf32, #tpu.memory_space<hbm>>
          tpu.enqueue_dma source(%dma_start3A_200 : memref<8192xf32, #tpu.memory_space<hbm>>) target(%arg11 : memref<8192xf32, #tpu.memory_space<vmem>>) target_semaphore(%arg15 : memref<!tpu.dma_semaphore, #tpu.memory_space<semaphore_mem>>)
        } else {
        }
      }
      %scan3A_105 = arith.constant 8 : i32
      %add3A_106 = arith.constant 114688 : i32
      %add3A_107 = arith.addi %mul3A_32, %add3A_106 : i32
      %dma_wait3A = tpu.memref_slice %arg5[%select_n3A, %add3A_107] : memref<16x262144xf32, #tpu.memory_space<hbm>> -> memref<1x8192xf32, #tpu.memory_space<hbm>>
      %dma_wait3A_108 = tpu.memref_squeeze %dma_wait3A : memref<1x8192xf32, #tpu.memory_space<hbm>> -> memref<8192xf32, #tpu.memory_space<hbm>>
      %dma_wait3A_109 = tpu.memref_slice %arg5[%select_n3A, %add3A_107] : memref<16x262144xf32, #tpu.memory_space<hbm>> -> memref<1x8192xf32, #tpu.memory_space<hbm>>
      %dma_wait3A_110 = tpu.memref_squeeze %dma_wait3A_109 : memref<1x8192xf32, #tpu.memory_space<hbm>> -> memref<8192xf32, #tpu.memory_space<hbm>>
      tpu.wait_dma2 semaphore(%arg16 : memref<!tpu.dma_semaphore, #tpu.memory_space<semaphore_mem>>) src(%arg12 : memref<8192xf32, #tpu.memory_space<vmem>>) dst(%dma_wait3A_110 : memref<8192xf32, #tpu.memory_space<hbm>>)
      %add3A_111 = arith.constant 122880 : i32
      %add3A_112 = arith.addi %mul3A_32, %add3A_111 : i32
      %dma_wait3A_113 = tpu.memref_slice %arg5[%select_n3A, %add3A_112] : memref<16x262144xf32, #tpu.memory_space<hbm>> -> memref<1x8192xf32, #tpu.memory_space<hbm>>
      %dma_wait3A_114 = tpu.memref_squeeze %dma_wait3A_113 : memref<1x8192xf32, #tpu.memory_space<hbm>> -> memref<8192xf32, #tpu.memory_space<hbm>>
      %dma_wait3A_115 = tpu.memref_slice %arg5[%select_n3A, %add3A_112] : memref<16x262144xf32, #tpu.memory_space<hbm>> -> memref<1x8192xf32, #tpu.memory_space<hbm>>
      %dma_wait3A_116 = tpu.memref_squeeze %dma_wait3A_115 : memref<1x8192xf32, #tpu.memory_space<hbm>> -> memref<8192xf32, #tpu.memory_space<hbm>>
      tpu.wait_dma2 semaphore(%arg17 : memref<!tpu.dma_semaphore, #tpu.memory_space<semaphore_mem>>) src(%arg13 : memref<8192xf32, #tpu.memory_space<vmem>>) dst(%dma_wait3A_116 : memref<8192xf32, #tpu.memory_space<hbm>>)
    } else {
    }
    return
  }
}

</mosaic_0001>

<sc_bundles>
// kernel: kernel.3.cloned.1.call-start
scs
__scs_entry_jumppad:
0x0: {  	(pc) =	sbr.rel $0x88, $3  }
0x1: {  	(tag) =	ssettag $0x0;
	lr =	simm.s32 $0x1  }
0x2: {  	[smem:$0x3F9E] =	sst lr;
	_ =	strace $0xD0000000  }
0x3: {  	_ = 	snop  }
0x4: {  	_ = 	snop  }
0x5: {  	_ = 	snop  }
0x6: {  	_ = 	snop  }
0x7: {  	_ = 	snop  }
__scs_overlays_trampoline_lowered:
0x8: {  	[smem:$0x3FAD] =	sst s0  }
0x9: {  	[smem:$0x3FAE] =	sst s1  }
0xa: {  	[smem:$0x3FAF] =	sst s2  }
0xb: {  	[smem:$0x3FB0] =	sst s3  }
0xc: {  	[smem:$0x3FB1] =	sst s4  }
0xd: {  	[smem:$0x3FB2] =	sst s5  }
0xe: {  	[smem:$0x3FB3] =	sst s6  }
0xf: {  	[smem:$0x3FB4] =	sst s7  }
0x10: {  	[smem:$0x3FB5] =	sst s8  }
0x11: {  	[smem:$0x3FB6] =	sst s9;
	s0 =	simm.s32 @!p0 $0x0  }
0x12: {  	s1 =	sld [smem:$0x3F9C];
	s0 =	simm.s32 @p0 $0x1  }
0x13: {  	[smem:$0x3FB7] =	sst s0;
	s0 =	simm.s32 @!p1 $0x0  }
0x14: {  	s2 =	sld [smem:$0x3F9B];
	s0 =	simm.s32 @p1 $0x1  }
0x15: {  	[smem:$0x3FB8] =	sst s0;
	s0 =	simm.s32 @!p2 $0x0  }
0x16: {  	s3 =	sld [smem:$0x3FDB];
	s0 =	simm.s32 @p2 $0x1  }
0x17: {  	s4 =	simm.s32 $0x1BF5;
	[smem:$0x3FBA] =	sst s0  }
0x18: {  	s0 =	sld [smem:$0x3F9D];
	_ =	swait.ge [sflag:s4], $0x0  }
0x19: {  	s7 =	sld [smem:$0x3F9E]  }
0x1a: {  	s8 =	sadd.s32 $0xFFFFE003, lr  }
0x1b: {  	s9 =	sadd.s32 $0xFFFFFEF7, lr;
	s5 =	simm.s32 $0xFFFFFFFF;
	p2 =	slt.u32 s8, $0xFFFFF086  }
0x1c: {  	p1 =	slt.u32 s9, $0xF7A;
	s5 =	simm.s32 @!p2 $0x0  }
0x1d: {  	s5 =	simm.s32 @p1 $0x1;
	p0 =	seq.s32 s7, s2  }
0x1e: {  	s7 =	smul.u32 @!p0 $0xF7A, s2;
	p2 =	seq.s32 @!p0 s5, $0x0  }
0x1f: {  	s9 =	smul.u32 $0xF7A, s1;
	s8 =	simm.s32 @!p0 $0x1BF5;
	p2 =	por !p2, p0  }
0x20: {  	[sflag:s8] =	ssyncset.s32 @!p0 $0xFFFFF086;
	s6 =	sadd.s32 @!p0 s3, s7;
	s7 =	simm.s32 @!p0 $0x108  }
0x21: {  	s3 =	sadd.s32 s3, s9;
	s6 =	sadd.s32 @!p0 $0x88, s6;
	s7 =	simm.s32 @p2 $0x1082  }
0x22: {  	[simem:s7], [sflag:s8] =	dma.local @!p0 [hbm:s6], $0xF7A  }
0x23: {  	s9 =	sor.u32 $0xD0000000, s2;
	s6 =	simm.s32 $0x108;
	_ =	swait.ge @!p0 [sflag:s8], $0x0  }
0x24: {  	s3 =	sadd.s32 $0x88, s3;
	s6 =	simm.s32 @!p1 $0x1082;
	[sflag:s4] =	ssyncset.s32 $0xFFFFF086  }
0x25: {  	[simem:s6], [sflag:s4] =	dma.local [hbm:s3], $0xF7A  }
0x26: {  	[smem:$0x3F9E] =	sst s1;
	(tag) =	ssettag s2;
	_ =	strace s9  }
0x27: {  	s1 =	sld [smem:$0x3FAE]  }
0x28: {  	s2 =	sld [smem:$0x3FAF]  }
0x29: {  	s4 =	sld [smem:$0x3FB1]  }
0x2a: {  	p0 =	seq.s32 s5, $0x0;
	s5 =	sld [smem:$0x3FB2]  }
0x2b: {  	s6 =	sld [smem:$0x3FB3]  }
0x2c: {  	s7 =	sld [smem:$0x3FB4]  }
0x2d: {  	s3 =	simm.s32 $0x108;
	s8 =	sld [smem:$0x3FB5]  }
0x2e: {  	s3 =	simm.s32 @!p0 $0x1082;
	s9 =	sld [smem:$0x3FB6]  }
0x2f: {  	lr =	sadd.s32 s0, s3;
	s0 =	sld [smem:$0x3FAD]  }
0x30: {  	s3 =	sld [smem:$0x3FB0]  }
0x31: {  	[smem:$0x3FB9] =	sst s10  }
0x32: {  	s10 =	sld [smem:$0x3FB7];
	_ =	sdelay $0x3  }
0x33: {  	p0 =	seq.s32 s10, $0x1;
	s10 =	sld [smem:$0x3FB9];
	_ =	sdelay $0x3  }
0x34: {  	[smem:$0x3FB9] =	sst s10  }
0x35: {  	s10 =	sld [smem:$0x3FB8];
	_ =	sdelay $0x3  }
0x36: {  	p1 =	seq.s32 s10, $0x1;
	s10 =	sld [smem:$0x3FB9];
	_ =	sdelay $0x3  }
0x37: {  	[smem:$0x3FB9] =	sst s10  }
0x38: {  	s10 =	sld [smem:$0x3FBA]  }
0x39: {  	_ = 	snop;
	(pc) =	sbr.ind lr, $3  }
0x3a: {  	_ = 	snop  }
0x3b: {  	_ = 	snop  }
0x3c: {  	p2 =	seq.s32 s10, $0x1;
	s10 =	sld [smem:$0x3FB9]  }
0x3d: {  	_ =	shalt  }
0x3e: {  	_ =	shalt  }
0x3f: {  	_ =	shalt  }
0x40: {  	_ =	shalt  }
0x41: {  	_ =	shalt  }
0x42: {  	_ =	shalt  }
0x43: {  	_ =	shalt  }
0x44: {  	_ =	shalt  }
0x45: {  	_ =	shalt  }
0x46: {  	_ =	shalt  }
0x47: {  	_ =	shalt  }
0x48: {  	_ =	shalt  }
0x49: {  	_ =	shalt  }
0x4a: {  	_ =	shalt  }
0x4b: {  	_ =	shalt  }
0x4c: {  	_ =	shalt  }
0x4d: {  	_ =	shalt  }
0x4e: {  	_ =	shalt  }
0x4f: {  	_ =	shalt  }
0x50: {  	_ =	shalt  }
0x51: {  	_ =	shalt  }
0x52: {  	_ =	shalt  }
0x53: {  	_ =	shalt  }
0x54: {  	_ =	shalt  }
0x55: {  	_ =	shalt  }
0x56: {  	_ =	shalt  }
0x57: {  	_ =	shalt  }
0x58: {  	_ =	shalt  }
0x59: {  	_ =	shalt  }
0x5a: {  	_ =	shalt  }
0x5b: {  	_ =	shalt  }
0x5c: {  	_ =	shalt  }
0x5d: {  	_ =	shalt  }
0x5e: {  	_ =	shalt  }
0x5f: {  	_ =	shalt  }
0x60: {  	_ =	shalt  }
0x61: {  	_ =	shalt  }
0x62: {  	_ =	shalt  }
0x63: {  	_ =	shalt  }
0x64: {  	_ =	shalt  }
0x65: {  	_ =	shalt  }
0x66: {  	_ =	shalt  }
0x67: {  	_ =	shalt  }
0x68: {  	_ =	shalt  }
0x69: {  	_ =	shalt  }
0x6a: {  	_ =	shalt  }
0x6b: {  	_ =	shalt  }
0x6c: {  	_ =	shalt  }
0x6d: {  	_ =	shalt  }
0x6e: {  	_ =	shalt  }
0x6f: {  	_ =	shalt  }
0x70: {  	_ =	shalt  }
0x71: {  	_ =	shalt  }
0x72: {  	_ =	shalt  }
0x73: {  	_ =	shalt  }
0x74: {  	_ =	shalt  }
0x75: {  	_ =	shalt  }
0x76: {  	_ =	shalt  }
0x77: {  	_ =	shalt  }
0x78: {  	_ =	shalt  }
0x79: {  	_ =	shalt  }
0x7a: {  	_ =	shalt  }
0x7b: {  	_ =	shalt  }
0x7c: {  	_ =	shalt  }
0x7d: {  	_ =	shalt  }
0x7e: {  	_ =	shalt  }
0x7f: {  	_ =	shalt  }
0x80: {  	_ =	shalt  }
0x81: {  	_ =	shalt  }
0x82: {  	_ =	shalt  }
0x83: {  	_ =	shalt  }
0x84: {  	_ =	shalt  }
0x85: {  	_ =	shalt  }
0x86: {  	_ =	shalt  }
0x87: {  	_ =	shalt  }
.Lfunc_end0:
.L_simem_size_0:
called_computation_lowered:
.L_overlay_start_0:
0x88: {  	s2 =	sld [smem:$0x3FD9]  }
0x89: {  	s3 =	sld [smem:$0x3FFE];
	_ =	sdelay $0x1  }
0x8a: {  	s1 =	srdreg.scid  }
0x8b: {  	s0 =	sand.u32 $0x1, s1  }
0x8c: {  	s18 =	sshll.u32 s0, $0xA;
	s2 =	sadd.s32 s3, s2  }
0x8d: {  	s2 =	sadd.s32 s2, s18  }
0x8e: {  	[smem:$0x3FC5] =	sst s2  }
0x8f: {  	_ = 	snop  }
0x90: {  	s2 =	sld [smem:$0x3FC9]  }
0x91: {  	s19 =	sld [smem:$0x3FC8]  }
0x92: {  	s4 =	sld [smem:$0x3FC7]  }
0x93: {  	s5 =	sld [smem:$0x3FD0];
	(tm) =	ssettm $0x1  }
0x94: {  	s6 =	sld [smem:$0x3FFB];
	_ =	sdelay $0x3  }
0x95: {  	_ =	strace s6  }
0x96: {  	s6 =	sld [smem:$0x3FFC];
	_ =	sdelay $0x3  }
0x97: {  	_ =	strace s6  }
0x98: {  	s6 =	sld [smem:$0x3FFD];
	_ =	sdelay $0x3  }
0x99: {  	_ =	strace s6  }
0x9a: {  	_ =	strace $0x8FFFFFFF  }
0x9b: {  	s20 =	sld [smem:$0x3FDB];
	_ =	sdelay $0x1  }
0x9c: {  	s7 =	simm.s32 $_scs_section_size  }
0x9d: {  	s8 =	simm.s32 $_size__tile_overlayer_lowered;
	s9 =	simm.s32 $_tile_overlayer_lowered  }
0x9e: {  	s23 =	simm.s32 $0x1BFF;
	s22 =	sshll.u32 s9, $0x1;
	s6 =	sadd.s32 s7, s20  }
0x9f: {  	s10 =	simm.s32 $0x0;
	s21 =	sshll.u32 s8, $0x1;
	s8 =	sadd.s32 s22, s6  }
0xa0: {  	[timem:s10], [sflag:s23] =	dma.local [hbm:s8], s21  }
0xa1: {  	_ =	swait.ge [sflag:s23], s21  }
0xa2: {  	s7 =	ssub.s32 $0x0, s21;
	[sflag:s23] =	ssyncset.done $0x0  }
0xa3: {  	[sflag:s23] =	ssyncadd.s32 s7;
	_ =	sdelay $0x1  }
0xa4: {  	s24 =	simm.s32 $0x1B8B  }
0xa5: {  	_ =	swait.ge [sflag:s24], $0x1  }
0xa6: {  	[sflag:s24] =	ssyncset.done $0x0  }
0xa7: {  	s25 =	simm.s32 $0x1B8E;
	[sflag:s24] =	ssyncadd.s32 $0xFFFFFFFF  }
0xa8: {  	s26 =	simm.s32 $execute0_lowered;
	[smem:$0x3FD2] =	sst s25  }
0xa9: {  	s7 =	sshll.u32 s26, $0x1;
	_ =	strace $0x80000046;
	[dreg:$0x1] =	wrdreg $0xFFFFFFFF  }
0xaa: {  	s28 =	simm.s32 $_size_execute0_lowered;
	s6 =	sadd.s32 s6, s7;
	[dreg:$0x0] =	wrdreg $0x0  }
0xab: {  	s7 =	sshll.u32 s28, $0x1;
	[dreg:$0x2] =	wrdreg s6  }
0xac: {  	[dreg:$0x3] =	wrdreg s7  }
0xad: {  	[dreg:$0x4] =	wrdreg $0xC0  }
0xae: {  	_ =	task [dreg:s10], $0x5FFFF  }
0xaf: {  	[dreg:$0x1] =	wrdreg $0xFFFFFFFF  }
0xb0: {  	[dreg:$0x0] =	wrdreg $0x60  }
0xb1: {  	[dreg:$0x2] =	wrdreg s2  }
0xb2: {  	[dreg:$0x3] =	wrdreg s19  }
0xb3: {  	[dreg:$0x4] =	wrdreg s4  }
0xb4: {  	[dreg:$0x5] =	wrdreg s5  }
0xb5: {  	[dreg:$0x6] =	wrdreg $0x9  }
0xb6: {  	_ =	task.clear_ibuf [dreg:s10], $0x7FFFF;
	_ =	strace $0x90000046  }
0xb7: {  	s29 =	simm.s32 $0x9;
	_ =	strace $0x80000048  }
0xb8: {  	_ =	swait.ge [sflag:s29], $0x1  }
0xb9: {  	[sflag:s29] =	ssyncadd.s32 $0xFFFFFFFF  }
0xba: {  	_ =	strace $0x90000048  }
0xbb: {  	_ =	sfence  }
0xbc: {  	s30 =	sld [smem:$0x0];
	_ =	sdelay $0x2  }
0xbd: {  	s31 =	sshll.u32 s1, $0xD;
	s1 =	sshrl.u32 s1, $0x2  }
0xbe: {  	s3 =	sand.u32 $0x4000, s31;
	s1 =	sadd.s32 s1, s30  }
0xbf: {  	s0 =	sor.u32 s3, s0;
	s1 =	sshll.u32 s1, $0x11  }
0xc0: {  	s0 =	sor.u32 s1, s0  }
0xc1: {  	s0 =	sadd.s32 $0x8F2B, s0  }
0xc2: {  	[sflag:s0] =	ssyncadd.remote.s32 $0x1  }
0xc3: {  	_ =	sfence.sel $0xFFFF  }
0xc4: {  	[dreg:$0x0] =	wrdreg $0xFFFFFFFF;
	(pc) =	sbr.abs _section_cstart, $3  }
0xc5: {  	[dreg:$0x1] =	wrdreg $0xFFFFFFFF  }
0xc6: {  	_ =	task.clear_ibuf [dreg:s10], $0x2FFFF;
	_ =	strace $0x9FFFFFFF  }
0xc7: {  	(tm) =	ssettm $0x7FFFFFFF  }
tec
execute0_lowered:
.L_overlay_start_1:
0x0: {  	(tag) =	ssettag $0x1  }
0x1: {  	s1 =	rddreg [dreg:$0x0]  }
0x2: {  	s2 =	rddreg [dreg:$0x1]  }
0x3: {  	s0 =	srdreg.scid;
	s7 =	rddreg [dreg:$0x2]  }
0x4: {  	s6 =	stileid.u32;
	s3 =	rddreg [dreg:$0x3];
	s5 =	simm.s32 $0x1  }
0x5: {  	s15 =	simm.s32 $0x80;
	s16 =	simm.s32 $0x400;
	s18 =	simm.s32 $0x1080  }
0x6: {  	s19 =	simm.s32 $0x3080;
	s22 =	simm.s32 $0x2080;
	s0 =	sand.u32 $0x1, s0  }
0x7: {  	s23 =	simm.s32 $0x8100;
	s4 =	sor.u32 s0, s6;
	p1 =	seq.s32 s0, $0x1  }
0x8: {  	s24 =	ssub.s32 $0x2, s0;
	s0 =	sshll.u32 s0, $0x14;
	p0 =	seq.s32 s4, $0x0  }
0x9: {  	s4 =	simm.s32 $0x0;
	s9 =	sshrl.u32 s24, $0x1;
	p0 =	por !p0, !p1  }
0xa: {  	[smem:$0x7FF] =	sst s4;
	s9 =	ssub.s32 s24, s9;
	p0 =	por !p0, !p0  }
0xb: {  	s24 =	simm.s32 $0x2;
	s31 =	smax.u32 s9, $0x1;
	s5 =	simm.s32 @!p0 $0x0  }
0xc: {  	_ =	strace $0x80000047;
	[dreg:$0x9] =	wrdreg s31;
	s5 =	ssub.s32 s6, s5  }
0xd: {  	s6 =	simm.s32 $0x1;
	s8 =	sshrl.u32 s5, $0x3;
	s5 =	sshll.u32 s5, $0x7  }
0xe: {  	s10 =	sand.u32 $0x380, s5;
	s11 =	sshll.u32 s8, $0x15;
	s25 =	sshll.u32 s8, $0xF  }
0xf: {  	s26 =	sor.u32 s10, s11;
	s12 =	sor.u32 s10, s25;
	s25 =	simm.s32 $0xA100  }
0x10: {  	s5 =	sor.u32 s26, s0;
	s28 =	sshrl.u32 s12, $0x3;
	s0 =	sor.u32 s0, s10  }
.Ltmp0:
0x11: {  	v4 =	vimm.s32 $0x7FF;
	s29 =	sshrl.u32 s5, $0x3;
	s2 =	sadd.s32 s2, s28;
	(pc) =	sbr.rel .LBB2_1-.Ltmp0, $4  }
0x12: {  	s7 =	sadd.s32 s7, s28;
	s0 =	sor.u32 s11, s0;
	[dreg:$0x5] =	wrdreg s2  }
0x13: {  	s14 =	sor.u32 $0x10000, s5;
	s30 =	sadd.s32 s1, s29;
	[dreg:$0x7] =	wrdreg s7  }
0x14: {  	v0 =	vlaneseq.u32;
	v1 =	vimm.f32 $+Inf;
	v5 =	vimm.s32 $0x0;
	s11 =	sor.u32 $0x20000, s0;
	[dreg:$0x6] =	wrdreg s30;
	s2 =	sadd.s32 $0x2000, s30  }
0x15: {  	v2 =	vadd.s32 $0x1, v0;
	v3 =	vadd.s32 $0xFFFFFFFF, v0;
	v6 =	vadd.s32 $0x3, v0;
	s12 =	sor.u32 $0x30000, s0;
	[dreg:$0x8] =	wrdreg s2;
	s2 =	simm.s32 $0x0  }
.LBB2_35:
0x16: {  	s0 =	simm.s32 $0x3  }
0x17: {  	_ =	swait.ge [sflag:s0], $0x2000  }
0x18: {  	[sflag:s0] =	ssyncset.done $0x0  }
0x19: {  	s31 =	simm.s32 $0x4;
	[sflag:s0] =	ssyncadd.s32 $0xFFFFE000  }
0x1a: {  	_ =	swait.ge [sflag:s31], $0x2000  }
0x1b: {  	[sflag:s31] =	ssyncset.done $0x0  }
0x1c: {  	s2 =	rddreg [dreg:$0xa];
	[sflag:s31] =	ssyncadd.s32 $0xFFFFE000  }
.LBB2_36:
0x1d: {  	s2 =	sadd.s32 $0x1, s2;
	s0 =	rddreg [dreg:$0x9]  }
0x1e: {  	p0 =	sne.s32 s2, s0  }
.Ltmp1:
0x1f: {  	_ = 	snop;
	(pc) =	sbr.rel @!p0 .LBB2_37-.Ltmp1, $1  }
0x20: {  	_ =	sdelay $0x3  }
.LBB2_1:
0x21: {  	[dreg:$0xa] =	wrdreg s2  }
0x22: {  	s0 =	rddreg [dreg:$0x5];
	s7 =	simm.s32 $0x5  }
0x23: {  	[tilespmem:s4], [sflag:$0x5] =	stream.strided.gather [hbm4b:s0+s15], $0x1000, s16, s15, $0x38;
	[tilespmem:$0xC100] =	vst v63  }
0x24: {  	_ =	swait.ge [sflag:s7], $0x1000  }
0x25: {  	s17 =	simm.s32 $0x30;
	[sflag:s7] =	ssyncset.done $0x0  }
0x26: {  	s20 =	simm.s32 $0x10;
	s13 =	rddreg [dreg:$0x7];
	[sflag:s7] =	ssyncadd.s32 $0xFFFFF000  }
0x27: {  	v9 =	vor.u32 s4, v2;
	v7 =	vadd.s32 s17, v2;
	[tilespmem:s18], [sflag:$0x5] =	stream.strided.gather [hbm4b:s13+s15], $0x1000, s16, s15, $0x38;
	[tilespmem:$0xC100] =	vst v63  }
0x28: {  	v10 =	vadd.s32 s20, v2;
	vm0 =	vlt.s32 v7, $0xFFF;
	_ =	swait.ge [sflag:s7], $0x1000  }
0x29: {  	v11 =	vnsel vm0, $0xFFF, v7;
	[sflag:s7] =	ssyncset.done $0x0  }
0x2a: {  	[sflag:s7] =	ssyncadd.s32 $0xFFFFF000  }
0x2b: {  	[tilespmem:$0x1000] =	vst v1  }
0x2c: {  	v12 =	vld.idx.msk [tilespmem:v9+s4+$0x0], $0xffff  }
0x2d: {  	s21 =	simm.s32 $0x20;
	v13 =	vld.idx.msk [tilespmem:v10+s4+$0x0], $0xffff  }
0x2e: {  	s0 =	simm.s32 $0x20;
	v15 =	vor.u32 s21, v2;
	v14 =	vld.idx.msk [tilespmem:v11+s4+$0x0], $0xffff  }
0x2f: {  	v16 =	vld [tilespmem:s0+$0x10]  }
0x30: {  	v17 =	vld [tilespmem:s0+$0xFFFFFFE0]  }
0x31: {  	v18 =	vld [tilespmem:s0+$0xFFFFFFF0]  }
0x32: {  	s26 =	simm.s32 $0x40  }
0x33: {  	v19 =	vor.u32 s26, v2;
	v20 =	vld.idx.msk [tilespmem:v15+s4+$0x0], $0xffff  }
0x34: {  	v21 =	vld [tilespmem:s0+$0x0];
	v14 =	vsub.f32 v14, v16  }
0x35: {  	v16 =	vld.idx.msk [tilespmem:v9+s18+$0x0], $0xffff;
	v9 =	vsub.f32 v12, v17  }
0x36: {  	v12 =	vsub.f32 v13, v18;
	v13 =	vadd.f32 $1.192092900e-07, v14  }
0x37: {  	v9 =	vadd.f32 $1.192092900e-07, v9  }
0x38: {  	s28 =	simm.s32 $0x50;
	v22 =	vld.idx.msk [tilespmem:v19+s4+$0x0], $0xffff;
	v18 =	vadd.f32 $1.192092900e-07, v12;
	(erf) = vrcp.f32 v13  }
0x39: {  	s30 =	simm.s32 $0x70;
	v8 =	vadd.s32 s28, v2;
	v17 =	vld.idx.msk [tilespmem:v10+s18+$0x0], $0xffff;
	v13 =	vsub.f32 v20, v21;
	(erf) = vrcp.f32 v9  }
0x3a: {  	s2 =	simm.s32 $0x10A0;
	v14 =	vadd.s32 s30, v2;
	v9 =	vld.idx.msk [tilespmem:v11+s18+$0x0], $0xffff;
	(erf) = vrcp.f32 v18  }
0x3b: {  	vm15 =	vlt.s32 v14, $0xFFF;
	v11 =	vadd.f32 $1.192092900e-07, v13;
	v13 =	vld [tilespmem:s2+$0x10]  }
0x3c: {  	v12 =	vnsel vm15, $0xFFF, v14;
	v14 =	vld [tilespmem:s2+$0xFFFFFFE0]  }
0x3d: {  	s29 =	simm.s32 $0x60;
	(erf) = vrcp.f32 v11;
	v11 =	vld [tilespmem:s2+$0xFFFFFFF0]  }
0x3e: {  	s9 =	simm.s32 $0x60;
	v7 =	vor.u32 s29, v2;
	v23 =	vld.idx.msk [tilespmem:v8+s4+$0x0], $0xffff  }
0x3f: {  	v24 =	vld [tilespmem:s9+$0xFFFFFFE0]  }
0x40: {  	v21 =	vld [tilespmem:s9+$0x10];
	v13 =	vsub.f32 v9, v13  }
0x41: {  	v20 =	vld.idx.msk [tilespmem:v12+s4+$0x0], $0xffff;
	v14 =	vsub.f32 v16, v14;
	v16 =	vpop (erf)  }
0x42: {  	s31 =	simm.s32 $0x80;
	v25 =	vld [tilespmem:s9+$0xFFFFFFF0];
	v11 =	vsub.f32 v17, v11;
	v13 =	vmul.f32 v16, v13;
	v16 =	vpop (erf)  }
0x43: {  	v10 =	vld.idx.msk [tilespmem:v7+s4+$0x0], $0xffff;
	v9 =	vor.u32 s31, v2;
	v17 =	vpop (erf)  }
0x44: {  	v18 =	vld [tilespmem:s9+$0x0];
	v16 =	vmul.f32 v16, v14;
	v11 =	vmul.f32 v17, v11  }
0x45: {  	s8 =	simm.s32 $0xA0;
	s7 =	simm.s32 $0x20A0;
	v14 =	vld [tilespmem:s2+$0x0]  }
0x46: {  	v26 =	vsub.f32 v20, v21;
	v20 =	vor.u32 s8, v2;
	v17 =	vld.idx.msk [tilespmem:v15+s18+$0x0], $0xffff;
	[tilespmem:s7+$0x10] =	vst v13  }
0x47: {  	s10 =	simm.s32 $0x90;
	s17 =	simm.s32 $0xB0;
	v21 =	vsub.f32 v22, v24;
	v22 =	vsub.f32 v23, v25;
	v13 =	vld.idx.msk [tilespmem:v19+s18+$0x0], $0xffff;
	[tilespmem:s7+$0xFFFFFFE0] =	vst v16  }
0x48: {  	s13 =	simm.s32 $0xC0;
	s8 =	simm.s32 $0x20A0;
	v19 =	vadd.s32 s10, v2;
	v15 =	vld.idx.msk [tilespmem:v9+s4+$0x0], $0xffff;
	v23 =	vadd.f32 $1.192092900e-07, v26;
	s10 =	simm.s32 $0x10A0;
	[tilespmem:s7+$0xFFFFFFF0] =	vst v11;
	v16 =	vpop (erf);
	v11 =	vmov v20  }
.LBB2_2:
0x49: {  	p0 =	slt.u32 s13, $0xFC0;
	v24 =	vadd.s32 s17, v2;
	v21 =	vadd.f32 $1.192092900e-07, v21;
	v25 =	vld.idx.msk [tilespmem:v8+s18+$0x0], $0xffff;
	v18 =	vsub.f32 v10, v18;
	v8 =	vmovc v19  }
0x4a: {  	v26 =	vld.idx.msk [tilespmem:v19+s4+$0x0], $0xffff;
	vm0 =	vlt.s32 v24, $0xFFF;
	v19 =	vadd.f32 $1.192092900e-07, v22;
	(erf) = vrcp.f32 v23  }
0x4b: {  	v10 =	vld.idx.msk [tilespmem:v20+s4+$0x0], $0xffff;
	v20 =	vnsel vm0, $0xFFF, v24;
	v18 =	vadd.f32 $1.192092900e-07, v18;
	(erf) = vrcp.f32 v21  }
0x4c: {  	s10 =	sadd.s32 $0x40, s10;
	v14 =	vsub.f32 v17, v14;
	v21 =	vld.idx.msk [tilespmem:v12+s18+$0x0], $0xffff;
	(erf) = vrcp.f32 v19;
	v12 =	vmov v20  }
0x4d: {  	v17 =	vld [tilespmem:s10+$0x10];
	(erf) = vrcp.f32 v18  }
0x4e: {  	v14 =	vmul.f32 v16, v14;
	v18 =	vld [tilespmem:s10+$0xFFFFFFE0]  }
0x4f: {  	v16 =	vld [tilespmem:s10+$0xFFFFFFF0]  }
0x50: {  	s9 =	sadd.s32 $0x40, s9;
	v22 =	vld.idx.msk [tilespmem:v20+s4+$0x0], $0xffff;
	[tilespmem:s8+$0x0] =	vst v14  }
0x51: {  	v23 =	vld [tilespmem:s9+$0x10]  }
0x52: {  	v24 =	vld [tilespmem:s9+$0xFFFFFFE0];
	v19 =	vsub.f32 v21, v17  }
0x53: {  	v27 =	vor.u32 s13, v2;
	v28 =	vld [tilespmem:s9+$0xFFFFFFF0];
	v20 =	vsub.f32 v13, v18;
	v17 =	vpop (erf)  }
.Ltmp2:
0x54: {  	s17 =	sadd.s32 $0x10, s13;
	v18 =	vld [tilespmem:s9+$0x0];
	v30 =	vsub.f32 v25, v16;
	v21 =	vmul.f32 v17, v19;
	v14 =	vpop (erf);
	(pc) =	sbr.rel @p0 .LBB2_2-.Ltmp2, $4  }
0x55: {  	s8 =	sadd.s32 $0x40, s8;
	v19 =	vadd.s32 s17, v2;
	s17 =	sadd.s32 $0x20, s13;
	v25 =	vmul.f32 v14, v20;
	v14 =	vld [tilespmem:s10+$0x0];
	v13 =	vpop (erf)  }
0x56: {  	v20 =	vor.u32 s17, v2;
	v23 =	vsub.f32 v22, v23;
	v29 =	vmul.f32 v13, v30;
	v17 =	vld.idx.msk [tilespmem:v7+s18+$0x0], $0xffff;
	[tilespmem:s8+$0x10] =	vst v21;
	v16 =	vpop (erf)  }
0x57: {  	v7 =	vmovc v11;
	v11 =	vmov v20;
	v13 =	vld.idx.msk [tilespmem:v9+s18+$0x0], $0xffff;
	v21 =	vsub.f32 v15, v24;
	[tilespmem:s8+$0xFFFFFFE0] =	vst v25;
	v9 =	vmov v27  }
0x58: {  	s17 =	sadd.s32 $0x30, s13;
	s13 =	sadd.s32 $0x40, s13;
	v15 =	vld.idx.msk [tilespmem:v27+s4+$0x0], $0xffff;
	v22 =	vsub.f32 v26, v28;
	v23 =	vadd.f32 $1.192092900e-07, v23;
	[tilespmem:s8+$0xFFFFFFF0] =	vst v29  }
0x59: {  	_ =	sdelay $0x1  }
0x5a: {  	v24 =	vadd.s32 s17, v2  }
0x5b: {  	vm0 =	vlt.s32 v24, $0xFFF  }
0x5c: {  	v8 =	vld.idx.msk [tilespmem:v8+s18+$0x0], $0xffff;
	v24 =	vnsel vm0, $0xFFF, v24  }
0x5d: {  	v25 =	vld.idx.msk [tilespmem:v19+s4+$0x0], $0xffff  }
0x5e: {  	v20 =	vld.idx.msk [tilespmem:v20+s4+$0x0], $0xffff  }
0x5f: {  	v12 =	vld.idx.msk [tilespmem:v12+s18+$0x0], $0xffff;
	s9 =	sadd.s32 $0x40, s9  }
0x60: {  	v28 =	vld [tilespmem:s9+$0x10]  }
0x61: {  	v27 =	vld.idx.msk [tilespmem:v24+s4+$0x0], $0xffff  }
0x62: {  	v29 =	vld [tilespmem:s9+$0xFFFFFFE0]  }
0x63: {  	v30 =	vld [tilespmem:s9+$0xFFFFFFF0]  }
0x64: {  	v31 =	vld [tilespmem:s9+$0x0]  }
0x65: {  	v21 =	vadd.f32 $1.192092900e-07, v21;
	v10 =	vsub.f32 v10, v18;
	v7 =	vld.idx.msk [tilespmem:v7+s18+$0x0], $0xffff;
	(erf) = vrcp.f32 v23  }
0x66: {  	s10 =	sadd.s32 $0x40, s10;
	v9 =	vld.idx.msk [tilespmem:v9+s18+$0x0], $0xffff;
	v22 =	vadd.f32 $1.192092900e-07, v22;
	v51 =	vsub.f32 v27, v28  }
0x67: {  	v26 =	vld [tilespmem:s10+$0x10];
	(erf) = vrcp.f32 v21;
	v10 =	vadd.f32 $1.192092900e-07, v10;
	v15 =	vsub.f32 v15, v29  }
0x68: {  	v50 =	vld [tilespmem:s10+$0xFFFFFFE0];
	(erf) = vrcp.f32 v22;
	v54 =	vsub.f32 v25, v30;
	v23 =	vadd.f32 $1.192092900e-07, v51  }
0x69: {  	v52 =	vld [tilespmem:s10+$0xFFFFFFF0];
	(erf) = vrcp.f32 v10;
	v10 =	vsub.f32 v20, v31;
	v15 =	vadd.f32 $1.192092900e-07, v15  }
0x6a: {  	v53 =	vld [tilespmem:s10+$0x0];
	s30 =	sadd.s32 $0x40, s10;
	v56 =	vadd.f32 $1.192092900e-07, v54;
	(erf) = vrcp.f32 v23  }
0x6b: {  	v57 =	vld [tilespmem:s30+$0x10];
	v10 =	vadd.f32 $1.192092900e-07, v10;
	(erf) = vrcp.f32 v15  }
0x6c: {  	v15 =	vld.idx.msk [tilespmem:v24+s18+$0x0], $0xffff;
	(erf) = vrcp.f32 v56  }
0x6d: {  	v14 =	vsub.f32 v17, v14;
	v12 =	vsub.f32 v12, v26;
	(erf) = vrcp.f32 v10;
	v10 =	vld [tilespmem:s30+$0xFFFFFFE0]  }
0x6e: {  	v55 =	vld.idx.msk [tilespmem:v19+s18+$0x0], $0xffff;
	v59 =	vpop (erf)  }
0x6f: {  	v11 =	vld.idx.msk [tilespmem:v11+s18+$0x0], $0xffff;
	v14 =	vmul.f32 v16, v14;
	v12 =	vmul.f32 v59, v12  }
0x70: {  	s31 =	sadd.s32 $0x40, s8;
	v58 =	vld [tilespmem:s30+$0xFFFFFFF0];
	v13 =	vsub.f32 v13, v50  }
0x71: {  	v60 =	vld [tilespmem:s30+$0x0];
	v8 =	vsub.f32 v8, v52;
	v61 =	vpop (erf);
	[tilespmem:s31+$0x10] =	vst v12;
	v12 =	vsub.f32 v15, v57  }
0x72: {  	v7 =	vsub.f32 v7, v53;
	v62 =	vpop (erf);
	v13 =	vmul.f32 v61, v13;
	v9 =	vsub.f32 v9, v10  }
0x73: {  	[tilespmem:s8+$0x0] =	vst v14;
	v14 =	vpop (erf);
	v8 =	vmul.f32 v62, v8  }
0x74: {  	[tilespmem:s31+$0xFFFFFFE0] =	vst v13;
	v7 =	vmul.f32 v14, v7;
	v10 =	vpop (erf)  }
0x75: {  	[tilespmem:s31+$0xFFFFFFF0] =	vst v8;
	v8 =	vsub.f32 v55, v58;
	v10 =	vmul.f32 v10, v12;
	v12 =	vpop (erf)  }
0x76: {  	s8 =	sadd.s32 $0x40, s31;
	v11 =	vsub.f32 v11, v60;
	[tilespmem:s31+$0x0] =	vst v7;
	v7 =	vmul.f32 v12, v9;
	v9 =	vpop (erf)  }
0x77: {  	[tilespmem:s8+$0x10] =	vst v10;
	v8 =	vmul.f32 v9, v8;
	v9 =	vpop (erf)  }
0x78: {  	[tilespmem:s8+$0xFFFFFFE0] =	vst v7;
	v7 =	vmul.f32 v9, v11  }
0x79: {  	[tilespmem:s8+$0xFFFFFFF0] =	vst v8  }
0x7a: {  	[tilespmem:s8+$0x0] =	vst v7  }
0x7b: {  	v7 =	vld [tilespmem:s7+$0x10]  }
0x7c: {  	v8 =	vld [tilespmem:s0+$0x10]  }
0x7d: {  	v12 =	vld [tilespmem:s7+$0xFFFFFFE0]  }
0x7e: {  	v10 =	vld [tilespmem:s2+$0x10]  }
0x7f: {  	v13 =	vld [tilespmem:s0+$0xFFFFFFE0]  }
0x80: {  	v14 =	vld [tilespmem:s7+$0xFFFFFFF0]  }
0x81: {  	p0 =	por $0x1, $0x1;
	v15 =	vld [tilespmem:s0+$0xFFFFFFF0]  }
.Ltmp3:
0x82: {  	v9 =	vld [tilespmem:s0+$0x0];
	v7 =	vmul.f32 v8, v7;
	(pc) =	sbr.rel @!p0 .LBB2_5-.Ltmp3, $4  }
0x83: {  	v8 =	vld [tilespmem:s7+$0x0]  }
0x84: {  	v11 =	vld [tilespmem:s2+$0xFFFFFFF0];
	v63 =	vsub.f32 v10, v7  }
0x85: {  	v10 =	vld [tilespmem:s2+$0x0]  }
0x86: {  	s9 =	simm.s32 $0x10A0;
	s8 =	simm.s32 $0x20E0;
	s7 =	simm.s32 $0x0;
	v7 =	vmul.f32 v13, v12;
	v12 =	vld [tilespmem:s2+$0xFFFFFFE0];
	v13 =	vmul.f32 v15, v14;
	[tilespmem:s2+$0x10] =	vst v63  }
.LBB2_4:
0x87: {  	v14 =	vld [tilespmem:s8+$0x10];
	s0 =	sadd.s32 $0x40, s0  }
0x88: {  	s7 =	sadd.s32 $0x40, s7;
	v15 =	vld [tilespmem:s0+$0x10];
	v8 =	vmul.f32 v9, v8  }
0x89: {  	s9 =	sadd.s32 $0x40, s9;
	p0 =	slt.u32 s7, $0xFC0;
	v16 =	vld [tilespmem:s8+$0xFFFFFFE0];
	v9 =	vsub.f32 v11, v13  }
0x8a: {  	v11 =	vld [tilespmem:s9+$0x10];
	v8 =	vsub.f32 v10, v8  }
0x8b: {  	v10 =	vld [tilespmem:s0+$0xFFFFFFE0];
	v7 =	vsub.f32 v12, v7;
	[tilespmem:s2+$0xFFFFFFF0] =	vst v9  }
0x8c: {  	v13 =	vld [tilespmem:s8+$0xFFFFFFF0];
	[tilespmem:s2+$0x0] =	vst v8  }
0x8d: {  	v17 =	vld [tilespmem:s0+$0xFFFFFFF0];
	v12 =	vmul.f32 v15, v14;
	[tilespmem:s2+$0xFFFFFFE0] =	vst v7;
	s2 =	smov.u32 s9  }
.Ltmp4:
0x8e: {  	v8 =	vld [tilespmem:s8+$0x0];
	(pc) =	sbr.rel @p0 .LBB2_4-.Ltmp4, $4  }
0x8f: {  	v9 =	vld [tilespmem:s0+$0x0];
	v12 =	vsub.f32 v11, v12  }
0x90: {  	v7 =	vmul.f32 v10, v16;
	v11 =	vld [tilespmem:s9+$0xFFFFFFF0]  }
0x91: {  	v10 =	vld [tilespmem:s9+$0x0];
	[tilespmem:s9+$0x10] =	vst v12  }
0x92: {  	s8 =	sadd.s32 $0x40, s8;
	v12 =	vld [tilespmem:s9+$0xFFFFFFE0];
	v13 =	vmul.f32 v17, v13  }
.LBB2_5:
0x93: {  	_ = 	snop  }
0x94: {  	v8 =	vmul.f32 v9, v8  }
0x95: {  	v9 =	vsub.f32 v11, v13  }
0x96: {  	v8 =	vsub.f32 v10, v8  }
0x97: {  	v7 =	vsub.f32 v12, v7;
	[tilespmem:s2+$0xFFFFFFF0] =	vst v9  }
0x98: {  	[tilespmem:s2+$0x0] =	vst v8  }
0x99: {  	[tilespmem:s2+$0xFFFFFFE0] =	vst v7  }
0x9a: {  	v7 =	vld [tilespmem:$0x0]  }
0x9b: {  	v8 =	vld [tilespmem:$0xFF0];
	_ =	sdelay $0x3  }
0x9c: {  	(v2sf) =	vpush v7, $0x0  }
0x9d: {  	(v2sf) =	vpush v8, $0xF;
	_ =	sdelay $0xd  }
0x9e: {  	s0 =	spop (v2sf)  }
0x9f: {  	s26 =	spop (v2sf)  }
0xa0: {  	s0 =	ssub.f32 s26, s0  }
0xa1: {  	s26 =	simm.s32 $0x30  }
0xa2: {  	v9 =	vadd.s32 s26, v3;
	v8 =	vmov s0  }
0xa3: {  	s2 =	simm.s32 $0x0;
	v9 =	vcvt.s32.f32 v9;
	v15 =	vmul.f32 $2.441406250e-04, v8  }
0xa4: {  	v10 =	vld.idx.msk [tilespmem:v4+s2+$0x0], $0xffff  }
0xa5: {  	v7 =	vbroadcast v7, $0x0;
	v9 =	vmul.f32 v9, v15;
	_ =	sdelay $0x1  }
0xa6: {  	v22 =	vadd.f32 v9, v7;
	_ =	sdelay $0x1  }
0xa7: {  	v18 =	vimm.s32 $0x0;
	vm0 =	vlt.f32 v10, v22  }
0xa8: {  	v9 =	vsel vm0, $0x800, v18  }
0xa9: {  	s21 =	simm.s32 $0x10;
	v11 =	vor.u32 $0x3FF, v9  }
0xaa: {  	v12 =	vadd.s32 s21, v3  }
0xab: {  	v12 =	vcvt.s32.f32 v12  }
0xac: {  	s17 =	simm.s32 $0x20  }
0xad: {  	v14 =	vadd.s32 s17, v3;
	v13 =	vadd.s32 s2, v3;
	v12 =	vmul.f32 v12, v15  }
0xae: {  	v14 =	vcvt.s32.f32 v14;
	v13 =	vcvt.s32.f32 v13;
	v11 =	vld.idx.msk [tilespmem:v11+s2+$0x0], $0xffff  }
0xaf: {  	v20 =	vadd.f32 v12, v7  }
0xb0: {  	v13 =	vmul.f32 v13, v15;
	v14 =	vmul.f32 v14, v15  }
0xb1: {  	vm0 =	vlt.f32 v10, v20  }
0xb2: {  	v19 =	vadd.f32 v13, v7;
	v21 =	vadd.f32 v14, v7;
	v12 =	vsel vm0, $0x800, v18  }
0xb3: {  	v13 =	vor.u32 $0x3FF, v12;
	vm0 =	vlt.f32 v11, v22;
	v11 =	vor.u32 $0x400, v9  }
0xb4: {  	vm1 =	vlt.f32 v10, v21;
	v9 =	vsel vm0, v11, v9  }
0xb5: {  	vm0 =	vlt.f32 v10, v19;
	v10 =	vsel vm1, $0x800, v18;
	v11 =	vor.u32 $0x1FF, v9  }
0xb6: {  	v14 =	vsel vm0, $0x800, v18;
	v16 =	vor.u32 $0x3FF, v10  }
0xb7: {  	v17 =	vor.u32 $0x3FF, v14  }
0xb8: {  	v13 =	vld.idx.msk [tilespmem:v13+s2+$0x0], $0xffff;
	_ =	sdelay $0x1  }
0xb9: {  	v11 =	vld.idx.msk [tilespmem:v11+s2+$0x0], $0xffff  }
0xba: {  	v16 =	vld.idx.msk [tilespmem:v16+s2+$0x0], $0xffff  }
0xbb: {  	v17 =	vld.idx.msk [tilespmem:v17+s2+$0x0], $0xffff  }
0xbc: {  	v23 =	vor.u32 $0x400, v12;
	vm0 =	vlt.f32 v13, v20  }
0xbd: {  	v24 =	vor.u32 $0x400, v10;
	v12 =	vsel vm0, v23, v12  }
0xbe: {  	v13 =	vor.u32 $0x1FF, v12;
	vm0 =	vlt.f32 v11, v22;
	v11 =	vor.u32 $0x200, v9  }
0xbf: {  	v25 =	vor.u32 $0x400, v14;
	vm1 =	vlt.f32 v16, v21;
	v9 =	vsel vm0, v11, v9  }
0xc0: {  	vm0 =	vlt.f32 v17, v19;
	v10 =	vsel vm1, v24, v10;
	v11 =	vor.u32 $0xFF, v9  }
0xc1: {  	v14 =	vsel vm0, v25, v14;
	v16 =	vor.u32 $0x1FF, v10  }
0xc2: {  	v17 =	vor.u32 $0x1FF, v14  }
0xc3: {  	v13 =	vld.idx.msk [tilespmem:v13+s2+$0x0], $0xffff;
	_ =	sdelay $0x1  }
0xc4: {  	v11 =	vld.idx.msk [tilespmem:v11+s2+$0x0], $0xffff  }
0xc5: {  	v16 =	vld.idx.msk [tilespmem:v16+s2+$0x0], $0xffff  }
0xc6: {  	v17 =	vld.idx.msk [tilespmem:v17+s2+$0x0], $0xffff  }
0xc7: {  	v23 =	vor.u32 $0x200, v12;
	vm0 =	vlt.f32 v13, v20  }
0xc8: {  	v25 =	vor.u32 $0x200, v10;
	v12 =	vsel vm0, v23, v12  }
0xc9: {  	v13 =	vor.u32 $0xFF, v12;
	vm0 =	vlt.f32 v11, v22;
	v11 =	vor.u32 $0x100, v9  }
0xca: {  	v24 =	vor.u32 $0x200, v14;
	vm1 =	vlt.f32 v16, v21;
	v9 =	vsel vm0, v11, v9  }
0xcb: {  	vm0 =	vlt.f32 v17, v19;
	v10 =	vsel vm1, v25, v10;
	v11 =	vadd.s32 $0x7F, v9  }
0xcc: {  	v14 =	vsel vm0, v24, v14;
	v16 =	vor.u32 $0xFF, v10  }
0xcd: {  	v17 =	vor.u32 $0xFF, v14  }
0xce: {  	v13 =	vld.idx.msk [tilespmem:v13+s2+$0x0], $0xffff;
	_ =	sdelay $0x1  }
0xcf: {  	v11 =	vld.idx.msk [tilespmem:v11+s2+$0x0], $0xffff  }
0xd0: {  	v16 =	vld.idx.msk [tilespmem:v16+s2+$0x0], $0xffff  }
0xd1: {  	v17 =	vld.idx.msk [tilespmem:v17+s2+$0x0], $0xffff  }
0xd2: {  	v23 =	vor.u32 $0x100, v12;
	vm0 =	vlt.f32 v13, v20  }
0xd3: {  	v25 =	vor.u32 $0x100, v10;
	v12 =	vsel vm0, v23, v12  }
0xd4: {  	v13 =	vadd.s32 $0x7F, v12;
	vm0 =	vlt.f32 v11, v22;
	v11 =	vadd.s32 $0x80, v9  }
0xd5: {  	v24 =	vor.u32 $0x100, v14;
	vm1 =	vlt.f32 v16, v21;
	v9 =	vsel vm0, v11, v9  }
0xd6: {  	vm0 =	vlt.f32 v17, v19;
	v10 =	vsel vm1, v25, v10;
	v11 =	vadd.s32 $0x3F, v9  }
0xd7: {  	v14 =	vsel vm0, v24, v14;
	v16 =	vadd.s32 $0x7F, v10  }
0xd8: {  	v17 =	vadd.s32 $0x7F, v14  }
0xd9: {  	s20 =	simm.s32 $0x40;
	v13 =	vld.idx.msk [tilespmem:v13+s2+$0x0], $0xffff  }
0xda: {  	s0 =	simm.s32 $0x60;
	v23 =	vadd.s32 s20, v3  }
0xdb: {  	s8 =	simm.s32 $0x70;
	v28 =	vadd.s32 s0, v3;
	v23 =	vcvt.s32.f32 v23;
	v11 =	vld.idx.msk [tilespmem:v11+s2+$0x0], $0xffff  }
0xdc: {  	s31 =	simm.s32 $0x50;
	v29 =	vadd.s32 s8, v3;
	v28 =	vcvt.s32.f32 v28;
	v16 =	vld.idx.msk [tilespmem:v16+s2+$0x0], $0xffff  }
0xdd: {  	v23 =	vmul.f32 v23, v15;
	v25 =	vadd.s32 s31, v3;
	v24 =	vadd.s32 $0x80, v12;
	v17 =	vld.idx.msk [tilespmem:v17+s2+$0x0], $0xffff  }
0xde: {  	v27 =	vadd.s32 $0x80, v10;
	v25 =	vcvt.s32.f32 v25;
	vm0 =	vlt.f32 v13, v20  }
0xdf: {  	v13 =	vcvt.s32.f32 v29;
	v26 =	vadd.s32 $0x80, v14;
	v12 =	vsel vm0, v24, v12  }
0xe0: {  	v29 =	vld.idx.msk [tilespmem:v4+s2+$0x0], $0xffff;
	v25 =	vmul.f32 v25, v15;
	vm1 =	vlt.f32 v11, v22;
	v11 =	vadd.s32 $0x40, v9  }
0xe1: {  	v13 =	vmul.f32 v13, v15;
	v30 =	vadd.s32 $0x3F, v12;
	v24 =	vsel vm1, v11, v9  }
0xe2: {  	vm0 =	vlt.f32 v16, v21;
	vm1 =	vlt.f32 v17, v19;
	v16 =	vadd.s32 $0x1F, v24  }
0xe3: {  	v27 =	vsel vm0, v27, v10;
	v17 =	vadd.f32 v13, v7;
	v9 =	vmul.f32 v28, v15  }
0xe4: {  	v11 =	vadd.f32 v25, v7;
	v13 =	vsel vm1, v26, v14;
	v14 =	vadd.s32 $0x3F, v27  }
0xe5: {  	v26 =	vadd.s32 $0x3F, v13;
	vm0 =	vlt.f32 v29, v17;
	v9 =	vadd.f32 v9, v7  }
0xe6: {  	v10 =	vadd.f32 v23, v7;
	v25 =	vsel vm0, $0x800, v18  }
0xe7: {  	vm0 =	vlt.f32 v29, v11;
	v23 =	vor.u32 $0x3FF, v25;
	vm1 =	vlt.f32 v29, v9;
	v16 =	vld.idx.msk [tilespmem:v16+s2+$0x0], $0xffff  }
0xe8: {  	v28 =	vld.idx.msk [tilespmem:v30+s2+$0x0], $0xffff;
	v30 =	vsel vm0, $0x800, v18;
	vm0 =	vlt.f32 v29, v10;
	v29 =	vsel vm1, $0x800, v18  }
0xe9: {  	v14 =	vld.idx.msk [tilespmem:v14+s2+$0x0], $0xffff;
	v33 =	vor.u32 $0x3FF, v29  }
0xea: {  	v31 =	vor.u32 $0x3FF, v30;
	v32 =	vsel vm0, $0x800, v18;
	v26 =	vld.idx.msk [tilespmem:v26+s2+$0x0], $0xffff  }
0xeb: {  	v34 =	vadd.s32 $0x40, v12;
	v35 =	vor.u32 $0x3FF, v32  }
0xec: {  	v37 =	vadd.s32 $0x40, v27;
	vm0 =	vlt.f32 v16, v22;
	v16 =	vadd.s32 $0x20, v24  }
0xed: {  	v36 =	vadd.s32 $0x40, v13;
	vm1 =	vlt.f32 v28, v20;
	v23 =	vld.idx.msk [tilespmem:v23+s2+$0x0], $0xffff;
	v16 =	vsel vm0, v16, v24  }
0xee: {  	v12 =	vsel vm1, v34, v12;
	v28 =	vld.idx.msk [tilespmem:v33+s2+$0x0], $0xffff;
	vm0 =	vlt.f32 v14, v21;
	v24 =	vadd.s32 $0xF, v16  }
0xef: {  	v14 =	vld.idx.msk [tilespmem:v31+s2+$0x0], $0xffff;
	vm1 =	vlt.f32 v26, v19;
	v26 =	vsel vm0, v37, v27;
	v27 =	vadd.s32 $0x1F, v12  }
0xf0: {  	v51 =	vld.idx.msk [tilespmem:v35+s2+$0x0], $0xffff;
	v13 =	vsel vm1, v36, v13;
	v31 =	vadd.s32 $0x1F, v26  }
0xf1: {  	v52 =	vadd.s32 $0x1F, v13  }
0xf2: {  	vm0 =	vlt.f32 v23, v17;
	v23 =	vor.u32 $0x400, v25  }
0xf3: {  	v53 =	vor.u32 $0x400, v30;
	v56 =	vadd.s32 $0x20, v12;
	v23 =	vsel vm0, v23, v25;
	v24 =	vld.idx.msk [tilespmem:v24+s2+$0x0], $0xffff  }
0xf4: {  	v25 =	vor.u32 $0x400, v29;
	v54 =	vor.u32 $0x1FF, v23;
	vm0 =	vlt.f32 v14, v11;
	v27 =	vld.idx.msk [tilespmem:v27+s2+$0x0], $0xffff  }
0xf5: {  	vm1 =	vlt.f32 v51, v10;
	v30 =	vsel vm0, v53, v30;
	vm0 =	vlt.f32 v28, v9;
	v28 =	vld.idx.msk [tilespmem:v31+s2+$0x0], $0xffff  }
0xf6: {  	v14 =	vor.u32 $0x400, v32;
	v31 =	vor.u32 $0x1FF, v30;
	v25 =	vsel vm0, v25, v29;
	v29 =	vld.idx.msk [tilespmem:v52+s2+$0x0], $0xffff  }
0xf7: {  	v58 =	vadd.s32 $0x20, v13;
	v14 =	vsel vm1, v14, v32;
	v55 =	vor.u32 $0x1FF, v25  }
0xf8: {  	v57 =	vor.u32 $0x1FF, v14;
	vm0 =	vlt.f32 v24, v22;
	v24 =	vadd.s32 $0x10, v16  }
0xf9: {  	v37 =	vadd.s32 $0x20, v26;
	v36 =	vld.idx.msk [tilespmem:v54+s2+$0x0], $0xffff;
	vm1 =	vlt.f32 v27, v20;
	v16 =	vsel vm0, v24, v16  }
0xfa: {  	v12 =	vsel vm1, v56, v12;
	vm0 =	vlt.f32 v28, v21;
	v27 =	vadd.s32 $0x7, v16  }
0xfb: {  	v24 =	vld.idx.msk [tilespmem:v31+s2+$0x0], $0xffff;
	vm1 =	vlt.f32 v29, v19;
	v26 =	vsel vm0, v37, v26;
	v29 =	vadd.s32 $0xF, v12  }
0xfc: {  	v28 =	vld.idx.msk [tilespmem:v55+s2+$0x0], $0xffff;
	v13 =	vsel vm1, v58, v13;
	v31 =	vadd.s32 $0xF, v26  }
0xfd: {  	v59 =	vld.idx.msk [tilespmem:v57+s2+$0x0], $0xffff;
	v60 =	vadd.s32 $0xF, v13  }
0xfe: {  	v61 =	vor.u32 $0x200, v23;
	vm0 =	vlt.f32 v36, v17  }
0xff: {  	v62 =	vor.u32 $0x200, v30;
	v63 =	vor.u32 $0x200, v14;
	v23 =	vsel vm0, v61, v23;
	v27 =	vld.idx.msk [tilespmem:v27+s2+$0x0], $0xffff  }
0x100: {  	v42 =	vadd.s32 $0x10, v12;
	v40 =	vor.u32 $0xFF, v23;
	vm0 =	vlt.f32 v24, v11;
	v29 =	vld.idx.msk [tilespmem:v29+s2+$0x0], $0xffff  }
0x101: {  	v24 =	vor.u32 $0x200, v25;
	v30 =	vsel vm0, v62, v30;
	vm0 =	vlt.f32 v28, v9;
	v28 =	vld.idx.msk [tilespmem:v31+s2+$0x0], $0xffff  }
0x102: {  	v43 =	vadd.s32 $0x10, v26;
	vm1 =	vlt.f32 v59, v10;
	v24 =	vsel vm0, v24, v25;
	v25 =	vld.idx.msk [tilespmem:v60+s2+$0x0], $0xffff  }
0x103: {  	v44 =	vadd.s32 $0x10, v13;
	v14 =	vsel vm1, v63, v14;
	v31 =	vor.u32 $0xFF, v30  }
0x104: {  	v47 =	vor.u32 $0x100, v23;
	v34 =	vor.u32 $0xFF, v14;
	v41 =	vor.u32 $0xFF, v24  }
0x105: {  	v49 =	vor.u32 $0x100, v14;
	vm0 =	vlt.f32 v27, v22;
	v27 =	vadd.s32 $0x8, v16  }
0x106: {  	v50 =	vor.u32 $0x100, v24;
	v36 =	vld.idx.msk [tilespmem:v40+s2+$0x0], $0xffff;
	vm1 =	vlt.f32 v29, v20;
	v16 =	vsel vm0, v27, v16  }
0x107: {  	s13 =	simm.s32 $0xA0;
	v12 =	vsel vm1, v42, v12;
	vm0 =	vlt.f32 v28, v21;
	vm1 =	vlt.f32 v25, v19  }
0x108: {  	v27 =	vld.idx.msk [tilespmem:v31+s2+$0x0], $0xffff;
	v31 =	vor.u32 $0x100, v30;
	v42 =	vadd.s32 s13, v3;
	v28 =	vadd.s32 $0x3, v16  }
0x109: {  	v29 =	vld.idx.msk [tilespmem:v41+s2+$0x0], $0xffff;
	v25 =	vadd.s32 $0x7, v12;
	v26 =	vsel vm0, v43, v26;
	v13 =	vsel vm1, v44, v13  }
0x10a: {  	v45 =	vld.idx.msk [tilespmem:v34+s2+$0x0], $0xffff;
	v51 =	vadd.s32 $0x8, v12;
	v42 =	vcvt.s32.f32 v42;
	v46 =	vadd.s32 $0x7, v26  }
0x10b: {  	vm0 =	vlt.f32 v36, v17;
	v48 =	vadd.s32 $0x7, v13;
	v38 =	vadd.s32 $0x8, v13  }
0x10c: {  	v40 =	vadd.s32 $0x8, v26;
	v23 =	vsel vm0, v47, v23;
	v42 =	vmul.f32 v42, v15  }
0x10d: {  	s7 =	simm.s32 $0x80;
	v39 =	vadd.s32 $0x7F, v23;
	v59 =	vadd.s32 $0x80, v23;
	vm0 =	vlt.f32 v27, v11;
	v28 =	vld.idx.msk [tilespmem:v28+s2+$0x0], $0xffff  }
0x10e: {  	v27 =	vadd.s32 s7, v3;
	v25 =	vld.idx.msk [tilespmem:v25+s2+$0x0], $0xffff;
	v30 =	vsel vm0, v31, v30;
	vm0 =	vlt.f32 v29, v9  }
0x10f: {  	vm1 =	vlt.f32 v45, v10;
	v29 =	vld.idx.msk [tilespmem:v46+s2+$0x0], $0xffff;
	v31 =	vadd.s32 $0x7F, v30;
	v24 =	vsel vm0, v50, v24  }
0x110: {  	v14 =	vsel vm1, v49, v14;
	v27 =	vcvt.s32.f32 v27;
	v52 =	vld.idx.msk [tilespmem:v48+s2+$0x0], $0xffff;
	v54 =	vadd.s32 $0x7F, v24  }
0x111: {  	v53 =	vadd.s32 $0x80, v30;
	v36 =	vadd.s32 $0x7F, v14;
	v55 =	vadd.s32 $0x80, v14  }
0x112: {  	v41 =	vadd.s32 $0x80, v24;
	v39 =	vld.idx.msk [tilespmem:v39+s2+$0x0], $0xffff;
	vm0 =	vlt.f32 v28, v22;
	v28 =	vadd.s32 $0x4, v16  }
0x113: {  	v27 =	vmul.f32 v27, v15;
	vm1 =	vlt.f32 v25, v20;
	v16 =	vsel vm0, v28, v16  }
0x114: {  	v28 =	vsel vm1, v51, v12;
	v12 =	vld.idx.msk [tilespmem:v31+s2+$0x0], $0xffff;
	vm0 =	vlt.f32 v29, v21;
	v29 =	vadd.s32 $0x1, v16  }
0x115: {  	s9 =	simm.s32 $0x90;
	vm1 =	vlt.f32 v52, v19;
	v31 =	vld.idx.msk [tilespmem:v54+s2+$0x0], $0xffff;
	v56 =	vadd.s32 $0x3, v28;
	v26 =	vsel vm0, v40, v26  }
0x116: {  	v25 =	vadd.s32 s9, v3;
	v57 =	vsel vm1, v38, v13;
	v13 =	vld.idx.msk [tilespmem:v36+s2+$0x0], $0xffff;
	v60 =	vadd.s32 $0x3, v26  }
0x117: {  	v25 =	vcvt.s32.f32 v25;
	vm0 =	vlt.f32 v39, v17;
	v61 =	vadd.s32 $0x3, v57  }
0x118: {  	v58 =	vadd.s32 $0x4, v28;
	v62 =	vadd.s32 $0x4, v57;
	v23 =	vsel vm0, v59, v23  }
0x119: {  	v40 =	vadd.s32 $0x4, v26;
	v43 =	vadd.s32 $0x3F, v23;
	vm0 =	vlt.f32 v12, v11;
	v29 =	vld.idx.msk [tilespmem:v29+s2+$0x0], $0xffff  }
0x11a: {  	v25 =	vmul.f32 v25, v15;
	v12 =	vadd.f32 v27, v7;
	v32 =	vld.idx.msk [tilespmem:v56+s2+$0x0], $0xffff;
	v30 =	vsel vm0, v53, v30  }
0x11b: {  	vm0 =	vlt.f32 v31, v9;
	vm1 =	vlt.f32 v13, v10;
	v13 =	vadd.s32 $0x2, v16;
	v31 =	vld.idx.msk [tilespmem:v60+s2+$0x0], $0xffff  }
0x11c: {  	v33 =	vadd.s32 $0x3F, v30;
	v24 =	vsel vm0, v41, v24;
	v37 =	vsel vm1, v55, v14;
	v14 =	vld.idx.msk [tilespmem:v61+s2+$0x0], $0xffff  }
0x11d: {  	v56 =	vmov s26;
	v63 =	vadd.s32 $0x40, v30;
	v48 =	vadd.s32 $0x3F, v24  }
0x11e: {  	v49 =	vadd.s32 $0x3F, v37;
	v44 =	vadd.s32 $0x40, v37;
	v43 =	vld.idx.msk [tilespmem:v43+s2+$0x0], $0xffff;
	vm0 =	vlt.f32 v29, v22  }
0x11f: {  	v45 =	vadd.s32 $0x40, v24;
	vm1 =	vlt.f32 v32, v20;
	v27 =	vsel vm0, v13, v16  }
0x120: {  	s10 =	simm.s32 $0xB0;
	v13 =	vadd.f32 v25, v7;
	v28 =	vsel vm1, v58, v28;
	vm0 =	vlt.f32 v31, v21  }
0x121: {  	v25 =	vld.idx.msk [tilespmem:v33+s2+$0x0], $0xffff;
	v16 =	vadd.s32 s10, v3;
	vm1 =	vlt.f32 v14, v19;
	v26 =	vsel vm0, v40, v26  }
0x122: {  	v31 =	vld.idx.msk [tilespmem:v4+s2+$0x0], $0xffff;
	v14 =	vcvt.s32.f32 v16;
	v32 =	vsel vm1, v62, v57;
	v16 =	vadd.s32 $0x40, v23  }
0x123: {  	v29 =	vld.idx.msk [tilespmem:v48+s2+$0x0], $0xffff;
	v50 =	vadd.s32 $0x1, v28;
	v40 =	vadd.s32 $0x2, v28;
	vm0 =	vlt.f32 v43, v17  }
0x124: {  	v51 =	vadd.s32 $0x1, v26;
	v14 =	vmul.f32 v14, v15;
	v23 =	vsel vm0, v16, v23  }
0x125: {  	v52 =	vadd.s32 $0x1, v32;
	v43 =	vadd.s32 $0x2, v26;
	v54 =	vadd.s32 $0x1F, v23  }
0x126: {  	v59 =	vadd.s32 $0x20, v23;
	v16 =	vadd.f32 v14, v7;
	vm0 =	vlt.f32 v25, v11  }
0x127: {  	v53 =	vld.idx.msk [tilespmem:v27+s2+$0x0], $0xffff;
	v25 =	vadd.s32 $0x2, v32;
	v14 =	vadd.f32 v42, v7;
	vm1 =	vlt.f32 v31, v13  }
0x128: {  	vm3 =	vlt.f32 v31, v12;
	v30 =	vsel vm0, v63, v30;
	vm0 =	vlt.f32 v29, v9  }
0x129: {  	v38 =	vsel vm1, $0x800, v18;
	v46 =	vsel vm3, $0x800, v18;
	vm2 =	vlt.f32 v31, v16  }
0x12a: {  	v29 =	vld.idx.msk [tilespmem:v49+s2+$0x0], $0xffff;
	vm4 =	vlt.f32 v31, v14;
	v57 =	vor.u32 $0x3FF, v38;
	v47 =	vor.u32 $0x3FF, v46  }
0x12b: {  	v34 =	vld.idx.msk [tilespmem:v51+s2+$0x0], $0xffff;
	v48 =	vor.u32 $0x400, v38;
	v24 =	vsel vm0, v45, v24;
	v31 =	vsel vm2, $0x800, v18  }
0x12c: {  	v60 =	vadd.s32 $0x1F, v30;
	v55 =	vor.u32 $0x3FF, v31;
	v39 =	vld.idx.msk [tilespmem:v54+s2+$0x0], $0xffff;
	vm1 =	vlt.f32 v53, v22  }
0x12d: {  	v35 =	vld.idx.msk [tilespmem:v52+s2+$0x0], $0xffff;
	v45 =	vadd.s32 $0x20, v30;
	v41 =	vsel vm4, $0x800, v18;
	v22 =	vsel vm1, $0x1, v5  }
0x12e: {  	v61 =	vadd.s32 $0x1F, v24;
	v63 =	vadd.s32 $0x20, v24;
	v22 =	vadd.s32 v22, v27;
	v27 =	vld.idx.msk [tilespmem:v50+s2+$0x0], $0xffff  }
0x12f: {  	v58 =	vor.u32 $0x3FF, v41;
	v49 =	vor.u32 $0x400, v41;
	vm1 =	vlt.u32 v56, $0x1000;
	v47 =	vld.idx.msk [tilespmem:v47+s2+$0x0], $0xffff  }
0x130: {  	v50 =	vor.u32 $0x400, v46;
	v33 =	vld.idx.msk [tilespmem:v57+s2+$0x0], $0xffff;
	v22 =	vnsel vm1, $0x1000, v22;
	vm1 =	vlt.f32 v29, v10  }
0x131: {  	v57 =	vmov s17;
	v29 =	vld.idx.msk [tilespmem:v55+s2+$0x0], $0xffff;
	v36 =	vsel vm1, v44, v37;
	vm0 =	vlt.f32 v39, v17  }
0x132: {  	vm1 =	vlt.f32 v35, v19;
	v55 =	vmov s21;
	v23 =	vsel vm0, v59, v23  }
0x133: {  	v62 =	vadd.s32 $0x1F, v36;
	v52 =	vadd.s32 $0x20, v36;
	v51 =	vadd.s32 $0xF, v23  }
0x134: {  	v25 =	vsel vm1, v25, v32;
	vm0 =	vlt.f32 v27, v20;
	vm9 =	vlt.f32 v47, v12  }
0x135: {  	v27 =	vld.idx.msk [tilespmem:v58+s2+$0x0], $0xffff;
	v28 =	vsel vm0, v40, v28;
	vm0 =	vlt.f32 v34, v21;
	v37 =	vsel vm9, v50, v46  }
0x136: {  	v53 =	vld.idx.msk [tilespmem:v60+s2+$0x0], $0xffff;
	vm2 =	vlt.f32 v29, v16;
	v29 =	vor.u32 $0x400, v31;
	v26 =	vsel vm0, v43, v26  }
0x137: {  	vm1 =	vlt.u32 v55, $0x1000;
	v60 =	vor.u32 $0x1FF, v37;
	v29 =	vsel vm2, v29, v31  }
0x138: {  	v31 =	vmov s2;
	vm2 =	vlt.f32 v33, v13;
	v54 =	vor.u32 $0x1FF, v29;
	v56 =	vld.idx.msk [tilespmem:v51+s2+$0x0], $0xffff  }
0x139: {  	v46 =	vor.u32 $0x200, v37;
	vm0 =	vlt.u32 v31, $0x1000;
	v31 =	vld.idx.msk [tilespmem:v61+s2+$0x0], $0xffff;
	v38 =	vsel vm2, v48, v38  }
0x13a: {  	vm2 =	vlt.u32 v57, $0x1000;
	vm3 =	vlt.f32 v27, v14;
	v27 =	vld.idx.msk [tilespmem:v62+s2+$0x0], $0xffff;
	v58 =	vor.u32 $0x1FF, v38  }
0x13b: {  	v39 =	vor.u32 $0x200, v38;
	v35 =	vsel vm3, v49, v41;
	vm3 =	vlt.f32 v53, v11;
	v61 =	vld.idx.msk [tilespmem:v26+s2+$0x0], $0xffff  }
0x13c: {  	v62 =	vadd.s32 $0x10, v23;
	v59 =	vor.u32 $0x1FF, v35;
	v30 =	vsel vm3, v45, v30;
	v44 =	vld.idx.msk [tilespmem:v60+s2+$0x0], $0xffff  }
0x13d: {  	v47 =	vor.u32 $0x200, v35;
	v53 =	vadd.s32 $0xF, v30;
	v32 =	vld.idx.msk [tilespmem:v54+s2+$0x0], $0xffff;
	vm10 =	vlt.f32 v56, v17  }
0x13e: {  	v57 =	vadd.s32 $0x10, v30;
	vm3 =	vlt.f32 v31, v9;
	v31 =	vld.idx.msk [tilespmem:v25+s2+$0x0], $0xffff;
	v23 =	vsel vm10, v62, v23  }
0x13f: {  	v41 =	vld.idx.msk [tilespmem:v28+s2+$0x0], $0xffff;
	vm11 =	vlt.f32 v27, v10;
	v24 =	vsel vm3, v63, v24;
	v63 =	vadd.s32 $0x7, v23  }
0x140: {  	v27 =	vld.idx.msk [tilespmem:v58+s2+$0x0], $0xffff;
	v36 =	vsel vm11, v52, v36;
	v55 =	vadd.s32 $0xF, v24;
	v58 =	vadd.s32 $0x10, v24  }
0x141: {  	v54 =	vld.idx.msk [tilespmem:v59+s2+$0x0], $0xffff;
	v56 =	vadd.s32 $0xF, v36;
	v59 =	vor.u32 $0x200, v29;
	vm12 =	vlt.f32 v61, v21  }
0x142: {  	v60 =	vadd.s32 $0x10, v36;
	vm13 =	vlt.f32 v44, v12;
	v61 =	vsel vm12, $0x1, v5  }
0x143: {  	v37 =	vsel vm13, v46, v37;
	vm3 =	vlt.f32 v32, v16;
	vm5 =	vlt.f32 v31, v19  }
0x144: {  	v26 =	vadd.s32 v61, v26;
	v29 =	vsel vm3, v59, v29;
	vm3 =	vlt.f32 v41, v20  }
0x145: {  	v20 =	vor.u32 $0xFF, v29;
	v19 =	vld.idx.msk [tilespmem:v63+s2+$0x0], $0xffff;
	v21 =	vsel vm3, $0x1, v5;
	vm3 =	vlt.f32 v27, v13  }
0x146: {  	v31 =	vld.idx.msk [tilespmem:v53+s2+$0x0], $0xffff;
	v53 =	vor.u32 $0xFF, v37;
	v26 =	vnsel vm2, $0x1000, v26;
	v62 =	vsel vm3, v39, v38  }
0x147: {  	v63 =	vld.idx.msk [tilespmem:v55+s2+$0x0], $0xffff;
	vm3 =	vlt.f32 v54, v14;
	v21 =	vadd.s32 v21, v28;
	v28 =	vor.u32 $0xFF, v62  }
0x148: {  	v27 =	vsel vm5, $0x1, v5;
	v50 =	vld.idx.msk [tilespmem:v56+s2+$0x0], $0xffff;
	v54 =	vor.u32 $0x100, v37;
	v35 =	vsel vm3, v47, v35  }
0x149: {  	v51 =	vor.u32 $0x100, v62;
	v21 =	vnsel vm1, $0x1000, v21;
	v52 =	vor.u32 $0xFF, v35  }
0x14a: {  	v55 =	vor.u32 $0x100, v35;
	v20 =	vld.idx.msk [tilespmem:v20+s2+$0x0], $0xffff;
	vm3 =	vlt.f32 v19, v17;
	v19 =	vadd.s32 $0x8, v23  }
0x14b: {  	vm14 =	vlt.f32 v31, v11;
	v19 =	vsel vm3, v19, v23;
	v23 =	vadd.s32 v27, v25  }
0x14c: {  	v25 =	vsel vm14, v57, v30;
	vm3 =	vlt.f32 v63, v9;
	v27 =	vld.idx.msk [tilespmem:v28+s2+$0x0], $0xffff;
	v28 =	vadd.s32 $0x3, v19  }
0x14d: {  	s17 =	simm.s32 $0xD0;
	vm15 =	vlt.f32 v50, v10;
	v57 =	vld.idx.msk [tilespmem:v53+s2+$0x0], $0xffff;
	v30 =	vadd.s32 $0x7, v25;
	v24 =	vsel vm3, v58, v24  }
0x14e: {  	v53 =	vadd.s32 s17, v3;
	v32 =	vsel vm15, v60, v36;
	v31 =	vld.idx.msk [tilespmem:v52+s2+$0x0], $0xffff;
	v58 =	vadd.s32 $0x7, v24  }
0x14f: {  	v59 =	vadd.s32 $0x7, v32;
	vm3 =	vlt.f32 v20, v16;
	v20 =	vor.u32 $0x100, v29  }
0x150: {  	v56 =	vadd.s32 $0x8, v25;
	v60 =	vadd.s32 $0x8, v32;
	v20 =	vsel vm3, v20, v29  }
0x151: {  	s26 =	simm.s32 $0xC0;
	v29 =	vadd.s32 $0x8, v24;
	v61 =	vadd.s32 $0x7F, v20;
	v28 =	vld.idx.msk [tilespmem:v28+s2+$0x0], $0xffff;
	vm1 =	vlt.f32 v27, v13  }
0x152: {  	v27 =	vnsel vm0, $0x1000, v23;
	v23 =	vld.idx.msk [tilespmem:v30+s2+$0x0], $0xffff;
	v30 =	vadd.s32 s26, v3;
	v40 =	vsel vm1, v51, v62  }
0x153: {  	s29 =	simm.s32 $0xE0;
	vm0 =	vlt.f32 v31, v14;
	v31 =	vld.idx.msk [tilespmem:v58+s2+$0x0], $0xffff;
	vm1 =	vlt.f32 v57, v12;
	v52 =	vcvt.s32.f32 v30  }
0x154: {  	v62 =	vld.idx.msk [tilespmem:v59+s2+$0x0], $0xffff;
	v58 =	vadd.s32 s29, v3;
	v34 =	vadd.s32 $0x7F, v40;
	v35 =	vsel vm0, v55, v35  }
0x155: {  	v37 =	vsel vm1, v54, v37;
	v38 =	vadd.s32 $0x80, v40;
	v63 =	vadd.s32 $0x7F, v35  }
0x156: {  	v43 =	vadd.s32 $0x7F, v37;
	v44 =	vadd.s32 $0x80, v37;
	v45 =	vadd.s32 $0x80, v35  }
0x157: {  	v42 =	vld.idx.msk [tilespmem:v61+s2+$0x0], $0xffff;
	vm0 =	vlt.f32 v28, v17;
	v28 =	vadd.s32 $0x4, v19;
	vm1 =	vlt.f32 v23, v11  }
0x158: {  	v46 =	vmul.f32 v52, v15;
	v19 =	vsel vm0, v28, v19;
	v48 =	vsel vm1, v56, v25  }
0x159: {  	vm0 =	vlt.f32 v31, v9;
	vm1 =	vlt.f32 v62, v10;
	v23 =	vadd.s32 $0x1, v19;
	v25 =	vld.idx.msk [tilespmem:v34+s2+$0x0], $0xffff  }
0x15a: {  	v56 =	vadd.s32 $0x80, v20;
	v28 =	vadd.s32 $0x3, v48;
	v29 =	vsel vm0, v29, v24;
	v24 =	vld.idx.msk [tilespmem:v63+s2+$0x0], $0xffff  }
0x15b: {  	s28 =	simm.s32 $0x30A0;
	v30 =	vsel vm1, v60, v32;
	v54 =	vadd.s32 $0x4, v48;
	v31 =	vadd.s32 $0x3, v29;
	v55 =	vld.idx.msk [tilespmem:v43+s2+$0x0], $0xffff  }
0x15c: {  	[tilespmem:s28+$0xFFFFFFF0] =	vst v21;
	v21 =	vadd.s32 $0x2, v19;
	v57 =	vadd.s32 $0x3, v30;
	vm0 =	vlt.f32 v42, v16  }
0x15d: {  	v32 =	vadd.s32 $0x4, v30;
	v33 =	vadd.s32 $0x4, v29;
	v34 =	vsel vm0, v56, v20  }
0x15e: {  	v42 =	vcvt.s32.f32 v58;
	v59 =	vadd.s32 $0x3F, v34;
	v60 =	vld.idx.msk [tilespmem:v23+s2+$0x0], $0xffff;
	vm0 =	vlt.f32 v25, v13  }
0x15f: {  	v20 =	vcvt.s32.f32 v53;
	v61 =	vld.idx.msk [tilespmem:v28+s2+$0x0], $0xffff;
	v28 =	vsel vm0, v38, v40;
	vm0 =	vlt.f32 v24, v14  }
0x160: {  	[tilespmem:s28+$0x10] =	vst v22;
	v63 =	vld.idx.msk [tilespmem:v31+s2+$0x0], $0xffff;
	vm1 =	vlt.f32 v55, v12;
	v22 =	vadd.s32 $0x3F, v28;
	v23 =	vsel vm0, v45, v35  }
0x161: {  	v62 =	vmul.f32 v20, v15;
	v38 =	vld.idx.msk [tilespmem:v57+s2+$0x0], $0xffff;
	v24 =	vsel vm1, v44, v37;
	v37 =	vadd.s32 $0x3F, v23  }
0x162: {  	v40 =	vmul.f32 v42, v15;
	v20 =	vadd.f32 v46, v7;
	v31 =	vadd.s32 $0x40, v28  }
0x163: {  	[tilespmem:s28+$0x0] =	vst v26;
	v35 =	vadd.s32 $0x3F, v24;
	v25 =	vadd.s32 $0x40, v24;
	vm0 =	vlt.f32 v60, v17;
	v39 =	vld.idx.msk [tilespmem:v59+s2+$0x0], $0xffff  }
0x164: {  	[tilespmem:s28+$0xFFFFFFE0] =	vst v27;
	v26 =	vadd.s32 $0x40, v23;
	vm1 =	vlt.f32 v61, v11;
	v27 =	vsel vm0, v21, v19  }
0x165: {  	s30 =	simm.s32 $0xF0;
	s21 =	simm.s32 $0x100;
	v19 =	vadd.f32 v62, v7;
	vm0 =	vlt.f32 v63, v9;
	v36 =	vld.idx.msk [tilespmem:v22+s2+$0x0], $0xffff;
	v22 =	vsel vm1, v54, v48  }
.LBB2_6:
0x166: {  	p0 =	slt.u32 s21, $0x1000;
	v21 =	vadd.s32 s30, v3;
	v37 =	vld.idx.msk [tilespmem:v37+s2+$0x0], $0xffff;
	vm1 =	vlt.f32 v38, v10;
	v29 =	vsel vm0, v33, v29  }
0x167: {  	v33 =	vld.idx.msk [tilespmem:v4+s2+$0x0], $0xffff;
	v21 =	vcvt.s32.f32 v21;
	v30 =	vsel vm1, v32, v30;
	v32 =	vadd.s32 $0x1, v22  }
0x168: {  	v38 =	vadd.s32 $0x40, v34;
	vm0 =	vlt.f32 v39, v16;
	v39 =	vadd.s32 $0x1, v29;
	v35 =	vld.idx.msk [tilespmem:v35+s2+$0x0], $0xffff  }
0x169: {  	v34 =	vsel vm0, v38, v34;
	v38 =	vadd.s32 $0x1, v30;
	v21 =	vmul.f32 v21, v15;
	v41 =	vld.idx.msk [tilespmem:v27+s2+$0x0], $0xffff  }
0x16a: {  	v43 =	vadd.s32 $0x2, v22;
	v44 =	vadd.s32 $0x2, v29;
	v42 =	vadd.s32 $0x1F, v34  }
0x16b: {  	vm0 =	vlt.f32 v36, v13;
	v36 =	vadd.s32 $0x2, v30;
	v45 =	vadd.f32 v21, v7  }
0x16c: {  	v21 =	vadd.f32 v40, v7;
	v28 =	vsel vm0, v31, v28;
	vm0 =	vlt.f32 v37, v14;
	v31 =	vld.idx.msk [tilespmem:v32+s2+$0x0], $0xffff  }
0x16d: {  	vm1 =	vlt.f32 v33, v19;
	vm2 =	vlt.f32 v33, v45;
	v32 =	vld.idx.msk [tilespmem:v39+s2+$0x0], $0xffff  }
0x16e: {  	vm3 =	vlt.f32 v33, v20;
	vm4 =	vlt.f32 v33, v21;
	v33 =	vsel vm2, $0x800, v18;
	v37 =	vld.idx.msk [tilespmem:v38+s2+$0x0], $0xffff  }
0x16f: {  	v38 =	vsel vm1, $0x800, v18;
	vm1 =	vlt.f32 v41, v17;
	v17 =	vmovc v16;
	v16 =	vmovc v45;
	v39 =	vor.u32 $0x3FF, v33;
	v40 =	vld.idx.msk [tilespmem:v42+s2+$0x0], $0xffff  }
0x170: {  	v41 =	vsel vm4, $0x800, v18;
	v42 =	vmov s8;
	v45 =	vsel vm1, $0x1, v5;
	s8 =	smov.u32 s10;
	s10 =	smov.u32 s30  }
0x171: {  	v46 =	vsel vm3, $0x800, v18;
	v27 =	vadd.s32 v45, v27;
	vm1 =	vlt.u32 v42, $0x1000  }
0x172: {  	s28 =	sadd.s32 $0x40, s28;
	v42 =	vor.u32 $0x3FF, v38;
	v45 =	vor.u32 $0x3FF, v41;
	v27 =	vnsel vm1, $0x1000, v27  }
0x173: {  	v47 =	vor.u32 $0x3FF, v46;
	v48 =	vor.u32 $0x400, v38;
	v49 =	vor.u32 $0x400, v41;
	[tilespmem:s28+$0x10] =	vst v27  }
0x174: {  	v23 =	vsel vm0, v26, v23;
	vm1 =	vlt.f32 v35, v12;
	v27 =	vor.u32 $0x400, v46;
	v39 =	vld.idx.msk [tilespmem:v39+s2+$0x0], $0xffff  }
0x175: {  	v24 =	vsel vm1, v25, v24;
	v25 =	vadd.s32 $0x20, v34;
	vm0 =	vlt.f32 v40, v17  }
0x176: {  	v26 =	vadd.s32 $0x1F, v28;
	v35 =	vadd.s32 $0x1F, v23;
	v25 =	vsel vm0, v25, v34  }
0x177: {  	v40 =	vadd.s32 $0x1F, v24;
	v50 =	vadd.s32 $0xF, v25;
	v34 =	vld.idx.msk [tilespmem:v42+s2+$0x0], $0xffff;
	v42 =	vadd.s32 $0x20, v28  }
0x178: {  	v52 =	vadd.s32 $0x20, v23;
	v51 =	vadd.s32 $0x20, v24;
	vm0 =	vlt.f32 v31, v11;
	v45 =	vld.idx.msk [tilespmem:v45+s2+$0x0], $0xffff  }
0x179: {  	vm1 =	vlt.f32 v37, v10;
	v22 =	vsel vm0, v43, v22;
	vm0 =	vlt.f32 v32, v9;
	v31 =	vld.idx.msk [tilespmem:v47+s2+$0x0], $0xffff  }
0x17a: {  	v32 =	vor.u32 $0x400, v33;
	v29 =	vsel vm0, v44, v29;
	vm2 =	vlt.f32 v39, v16  }
0x17b: {  	v30 =	vsel vm1, v36, v30;
	v32 =	vsel vm2, v32, v33;
	v33 =	vmov s20;
	s20 =	smov.u32 s7;
	s7 =	smov.u32 s26;
	s26 =	smov.u32 s21;
	v26 =	vld.idx.msk [tilespmem:v26+s2+$0x0], $0xffff  }
0x17c: {  	v36 =	vor.u32 $0x1FF, v32;
	vm0 =	vlt.u32 v33, $0x1000;
	v33 =	vmov s31;
	s31 =	smov.u32 s9;
	s9 =	smov.u32 s17;
	v37 =	vld.idx.msk [tilespmem:v50+s2+$0x0], $0xffff  }
0x17d: {  	vm2 =	vlt.f32 v34, v19;
	vm1 =	vlt.u32 v33, $0x1000;
	v33 =	vmov s0;
	s0 =	smov.u32 s13;
	s13 =	smov.u32 s29;
	v34 =	vld.idx.msk [tilespmem:v35+s2+$0x0], $0xffff  }
0x17e: {  	v35 =	vsel vm2, v48, v38;
	vm3 =	vlt.f32 v45, v21;
	vm2 =	vlt.u32 v33, $0x1000;
	v38 =	vld.idx.msk [tilespmem:v40+s2+$0x0], $0xffff  }
0x17f: {  	vm4 =	vlt.f32 v31, v20;
	v31 =	vor.u32 $0x1FF, v35;
	v33 =	vsel vm3, v49, v41;
	v39 =	vld.idx.msk [tilespmem:v22+s2+$0x0], $0xffff  }
0x180: {  	v40 =	vor.u32 $0x200, v35;
	v27 =	vsel vm4, v27, v46;
	v41 =	vor.u32 $0x1FF, v33;
	v43 =	vld.idx.msk [tilespmem:v29+s2+$0x0], $0xffff  }
0x181: {  	v46 =	vor.u32 $0x200, v33;
	v44 =	vor.u32 $0x1FF, v27;
	v45 =	vor.u32 $0x200, v27;
	v36 =	vld.idx.msk [tilespmem:v36+s2+$0x0], $0xffff  }
0x182: {  	vm3 =	vlt.f32 v26, v13;
	v26 =	vadd.s32 $0x10, v25;
	vm4 =	vlt.f32 v37, v17;
	v37 =	vld.idx.msk [tilespmem:v30+s2+$0x0], $0xffff  }
0x183: {  	v28 =	vsel vm3, v42, v28;
	vm3 =	vlt.f32 v34, v14;
	v25 =	vsel vm4, v26, v25  }
0x184: {  	vm4 =	vlt.f32 v38, v12;
	v23 =	vsel vm3, v52, v23;
	v26 =	vld.idx.msk [tilespmem:v31+s2+$0x0], $0xffff;
	v31 =	vadd.s32 $0x7, v25  }
0x185: {  	v38 =	vadd.s32 $0xF, v28;
	v24 =	vsel vm4, v51, v24;
	v34 =	vld.idx.msk [tilespmem:v41+s2+$0x0], $0xffff;
	v41 =	vadd.s32 $0xF, v23  }
0x186: {  	v47 =	vadd.s32 $0x10, v28;
	v48 =	vadd.s32 $0x10, v23;
	v42 =	vld.idx.msk [tilespmem:v44+s2+$0x0], $0xffff;
	v44 =	vadd.s32 $0xF, v24  }
0x187: {  	v49 =	vadd.s32 $0x10, v24;
	vm3 =	vlt.f32 v36, v16;
	v36 =	vor.u32 $0x200, v32  }
0x188: {  	vm4 =	vlt.f32 v43, v9;
	v9 =	vmovc v14;
	v32 =	vsel vm3, v36, v32;
	vm3 =	vlt.f32 v39, v11  }
0x189: {  	v14 =	vmovc v21;
	vm5 =	vlt.f32 v37, v10;
	v10 =	vmovc v12;
	v36 =	vor.u32 $0xFF, v32;
	v37 =	vsel vm3, $0x1, v5;
	v31 =	vld.idx.msk [tilespmem:v31+s2+$0x0], $0xffff  }
0x18a: {  	v12 =	vmovc v20;
	v11 =	vmovc v13;
	vm3 =	vlt.f32 v26, v19;
	v26 =	vsel vm5, $0x1, v5;
	v21 =	vld.idx.msk [tilespmem:v38+s2+$0x0], $0xffff;
	v38 =	vsel vm4, $0x1, v5  }
0x18b: {  	v22 =	vadd.s32 v37, v22;
	v20 =	vsel vm3, v40, v35;
	vm3 =	vlt.f32 v34, v14;
	v34 =	vld.idx.msk [tilespmem:v41+s2+$0x0], $0xffff  }
0x18c: {  	v13 =	vmovc v19;
	vm4 =	vlt.f32 v42, v12;
	v35 =	vor.u32 $0xFF, v20;
	v33 =	vsel vm3, v46, v33;
	v37 =	vld.idx.msk [tilespmem:v44+s2+$0x0], $0xffff  }
0x18d: {  	v19 =	vsel vm4, v45, v27;
	v27 =	vor.u32 $0x100, v20;
	v39 =	vor.u32 $0xFF, v33  }
0x18e: {  	v42 =	vor.u32 $0x100, v33;
	v40 =	vor.u32 $0xFF, v19;
	v41 =	vor.u32 $0x100, v19;
	v36 =	vld.idx.msk [tilespmem:v36+s2+$0x0], $0xffff  }
0x18f: {  	v29 =	vadd.s32 v38, v29;
	vm3 =	vlt.f32 v31, v17;
	v31 =	vadd.s32 $0x8, v25  }
0x190: {  	vm4 =	vlt.f32 v21, v11;
	v21 =	vsel vm3, v31, v25;
	v25 =	vadd.s32 v26, v30  }
0x191: {  	v28 =	vsel vm4, v47, v28;
	vm3 =	vlt.f32 v34, v9;
	v30 =	vadd.s32 $0x3, v21;
	v26 =	vld.idx.msk [tilespmem:v35+s2+$0x0], $0xffff  }
0x192: {  	vm4 =	vlt.f32 v37, v10;
	v34 =	vadd.s32 $0x7, v28;
	v23 =	vsel vm3, v48, v23;
	v31 =	vld.idx.msk [tilespmem:v39+s2+$0x0], $0xffff  }
0x193: {  	v37 =	vadd.s32 $0x8, v28;
	v24 =	vsel vm4, v49, v24;
	v38 =	vadd.s32 $0x7, v23;
	v35 =	vld.idx.msk [tilespmem:v40+s2+$0x0], $0xffff  }
0x194: {  	vm3 =	vlt.f32 v36, v16;
	v36 =	vor.u32 $0x100, v32;
	v39 =	vadd.s32 $0x7, v24  }
0x195: {  	v40 =	vadd.s32 $0x8, v23;
	v32 =	vsel vm3, v36, v32;
	v36 =	vadd.s32 $0x8, v24  }
0x196: {  	v22 =	vnsel vm1, $0x1000, v22;
	v29 =	vnsel vm2, $0x1000, v29;
	v43 =	vadd.s32 $0x7F, v32;
	v30 =	vld.idx.msk [tilespmem:v30+s2+$0x0], $0xffff  }
0x197: {  	v25 =	vnsel vm0, $0x1000, v25;
	vm1 =	vlt.f32 v26, v13;
	v26 =	vld.idx.msk [tilespmem:v34+s2+$0x0], $0xffff;
	[tilespmem:s28+$0xFFFFFFF0] =	vst v22  }
0x198: {  	v22 =	vadd.s32 s21, v3;
	v20 =	vsel vm1, v27, v20;
	vm0 =	vlt.f32 v31, v14;
	v27 =	vld.idx.msk [tilespmem:v38+s2+$0x0], $0xffff;
	[tilespmem:s28+$0x0] =	vst v29  }
0x199: {  	vm1 =	vlt.f32 v35, v12;
	v29 =	vadd.s32 $0x7F, v20;
	v31 =	vsel vm0, v42, v33;
	v33 =	vld.idx.msk [tilespmem:v39+s2+$0x0], $0xffff;
	[tilespmem:s28+$0xFFFFFFE0] =	vst v25  }
0x19a: {  	v19 =	vsel vm1, v41, v19;
	v25 =	vadd.s32 $0x80, v20;
	v34 =	vadd.s32 $0x7F, v31  }
0x19b: {  	v38 =	vadd.s32 $0x80, v31;
	v35 =	vadd.s32 $0x7F, v19;
	v39 =	vadd.s32 $0x80, v19;
	v41 =	vld.idx.msk [tilespmem:v43+s2+$0x0], $0xffff  }
0x19c: {  	s17 =	sadd.s32 $0x10, s21;
	v22 =	vcvt.s32.f32 v22;
	vm0 =	vlt.f32 v30, v17;
	v30 =	vadd.s32 $0x4, v21  }
0x19d: {  	v42 =	vadd.s32 s17, v3;
	vm1 =	vlt.f32 v26, v11;
	v21 =	vsel vm0, v30, v21  }
0x19e: {  	v43 =	vsel vm1, v37, v28;
	vm0 =	vlt.f32 v27, v9;
	v27 =	vadd.s32 $0x1, v21;
	v26 =	vld.idx.msk [tilespmem:v29+s2+$0x0], $0xffff  }
0x19f: {  	vm1 =	vlt.f32 v33, v10;
	v28 =	vadd.s32 $0x3, v43;
	v29 =	vsel vm0, v40, v23;
	v37 =	vld.idx.msk [tilespmem:v34+s2+$0x0], $0xffff  }
0x1a0: {  	v44 =	vadd.s32 $0x4, v43;
	v30 =	vsel vm1, v36, v24;
	v24 =	vadd.s32 $0x3, v29;
	v23 =	vld.idx.msk [tilespmem:v35+s2+$0x0], $0xffff  }
0x1a1: {  	v33 =	vadd.s32 $0x80, v32;
	vm0 =	vlt.f32 v41, v16;
	v35 =	vadd.s32 $0x3, v30  }
0x1a2: {  	s29 =	sadd.s32 $0x20, s21;
	v34 =	vsel vm0, v33, v32;
	v32 =	vadd.s32 $0x4, v30;
	v33 =	vadd.s32 $0x4, v29  }
0x1a3: {  	v40 =	vadd.s32 s29, v3;
	v36 =	vcvt.s32.f32 v42;
	v41 =	vadd.s32 $0x3F, v34;
	v27 =	vld.idx.msk [tilespmem:v27+s2+$0x0], $0xffff  }
0x1a4: {  	v22 =	vmul.f32 v22, v15;
	v40 =	vcvt.s32.f32 v40;
	vm0 =	vlt.f32 v26, v13;
	v42 =	vld.idx.msk [tilespmem:v28+s2+$0x0], $0xffff  }
0x1a5: {  	v36 =	vmul.f32 v36, v15;
	v28 =	vsel vm0, v25, v20;
	vm0 =	vlt.f32 v37, v14;
	v45 =	vld.idx.msk [tilespmem:v24+s2+$0x0], $0xffff  }
0x1a6: {  	vm1 =	vlt.f32 v23, v12;
	v46 =	vadd.s32 $0x3F, v28;
	v23 =	vsel vm0, v38, v31;
	v38 =	vld.idx.msk [tilespmem:v35+s2+$0x0], $0xffff  }
.Ltmp5:
0x1a7: {  	v31 =	vadd.s32 $0x40, v28;
	v24 =	vsel vm1, v39, v19;
	v37 =	vadd.s32 $0x3F, v23;
	(pc) =	sbr.rel @p0 .LBB2_6-.Ltmp5, $4  }
0x1a8: {  	v26 =	vadd.s32 $0x40, v23;
	v35 =	vadd.s32 $0x3F, v24;
	v25 =	vadd.s32 $0x40, v24;
	v39 =	vld.idx.msk [tilespmem:v41+s2+$0x0], $0xffff  }
0x1a9: {  	v40 =	vmul.f32 v40, v15;
	v19 =	vadd.s32 $0x2, v21;
	vm0 =	vlt.f32 v27, v17  }
0x1aa: {  	v20 =	vadd.f32 v22, v7;
	vm1 =	vlt.f32 v42, v11;
	v27 =	vsel vm0, v19, v21  }
0x1ab: {  	s30 =	sadd.s32 $0x30, s26;
	s21 =	sadd.s32 $0x40, s21;
	v19 =	vadd.f32 v36, v7;
	v22 =	vsel vm1, v44, v43;
	vm0 =	vlt.f32 v45, v9;
	v36 =	vld.idx.msk [tilespmem:v46+s2+$0x0], $0xffff  }
0x1ac: {  	_ =	sdelay $0x1  }
0x1ad: {  	v18 =	vadd.s32 s30, v3  }
0x1ae: {  	v18 =	vcvt.s32.f32 v18  }
0x1af: {  	v41 =	vld.idx.msk [tilespmem:v4+s2+$0x0], $0xffff  }
0x1b0: {  	v15 =	vmul.f32 v18, v15;
	_ =	sdelay $0x1  }
0x1b1: {  	v21 =	vadd.f32 v15, v7;
	_ =	sdelay $0x1  }
0x1b2: {  	v15 =	vimm.s32 $0x0;
	vm1 =	vlt.f32 v41, v21  }
0x1b3: {  	v42 =	vsel vm1, $0x800, v15  }
0x1b4: {  	v18 =	vadd.f32 v40, v7;
	vm2 =	vlt.f32 v41, v20;
	v43 =	vor.u32 $0x3FF, v42  }
0x1b5: {  	vm4 =	vlt.f32 v41, v19;
	v55 =	vsel vm2, $0x800, v15  }
0x1b6: {  	vm5 =	vlt.f32 v41, v18;
	v54 =	vsel vm4, $0x800, v15;
	v46 =	vor.u32 $0x3FF, v55  }
0x1b7: {  	v45 =	vsel vm5, $0x800, v15;
	v44 =	vor.u32 $0x3FF, v54  }
0x1b8: {  	v47 =	vor.u32 $0x3FF, v45  }
0x1b9: {  	v43 =	vld.idx.msk [tilespmem:v43+s2+$0x0], $0xffff;
	_ =	sdelay $0x1  }
0x1ba: {  	v46 =	vld.idx.msk [tilespmem:v46+s2+$0x0], $0xffff  }
0x1bb: {  	v44 =	vld.idx.msk [tilespmem:v44+s2+$0x0], $0xffff  }
0x1bc: {  	v47 =	vld.idx.msk [tilespmem:v47+s2+$0x0], $0xffff  }
0x1bd: {  	v56 =	vor.u32 $0x400, v42;
	vm6 =	vlt.f32 v43, v21  }
0x1be: {  	v48 =	vor.u32 $0x400, v54;
	v42 =	vsel vm6, v56, v42  }
0x1bf: {  	v57 =	vor.u32 $0x400, v55;
	vm8 =	vlt.f32 v46, v20;
	v43 =	vor.u32 $0x1FF, v42  }
0x1c0: {  	v49 =	vor.u32 $0x400, v45;
	vm7 =	vlt.f32 v44, v19;
	v41 =	vsel vm8, v57, v55  }
0x1c1: {  	vm9 =	vlt.f32 v47, v18;
	v40 =	vsel vm7, v48, v54;
	v60 =	vor.u32 $0x1FF, v41  }
0x1c2: {  	v59 =	vsel vm9, v49, v45;
	v58 =	vor.u32 $0x1FF, v40  }
0x1c3: {  	v61 =	vor.u32 $0x1FF, v59  }
0x1c4: {  	v43 =	vld.idx.msk [tilespmem:v43+s2+$0x0], $0xffff;
	_ =	sdelay $0x1  }
0x1c5: {  	v45 =	vld.idx.msk [tilespmem:v60+s2+$0x0], $0xffff  }
0x1c6: {  	v46 =	vld.idx.msk [tilespmem:v58+s2+$0x0], $0xffff  }
0x1c7: {  	v47 =	vld.idx.msk [tilespmem:v61+s2+$0x0], $0xffff  }
0x1c8: {  	v62 =	vor.u32 $0x200, v42;
	vm10 =	vlt.f32 v43, v21  }
0x1c9: {  	v48 =	vor.u32 $0x200, v40;
	v42 =	vsel vm10, v62, v42  }
0x1ca: {  	v63 =	vor.u32 $0x200, v41;
	vm12 =	vlt.f32 v45, v20;
	v43 =	vor.u32 $0xFF, v42  }
0x1cb: {  	v50 =	vor.u32 $0x200, v59;
	vm11 =	vlt.f32 v46, v19;
	v41 =	vsel vm12, v63, v41  }
0x1cc: {  	vm13 =	vlt.f32 v47, v18;
	v40 =	vsel vm11, v48, v40;
	v52 =	vor.u32 $0xFF, v41  }
0x1cd: {  	v44 =	vsel vm13, v50, v59;
	v51 =	vor.u32 $0xFF, v40  }
0x1ce: {  	v53 =	vor.u32 $0xFF, v44  }
0x1cf: {  	v43 =	vld.idx.msk [tilespmem:v43+s2+$0x0], $0xffff;
	_ =	sdelay $0x1  }
0x1d0: {  	v46 =	vld.idx.msk [tilespmem:v52+s2+$0x0], $0xffff  }
0x1d1: {  	v45 =	vld.idx.msk [tilespmem:v51+s2+$0x0], $0xffff  }
0x1d2: {  	vm15 =	vlt.f32 v39, v16;
	v55 =	vadd.s32 $0x40, v34;
	v47 =	vld.idx.msk [tilespmem:v53+s2+$0x0], $0xffff  }
0x1d3: {  	v34 =	vsel vm15, v55, v34;
	v54 =	vor.u32 $0x100, v42;
	vm14 =	vlt.f32 v43, v21  }
0x1d4: {  	v57 =	vadd.s32 $0x1F, v34;
	v48 =	vor.u32 $0x100, v40;
	v42 =	vsel vm14, v54, v42  }
0x1d5: {  	v49 =	vor.u32 $0x100, v41;
	vm5 =	vlt.f32 v46, v20;
	v56 =	vadd.s32 $0x7F, v42  }
0x1d6: {  	v58 =	vor.u32 $0x100, v44;
	vm4 =	vlt.f32 v45, v19;
	v41 =	vsel vm5, v49, v41  }
0x1d7: {  	vm6 =	vlt.f32 v47, v18;
	v40 =	vsel vm4, v48, v40;
	v60 =	vadd.s32 $0x7F, v41  }
0x1d8: {  	v44 =	vsel vm6, v58, v44;
	v59 =	vadd.s32 $0x7F, v40  }
0x1d9: {  	v43 =	vld.idx.msk [tilespmem:v57+s2+$0x0], $0xffff;
	v61 =	vadd.s32 $0x7F, v44  }
0x1da: {  	v39 =	vld.idx.msk [tilespmem:v56+s2+$0x0], $0xffff;
	_ =	sdelay $0x1  }
0x1db: {  	v63 =	vld.idx.msk [tilespmem:v60+s2+$0x0], $0xffff  }
0x1dc: {  	v33 =	vsel vm0, v33, v29;
	v62 =	vld.idx.msk [tilespmem:v59+s2+$0x0], $0xffff  }
0x1dd: {  	vm7 =	vlt.f32 v38, v10;
	v55 =	vadd.s32 $0x20, v34;
	v50 =	vadd.s32 $0x80, v40;
	v56 =	vld.idx.msk [tilespmem:v61+s2+$0x0], $0xffff  }
0x1de: {  	v54 =	vadd.s32 $0x80, v42;
	vm9 =	vlt.f32 v43, v16;
	vm8 =	vlt.f32 v39, v21  }
0x1df: {  	v37 =	vld.idx.msk [tilespmem:v37+s2+$0x0], $0xffff;
	v51 =	vadd.s32 $0x80, v41;
	v34 =	vsel vm9, v55, v34;
	v39 =	vsel vm8, v54, v42  }
0x1e0: {  	v59 =	vld.idx.msk [tilespmem:v27+s2+$0x0], $0xffff;
	v58 =	vadd.s32 $0xF, v34;
	vm11 =	vlt.f32 v63, v20;
	v57 =	vadd.s32 $0x3F, v39  }
0x1e1: {  	v60 =	vld.idx.msk [tilespmem:v35+s2+$0x0], $0xffff;
	v61 =	vadd.s32 $0x80, v44;
	vm10 =	vlt.f32 v62, v19;
	v41 =	vsel vm11, v51, v41  }
0x1e2: {  	v40 =	vsel vm10, v50, v40;
	vm12 =	vlt.f32 v56, v18;
	v63 =	vadd.s32 $0x3F, v41  }
0x1e3: {  	v29 =	vsel vm7, v32, v30;
	v62 =	vadd.s32 $0x3F, v40;
	v35 =	vsel vm12, v61, v44  }
0x1e4: {  	v32 =	vadd.s32 $0x1, v22;
	vm14 =	vlt.f32 v37, v14;
	v52 =	vadd.s32 $0x3F, v35  }
0x1e5: {  	vm13 =	vlt.f32 v36, v13;
	vm15 =	vlt.f32 v59, v17;
	v17 =	vsel vm14, v26, v23;
	v43 =	vld.idx.msk [tilespmem:v57+s2+$0x0], $0xffff  }
0x1e6: {  	v28 =	vsel vm13, v31, v28;
	vm4 =	vlt.f32 v60, v12;
	v55 =	vadd.s32 $0x1F, v17;
	v48 =	vld.idx.msk [tilespmem:v58+s2+$0x0], $0xffff  }
0x1e7: {  	v53 =	vadd.s32 $0x1F, v28;
	v24 =	vsel vm4, v25, v24;
	v58 =	vld.idx.msk [tilespmem:v63+s2+$0x0], $0xffff  }
0x1e8: {  	v36 =	vadd.s32 $0x2, v29;
	v46 =	vadd.s32 $0x1, v29;
	v56 =	vld.idx.msk [tilespmem:v62+s2+$0x0], $0xffff;
	v57 =	vadd.s32 $0x1F, v24  }
0x1e9: {  	v47 =	vadd.s32 $0x2, v22;
	v60 =	vadd.s32 $0x10, v34;
	v54 =	vmov s8;
	v61 =	vld.idx.msk [tilespmem:v52+s2+$0x0], $0xffff  }
0x1ea: {  	v32 =	vld.idx.msk [tilespmem:v32+s2+$0x0], $0xffff;
	v59 =	vadd.s32 $0x40, v39;
	vm7 =	vlt.u32 v54, $0x1000;
	vm5 =	vlt.f32 v43, v21  }
0x1eb: {  	v54 =	vadd.s32 $0x40, v40;
	v25 =	vld.idx.msk [tilespmem:v55+s2+$0x0], $0xffff;
	v55 =	vadd.s32 $0x40, v41;
	v38 =	vsel vm5, v59, v39  }
0x1ec: {  	v23 =	vld.idx.msk [tilespmem:v53+s2+$0x0], $0xffff;
	vm6 =	vlt.f32 v48, v16;
	vm9 =	vlt.f32 v58, v20;
	v63 =	vadd.s32 $0x1F, v38  }
0x1ed: {  	vm8 =	vlt.f32 v56, v19;
	v37 =	vsel vm9, v55, v41;
	v56 =	vld.idx.msk [tilespmem:v57+s2+$0x0], $0xffff;
	v57 =	vadd.s32 $0x40, v35  }
0x1ee: {  	vm10 =	vlt.f32 v61, v18;
	v39 =	vsel vm8, v54, v40;
	v59 =	vadd.s32 $0x1F, v37  }
0x1ef: {  	v62 =	vsel vm15, $0x1, v5;
	v31 =	vsel vm10, v57, v35;
	v40 =	vadd.s32 $0x1F, v39  }
0x1f0: {  	v34 =	vsel vm6, v60, v34;
	v52 =	vadd.s32 v62, v27;
	v62 =	vadd.s32 $0x1F, v31  }
0x1f1: {  	v45 =	vadd.s32 $0x2, v33;
	vm4 =	vlt.f32 v32, v11;
	v53 =	vadd.s32 $0x7, v34;
	v43 =	vld.idx.msk [tilespmem:v63+s2+$0x0], $0xffff  }
0x1f2: {  	v49 =	vld.idx.msk [tilespmem:v46+s2+$0x0], $0xffff;
	vm11 =	vlt.f32 v23, v13;
	v60 =	vadd.s32 $0x20, v24;
	v58 =	vadd.s32 $0x20, v28  }
0x1f3: {  	vm12 =	vlt.f32 v25, v14;
	v28 =	vsel vm11, v58, v28;
	vm13 =	vlt.f32 v56, v12;
	v35 =	vld.idx.msk [tilespmem:v59+s2+$0x0], $0xffff  }
0x1f4: {  	v41 =	vadd.s32 $0xF, v28;
	v24 =	vsel vm13, v60, v24;
	v63 =	vadd.s32 $0x20, v17;
	v40 =	vld.idx.msk [tilespmem:v40+s2+$0x0], $0xffff  }
0x1f5: {  	v22 =	vsel vm4, v47, v22;
	v44 =	vadd.s32 $0xF, v24;
	v26 =	vld.idx.msk [tilespmem:v62+s2+$0x0], $0xffff;
	v30 =	vsel vm12, v63, v17  }
0x1f6: {  	v61 =	vld.idx.msk [tilespmem:v53+s2+$0x0], $0xffff;
	v51 =	vadd.s32 $0x20, v38;
	v50 =	vadd.s32 $0xF, v30;
	vm14 =	vlt.f32 v43, v21  }
0x1f7: {  	v42 =	vadd.s32 $0x1, v33;
	vm5 =	vlt.f32 v49, v10;
	v38 =	vsel vm14, v51, v38  }
0x1f8: {  	v55 =	vadd.s32 $0x20, v39;
	v58 =	vadd.s32 $0x20, v31;
	v53 =	vadd.s32 $0xF, v38  }
0x1f9: {  	v54 =	vld.idx.msk [tilespmem:v41+s2+$0x0], $0xffff;
	v56 =	vadd.s32 $0x20, v37;
	v17 =	vnsel vm7, $0x1000, v52;
	vm7 =	vlt.f32 v35, v20  }
0x1fa: {  	vm6 =	vlt.f32 v40, v19;
	v57 =	vld.idx.msk [tilespmem:v44+s2+$0x0], $0xffff;
	vm8 =	vlt.f32 v26, v18;
	v26 =	vsel vm7, v56, v37  }
0x1fb: {  	vm15 =	vlt.f32 v61, v16;
	v39 =	vsel vm6, v55, v39;
	v62 =	vadd.s32 $0xF, v26;
	v27 =	vld.idx.msk [tilespmem:v50+s2+$0x0], $0xffff  }
0x1fc: {  	v61 =	vadd.s32 $0x10, v28;
	v31 =	vsel vm8, v58, v31;
	v60 =	vadd.s32 $0xF, v39  }
0x1fd: {  	v49 =	vadd.s32 $0x10, v24;
	v52 =	vadd.s32 $0x8, v34;
	v48 =	vadd.s32 $0xF, v31;
	v32 =	vld.idx.msk [tilespmem:v53+s2+$0x0], $0xffff  }
0x1fe: {  	v59 =	vld.idx.msk [tilespmem:v42+s2+$0x0], $0xffff;
	v23 =	vsel vm15, v52, v34;
	v63 =	vadd.s32 $0x10, v30;
	vm9 =	vlt.f32 v54, v13  }
0x1ff: {  	v34 =	vadd.s32 $0x3, v23;
	v28 =	vsel vm9, v61, v28;
	vm11 =	vlt.f32 v57, v12  }
0x200: {  	v50 =	vadd.s32 $0x7, v28;
	v24 =	vsel vm11, v49, v24;
	v54 =	vld.idx.msk [tilespmem:v62+s2+$0x0], $0xffff;
	vm10 =	vlt.f32 v27, v14  }
0x201: {  	v29 =	vsel vm5, v36, v29;
	v37 =	vld.idx.msk [tilespmem:v60+s2+$0x0], $0xffff;
	v52 =	vadd.s32 $0x7, v24;
	v30 =	vsel vm10, v63, v30  }
0x202: {  	s28 =	sadd.s32 $0x40, s28;
	v53 =	vadd.s32 $0x10, v38;
	v25 =	vld.idx.msk [tilespmem:v48+s2+$0x0], $0xffff;
	v51 =	vadd.s32 $0x7, v30;
	vm13 =	vlt.f32 v32, v21  }
0x203: {  	[tilespmem:s28+$0x10] =	vst v17;
	v17 =	vmov s30;
	vm12 =	vlt.f32 v59, v9;
	v32 =	vsel vm13, v53, v38  }
0x204: {  	v47 =	vadd.s32 $0x4, v23;
	v33 =	vsel vm12, v45, v33;
	v34 =	vld.idx.msk [tilespmem:v34+s2+$0x0], $0xffff;
	v38 =	vadd.s32 $0x7, v32  }
0x205: {  	v61 =	vadd.s32 $0x10, v31;
	v27 =	vld.idx.msk [tilespmem:v50+s2+$0x0], $0xffff;
	v63 =	vadd.s32 $0x10, v26;
	vm4 =	vlt.f32 v54, v20  }
0x206: {  	v60 =	vadd.s32 $0x10, v39;
	vm15 =	vlt.f32 v37, v19;
	v62 =	vld.idx.msk [tilespmem:v52+s2+$0x0], $0xffff;
	v26 =	vsel vm4, v63, v26  }
0x207: {  	vm5 =	vlt.f32 v25, v18;
	v35 =	vsel vm15, v60, v39;
	v40 =	vadd.s32 $0x7, v26;
	v59 =	vld.idx.msk [tilespmem:v51+s2+$0x0], $0xffff  }
0x208: {  	v56 =	vadd.s32 $0x8, v28;
	v31 =	vsel vm5, v61, v31;
	v46 =	vadd.s32 $0x7, v35  }
0x209: {  	v57 =	vadd.s32 $0x8, v24;
	vm14 =	vlt.f32 v34, v16;
	v48 =	vadd.s32 $0x7, v31;
	v38 =	vld.idx.msk [tilespmem:v38+s2+$0x0], $0xffff  }
0x20a: {  	v58 =	vadd.s32 $0x8, v30;
	v23 =	vsel vm14, v47, v23;
	vm6 =	vlt.f32 v27, v13  }
0x20b: {  	v50 =	vld.idx.msk [tilespmem:v22+s2+$0x0], $0xffff;
	v49 =	vadd.s32 $0x1, v23;
	v28 =	vsel vm6, v56, v28;
	vm8 =	vlt.f32 v62, v12  }
0x20c: {  	v51 =	vadd.s32 $0x3, v28;
	v24 =	vsel vm8, v57, v24;
	v40 =	vld.idx.msk [tilespmem:v40+s2+$0x0], $0xffff;
	vm7 =	vlt.f32 v59, v14  }
0x20d: {  	v55 =	vmov s20;
	v25 =	vld.idx.msk [tilespmem:v46+s2+$0x0], $0xffff;
	v53 =	vadd.s32 $0x3, v24;
	v30 =	vsel vm7, v58, v30  }
0x20e: {  	v54 =	vadd.s32 $0x8, v32;
	v27 =	vld.idx.msk [tilespmem:v48+s2+$0x0], $0xffff;
	v52 =	vadd.s32 $0x3, v30;
	vm9 =	vlt.f32 v38, v21  }
0x20f: {  	vm0 =	vlt.u32 v55, $0x1000;
	v55 =	vmov s31;
	v32 =	vsel vm9, v54, v32  }
0x210: {  	vm1 =	vlt.u32 v55, $0x1000;
	vm3 =	vlt.f32 v50, v11;
	v34 =	vld.idx.msk [tilespmem:v49+s2+$0x0], $0xffff;
	v38 =	vadd.s32 $0x3, v32  }
0x211: {  	v61 =	vadd.s32 $0x8, v31;
	v37 =	vld.idx.msk [tilespmem:v51+s2+$0x0], $0xffff;
	v59 =	vadd.s32 $0x8, v26;
	vm10 =	vlt.f32 v40, v20  }
0x212: {  	v58 =	vadd.s32 $0x8, v35;
	vm4 =	vlt.f32 v25, v19;
	v60 =	vld.idx.msk [tilespmem:v53+s2+$0x0], $0xffff;
	v26 =	vsel vm10, v59, v26  }
0x213: {  	vm5 =	vlt.f32 v27, v18;
	v35 =	vsel vm4, v58, v35;
	v46 =	vadd.s32 $0x3, v26;
	v39 =	vld.idx.msk [tilespmem:v52+s2+$0x0], $0xffff  }
0x214: {  	v47 =	vld.idx.msk [tilespmem:v29+s2+$0x0], $0xffff;
	v56 =	vmov s0;
	v31 =	vsel vm5, v61, v31;
	v63 =	vadd.s32 $0x3, v35  }
0x215: {  	v11 =	vadd.s32 $0x4, v28;
	v49 =	vadd.s32 $0x2, v23;
	v48 =	vadd.s32 $0x3, v31;
	v38 =	vld.idx.msk [tilespmem:v38+s2+$0x0], $0xffff  }
0x216: {  	v62 =	vld.idx.msk [tilespmem:v33+s2+$0x0], $0xffff;
	v57 =	vadd.s32 $0x4, v24;
	vm11 =	vlt.f32 v34, v16;
	vm12 =	vlt.f32 v37, v13  }
0x217: {  	v45 =	vadd.s32 $0x4, v30;
	v11 =	vsel vm12, v11, v28;
	vm14 =	vlt.f32 v60, v12  }
0x218: {  	v51 =	vadd.s32 $0x1, v11;
	v24 =	vsel vm14, v57, v24;
	v53 =	vld.idx.msk [tilespmem:v46+s2+$0x0], $0xffff;
	vm13 =	vlt.f32 v39, v14  }
0x219: {  	vm9 =	vlt.f32 v47, v10;
	v27 =	vld.idx.msk [tilespmem:v63+s2+$0x0], $0xffff;
	v36 =	vadd.s32 $0x1, v24;
	v50 =	vsel vm13, v45, v30  }
0x21a: {  	v52 =	vadd.s32 $0x4, v32;
	v10 =	vld.idx.msk [tilespmem:v48+s2+$0x0], $0xffff;
	v30 =	vadd.s32 $0x1, v50;
	vm15 =	vlt.f32 v38, v21  }
0x21b: {  	v23 =	vsel vm11, v49, v23;
	vm8 =	vlt.f32 v62, v9;
	v9 =	vsel vm15, v52, v32  }
0x21c: {  	vm2 =	vlt.u32 v56, $0x1000;
	v49 =	vmov s10;
	v37 =	vadd.s32 $0x1, v9  }
0x21d: {  	vm7 =	vlt.u32 v49, $0x1000;
	v55 =	vsel vm8, $0x1, v5;
	v59 =	vadd.s32 $0x4, v26;
	v25 =	vld.idx.msk [tilespmem:v51+s2+$0x0], $0xffff  }
0x21e: {  	v58 =	vadd.s32 $0x4, v35;
	v61 =	vadd.s32 $0x4, v31;
	vm11 =	vlt.f32 v53, v20;
	v60 =	vld.idx.msk [tilespmem:v36+s2+$0x0], $0xffff  }
0x21f: {  	vm10 =	vlt.f32 v27, v19;
	vm12 =	vlt.f32 v10, v18;
	v10 =	vsel vm11, v59, v26;
	v30 =	vld.idx.msk [tilespmem:v30+s2+$0x0], $0xffff  }
0x220: {  	v62 =	vld.idx.msk [tilespmem:v23+s2+$0x0], $0xffff;
	v57 =	vadd.s32 v55, v33;
	v33 =	vsel vm10, v58, v35;
	v41 =	vadd.s32 $0x1, v10  }
0x221: {  	v54 =	vsel vm3, $0x1, v5;
	v31 =	vsel vm12, v61, v31;
	v63 =	vadd.s32 $0x1, v33;
	v40 =	vld.idx.msk [tilespmem:v37+s2+$0x0], $0xffff  }
0x222: {  	v42 =	vadd.s32 $0x2, v11;
	vm13 =	vlt.f32 v25, v13;
	v43 =	vadd.s32 $0x1, v31  }
0x223: {  	v45 =	vadd.s32 $0x2, v24;
	v11 =	vsel vm13, v42, v11;
	vm15 =	vlt.f32 v60, v12  }
0x224: {  	v44 =	vadd.s32 $0x2, v50;
	v24 =	vsel vm15, v45, v24;
	vm14 =	vlt.f32 v30, v14  }
0x225: {  	v56 =	vsel vm9, $0x1, v5;
	v22 =	vadd.s32 v54, v22;
	v48 =	vld.idx.msk [tilespmem:v41+s2+$0x0], $0xffff;
	v46 =	vsel vm14, v44, v50  }
0x226: {  	vm5 =	vlt.f32 v62, v16;
	v16 =	vadd.s32 $0x2, v9;
	v26 =	vld.idx.msk [tilespmem:v63+s2+$0x0], $0xffff;
	vm6 =	vlt.f32 v40, v21  }
0x227: {  	v54 =	vmov s9;
	v29 =	vadd.s32 v56, v29;
	v9 =	vsel vm6, v16, v9;
	v16 =	vld.idx.msk [tilespmem:v43+s2+$0x0], $0xffff  }
0x228: {  	v22 =	vnsel vm1, $0x1000, v22;
	v29 =	vnsel vm0, $0x1000, v29;
	v51 =	vmov s7;
	v52 =	vld.idx.msk [tilespmem:v11+s2+$0x0], $0xffff  }
0x229: {  	v47 =	vnsel vm2, $0x1000, v57;
	vm0 =	vlt.u32 v51, $0x1000;
	vm11 =	vlt.u32 v54, $0x1000;
	v55 =	vld.idx.msk [tilespmem:v24+s2+$0x0], $0xffff  }
0x22a: {  	v57 =	vadd.s32 $0x2, v10;
	v56 =	vadd.s32 $0x2, v33;
	vm9 =	vlt.f32 v48, v20;
	v53 =	vld.idx.msk [tilespmem:v46+s2+$0x0], $0xffff  }
0x22b: {  	v60 =	vadd.s32 $0x2, v31;
	vm8 =	vlt.f32 v26, v19;
	v10 =	vsel vm9, v57, v10  }
0x22c: {  	v50 =	vsel vm5, $0x1, v5;
	v58 =	vsel vm8, v56, v33;
	vm10 =	vlt.f32 v16, v18  }
0x22d: {  	v63 =	vmov s17;
	v23 =	vadd.s32 v50, v23;
	v61 =	vsel vm10, v60, v31  }
0x22e: {  	v23 =	vnsel vm7, $0x1000, v23;
	vm13 =	vlt.f32 v52, v13;
	vm9 =	vlt.u32 v17, $0x1000  }
0x22f: {  	vm15 =	vlt.f32 v55, v12;
	v59 =	vld.idx.msk [tilespmem:v9+s2+$0x0], $0xffff;
	v16 =	vmov s13;
	vm14 =	vlt.f32 v53, v14  }
0x230: {  	v12 =	vsel vm13, $0x1, v5;
	vm12 =	vlt.u32 v16, $0x1000;
	v13 =	vsel vm14, $0x1, v5;
	v16 =	vld.idx.msk [tilespmem:v10+s2+$0x0], $0xffff  }
0x231: {  	v17 =	vmov s26;
	v11 =	vadd.s32 v12, v11;
	v12 =	vadd.s32 v13, v46;
	v13 =	vld.idx.msk [tilespmem:v58+s2+$0x0], $0xffff  }
0x232: {  	[tilespmem:s28+$0xFFFFFFF0] =	vst v22;
	v14 =	vsel vm15, $0x1, v5;
	v11 =	vnsel vm11, $0x1000, v11;
	vm11 =	vlt.u32 v63, $0x1000;
	v62 =	vld.idx.msk [tilespmem:v61+s2+$0x0], $0xffff  }
0x233: {  	[tilespmem:s28+$0xFFFFFFE0] =	vst v29;
	v14 =	vadd.s32 v14, v24;
	vm10 =	vlt.u32 v17, $0x1000;
	v17 =	vmov s29  }
0x234: {  	s0 =	sadd.s32 $0x40, s28;
	[tilespmem:s28+$0x0] =	vst v47;
	v14 =	vnsel vm0, $0x1000, v14;
	v12 =	vnsel vm12, $0x1000, v12;
	vm8 =	vlt.f32 v59, v21  }
0x235: {  	[tilespmem:s0+$0xFFFFFFE0] =	vst v14;
	v14 =	vadd.s32 s2, v6;
	v21 =	vsel vm8, $0x1, v5;
	vm14 =	vlt.f32 v16, v20  }
0x236: {  	[tilespmem:s0+$0x0] =	vst v12;
	v9 =	vadd.s32 v21, v9;
	vm13 =	vlt.f32 v13, v19;
	v12 =	vsel vm14, $0x1, v5  }
0x237: {  	[tilespmem:s0+$0xFFFFFFF0] =	vst v11;
	v9 =	vnsel vm9, $0x1000, v9;
	v11 =	vsel vm13, $0x1, v5;
	vm15 =	vlt.f32 v62, v18  }
0x238: {  	[tilespmem:s0+$0x10] =	vst v23;
	s0 =	sadd.s32 $0x40, s0;
	v10 =	vadd.s32 v12, v10;
	v11 =	vadd.s32 v11, v58;
	v13 =	vsel vm15, $0x1, v5  }
0x239: {  	[tilespmem:s0+$0x10] =	vst v9;
	v10 =	vnsel vm10, $0x1000, v10;
	v9 =	vadd.s32 v13, v61;
	v13 =	vor.u32 s2, v0  }
0x23a: {  	vm12 =	vlt.u32 v17, $0x1000;
	v11 =	vnsel vm11, $0x1000, v11;
	[tilespmem:s0+$0xFFFFFFE0] =	vst v10  }
0x23b: {  	[tilespmem:s0+$0xFFFFFFF0] =	vst v11;
	v9 =	vnsel vm12, $0x1000, v9  }
0x23c: {  	s31 =	simm.s32 $0x10;
	[tilespmem:s0+$0x0] =	vst v9  }
0x23d: {  	v16 =	vadd.s32 s31, v6;
	v12 =	vld.idx.msk [tilespmem:v14+s19+$0x0], $0xffff  }
0x23e: {  	v11 =	vor.u32 s31, v0;
	v9 =	vld.idx.msk [tilespmem:v13+s19+$0x0], $0xffff;
	_ =	sdelay $0x3  }
0x23f: {  	s0 =	simm.s32 $0x20;
	v10 =	vld.idx.msk [tilespmem:v16+s19+$0x0], $0xffff  }
.LBB2_8:
0x240: {  	v13 =	vadd.s32 s0, v6;
	v12 =	vsub.s32 v12, v9;
	v9 =	vld.idx.msk [tilespmem:v11+s19+$0x0], $0xffff;
	p0 =	sne.s32 s0, $0xFF0  }
.Ltmp6:
0x241: {  	v11 =	vor.u32 s0, v0;
	s0 =	sadd.s32 $0x10, s0;
	vm0 =	vgt.s32 v15, v12;
	(pc) =	sbr.rel @p0 .LBB2_8-.Ltmp6, $2  }
0x242: {  	v15 =	vsel vm0, v15, v12;
	_ =	sdelay $0x2  }
0x243: {  	v12 =	vmov v10;
	v10 =	vld.idx.msk [tilespmem:v13+s19+$0x0], $0xffff  }
0x244: {  	_ =	sdelay $0x3  }
0x245: {  	v11 =	vld.idx.msk [tilespmem:v11+s19+$0x0], $0xffff;
	_ =	sdelay $0x2  }
0x246: {  	v9 =	vsub.s32 v12, v9  }
0x247: {  	vm0 =	vgt.s32 v15, v9  }
0x248: {  	v9 =	vsel vm0, v15, v9;
	v10 =	vsub.s32 v10, v11  }
0x249: {  	vm0 =	vgt.s32 v9, v10  }
0x24a: {  	v9 =	vsel vm0, v9, v10  }
0x24b: {  	v9 =	vxor.u32 $0x80000000, v9  }
0x24c: {  	(xrf0) =	vmax.scan.msk.u32 $0xffff, v9;
	_ =	sdelay $0x5  }
0x24d: {  	v9, _, _ =	vpop (xrf0)  }
0x24e: {  	(v2sf) =	vpush v9, $0xF;
	_ =	sdelay $0xa  }
0x24f: {  	v8 =	vmax.f32 v8, $1.000000000e-30  }
0x250: {  	(erf) = vrcp.f32 v8;
	_ =	sdelay $0x2  }
0x251: {  	s31 =	spop (v2sf)  }
0x252: {  	s30 =	sxor.u32 $0x80000000, s31  }
0x253: {  	p0 =	sgt.s32 s30, $0x7  }
.Ltmp7:
0x254: {  	_ = 	snop;
	(pc) =	sbr.rel @p0 .LBB2_18-.Ltmp7, $3  }
0x255: {  	_ =	sdelay $0x1  }
0x256: {  	v8 =	vpop (erf)  }
0x257: {  	s17 =	simm.s32 $0x6100;
	v8 =	vmul.f32 $4.096000000e+03, v8  }
0x258: {  	s0 =	rddreg [dreg:$0x6];
	s2 =	simm.s32 $0x4100  }
0x259: {  	[tilespmem:s2], [sflag:$0x1] =	stream.strided.gather [hbm4b:s0+s15], $0x2000, s16, s15, $0x38;
	[tilespmem:$0xC100] =	vst v63  }
0x25a: {  	s29 =	rddreg [dreg:$0x8];
	s2 =	simm.s32 $0x0  }
0x25b: {  	[tilespmem:s17], [sflag:$0x2] =	stream.strided.gather [hbm4b:s29+s15], $0x2000, s16, s15, $0x38;
	[tilespmem:$0xC100] =	vst v63  }
.LBB2_11:
0x25c: {  	_ =	swait.ge [sflag:s6], $0x2000  }
0x25d: {  	p0 =	seq.s32 s2, $0x0;
	[sflag:s6] =	ssyncset.done $0x0  }
0x25e: {  	s0 =	simm.s32 @!p0 $0x3;
	[sflag:s6] =	ssyncadd.s32 $0xFFFFE000  }
0x25f: {  	_ =	swait.ge @!p0 [sflag:s0], $0x2000  }
0x260: {  	[sflag:s0] =	ssyncset.done @!p0 $0x0  }
0x261: {  	s21 =	simm.s32 $0x4120;
	[sflag:s0] =	ssyncadd.s32 @!p0 $0xFFFFE000  }
0x262: {  	v19 =	vld [tilespmem:s21+$0x10];
	_ =	sdelay $0x4  }
0x263: {  	v10 =	vsub.f32 v19, v7;
	_ =	sdelay $0x1  }
0x264: {  	v10 =	vmul.f32 v10, v8  }
0x265: {  	v9 =	vld [tilespmem:s21+$0xFFFFFFF0]  }
0x266: {  	v14 =	vld [tilespmem:s21+$0xFFFFFFE0];
	v10 =	vmax.f32 v10, $0.0e+00  }
0x267: {  	v11 =	vmin.f32 v10, $4.095000000e+03  }
0x268: {  	v10 =	vld [tilespmem:s21+$0x0];
	v11 =	vtrunc.f32 v11  }
0x269: {  	v11 =	vcvt.f32.s32 v11  }
0x26a: {  	v12 =	vsub.f32 v9, v7  }
0x26b: {  	v13 =	vsub.f32 v14, v7  }
0x26c: {  	v12 =	vmul.f32 v12, v8  }
0x26d: {  	v13 =	vmul.f32 v13, v8;
	v15 =	vsub.f32 v10, v7  }
0x26e: {  	v12 =	vmax.f32 v12, $0.0e+00  }
0x26f: {  	v13 =	vmax.f32 v13, $0.0e+00;
	v12 =	vmin.f32 v12, $4.095000000e+03;
	v15 =	vmul.f32 v15, v8;
	v16 =	vld.idx.msk [tilespmem:v11+s19+$0x0], $0xffff  }
0x270: {  	v13 =	vmin.f32 v13, $4.095000000e+03;
	v12 =	vtrunc.f32 v12  }
0x271: {  	v12 =	vcvt.f32.s32 v12;
	v11 =	vtrunc.f32 v13;
	v13 =	vmax.f32 v15, $0.0e+00  }
0x272: {  	v11 =	vcvt.f32.s32 v11;
	v13 =	vmin.f32 v13, $4.095000000e+03  }
0x273: {  	v13 =	vtrunc.f32 v13  }
0x274: {  	v13 =	vcvt.f32.s32 v13;
	v15 =	vadd.s32 $0x3, v16  }
0x275: {  	s26 =	simm.s32 $0x4160  }
0x276: {  	v23 =	vld [tilespmem:s26+$0x10]  }
0x277: {  	v17 =	vld.idx.msk [tilespmem:v12+s19+$0x0], $0xffff  }
0x278: {  	v18 =	vld.idx.msk [tilespmem:v11+s19+$0x0], $0xffff  }
0x279: {  	v15 =	vld.idx.msk [tilespmem:v15+s4+$0x0], $0xffff  }
0x27a: {  	v20 =	vld.idx.msk [tilespmem:v13+s19+$0x0], $0xffff  }
0x27b: {  	v21 =	vsub.f32 v23, v7;
	v13 =	vld [tilespmem:s26+$0xFFFFFFE0]  }
0x27c: {  	v12 =	vld [tilespmem:s26+$0x0]  }
0x27d: {  	v21 =	vmul.f32 v21, v8;
	v11 =	vld [tilespmem:s26+$0xFFFFFFF0]  }
0x27e: {  	v22 =	vadd.s32 $0x4, v16;
	vm0 =	vlt.f32 v15, v19;
	v15 =	vadd.s32 $0x3, v18  }
0x27f: {  	v16 =	vsel vm0, v22, v16;
	v22 =	vadd.s32 $0x3, v17  }
0x280: {  	v21 =	vmax.f32 v21, $0.0e+00;
	v27 =	vsub.f32 v13, v7;
	v25 =	vadd.s32 $0x1, v16  }
0x281: {  	v21 =	vmin.f32 v21, $4.095000000e+03;
	v28 =	vsub.f32 v12, v7;
	v26 =	vadd.s32 $0x3, v20  }
0x282: {  	v21 =	vtrunc.f32 v21;
	v24 =	vsub.f32 v11, v7;
	v27 =	vmul.f32 v27, v8  }
0x283: {  	v21 =	vcvt.f32.s32 v21;
	v28 =	vmul.f32 v28, v8;
	v15 =	vld.idx.msk [tilespmem:v15+s4+$0x0], $0xffff  }
0x284: {  	v24 =	vmul.f32 v24, v8;
	v27 =	vmax.f32 v27, $0.0e+00;
	v22 =	vld.idx.msk [tilespmem:v22+s4+$0x0], $0xffff  }
0x285: {  	v28 =	vmax.f32 v28, $0.0e+00;
	v27 =	vmin.f32 v27, $4.095000000e+03;
	v25 =	vld.idx.msk [tilespmem:v25+s4+$0x0], $0xffff  }
0x286: {  	v28 =	vmin.f32 v28, $4.095000000e+03;
	v24 =	vmax.f32 v24, $0.0e+00;
	v26 =	vld.idx.msk [tilespmem:v26+s4+$0x0], $0xffff;
	v27 =	vtrunc.f32 v27  }
0x287: {  	v28 =	vtrunc.f32 v28;
	v24 =	vmin.f32 v24, $4.095000000e+03;
	v27 =	vcvt.f32.s32 v27  }
0x288: {  	v30 =	vadd.s32 $0x4, v18;
	v28 =	vcvt.f32.s32 v28;
	v24 =	vtrunc.f32 v24  }
0x289: {  	v21 =	vld.idx.msk [tilespmem:v21+s19+$0x0], $0xffff;
	v31 =	vadd.s32 $0x4, v20;
	v24 =	vcvt.f32.s32 v24;
	vm0 =	vlt.f32 v15, v14  }
0x28a: {  	v15 =	vadd.s32 $0x2, v16;
	vm2 =	vlt.f32 v22, v9;
	vm1 =	vlt.f32 v25, v19  }
0x28b: {  	v22 =	vsel vm0, v30, v18;
	vm0 =	vlt.f32 v26, v10;
	v16 =	vsel vm1, v15, v16  }
0x28c: {  	v20 =	vsel vm0, v31, v20;
	v15 =	vadd.s32 $0x1, v22  }
0x28d: {  	v18 =	vadd.s32 $0x1, v20;
	v26 =	vld.idx.msk [tilespmem:v27+s19+$0x0], $0xffff  }
0x28e: {  	v29 =	vadd.s32 $0x4, v17;
	v27 =	vld.idx.msk [tilespmem:v28+s19+$0x0], $0xffff;
	v28 =	vadd.s32 $0x3, v21  }
0x28f: {  	v24 =	vld.idx.msk [tilespmem:v24+s19+$0x0], $0xffff;
	v25 =	vsel vm2, v29, v17  }
0x290: {  	v17 =	vadd.s32 $0x1, v25;
	v29 =	vld.idx.msk [tilespmem:v16+s4+$0x0], $0xffff  }
0x291: {  	v30 =	vld.idx.msk [tilespmem:v15+s4+$0x0], $0xffff  }
0x292: {  	v32 =	vld.idx.msk [tilespmem:v18+s4+$0x0], $0xffff  }
0x293: {  	s28 =	simm.s32 $0x41A0;
	v28 =	vld.idx.msk [tilespmem:v28+s4+$0x0], $0xffff  }
0x294: {  	v18 =	vld [tilespmem:s28+$0x10]  }
0x295: {  	v33 =	vadd.s32 $0x2, v22;
	v34 =	vadd.s32 $0x2, v25;
	v35 =	vadd.s32 $0x2, v20;
	v31 =	vld.idx.msk [tilespmem:v17+s4+$0x0], $0xffff  }
0x296: {  	v36 =	vadd.s32 $0x4, v24;
	v37 =	vadd.s32 $0x3, v24;
	v38 =	vadd.s32 $0x3, v26  }
0x297: {  	v39 =	vadd.s32 $0x3, v27;
	v40 =	vadd.s32 $0x4, v27;
	vm0 =	vlt.f32 v29, v19  }
0x298: {  	v15 =	vld [tilespmem:s28+$0xFFFFFFF0];
	v29 =	vadd.s32 $0x4, v26;
	vm1 =	vlt.f32 v30, v14;
	vm0 =	vmneg vm0  }
0x299: {  	v17 =	vld [tilespmem:s28+$0x0];
	vm2 =	vlt.f32 v28, v23;
	v28 =	vsub.f32 v18, v7;
	v30 =	vsel vm0, $0xFFFFFFFF, v5  }
0x29a: {  	v22 =	vsel vm1, v33, v22;
	vm0 =	vlt.f32 v31, v9;
	v30 =	vadd.s32 v30, v16  }
0x29b: {  	v31 =	vadd.s32 $0x4, v21;
	v28 =	vmul.f32 v28, v8;
	v16 =	vld [tilespmem:s28+$0xFFFFFFE0];
	vm1 =	vgt.s32 v30, $0x0  }
0x29c: {  	v25 =	vsel vm0, v34, v25;
	v21 =	vsel vm2, v31, v21;
	v30 =	vnsel vm1, $0x0, v30  }
0x29d: {  	v37 =	vld.idx.msk [tilespmem:v37+s4+$0x0], $0xffff;
	v31 =	vsub.f32 v15, v7;
	v28 =	vmax.f32 v28, $0.0e+00;
	v30 =	vmin.u32 v30, $0xFFE  }
0x29e: {  	v51 =	vsub.f32 v17, v7;
	v54 =	vld.idx.msk [tilespmem:v38+s4+$0x0], $0xffff;
	v52 =	vadd.s32 $0x1, v21;
	v28 =	vmin.f32 v28, $4.095000000e+03  }
0x29f: {  	vm0 =	vlt.f32 v32, v10;
	v31 =	vmul.f32 v31, v8;
	v28 =	vtrunc.f32 v28  }
0x2a0: {  	v55 =	vld.idx.msk [tilespmem:v39+s4+$0x0], $0xffff;
	v32 =	vmul.f32 v51, v8;
	v28 =	vcvt.f32.s32 v28;
	v53 =	vsub.f32 v16, v7  }
0x2a1: {  	v20 =	vsel vm0, v35, v20;
	v60 =	vadd.s32 $0x2, v21;
	v31 =	vmax.f32 v31, $0.0e+00;
	v57 =	vld.idx.msk [tilespmem:v25+s4+$0x0], $0xffff  }
0x2a2: {  	v32 =	vmax.f32 v32, $0.0e+00;
	v31 =	vmin.f32 v31, $4.095000000e+03;
	v34 =	vmul.f32 v53, v8;
	v56 =	vld.idx.msk [tilespmem:v30+s22+$0x0], $0xffff  }
0x2a3: {  	vm0 =	vlt.f32 v54, v13;
	vm1 =	vlt.f32 v37, v11;
	v33 =	vld.idx.msk [tilespmem:v52+s4+$0x0], $0xffff;
	v31 =	vtrunc.f32 v31  }
0x2a4: {  	v32 =	vmin.f32 v32, $4.095000000e+03;
	v31 =	vcvt.f32.s32 v31;
	v30 =	vld.idx.msk [tilespmem:v30+s18+$0x0], $0xffff;
	v34 =	vmax.f32 v34, $0.0e+00  }
0x2a5: {  	v26 =	vsel vm0, v29, v26;
	v32 =	vtrunc.f32 v32;
	v34 =	vmin.f32 v34, $4.095000000e+03  }
0x2a6: {  	v59 =	vadd.s32 $0x1, v26;
	v32 =	vcvt.f32.s32 v32;
	v28 =	vld.idx.msk [tilespmem:v28+s19+$0x0], $0xffff;
	v34 =	vtrunc.f32 v34  }
0x2a7: {  	v41 =	vld.idx.msk [tilespmem:v22+s4+$0x0], $0xffff;
	vm0 =	vlt.f32 v55, v12;
	v34 =	vcvt.f32.s32 v34;
	v19 =	vmul.f32 v56, v19  }
0x2a8: {  	v24 =	vsel vm1, v36, v24;
	v27 =	vsel vm0, v40, v27;
	v58 =	vld.idx.msk [tilespmem:v20+s4+$0x0], $0xffff;
	vm0 =	vlt.f32 v33, v23  }
0x2a9: {  	vm1 =	vlt.f32 v57, v9;
	v29 =	vadd.f32 v19, v30;
	v30 =	vsel vm0, v60, v21  }
0x2aa: {  	v61 =	vadd.s32 $0x2, v26;
	vm1 =	vmneg vm1;
	v31 =	vld.idx.msk [tilespmem:v31+s19+$0x0], $0xffff;
	v19 =	vadd.s32 $0x1, v24  }
0x2ab: {  	v62 =	vadd.s32 $0x2, v24;
	v48 =	vld.idx.msk [tilespmem:v59+s4+$0x0], $0xffff;
	v50 =	vsel vm1, $0xFFFFFFFF, v5;
	v51 =	vadd.s32 $0x3, v28  }
0x2ac: {  	v63 =	vadd.s32 $0x2, v27;
	v32 =	vld.idx.msk [tilespmem:v32+s19+$0x0], $0xffff;
	v25 =	vadd.s32 v50, v25;
	vm0 =	vlt.f32 v41, v14  }
0x2ad: {  	vm2 =	vlt.f32 v58, v10;
	vm1 =	vgt.s32 v25, $0x0;
	vm0 =	vmneg vm0;
	v34 =	vld.idx.msk [tilespmem:v34+s19+$0x0], $0xffff  }
0x2ae: {  	v21 =	vadd.s32 $0x1, v27;
	v49 =	vsel vm0, $0xFFFFFFFF, v5;
	vm0 =	vmneg vm2;
	v52 =	vld.idx.msk [tilespmem:v30+s4+$0x0], $0xffff  }
0x2af: {  	v22 =	vadd.s32 v49, v22;
	v53 =	vsel vm0, $0xFFFFFFFF, v5;
	v42 =	vadd.s32 $0x3, v31;
	v54 =	vld.idx.msk [tilespmem:v19+s4+$0x0], $0xffff  }
0x2b0: {  	s29 =	simm.s32 $0x41E0;
	v25 =	vnsel vm1, $0x0, v25;
	vm0 =	vgt.s32 v22, $0x0;
	v19 =	vadd.s32 v53, v20;
	v40 =	vld.idx.msk [tilespmem:v51+s4+$0x0], $0xffff  }
0x2b1: {  	v46 =	vadd.s32 $0x4, v32;
	v20 =	vnsel vm0, $0x0, v22;
	v22 =	vld [tilespmem:s29+$0x10];
	vm2 =	vgt.s32 v19, $0x0  }
0x2b2: {  	v47 =	vadd.s32 $0x3, v32;
	v41 =	vmin.u32 v20, $0xFFE;
	v20 =	vnsel vm2, $0x0, v19;
	v19 =	vld [tilespmem:s29+$0x0]  }
0x2b3: {  	v33 =	vmin.u32 v25, $0xFFE;
	vm0 =	vlt.f32 v48, v13;
	v48 =	vmin.u32 v20, $0xFFE;
	v20 =	vld [tilespmem:s29+$0xFFFFFFE0]  }
0x2b4: {  	v37 =	vadd.s32 $0x4, v31;
	v26 =	vsel vm0, v61, v26;
	v45 =	vadd.s32 $0x3, v34;
	v42 =	vld.idx.msk [tilespmem:v42+s4+$0x0], $0xffff  }
0x2b5: {  	v44 =	vadd.s32 $0x4, v34;
	vm1 =	vlt.f32 v52, v23;
	vm0 =	vlt.f32 v54, v11  }
0x2b6: {  	vm1 =	vmneg vm1;
	v36 =	vsel vm0, v62, v24;
	v24 =	vadd.s32 $0x4, v28  }
0x2b7: {  	v43 =	vld.idx.msk [tilespmem:v21+s4+$0x0], $0xffff;
	v25 =	vsel vm1, $0xFFFFFFFF, v5;
	vm1 =	vlt.f32 v40, v18;
	v57 =	vsub.f32 v19, v7  }
0x2b8: {  	v21 =	vld [tilespmem:s29+$0xFFFFFFF0];
	v25 =	vadd.s32 v25, v30;
	v30 =	vsub.f32 v22, v7;
	v28 =	vsel vm1, v24, v28  }
0x2b9: {  	v55 =	vld.idx.msk [tilespmem:v45+s4+$0x0], $0xffff;
	v58 =	vsub.f32 v20, v7;
	vm1 =	vlt.f32 v42, v15;
	vm0 =	vgt.s32 v25, $0x0  }
0x2ba: {  	v56 =	vadd.s32 $0x1, v28;
	v40 =	vmul.f32 v57, v8;
	v25 =	vnsel vm0, $0x0, v25  }
0x2bb: {  	v39 =	vsel vm1, v37, v31;
	v31 =	vadd.s32 $0x2, v28;
	v24 =	vmin.u32 v25, $0xFFE  }
0x2bc: {  	v59 =	vld.idx.msk [tilespmem:v47+s4+$0x0], $0xffff;
	v30 =	vmul.f32 v30, v8;
	vm0 =	vlt.f32 v43, v12;
	v43 =	vmul.f32 v58, v8  }
0x2bd: {  	v60 =	vld.idx.msk [tilespmem:v26+s4+$0x0], $0xffff;
	v25 =	vsub.f32 v21, v7;
	v27 =	vsel vm0, v63, v27;
	v40 =	vmax.f32 v40, $0.0e+00  }
0x2be: {  	v62 =	vld.idx.msk [tilespmem:v36+s4+$0x0], $0xffff;
	v30 =	vmax.f32 v30, $0.0e+00;
	v43 =	vmax.f32 v43, $0.0e+00;
	vm0 =	vlt.f32 v55, v16  }
0x2bf: {  	v25 =	vmul.f32 v25, v8;
	v30 =	vmin.f32 v30, $4.095000000e+03;
	v38 =	vld.idx.msk [tilespmem:v56+s4+$0x0], $0xffff;
	v34 =	vsel vm0, v44, v34  }
0x2c0: {  	v40 =	vmin.f32 v40, $4.095000000e+03;
	v30 =	vtrunc.f32 v30;
	v44 =	vadd.s32 $0x1, v34;
	v61 =	vld.idx.msk [tilespmem:v24+s22+$0x0], $0xffff  }
0x2c1: {  	v25 =	vmax.f32 v25, $0.0e+00;
	v49 =	vcvt.f32.s32 v30;
	v30 =	vtrunc.f32 v40;
	v50 =	vld.idx.msk [tilespmem:v24+s18+$0x0], $0xffff  }
0x2c2: {  	v25 =	vmin.f32 v25, $4.095000000e+03;
	v24 =	vmin.f32 v43, $4.095000000e+03;
	v63 =	vld.idx.msk [tilespmem:v27+s4+$0x0], $0xffff;
	v52 =	vcvt.f32.s32 v30  }
0x2c3: {  	v45 =	vadd.s32 $0x2, v39;
	v30 =	vld.idx.msk [tilespmem:v41+s22+$0x0], $0xffff;
	v25 =	vtrunc.f32 v25;
	v24 =	vtrunc.f32 v24  }
0x2c4: {  	vm0 =	vlt.f32 v59, v17;
	v25 =	vcvt.f32.s32 v25;
	v51 =	vcvt.f32.s32 v24;
	v24 =	vld.idx.msk [tilespmem:v48+s22+$0x0], $0xffff  }
0x2c5: {  	v35 =	vsel vm0, v46, v32;
	v54 =	vadd.s32 $0x2, v34;
	vm0 =	vlt.f32 v38, v18;
	v44 =	vld.idx.msk [tilespmem:v44+s4+$0x0], $0xffff  }
0x2c6: {  	v38 =	vsel vm0, v31, v28;
	vm0 =	vlt.f32 v60, v13;
	v56 =	vmul.f32 v61, v23;
	v23 =	vld.idx.msk [tilespmem:v33+s22+$0x0], $0xffff  }
0x2c7: {  	v53 =	vadd.s32 $0x1, v35;
	vm1 =	vlt.f32 v62, v11;
	v37 =	vld.idx.msk [tilespmem:v49+s19+$0x0], $0xffff;
	vm0 =	vmneg vm0  }
0x2c8: {  	vm1 =	vmneg vm1;
	v49 =	vadd.s32 $0x1, v39;
	v31 =	vld.idx.msk [tilespmem:v52+s19+$0x0], $0xffff;
	v57 =	vsel vm0, $0xFFFFFFFF, v5  }
0x2c9: {  	v58 =	vsel vm1, $0xFFFFFFFF, v5;
	vm2 =	vlt.f32 v63, v12;
	v60 =	vadd.s32 v57, v26;
	v26 =	vld.idx.msk [tilespmem:v33+s18+$0x0], $0xffff  }
0x2ca: {  	v42 =	vadd.s32 $0x2, v35;
	v61 =	vadd.s32 v58, v36;
	vm2 =	vmneg vm2;
	v28 =	vld.idx.msk [tilespmem:v25+s19+$0x0], $0xffff  }
0x2cb: {  	vm1 =	vgt.s32 v61, $0x0;
	v50 =	vadd.f32 v56, v50;
	v59 =	vsel vm2, $0xFFFFFFFF, v5;
	v32 =	vld.idx.msk [tilespmem:v51+s19+$0x0], $0xffff  }
0x2cc: {  	vm0 =	vgt.s32 v60, $0x0;
	v55 =	vadd.s32 v59, v27;
	v62 =	vld.idx.msk [tilespmem:v38+s4+$0x0], $0xffff;
	v51 =	vadd.s32 $0x3, v37  }
0x2cd: {  	v56 =	vnsel vm1, $0x0, v61;
	vm2 =	vgt.s32 v55, $0x0;
	v63 =	vnsel vm0, $0x0, v60;
	v43 =	vld.idx.msk [tilespmem:v49+s4+$0x0], $0xffff  }
0x2ce: {  	s9 =	simm.s32 $0x8120;
	vm0 =	vlt.f32 v44, v16;
	v44 =	vld.idx.msk [tilespmem:v53+s4+$0x0], $0xffff;
	v33 =	vmin.u32 v63, $0xFFE;
	v49 =	vnsel vm2, $0x0, v55  }
0x2cf: {  	[tilespmem:s9+$0x10] =	vst v29;
	v25 =	vld.idx.msk [tilespmem:v41+s18+$0x0], $0xffff;
	v29 =	vsel vm0, v54, v34;
	v34 =	vmin.u32 v56, $0xFFE;
	v41 =	vadd.s32 $0x4, v31  }
0x2d0: {  	s8 =	simm.s32 $0x8160;
	s0 =	sshll.u32 s2, $0x11;
	v27 =	vld.idx.msk [tilespmem:v48+s18+$0x0], $0xffff;
	v47 =	vadd.s32 $0x3, v31;
	v36 =	vadd.s32 $0x4, v28;
	v46 =	vadd.s32 $0x3, v28  }
0x2d1: {  	s10 =	simm.s32 $0xC0;
	s13 =	simm.s32 $0x4220;
	s7 =	sor.u32 s0, s5;
	[tilespmem:s8+$0x10] =	vst v50;
	v40 =	vadd.s32 $0x4, v32;
	v48 =	vadd.s32 $0x3, v32;
	vm0 =	vlt.f32 v62, v18;
	v50 =	vld.idx.msk [tilespmem:v51+s4+$0x0], $0xffff  }
.LBB2_12:
0x2d2: {  	v51 =	vld [tilespmem:s13+$0x10];
	vm1 =	vlt.f32 v43, v15;
	vm0 =	vmneg vm0;
	v49 =	vmin.u32 v49, $0xFFE  }
0x2d3: {  	s10 =	sadd.s32 $0x40, s10;
	v52 =	vld [tilespmem:s13+$0xFFFFFFF0];
	v43 =	vsel vm1, v45, v39;
	vm1 =	vlt.f32 v44, v17;
	v39 =	vsel vm0, $0xFFFFFFFF, v5  }
0x2d4: {  	v30 =	vmul.f32 v30, v14;
	v14 =	vmovc v13;
	p1 =	slt.u32 s10, $0x1FC0;
	v45 =	vld [tilespmem:s13+$0x0];
	v44 =	vsel vm1, v42, v35;
	v35 =	vadd.s32 v39, v38  }
0x2d5: {  	v13 =	vmul.f32 v23, v9;
	v23 =	vmul.f32 v24, v10;
	v9 =	vmovc v11;
	v11 =	vmovc v15;
	v38 =	vld [tilespmem:s13+$0xFFFFFFE0];
	vm0 =	vgt.s32 v35, $0x0  }
0x2d6: {  	v15 =	vmovc v21;
	v10 =	vmovc v12;
	v39 =	vadd.s32 $0x4, v37;
	vm1 =	vlt.f32 v50, v22;
	v24 =	vld.idx.msk [tilespmem:v48+s4+$0x0], $0xffff;
	v35 =	vnsel vm0, $0x0, v35  }
0x2d7: {  	v12 =	vmovc v17;
	v48 =	vsel vm1, v39, v37;
	v42 =	vsub.f32 v51, v7;
	v46 =	vld.idx.msk [tilespmem:v46+s4+$0x0], $0xffff;
	v35 =	vmin.u32 v35, $0xFFE  }
0x2d8: {  	v25 =	vadd.f32 v30, v25;
	v39 =	vadd.s32 $0x1, v48;
	v54 =	vsub.f32 v52, v7;
	v37 =	vld.idx.msk [tilespmem:v47+s4+$0x0], $0xffff;
	v21 =	vmovc v52  }
0x2d9: {  	v55 =	vadd.f32 v13, v26;
	v30 =	vsub.f32 v45, v7;
	v42 =	vmul.f32 v42, v8;
	v47 =	vld.idx.msk [tilespmem:v29+s4+$0x0], $0xffff  }
0x2da: {  	v23 =	vadd.f32 v23, v27;
	v26 =	vsub.f32 v38, v7;
	v50 =	vmul.f32 v54, v8;
	v52 =	vld.idx.msk [tilespmem:v43+s4+$0x0], $0xffff  }
0x2db: {  	v17 =	vmovc v19;
	v19 =	vmov v45;
	v27 =	vmul.f32 v30, v8;
	v30 =	vmax.f32 v42, $0.0e+00;
	v53 =	vld.idx.msk [tilespmem:v44+s4+$0x0], $0xffff;
	[tilespmem:s9+$0xFFFFFFE0] =	vst v25  }
0x2dc: {  	v13 =	vmovc v16;
	v25 =	vmul.f32 v26, v8;
	v26 =	vmax.f32 v50, $0.0e+00;
	v30 =	vmin.f32 v30, $4.095000000e+03;
	v42 =	vld.idx.msk [tilespmem:v35+s22+$0x0], $0xffff;
	[tilespmem:s9+$0xFFFFFFF0] =	vst v55  }
0x2dd: {  	v16 =	vmovc v20;
	v20 =	vmovc v38;
	v26 =	vmin.f32 v26, $4.095000000e+03;
	v27 =	vmax.f32 v27, $0.0e+00;
	v30 =	vtrunc.f32 v30;
	v45 =	vld.idx.msk [tilespmem:v39+s4+$0x0], $0xffff;
	[tilespmem:s9+$0x0] =	vst v23;
	s9 =	smov.u32 s8  }
0x2de: {  	v23 =	vmax.f32 v25, $0.0e+00;
	v25 =	vmin.f32 v27, $4.095000000e+03;
	v27 =	vcvt.f32.s32 v30;
	v38 =	vld.idx.msk [tilespmem:v35+s18+$0x0], $0xffff  }
0x2df: {  	v26 =	vtrunc.f32 v26;
	v23 =	vmin.f32 v23, $4.095000000e+03;
	v25 =	vtrunc.f32 v25;
	v30 =	vld.idx.msk [tilespmem:v33+s22+$0x0], $0xffff  }
0x2e0: {  	vm0 =	vlt.f32 v24, v16;
	v50 =	vcvt.f32.s32 v26;
	v35 =	vtrunc.f32 v23;
	v23 =	vld.idx.msk [tilespmem:v34+s22+$0x0], $0xffff  }
0x2e1: {  	vm1 =	vlt.f32 v46, v15;
	v55 =	vcvt.f32.s32 v25;
	v54 =	vcvt.f32.s32 v35;
	v24 =	vld.idx.msk [tilespmem:v49+s22+$0x0], $0xffff  }
0x2e2: {  	v56 =	vsel vm0, v40, v32;
	vm0 =	vlt.f32 v37, v17;
	v32 =	vmul.f32 v42, v18;
	v25 =	vld.idx.msk [tilespmem:v33+s18+$0x0], $0xffff  }
0x2e3: {  	v39 =	vsel vm1, v36, v28;
	v35 =	vsel vm0, v41, v31;
	v18 =	vmovc v22;
	v33 =	vadd.s32 $0x1, v56;
	v26 =	vld.idx.msk [tilespmem:v34+s18+$0x0], $0xffff  }
0x2e4: {  	v22 =	vmovc v51;
	vm0 =	vlt.f32 v45, v18;
	v31 =	vadd.f32 v32, v38;
	v37 =	vld.idx.msk [tilespmem:v27+s19+$0x0], $0xffff;
	v27 =	vadd.s32 $0x2, v48  }
0x2e5: {  	s8 =	sadd.s32 $0x40, s8;
	v40 =	vadd.s32 $0x1, v35;
	v34 =	vadd.s32 $0x1, v39;
	v38 =	vsel vm0, v27, v48;
	v27 =	vld.idx.msk [tilespmem:v49+s18+$0x0], $0xffff  }
0x2e6: {  	v51 =	vadd.s32 $0x2, v56;
	v45 =	vadd.s32 $0x2, v39;
	v42 =	vadd.s32 $0x2, v35;
	v28 =	vld.idx.msk [tilespmem:v50+s19+$0x0], $0xffff;
	[tilespmem:s8+$0x10] =	vst v31  }
0x2e7: {  	vm1 =	vlt.f32 v52, v11;
	vm2 =	vlt.f32 v53, v12;
	vm0 =	vlt.f32 v47, v13;
	v32 =	vld.idx.msk [tilespmem:v54+s19+$0x0], $0xffff  }
0x2e8: {  	vm1 =	vmneg vm1;
	vm2 =	vmneg vm2;
	vm0 =	vmneg vm0;
	v31 =	vld.idx.msk [tilespmem:v55+s19+$0x0], $0xffff  }
0x2e9: {  	v41 =	vsel vm1, $0xFFFFFFFF, v5;
	v46 =	vsel vm2, $0xFFFFFFFF, v5;
	v36 =	vsel vm0, $0xFFFFFFFF, v5;
	v33 =	vld.idx.msk [tilespmem:v33+s4+$0x0], $0xffff  }
0x2ea: {  	v50 =	vadd.s32 v41, v43;
	v29 =	vadd.s32 v36, v29;
	v49 =	vadd.s32 $0x3, v37;
	v52 =	vld.idx.msk [tilespmem:v38+s4+$0x0], $0xffff  }
0x2eb: {  	vm1 =	vgt.s32 v50, $0x0;
	vm0 =	vgt.s32 v29, $0x0;
	v43 =	vld.idx.msk [tilespmem:v34+s4+$0x0], $0xffff;
	v34 =	vadd.s32 v46, v44  }
.Ltmp8:
0x2ec: {  	v36 =	vadd.s32 $0x4, v28;
	v46 =	vadd.s32 $0x3, v28;
	v44 =	vld.idx.msk [tilespmem:v40+s4+$0x0], $0xffff;
	vm2 =	vgt.s32 v34, $0x0;
	(pc) =	sbr.rel @p1 .LBB2_12-.Ltmp8, $4  }
0x2ed: {  	v29 =	vnsel vm0, $0x0, v29;
	v40 =	vadd.s32 $0x4, v32;
	v48 =	vadd.s32 $0x3, v32  }
0x2ee: {  	v53 =	vnsel vm1, $0x0, v50;
	v41 =	vadd.s32 $0x4, v31;
	v47 =	vadd.s32 $0x3, v31  }
0x2ef: {  	vm0 =	vlt.f32 v33, v16;
	v33 =	vmin.u32 v29, $0xFFE;
	v50 =	vld.idx.msk [tilespmem:v49+s4+$0x0], $0xffff;
	v49 =	vnsel vm2, $0x0, v34  }
0x2f0: {  	s13 =	sadd.s32 $0x40, s13;
	v29 =	vsel vm0, v51, v56;
	vm0 =	vlt.f32 v52, v18;
	v34 =	vmin.u32 v53, $0xFFE  }
0x2f1: {  	_ =	sdelay $0x3  }
0x2f2: {  	v48 =	vld.idx.msk [tilespmem:v48+s4+$0x0], $0xffff  }
0x2f3: {  	v46 =	vld.idx.msk [tilespmem:v46+s4+$0x0], $0xffff  }
0x2f4: {  	v47 =	vld.idx.msk [tilespmem:v47+s4+$0x0], $0xffff  }
0x2f5: {  	v51 =	vadd.s32 $0x4, v37;
	vm1 =	vlt.f32 v50, v22  }
0x2f6: {  	v37 =	vsel vm1, v51, v37  }
0x2f7: {  	vm1 =	vlt.f32 v43, v15;
	v52 =	vadd.s32 $0x1, v37;
	vm2 =	vlt.f32 v48, v20  }
0x2f8: {  	v39 =	vsel vm1, v45, v39;
	vm1 =	vlt.f32 v46, v21;
	v32 =	vsel vm2, v40, v32  }
0x2f9: {  	vm2 =	vlt.f32 v47, v19;
	v28 =	vsel vm1, v36, v28;
	v40 =	vadd.s32 $0x1, v32  }
0x2fa: {  	v31 =	vsel vm2, v41, v31;
	v36 =	vadd.s32 $0x1, v28  }
0x2fb: {  	v54 =	vadd.s32 $0x1, v31  }
0x2fc: {  	v50 =	vld.idx.msk [tilespmem:v52+s4+$0x0], $0xffff;
	_ =	sdelay $0x1  }
0x2fd: {  	vm0 =	vmneg vm0;
	v40 =	vld.idx.msk [tilespmem:v40+s4+$0x0], $0xffff  }
0x2fe: {  	v56 =	vsel vm0, $0xFFFFFFFF, v5;
	vm2 =	vlt.f32 v44, v17;
	v36 =	vld.idx.msk [tilespmem:v36+s4+$0x0], $0xffff  }
0x2ff: {  	v38 =	vadd.s32 v56, v38;
	v35 =	vsel vm2, v42, v35;
	v58 =	vld.idx.msk [tilespmem:v54+s4+$0x0], $0xffff  }
0x300: {  	vm0 =	vgt.s32 v38, $0x0;
	v53 =	vadd.s32 $0x2, v37;
	vm1 =	vlt.f32 v50, v22  }
0x301: {  	v14 =	vmul.f32 v30, v14;
	v38 =	vnsel vm0, $0x0, v38;
	v57 =	vld.idx.msk [tilespmem:v39+s4+$0x0], $0xffff;
	v37 =	vsel vm1, v53, v37  }
0x302: {  	v55 =	vld.idx.msk [tilespmem:v29+s4+$0x0], $0xffff;
	v38 =	vmin.u32 v38, $0xFFE;
	v61 =	vadd.s32 $0x2, v32;
	vm0 =	vlt.f32 v40, v20  }
0x303: {  	v62 =	vadd.s32 $0x2, v28;
	v32 =	vsel vm0, v61, v32;
	vm0 =	vlt.f32 v36, v21  }
0x304: {  	v63 =	vadd.s32 $0x2, v31;
	v30 =	vld.idx.msk [tilespmem:v35+s4+$0x0], $0xffff;
	v28 =	vsel vm0, v62, v28;
	vm0 =	vlt.f32 v58, v19  }
0x305: {  	v60 =	vmin.u32 v49, $0xFFE;
	v9 =	vmul.f32 v23, v9;
	v31 =	vsel vm0, v63, v31  }
0x306: {  	v10 =	vmul.f32 v24, v10;
	v14 =	vadd.f32 v14, v25;
	vm2 =	vlt.f32 v57, v15;
	v59 =	vld.idx.msk [tilespmem:v37+s4+$0x0], $0xffff  }
0x307: {  	v9 =	vadd.f32 v9, v26;
	vm1 =	vlt.f32 v55, v16;
	vm2 =	vmneg vm2  }
0x308: {  	v10 =	vadd.f32 v10, v27;
	vm1 =	vmneg vm1;
	v51 =	vsel vm2, $0xFFFFFFFF, v5;
	v36 =	vld.idx.msk [tilespmem:v38+s22+$0x0], $0xffff  }
0x309: {  	v49 =	vsel vm1, $0xFFFFFFFF, v5;
	vm1 =	vlt.f32 v30, v17;
	v39 =	vadd.s32 v51, v39;
	v54 =	vld.idx.msk [tilespmem:v28+s4+$0x0], $0xffff  }
0x30a: {  	vm1 =	vmneg vm1;
	v29 =	vadd.s32 v49, v29;
	vm2 =	vgt.s32 v39, $0x0;
	v55 =	vld.idx.msk [tilespmem:v31+s4+$0x0], $0xffff  }
0x30b: {  	v56 =	vld.idx.msk [tilespmem:v34+s22+$0x0], $0xffff;
	v52 =	vsel vm1, $0xFFFFFFFF, v5;
	vm1 =	vgt.s32 v29, $0x0;
	vm0 =	vlt.f32 v59, v22  }
0x30c: {  	v39 =	vnsel vm2, $0x0, v39;
	v35 =	vadd.s32 v52, v35;
	v53 =	vld.idx.msk [tilespmem:v32+s4+$0x0], $0xffff;
	vm0 =	vmneg vm0  }
0x30d: {  	v57 =	vld.idx.msk [tilespmem:v60+s22+$0x0], $0xffff;
	v29 =	vnsel vm1, $0x0, v29;
	v39 =	vmin.u32 v39, $0xFFE;
	v50 =	vsel vm0, $0xFFFFFFFF, v5  }
0x30e: {  	v60 =	vld.idx.msk [tilespmem:v60+s18+$0x0], $0xffff;
	v29 =	vmin.u32 v29, $0xFFE;
	v18 =	vmul.f32 v36, v18;
	v37 =	vadd.s32 v50, v37  }
0x30f: {  	v38 =	vld.idx.msk [tilespmem:v38+s18+$0x0], $0xffff;
	vm1 =	vlt.f32 v54, v21;
	vm0 =	vgt.s32 v37, $0x0;
	vm2 =	vlt.f32 v55, v19  }
0x310: {  	v30 =	vld.idx.msk [tilespmem:v33+s22+$0x0], $0xffff;
	vm1 =	vmneg vm1;
	v37 =	vnsel vm0, $0x0, v37;
	vm0 =	vgt.s32 v35, $0x0  }
0x311: {  	v58 =	vld.idx.msk [tilespmem:v33+s18+$0x0], $0xffff;
	v63 =	vsel vm1, $0xFFFFFFFF, v5;
	v35 =	vnsel vm0, $0x0, v35;
	vm0 =	vlt.f32 v53, v20  }
0x312: {  	v59 =	vld.idx.msk [tilespmem:v34+s18+$0x0], $0xffff;
	v37 =	vmin.u32 v37, $0xFFE;
	v28 =	vadd.s32 v63, v28;
	vm0 =	vmneg vm0  }
0x313: {  	v26 =	vld.idx.msk [tilespmem:v39+s18+$0x0], $0xffff;
	v35 =	vmin.u32 v35, $0xFFE;
	v61 =	vsel vm0, $0xFFFFFFFF, v5;
	vm0 =	vmneg vm2  }
0x314: {  	v49 =	vld.idx.msk [tilespmem:v29+s22+$0x0], $0xffff;
	vm1 =	vgt.s32 v28, $0x0;
	v32 =	vadd.s32 v61, v32;
	v48 =	vsel vm0, $0xFFFFFFFF, v5  }
0x315: {  	v24 =	vld.idx.msk [tilespmem:v29+s18+$0x0], $0xffff;
	v28 =	vnsel vm1, $0x0, v28;
	vm0 =	vgt.s32 v32, $0x0;
	v31 =	vadd.s32 v48, v31  }
0x316: {  	v50 =	vld.idx.msk [tilespmem:v39+s22+$0x0], $0xffff;
	v28 =	vmin.u32 v28, $0xFFE;
	v32 =	vnsel vm0, $0x0, v32;
	vm0 =	vgt.s32 v31, $0x0  }
0x317: {  	[tilespmem:s9+$0xFFFFFFF0] =	vst v9;
	v13 =	vmul.f32 v30, v13;
	v62 =	vld.idx.msk [tilespmem:v37+s22+$0x0], $0xffff;
	v32 =	vmin.u32 v32, $0xFFE;
	v31 =	vnsel vm0, $0x0, v31  }
0x318: {  	[tilespmem:s9+$0x0] =	vst v10;
	v10 =	vmul.f32 v57, v12;
	v9 =	vadd.f32 v18, v38;
	v37 =	vld.idx.msk [tilespmem:v37+s18+$0x0], $0xffff;
	v25 =	vmin.u32 v31, $0xFFE  }
0x319: {  	s13 =	sadd.s32 $0x40, s8;
	[tilespmem:s9+$0xFFFFFFE0] =	vst v14;
	v11 =	vmul.f32 v56, v11;
	v12 =	vadd.f32 v13, v58;
	v23 =	vld.idx.msk [tilespmem:v35+s22+$0x0], $0xffff  }
0x31a: {  	v10 =	vadd.f32 v10, v60;
	[tilespmem:s13+$0x10] =	vst v9;
	v14 =	vld.idx.msk [tilespmem:v35+s18+$0x0], $0xffff  }
0x31b: {  	[tilespmem:s8+$0xFFFFFFE0] =	vst v12;
	v9 =	vadd.f32 v11, v59;
	v12 =	vmul.f32 v49, v16;
	v13 =	vld.idx.msk [tilespmem:v28+s22+$0x0], $0xffff  }
0x31c: {  	[tilespmem:s8+$0x0] =	vst v10;
	v11 =	vmul.f32 v62, v22;
	v18 =	vld.idx.msk [tilespmem:v32+s22+$0x0], $0xffff  }
0x31d: {  	[tilespmem:s8+$0xFFFFFFF0] =	vst v9;
	v12 =	vadd.f32 v12, v24;
	v22 =	vld.idx.msk [tilespmem:v25+s22+$0x0], $0xffff  }
0x31e: {  	v10 =	vmul.f32 v23, v17;
	v9 =	vadd.f32 v11, v37;
	v11 =	vmul.f32 v50, v15;
	v15 =	vld.idx.msk [tilespmem:v28+s18+$0x0], $0xffff  }
0x31f: {  	v16 =	vld.idx.msk [tilespmem:v32+s18+$0x0], $0xffff  }
0x320: {  	s20 =	sadd.s32 $0x40, s13;
	[tilespmem:s13+$0xFFFFFFE0] =	vst v12;
	v17 =	vld.idx.msk [tilespmem:v25+s18+$0x0], $0xffff;
	v10 =	vadd.f32 v10, v14  }
0x321: {  	v12 =	vmul.f32 v13, v21;
	[tilespmem:s20+$0x10] =	vst v9;
	v9 =	vadd.f32 v11, v26  }
0x322: {  	[tilespmem:s13+$0x0] =	vst v10;
	v11 =	vmul.f32 v18, v20  }
0x323: {  	[tilespmem:s13+$0xFFFFFFF0] =	vst v9;
	v9 =	vmul.f32 v22, v19;
	v10 =	vadd.f32 v12, v15  }
0x324: {  	v11 =	vadd.f32 v11, v16  }
0x325: {  	v9 =	vadd.f32 v9, v17;
	[tilespmem:s20+$0xFFFFFFF0] =	vst v10  }
0x326: {  	s7 =	sshrl.u32 s7, $0x3;
	[tilespmem:s20+$0xFFFFFFE0] =	vst v11  }
0x327: {  	p1 =	seq.s32 s2, $0x7;
	s7 =	sadd.s32 s3, s7;
	[tilespmem:s20+$0x0] =	vst v9  }
0x328: {  	[hbm4b:s7+s15] =	stream.strided.scatter [tilespmem:s23], [sflag:$0x3], $0x2000, s16, s15, $0x38;
	[tilespmem:$0xC100] =	vst v63  }
0x329: {  	s7 =	sadd.s32 @!p1 s0, s11  }
0x32a: {  	s10 =	simm.s32 @!p1 $0x4100;
	s7 =	sshrl.u32 @!p1 s7, $0x3  }
0x32b: {  	s9 =	simm.s32 @!p1 $0x400;
	s8 =	simm.s32 @!p1 $0x80;
	s7 =	sadd.s32 @!p1 s1, s7  }
0x32c: {  	[tilespmem:s10], [sflag:$0x1] =	stream.strided.gather @!p1 [hbm4b:s7+s8], $0x2000, s9, s8, $0x38;
	[tilespmem:$0xC100] =	vst v63  }
0x32d: {  	_ =	swait.ge [sflag:s24], $0x2000  }
0x32e: {  	[sflag:s24] =	ssyncset.done $0x0  }
0x32f: {  	s7 =	simm.s32 @!p0 $0x4;
	[sflag:s24] =	ssyncadd.s32 $0xFFFFE000  }
0x330: {  	_ =	swait.ge @!p0 [sflag:s7], $0x2000  }
0x331: {  	[sflag:s7] =	ssyncset.done @!p0 $0x0  }
0x332: {  	s21 =	simm.s32 $0x6120;
	[sflag:s7] =	ssyncadd.s32 @!p0 $0xFFFFE000  }
0x333: {  	v19 =	vld [tilespmem:s21+$0x10];
	_ =	sdelay $0x4  }
0x334: {  	v10 =	vsub.f32 v19, v7;
	_ =	sdelay $0x1  }
0x335: {  	v10 =	vmul.f32 v10, v8  }
0x336: {  	v9 =	vld [tilespmem:s21+$0xFFFFFFF0]  }
0x337: {  	v14 =	vld [tilespmem:s21+$0xFFFFFFE0];
	v10 =	vmax.f32 v10, $0.0e+00  }
0x338: {  	v11 =	vmin.f32 v10, $4.095000000e+03  }
0x339: {  	v11 =	vtrunc.f32 v11  }
0x33a: {  	v10 =	vld [tilespmem:s21+$0x0];
	v11 =	vcvt.f32.s32 v11  }
0x33b: {  	v12 =	vsub.f32 v9, v7  }
0x33c: {  	v13 =	vsub.f32 v14, v7  }
0x33d: {  	v12 =	vmul.f32 v12, v8  }
0x33e: {  	v13 =	vmul.f32 v13, v8  }
0x33f: {  	v12 =	vmax.f32 v12, $0.0e+00;
	v15 =	vsub.f32 v10, v7  }
0x340: {  	v13 =	vmax.f32 v13, $0.0e+00;
	v12 =	vmin.f32 v12, $4.095000000e+03;
	v16 =	vld.idx.msk [tilespmem:v11+s19+$0x0], $0xffff  }
0x341: {  	v13 =	vmin.f32 v13, $4.095000000e+03;
	v12 =	vtrunc.f32 v12;
	v15 =	vmul.f32 v15, v8  }
0x342: {  	v12 =	vcvt.f32.s32 v12;
	v11 =	vtrunc.f32 v13  }
0x343: {  	v13 =	vmax.f32 v15, $0.0e+00;
	v11 =	vcvt.f32.s32 v11  }
0x344: {  	v13 =	vmin.f32 v13, $4.095000000e+03  }
0x345: {  	v13 =	vtrunc.f32 v13;
	v15 =	vadd.s32 $0x3, v16  }
0x346: {  	s26 =	simm.s32 $0x6160;
	v13 =	vcvt.f32.s32 v13  }
0x347: {  	v23 =	vld [tilespmem:s26+$0x10]  }
0x348: {  	v17 =	vld.idx.msk [tilespmem:v12+s19+$0x0], $0xffff  }
0x349: {  	v18 =	vld.idx.msk [tilespmem:v11+s19+$0x0], $0xffff  }
0x34a: {  	v15 =	vld.idx.msk [tilespmem:v15+s4+$0x0], $0xffff  }
0x34b: {  	v11 =	vld [tilespmem:s26+$0xFFFFFFF0]  }
0x34c: {  	v20 =	vld.idx.msk [tilespmem:v13+s19+$0x0], $0xffff  }
0x34d: {  	v21 =	vsub.f32 v23, v7;
	v13 =	vld [tilespmem:s26+$0xFFFFFFE0]  }
0x34e: {  	v12 =	vld [tilespmem:s26+$0x0]  }
0x34f: {  	v21 =	vmul.f32 v21, v8;
	v22 =	vadd.s32 $0x4, v16;
	vm0 =	vlt.f32 v15, v19  }
0x350: {  	v15 =	vadd.s32 $0x3, v18;
	v16 =	vsel vm0, v22, v16  }
0x351: {  	v21 =	vmax.f32 v21, $0.0e+00;
	v24 =	vsub.f32 v11, v7;
	v25 =	vadd.s32 $0x1, v16  }
0x352: {  	v21 =	vmin.f32 v21, $4.095000000e+03;
	v27 =	vsub.f32 v13, v7;
	v22 =	vadd.s32 $0x3, v17  }
0x353: {  	v28 =	vsub.f32 v12, v7;
	v24 =	vmul.f32 v24, v8;
	v26 =	vadd.s32 $0x3, v20  }
0x354: {  	v21 =	vtrunc.f32 v21;
	v27 =	vmul.f32 v27, v8  }
0x355: {  	v21 =	vcvt.f32.s32 v21;
	v28 =	vmul.f32 v28, v8;
	v24 =	vmax.f32 v24, $0.0e+00;
	v15 =	vld.idx.msk [tilespmem:v15+s4+$0x0], $0xffff  }
0x356: {  	v24 =	vmin.f32 v24, $4.095000000e+03;
	v27 =	vmax.f32 v27, $0.0e+00;
	v25 =	vld.idx.msk [tilespmem:v25+s4+$0x0], $0xffff  }
0x357: {  	v28 =	vmax.f32 v28, $0.0e+00;
	v24 =	vtrunc.f32 v24;
	v27 =	vmin.f32 v27, $4.095000000e+03;
	v22 =	vld.idx.msk [tilespmem:v22+s4+$0x0], $0xffff  }
0x358: {  	v28 =	vmin.f32 v28, $4.095000000e+03;
	v24 =	vcvt.f32.s32 v24;
	v26 =	vld.idx.msk [tilespmem:v26+s4+$0x0], $0xffff;
	v27 =	vtrunc.f32 v27  }
0x359: {  	v29 =	vadd.s32 $0x4, v17;
	v28 =	vtrunc.f32 v28;
	v27 =	vcvt.f32.s32 v27  }
0x35a: {  	v30 =	vadd.s32 $0x4, v18;
	v28 =	vcvt.f32.s32 v28;
	v31 =	vadd.s32 $0x4, v20  }
0x35b: {  	v21 =	vld.idx.msk [tilespmem:v21+s19+$0x0], $0xffff;
	vm0 =	vlt.f32 v15, v14;
	v15 =	vadd.s32 $0x2, v16;
	vm1 =	vlt.f32 v25, v19  }
0x35c: {  	vm2 =	vlt.f32 v22, v9;
	v22 =	vsel vm0, v30, v18;
	v16 =	vsel vm1, v15, v16  }
0x35d: {  	vm0 =	vlt.f32 v26, v10;
	v25 =	vsel vm2, v29, v17;
	v15 =	vadd.s32 $0x1, v22  }
0x35e: {  	v24 =	vld.idx.msk [tilespmem:v24+s19+$0x0], $0xffff;
	v20 =	vsel vm0, v31, v20;
	v17 =	vadd.s32 $0x1, v25  }
0x35f: {  	v18 =	vadd.s32 $0x1, v20;
	v26 =	vld.idx.msk [tilespmem:v27+s19+$0x0], $0xffff  }
0x360: {  	v27 =	vld.idx.msk [tilespmem:v28+s19+$0x0], $0xffff;
	v28 =	vadd.s32 $0x3, v21  }
0x361: {  	v29 =	vld.idx.msk [tilespmem:v16+s4+$0x0], $0xffff  }
0x362: {  	v30 =	vld.idx.msk [tilespmem:v15+s4+$0x0], $0xffff  }
0x363: {  	v31 =	vld.idx.msk [tilespmem:v17+s4+$0x0], $0xffff  }
0x364: {  	v51 =	vld.idx.msk [tilespmem:v18+s4+$0x0], $0xffff  }
0x365: {  	s28 =	simm.s32 $0x61A0;
	v28 =	vld.idx.msk [tilespmem:v28+s4+$0x0], $0xffff  }
0x366: {  	v18 =	vld [tilespmem:s28+$0x10]  }
0x367: {  	v17 =	vld [tilespmem:s28+$0x0]  }
0x368: {  	v52 =	vadd.s32 $0x2, v22;
	v53 =	vadd.s32 $0x2, v25;
	v54 =	vadd.s32 $0x2, v20  }
0x369: {  	v55 =	vadd.s32 $0x4, v24;
	v56 =	vadd.s32 $0x3, v24;
	v57 =	vadd.s32 $0x3, v26  }
0x36a: {  	v58 =	vadd.s32 $0x3, v27;
	v45 =	vadd.s32 $0x4, v27;
	vm0 =	vlt.f32 v29, v19  }
0x36b: {  	v15 =	vld [tilespmem:s28+$0xFFFFFFF0];
	vm1 =	vlt.f32 v30, v14;
	vm2 =	vlt.f32 v28, v23;
	vm0 =	vmneg vm0  }
0x36c: {  	v28 =	vsub.f32 v18, v7;
	v59 =	vsub.f32 v17, v7;
	v30 =	vsel vm0, $0xFFFFFFFF, v5  }
0x36d: {  	v22 =	vsel vm1, v52, v22;
	vm0 =	vlt.f32 v31, v9;
	v30 =	vadd.s32 v30, v16  }
0x36e: {  	v31 =	vadd.s32 $0x4, v21;
	v28 =	vmul.f32 v28, v8;
	v16 =	vld [tilespmem:s28+$0xFFFFFFE0];
	vm1 =	vgt.s32 v30, $0x0  }
0x36f: {  	v25 =	vsel vm0, v53, v25;
	v21 =	vsel vm2, v31, v21;
	v30 =	vnsel vm1, $0x0, v30  }
0x370: {  	v31 =	vsub.f32 v15, v7;
	v28 =	vmax.f32 v28, $0.0e+00;
	v30 =	vmin.u32 v30, $0xFFE  }
0x371: {  	v62 =	vld.idx.msk [tilespmem:v57+s4+$0x0], $0xffff;
	v32 =	vmul.f32 v59, v8;
	v60 =	vadd.s32 $0x1, v21;
	v28 =	vmin.f32 v28, $4.095000000e+03  }
0x372: {  	v37 =	vld.idx.msk [tilespmem:v56+s4+$0x0], $0xffff;
	v29 =	vadd.s32 $0x4, v26;
	v31 =	vmul.f32 v31, v8;
	v28 =	vtrunc.f32 v28  }
0x373: {  	v63 =	vld.idx.msk [tilespmem:v58+s4+$0x0], $0xffff;
	vm0 =	vlt.f32 v51, v10;
	v28 =	vcvt.f32.s32 v28;
	v61 =	vsub.f32 v16, v7  }
0x374: {  	v20 =	vsel vm0, v54, v20;
	v32 =	vmax.f32 v32, $0.0e+00;
	v31 =	vmax.f32 v31, $0.0e+00;
	v47 =	vld.idx.msk [tilespmem:v25+s4+$0x0], $0xffff  }
0x375: {  	v50 =	vadd.s32 $0x2, v21;
	v31 =	vmin.f32 v31, $4.095000000e+03;
	v34 =	vmul.f32 v61, v8;
	v44 =	vld.idx.msk [tilespmem:v30+s22+$0x0], $0xffff  }
0x376: {  	v32 =	vmin.f32 v32, $4.095000000e+03;
	vm0 =	vlt.f32 v62, v13;
	v33 =	vld.idx.msk [tilespmem:v60+s4+$0x0], $0xffff;
	v31 =	vtrunc.f32 v31  }
0x377: {  	v32 =	vtrunc.f32 v32;
	v31 =	vcvt.f32.s32 v31;
	v30 =	vld.idx.msk [tilespmem:v30+s18+$0x0], $0xffff;
	v34 =	vmax.f32 v34, $0.0e+00  }
0x378: {  	vm1 =	vlt.f32 v37, v11;
	v32 =	vcvt.f32.s32 v32;
	v34 =	vmin.f32 v34, $4.095000000e+03  }
0x379: {  	v26 =	vsel vm0, v29, v26;
	vm0 =	vlt.f32 v63, v12;
	v28 =	vld.idx.msk [tilespmem:v28+s19+$0x0], $0xffff;
	v34 =	vtrunc.f32 v34  }
0x37a: {  	v46 =	vld.idx.msk [tilespmem:v22+s4+$0x0], $0xffff;
	v49 =	vadd.s32 $0x1, v26;
	v34 =	vcvt.f32.s32 v34;
	v19 =	vmul.f32 v44, v19  }
0x37b: {  	v24 =	vsel vm1, v55, v24;
	v27 =	vsel vm0, v45, v27;
	v48 =	vld.idx.msk [tilespmem:v20+s4+$0x0], $0xffff;
	vm0 =	vlt.f32 v33, v23  }
0x37c: {  	vm1 =	vlt.f32 v47, v9;
	v29 =	vadd.f32 v19, v30;
	v30 =	vsel vm0, v50, v21  }
0x37d: {  	v51 =	vadd.s32 $0x2, v26;
	vm1 =	vmneg vm1;
	v31 =	vld.idx.msk [tilespmem:v31+s19+$0x0], $0xffff;
	v19 =	vadd.s32 $0x1, v24  }
0x37e: {  	v52 =	vadd.s32 $0x2, v24;
	v32 =	vld.idx.msk [tilespmem:v32+s19+$0x0], $0xffff;
	v55 =	vsel vm1, $0xFFFFFFFF, v5;
	v56 =	vadd.s32 $0x3, v28  }
0x37f: {  	v39 =	vadd.s32 $0x2, v27;
	v53 =	vld.idx.msk [tilespmem:v49+s4+$0x0], $0xffff;
	v25 =	vadd.s32 v55, v25;
	vm0 =	vlt.f32 v46, v14  }
0x380: {  	vm2 =	vlt.f32 v48, v10;
	vm1 =	vgt.s32 v25, $0x0;
	vm0 =	vmneg vm0;
	v34 =	vld.idx.msk [tilespmem:v34+s19+$0x0], $0xffff  }
0x381: {  	v21 =	vadd.s32 $0x1, v27;
	v54 =	vsel vm0, $0xFFFFFFFF, v5;
	vm0 =	vmneg vm2;
	v57 =	vld.idx.msk [tilespmem:v30+s4+$0x0], $0xffff  }
0x382: {  	v22 =	vadd.s32 v54, v22;
	v58 =	vsel vm0, $0xFFFFFFFF, v5;
	v60 =	vadd.s32 $0x3, v31;
	v59 =	vld.idx.msk [tilespmem:v19+s4+$0x0], $0xffff  }
0x383: {  	s29 =	simm.s32 $0x61E0;
	v46 =	vadd.s32 $0x4, v32;
	vm0 =	vgt.s32 v22, $0x0;
	v19 =	vadd.s32 v58, v20;
	v40 =	vld.idx.msk [tilespmem:v56+s4+$0x0], $0xffff  }
0x384: {  	v63 =	vadd.s32 $0x3, v32;
	v20 =	vnsel vm0, $0x0, v22;
	v22 =	vld [tilespmem:s29+$0x10];
	vm2 =	vgt.s32 v19, $0x0  }
0x385: {  	v25 =	vnsel vm1, $0x0, v25;
	v41 =	vmin.u32 v20, $0xFFE;
	v20 =	vnsel vm2, $0x0, v19;
	v19 =	vld [tilespmem:s29+$0x0]  }
0x386: {  	v33 =	vmin.u32 v25, $0xFFE;
	vm0 =	vlt.f32 v53, v13;
	v48 =	vmin.u32 v20, $0xFFE;
	v20 =	vld [tilespmem:s29+$0xFFFFFFE0]  }
0x387: {  	v37 =	vadd.s32 $0x4, v31;
	v26 =	vsel vm0, v51, v26;
	v44 =	vadd.s32 $0x4, v34;
	v42 =	vld.idx.msk [tilespmem:v60+s4+$0x0], $0xffff  }
0x388: {  	v62 =	vadd.s32 $0x3, v34;
	vm1 =	vlt.f32 v57, v23;
	vm0 =	vlt.f32 v59, v11  }
0x389: {  	v61 =	vld.idx.msk [tilespmem:v21+s4+$0x0], $0xffff;
	vm1 =	vmneg vm1;
	v36 =	vsel vm0, v52, v24;
	v24 =	vadd.s32 $0x4, v28  }
0x38a: {  	v21 =	vld [tilespmem:s29+$0xFFFFFFF0];
	v25 =	vsel vm1, $0xFFFFFFFF, v5;
	vm1 =	vlt.f32 v40, v18;
	v54 =	vsub.f32 v19, v7  }
0x38b: {  	v25 =	vadd.s32 v25, v30;
	v30 =	vsub.f32 v22, v7;
	v28 =	vsel vm1, v24, v28  }
0x38c: {  	v55 =	vsub.f32 v20, v7;
	vm1 =	vlt.f32 v42, v15;
	vm0 =	vgt.s32 v25, $0x0  }
0x38d: {  	v52 =	vld.idx.msk [tilespmem:v62+s4+$0x0], $0xffff;
	v53 =	vadd.s32 $0x1, v28;
	v40 =	vmul.f32 v54, v8;
	v25 =	vnsel vm0, $0x0, v25  }
0x38e: {  	v30 =	vmul.f32 v30, v8;
	vm0 =	vlt.f32 v61, v12;
	v24 =	vmin.u32 v25, $0xFFE  }
0x38f: {  	v56 =	vld.idx.msk [tilespmem:v63+s4+$0x0], $0xffff;
	v43 =	vmul.f32 v55, v8;
	v25 =	vsub.f32 v21, v7;
	v27 =	vsel vm0, v39, v27  }
0x390: {  	v57 =	vld.idx.msk [tilespmem:v26+s4+$0x0], $0xffff;
	v40 =	vmax.f32 v40, $0.0e+00;
	v39 =	vsel vm1, v37, v31;
	v31 =	vadd.s32 $0x2, v28  }
0x391: {  	v61 =	vld.idx.msk [tilespmem:v36+s4+$0x0], $0xffff;
	v30 =	vmax.f32 v30, $0.0e+00;
	v43 =	vmax.f32 v43, $0.0e+00;
	v49 =	vadd.s32 $0x1, v39  }
0x392: {  	v25 =	vmul.f32 v25, v8;
	v30 =	vmin.f32 v30, $4.095000000e+03;
	vm0 =	vlt.f32 v52, v16;
	v38 =	vld.idx.msk [tilespmem:v53+s4+$0x0], $0xffff  }
0x393: {  	v40 =	vmin.f32 v40, $4.095000000e+03;
	v30 =	vtrunc.f32 v30;
	v34 =	vsel vm0, v44, v34;
	v58 =	vld.idx.msk [tilespmem:v24+s22+$0x0], $0xffff  }
0x394: {  	v25 =	vmax.f32 v25, $0.0e+00;
	v59 =	vcvt.f32.s32 v30;
	v44 =	vadd.s32 $0x1, v34;
	v60 =	vld.idx.msk [tilespmem:v24+s18+$0x0], $0xffff  }
0x395: {  	v45 =	vadd.s32 $0x2, v39;
	v30 =	vtrunc.f32 v40;
	v25 =	vmin.f32 v25, $4.095000000e+03;
	v62 =	vld.idx.msk [tilespmem:v27+s4+$0x0], $0xffff  }
0x396: {  	v24 =	vmin.f32 v43, $4.095000000e+03;
	v52 =	vcvt.f32.s32 v30;
	v30 =	vld.idx.msk [tilespmem:v41+s22+$0x0], $0xffff;
	v25 =	vtrunc.f32 v25  }
0x397: {  	vm0 =	vlt.f32 v56, v17;
	v24 =	vtrunc.f32 v24;
	v43 =	vld.idx.msk [tilespmem:v49+s4+$0x0], $0xffff;
	v25 =	vcvt.f32.s32 v25  }
0x398: {  	v35 =	vsel vm0, v46, v32;
	v54 =	vadd.s32 $0x2, v34;
	v63 =	vcvt.f32.s32 v24;
	v24 =	vld.idx.msk [tilespmem:v48+s22+$0x0], $0xffff  }
0x399: {  	v53 =	vadd.s32 $0x1, v35;
	vm1 =	vlt.f32 v61, v11;
	vm0 =	vlt.f32 v38, v18;
	v44 =	vld.idx.msk [tilespmem:v44+s4+$0x0], $0xffff  }
0x39a: {  	v42 =	vadd.s32 $0x2, v35;
	vm1 =	vmneg vm1;
	v38 =	vsel vm0, v31, v28;
	v37 =	vld.idx.msk [tilespmem:v59+s19+$0x0], $0xffff  }
0x39b: {  	vm0 =	vlt.f32 v57, v13;
	v56 =	vmul.f32 v58, v23;
	v23 =	vld.idx.msk [tilespmem:v33+s22+$0x0], $0xffff;
	vm2 =	vlt.f32 v62, v12  }
0x39c: {  	vm0 =	vmneg vm0;
	v58 =	vsel vm1, $0xFFFFFFFF, v5;
	v31 =	vld.idx.msk [tilespmem:v52+s19+$0x0], $0xffff;
	vm2 =	vmneg vm2  }
0x39d: {  	v57 =	vsel vm0, $0xFFFFFFFF, v5;
	v61 =	vadd.s32 v58, v36;
	v50 =	vadd.f32 v56, v60;
	v28 =	vld.idx.msk [tilespmem:v25+s19+$0x0], $0xffff  }
0x39e: {  	v59 =	vsel vm2, $0xFFFFFFFF, v5;
	v60 =	vadd.s32 v57, v26;
	vm1 =	vgt.s32 v61, $0x0;
	v32 =	vld.idx.msk [tilespmem:v63+s19+$0x0], $0xffff  }
0x39f: {  	vm0 =	vgt.s32 v60, $0x0;
	v55 =	vadd.s32 v59, v27;
	v62 =	vld.idx.msk [tilespmem:v38+s4+$0x0], $0xffff;
	v51 =	vadd.s32 $0x3, v37  }
0x3a0: {  	v26 =	vld.idx.msk [tilespmem:v33+s18+$0x0], $0xffff;
	v56 =	vnsel vm1, $0x0, v61;
	vm2 =	vgt.s32 v55, $0x0;
	v63 =	vnsel vm0, $0x0, v60  }
0x3a1: {  	s9 =	simm.s32 $0xA120;
	vm0 =	vlt.f32 v44, v16;
	v44 =	vld.idx.msk [tilespmem:v53+s4+$0x0], $0xffff;
	v33 =	vmin.u32 v63, $0xFFE;
	v49 =	vnsel vm2, $0x0, v55  }
0x3a2: {  	[tilespmem:s9+$0x10] =	vst v29;
	v25 =	vld.idx.msk [tilespmem:v41+s18+$0x0], $0xffff;
	v29 =	vsel vm0, v54, v34;
	v34 =	vmin.u32 v56, $0xFFE;
	v41 =	vadd.s32 $0x4, v31  }
0x3a3: {  	s8 =	simm.s32 $0xA160;
	v27 =	vld.idx.msk [tilespmem:v48+s18+$0x0], $0xffff;
	v47 =	vadd.s32 $0x3, v31;
	v36 =	vadd.s32 $0x4, v28;
	v46 =	vadd.s32 $0x3, v28  }
0x3a4: {  	s13 =	simm.s32 $0x6220;
	s10 =	simm.s32 $0xC0;
	s7 =	sadd.s32 s14, s0;
	[tilespmem:s8+$0x10] =	vst v50;
	v40 =	vadd.s32 $0x4, v32;
	v48 =	vadd.s32 $0x3, v32;
	vm0 =	vlt.f32 v62, v18;
	v50 =	vld.idx.msk [tilespmem:v51+s4+$0x0], $0xffff  }
.LBB2_14:
0x3a5: {  	v51 =	vld [tilespmem:s13+$0x10];
	vm1 =	vlt.f32 v43, v15;
	vm0 =	vmneg vm0;
	v49 =	vmin.u32 v49, $0xFFE  }
0x3a6: {  	s10 =	sadd.s32 $0x40, s10;
	v52 =	vld [tilespmem:s13+$0xFFFFFFF0];
	v43 =	vsel vm1, v45, v39;
	vm1 =	vlt.f32 v44, v17;
	v39 =	vsel vm0, $0xFFFFFFFF, v5  }
0x3a7: {  	v30 =	vmul.f32 v30, v14;
	v14 =	vmovc v13;
	p0 =	slt.u32 s10, $0x1FC0;
	v45 =	vld [tilespmem:s13+$0x0];
	v44 =	vsel vm1, v42, v35;
	v35 =	vadd.s32 v39, v38  }
0x3a8: {  	v13 =	vmul.f32 v23, v9;
	v23 =	vmul.f32 v24, v10;
	v9 =	vmovc v11;
	v11 =	vmovc v15;
	v38 =	vld [tilespmem:s13+$0xFFFFFFE0];
	vm0 =	vgt.s32 v35, $0x0  }
0x3a9: {  	v15 =	vmovc v21;
	v10 =	vmovc v12;
	v39 =	vadd.s32 $0x4, v37;
	vm1 =	vlt.f32 v50, v22;
	v24 =	vld.idx.msk [tilespmem:v48+s4+$0x0], $0xffff;
	v35 =	vnsel vm0, $0x0, v35  }
0x3aa: {  	v12 =	vmovc v17;
	v48 =	vsel vm1, v39, v37;
	v42 =	vsub.f32 v51, v7;
	v46 =	vld.idx.msk [tilespmem:v46+s4+$0x0], $0xffff;
	v35 =	vmin.u32 v35, $0xFFE  }
0x3ab: {  	v25 =	vadd.f32 v30, v25;
	v39 =	vadd.s32 $0x1, v48;
	v54 =	vsub.f32 v52, v7;
	v37 =	vld.idx.msk [tilespmem:v47+s4+$0x0], $0xffff;
	v21 =	vmovc v52  }
0x3ac: {  	v55 =	vadd.f32 v13, v26;
	v30 =	vsub.f32 v45, v7;
	v42 =	vmul.f32 v42, v8;
	v47 =	vld.idx.msk [tilespmem:v29+s4+$0x0], $0xffff  }
0x3ad: {  	v23 =	vadd.f32 v23, v27;
	v26 =	vsub.f32 v38, v7;
	v50 =	vmul.f32 v54, v8;
	v52 =	vld.idx.msk [tilespmem:v43+s4+$0x0], $0xffff  }
0x3ae: {  	v17 =	vmovc v19;
	v19 =	vmov v45;
	v27 =	vmul.f32 v30, v8;
	v30 =	vmax.f32 v42, $0.0e+00;
	v53 =	vld.idx.msk [tilespmem:v44+s4+$0x0], $0xffff;
	[tilespmem:s9+$0xFFFFFFE0] =	vst v25  }
0x3af: {  	v13 =	vmovc v16;
	v25 =	vmul.f32 v26, v8;
	v26 =	vmax.f32 v50, $0.0e+00;
	v30 =	vmin.f32 v30, $4.095000000e+03;
	v42 =	vld.idx.msk [tilespmem:v35+s22+$0x0], $0xffff;
	[tilespmem:s9+$0xFFFFFFF0] =	vst v55  }
0x3b0: {  	v16 =	vmovc v20;
	v20 =	vmovc v38;
	v26 =	vmin.f32 v26, $4.095000000e+03;
	v27 =	vmax.f32 v27, $0.0e+00;
	v30 =	vtrunc.f32 v30;
	v45 =	vld.idx.msk [tilespmem:v39+s4+$0x0], $0xffff;
	[tilespmem:s9+$0x0] =	vst v23;
	s9 =	smov.u32 s8  }
0x3b1: {  	v23 =	vmax.f32 v25, $0.0e+00;
	v25 =	vmin.f32 v27, $4.095000000e+03;
	v27 =	vcvt.f32.s32 v30;
	v38 =	vld.idx.msk [tilespmem:v35+s18+$0x0], $0xffff  }
0x3b2: {  	v26 =	vtrunc.f32 v26;
	v23 =	vmin.f32 v23, $4.095000000e+03;
	v25 =	vtrunc.f32 v25;
	v30 =	vld.idx.msk [tilespmem:v33+s22+$0x0], $0xffff  }
0x3b3: {  	vm0 =	vlt.f32 v24, v16;
	v50 =	vcvt.f32.s32 v26;
	v35 =	vtrunc.f32 v23;
	v23 =	vld.idx.msk [tilespmem:v34+s22+$0x0], $0xffff  }
0x3b4: {  	vm1 =	vlt.f32 v46, v15;
	v55 =	vcvt.f32.s32 v25;
	v54 =	vcvt.f32.s32 v35;
	v24 =	vld.idx.msk [tilespmem:v49+s22+$0x0], $0xffff  }
0x3b5: {  	v56 =	vsel vm0, v40, v32;
	vm0 =	vlt.f32 v37, v17;
	v32 =	vmul.f32 v42, v18;
	v25 =	vld.idx.msk [tilespmem:v33+s18+$0x0], $0xffff  }
0x3b6: {  	v39 =	vsel vm1, v36, v28;
	v35 =	vsel vm0, v41, v31;
	v18 =	vmovc v22;
	v33 =	vadd.s32 $0x1, v56;
	v26 =	vld.idx.msk [tilespmem:v34+s18+$0x0], $0xffff  }
0x3b7: {  	v22 =	vmovc v51;
	vm0 =	vlt.f32 v45, v18;
	v31 =	vadd.f32 v32, v38;
	v37 =	vld.idx.msk [tilespmem:v27+s19+$0x0], $0xffff;
	v27 =	vadd.s32 $0x2, v48  }
0x3b8: {  	s8 =	sadd.s32 $0x40, s8;
	v40 =	vadd.s32 $0x1, v35;
	v34 =	vadd.s32 $0x1, v39;
	v38 =	vsel vm0, v27, v48;
	v27 =	vld.idx.msk [tilespmem:v49+s18+$0x0], $0xffff  }
0x3b9: {  	v51 =	vadd.s32 $0x2, v56;
	v45 =	vadd.s32 $0x2, v39;
	v42 =	vadd.s32 $0x2, v35;
	v28 =	vld.idx.msk [tilespmem:v50+s19+$0x0], $0xffff;
	[tilespmem:s8+$0x10] =	vst v31  }
0x3ba: {  	vm1 =	vlt.f32 v52, v11;
	vm2 =	vlt.f32 v53, v12;
	vm0 =	vlt.f32 v47, v13;
	v32 =	vld.idx.msk [tilespmem:v54+s19+$0x0], $0xffff  }
0x3bb: {  	vm1 =	vmneg vm1;
	vm2 =	vmneg vm2;
	vm0 =	vmneg vm0;
	v31 =	vld.idx.msk [tilespmem:v55+s19+$0x0], $0xffff  }
0x3bc: {  	v41 =	vsel vm1, $0xFFFFFFFF, v5;
	v46 =	vsel vm2, $0xFFFFFFFF, v5;
	v36 =	vsel vm0, $0xFFFFFFFF, v5;
	v33 =	vld.idx.msk [tilespmem:v33+s4+$0x0], $0xffff  }
0x3bd: {  	v50 =	vadd.s32 v41, v43;
	v29 =	vadd.s32 v36, v29;
	v49 =	vadd.s32 $0x3, v37;
	v52 =	vld.idx.msk [tilespmem:v38+s4+$0x0], $0xffff  }
0x3be: {  	vm1 =	vgt.s32 v50, $0x0;
	vm0 =	vgt.s32 v29, $0x0;
	v43 =	vld.idx.msk [tilespmem:v34+s4+$0x0], $0xffff;
	v34 =	vadd.s32 v46, v44  }
.Ltmp9:
0x3bf: {  	v36 =	vadd.s32 $0x4, v28;
	v46 =	vadd.s32 $0x3, v28;
	v44 =	vld.idx.msk [tilespmem:v40+s4+$0x0], $0xffff;
	vm2 =	vgt.s32 v34, $0x0;
	(pc) =	sbr.rel @p0 .LBB2_14-.Ltmp9, $4  }
0x3c0: {  	v29 =	vnsel vm0, $0x0, v29;
	v40 =	vadd.s32 $0x4, v32;
	v48 =	vadd.s32 $0x3, v32  }
0x3c1: {  	v53 =	vnsel vm1, $0x0, v50;
	v41 =	vadd.s32 $0x4, v31;
	v47 =	vadd.s32 $0x3, v31  }
0x3c2: {  	vm0 =	vlt.f32 v33, v16;
	v33 =	vmin.u32 v29, $0xFFE;
	v50 =	vld.idx.msk [tilespmem:v49+s4+$0x0], $0xffff;
	v49 =	vnsel vm2, $0x0, v34  }
0x3c3: {  	s13 =	sadd.s32 $0x40, s13;
	v29 =	vsel vm0, v51, v56;
	vm0 =	vlt.f32 v52, v18;
	v34 =	vmin.u32 v53, $0xFFE  }
0x3c4: {  	_ =	sdelay $0x3  }
0x3c5: {  	v48 =	vld.idx.msk [tilespmem:v48+s4+$0x0], $0xffff  }
0x3c6: {  	v46 =	vld.idx.msk [tilespmem:v46+s4+$0x0], $0xffff  }
0x3c7: {  	v47 =	vld.idx.msk [tilespmem:v47+s4+$0x0], $0xffff;
	_ =	sdelay $0x1  }
0x3c8: {  	v63 =	vadd.s32 $0x4, v37;
	vm1 =	vlt.f32 v50, v22  }
0x3c9: {  	v37 =	vsel vm1, v63, v37;
	vm2 =	vlt.f32 v48, v20  }
0x3ca: {  	v50 =	vadd.s32 $0x1, v37;
	vm5 =	vlt.f32 v46, v21;
	v32 =	vsel vm2, v40, v32  }
0x3cb: {  	vm6 =	vlt.f32 v47, v19;
	v28 =	vsel vm5, v36, v28;
	v40 =	vadd.s32 $0x1, v32  }
0x3cc: {  	v31 =	vsel vm6, v41, v31;
	v36 =	vadd.s32 $0x1, v28  }
0x3cd: {  	v53 =	vadd.s32 $0x1, v31  }
0x3ce: {  	vm4 =	vlt.f32 v43, v15  }
0x3cf: {  	vm8 =	vlt.f32 v44, v17;
	v39 =	vsel vm4, v45, v39;
	v50 =	vld.idx.msk [tilespmem:v50+s4+$0x0], $0xffff  }
0x3d0: {  	v35 =	vsel vm8, v42, v35;
	v40 =	vld.idx.msk [tilespmem:v40+s4+$0x0], $0xffff  }
0x3d1: {  	v36 =	vld.idx.msk [tilespmem:v36+s4+$0x0], $0xffff  }
0x3d2: {  	vm0 =	vmneg vm0;
	v57 =	vld.idx.msk [tilespmem:v53+s4+$0x0], $0xffff  }
0x3d3: {  	v54 =	vld.idx.msk [tilespmem:v29+s4+$0x0], $0xffff;
	v59 =	vmin.u32 v49, $0xFFE;
	v14 =	vmul.f32 v30, v14;
	v55 =	vsel vm0, $0xFFFFFFFF, v5  }
0x3d4: {  	v38 =	vadd.s32 v55, v38;
	v52 =	vadd.s32 $0x2, v37;
	v56 =	vld.idx.msk [tilespmem:v39+s4+$0x0], $0xffff;
	vm7 =	vlt.f32 v50, v22  }
0x3d5: {  	v60 =	vld.idx.msk [tilespmem:v35+s4+$0x0], $0xffff;
	v61 =	vadd.s32 $0x2, v32;
	v37 =	vsel vm7, v52, v37;
	vm10 =	vlt.f32 v40, v20  }
0x3d6: {  	v62 =	vadd.s32 $0x2, v28;
	vm12 =	vlt.f32 v36, v21;
	v32 =	vsel vm10, v61, v32  }
0x3d7: {  	v63 =	vadd.s32 $0x2, v31;
	vm14 =	vlt.f32 v57, v19;
	v28 =	vsel vm12, v62, v28  }
0x3d8: {  	v10 =	vmul.f32 v24, v10;
	vm9 =	vgt.s32 v38, $0x0;
	v31 =	vsel vm14, v63, v31  }
0x3d9: {  	v30 =	vld.idx.msk [tilespmem:v33+s22+$0x0], $0xffff;
	v38 =	vnsel vm9, $0x0, v38;
	vm11 =	vlt.f32 v54, v16;
	vm13 =	vlt.f32 v56, v15  }
0x3da: {  	vm1 =	vmneg vm11;
	vm4 =	vlt.f32 v60, v17;
	vm2 =	vmneg vm13;
	v58 =	vld.idx.msk [tilespmem:v37+s4+$0x0], $0xffff  }
0x3db: {  	v47 =	vsel vm1, $0xFFFFFFFF, v5;
	vm1 =	vmneg vm4;
	v49 =	vsel vm2, $0xFFFFFFFF, v5;
	v51 =	vld.idx.msk [tilespmem:v32+s4+$0x0], $0xffff  }
0x3dc: {  	v38 =	vmin.u32 v38, $0xFFE;
	v39 =	vadd.s32 v49, v39;
	v50 =	vsel vm1, $0xFFFFFFFF, v5;
	v53 =	vld.idx.msk [tilespmem:v28+s4+$0x0], $0xffff  }
0x3dd: {  	v52 =	vadd.s32 v47, v29;
	vm7 =	vgt.s32 v39, $0x0;
	v35 =	vadd.s32 v50, v35;
	v54 =	vld.idx.msk [tilespmem:v31+s4+$0x0], $0xffff  }
0x3de: {  	v55 =	vld.idx.msk [tilespmem:v34+s22+$0x0], $0xffff;
	vm6 =	vgt.s32 v52, $0x0;
	vm8 =	vgt.s32 v35, $0x0;
	v39 =	vnsel vm7, $0x0, v39  }
0x3df: {  	v56 =	vld.idx.msk [tilespmem:v59+s22+$0x0], $0xffff;
	v35 =	vnsel vm8, $0x0, v35;
	v39 =	vmin.u32 v39, $0xFFE;
	vm15 =	vlt.f32 v58, v22  }
0x3e0: {  	v59 =	vld.idx.msk [tilespmem:v59+s18+$0x0], $0xffff;
	v29 =	vnsel vm6, $0x0, v52;
	v35 =	vmin.u32 v35, $0xFFE;
	vm0 =	vmneg vm15  }
0x3e1: {  	v36 =	vld.idx.msk [tilespmem:v38+s22+$0x0], $0xffff;
	v29 =	vmin.u32 v29, $0xFFE;
	v48 =	vsel vm0, $0xFFFFFFFF, v5;
	vm9 =	vlt.f32 v51, v20  }
0x3e2: {  	v38 =	vld.idx.msk [tilespmem:v38+s18+$0x0], $0xffff;
	vm10 =	vlt.f32 v53, v21;
	vm11 =	vlt.f32 v54, v19;
	v37 =	vadd.s32 v48, v37  }
0x3e3: {  	v57 =	vld.idx.msk [tilespmem:v33+s18+$0x0], $0xffff;
	vm0 =	vmneg vm9;
	vm1 =	vmneg vm10;
	vm5 =	vgt.s32 v37, $0x0  }
0x3e4: {  	v49 =	vld.idx.msk [tilespmem:v39+s22+$0x0], $0xffff;
	vm12 =	vmneg vm11;
	v60 =	vsel vm0, $0xFFFFFFFF, v5;
	v37 =	vnsel vm5, $0x0, v37  }
0x3e5: {  	v50 =	vld.idx.msk [tilespmem:v35+s22+$0x0], $0xffff;
	v62 =	vsel vm1, $0xFFFFFFFF, v5;
	v32 =	vadd.s32 v60, v32;
	v37 =	vmin.u32 v37, $0xFFE  }
0x3e6: {  	v58 =	vld.idx.msk [tilespmem:v34+s18+$0x0], $0xffff;
	v63 =	vsel vm12, $0xFFFFFFFF, v5;
	v28 =	vadd.s32 v62, v28;
	vm13 =	vgt.s32 v32, $0x0  }
0x3e7: {  	v51 =	vld.idx.msk [tilespmem:v29+s18+$0x0], $0xffff;
	v31 =	vadd.s32 v63, v31;
	vm14 =	vgt.s32 v28, $0x0;
	v32 =	vnsel vm13, $0x0, v32  }
0x3e8: {  	v53 =	vld.idx.msk [tilespmem:v39+s18+$0x0], $0xffff;
	vm15 =	vgt.s32 v31, $0x0;
	v28 =	vnsel vm14, $0x0, v28;
	v32 =	vmin.u32 v32, $0xFFE  }
0x3e9: {  	v9 =	vmul.f32 v23, v9;
	v54 =	vld.idx.msk [tilespmem:v35+s18+$0x0], $0xffff;
	v31 =	vnsel vm15, $0x0, v31;
	v28 =	vmin.u32 v28, $0xFFE  }
0x3ea: {  	v10 =	vadd.f32 v10, v27;
	v52 =	vmin.u32 v31, $0xFFE;
	v61 =	vld.idx.msk [tilespmem:v37+s22+$0x0], $0xffff  }
0x3eb: {  	v14 =	vadd.f32 v14, v25;
	v9 =	vadd.f32 v9, v26;
	v18 =	vmul.f32 v36, v18;
	v48 =	vld.idx.msk [tilespmem:v29+s22+$0x0], $0xffff  }
0x3ec: {  	[tilespmem:s9+$0x0] =	vst v10;
	v13 =	vmul.f32 v30, v13;
	v10 =	vmul.f32 v56, v12;
	v37 =	vld.idx.msk [tilespmem:v37+s18+$0x0], $0xffff  }
0x3ed: {  	[tilespmem:s9+$0xFFFFFFF0] =	vst v9;
	v11 =	vmul.f32 v55, v11;
	v9 =	vadd.f32 v18, v38;
	v55 =	vld.idx.msk [tilespmem:v32+s22+$0x0], $0xffff  }
0x3ee: {  	s28 =	sadd.s32 $0x40, s8;
	[tilespmem:s9+$0xFFFFFFE0] =	vst v14;
	v10 =	vadd.f32 v10, v59;
	v56 =	vadd.f32 v13, v57;
	v57 =	vld.idx.msk [tilespmem:v28+s22+$0x0], $0xffff  }
0x3ef: {  	[tilespmem:s28+$0x10] =	vst v9;
	v9 =	vadd.f32 v11, v58;
	v58 =	vld.idx.msk [tilespmem:v52+s22+$0x0], $0xffff;
	v11 =	vmul.f32 v61, v22  }
0x3f0: {  	[tilespmem:s8+$0x0] =	vst v10;
	v10 =	vmul.f32 v50, v17;
	v61 =	vld.idx.msk [tilespmem:v28+s18+$0x0], $0xffff  }
0x3f1: {  	[tilespmem:s8+$0xFFFFFFF0] =	vst v9;
	v60 =	vld.idx.msk [tilespmem:v32+s18+$0x0], $0xffff;
	v9 =	vadd.f32 v11, v37;
	v11 =	vmul.f32 v49, v15  }
0x3f2: {  	s29 =	sadd.s32 $0x40, s28;
	[tilespmem:s8+$0xFFFFFFE0] =	vst v56;
	v10 =	vadd.f32 v10, v54;
	v59 =	vmul.f32 v48, v16;
	v62 =	vld.idx.msk [tilespmem:v52+s18+$0x0], $0xffff  }
0x3f3: {  	v63 =	vmul.f32 v57, v21;
	[tilespmem:s29+$0x10] =	vst v9;
	v9 =	vadd.f32 v11, v53  }
0x3f4: {  	[tilespmem:s28+$0x0] =	vst v10;
	v12 =	vadd.f32 v59, v51;
	v11 =	vmul.f32 v55, v20  }
0x3f5: {  	v10 =	vadd.f32 v63, v61;
	[tilespmem:s28+$0xFFFFFFF0] =	vst v9;
	v9 =	vmul.f32 v58, v19  }
.Ltmp10:
0x3f6: {  	[tilespmem:s28+$0xFFFFFFE0] =	vst v12;
	v11 =	vadd.f32 v11, v60;
	(pc) =	sbr.rel @p1 .LBB2_17-.Ltmp10, $4  }
0x3f7: {  	[tilespmem:s29+$0xFFFFFFF0] =	vst v10;
	v9 =	vadd.f32 v9, v62  }
0x3f8: {  	s7 =	sshrl.u32 s7, $0x3;
	[tilespmem:s29+$0xFFFFFFE0] =	vst v11  }
0x3f9: {  	s7 =	sadd.s32 s3, s7;
	[tilespmem:s29+$0x0] =	vst v9  }
0x3fa: {  	[hbm4b:s7+s15] =	stream.strided.scatter [tilespmem:s25], [sflag:$0x4], $0x2000, s16, s15, $0x38;
	[tilespmem:$0xC100] =	vst v63  }
.Ltmp11:
0x3fb: {  	(pc) =	sbr.rel .LBB2_11-.Ltmp11, $4  }
0x3fc: {  	s0 =	sadd.s32 s0, s12  }
0x3fd: {  	s0 =	sshrl.u32 s0, $0x3  }
0x3fe: {  	s2 =	sadd.s32 $0x1, s2;
	s0 =	sadd.s32 s1, s0  }
0x3ff: {  	[tilespmem:s17], [sflag:$0x2] =	stream.strided.gather [hbm4b:s0+s15], $0x2000, s16, s15, $0x38;
	[tilespmem:$0xC100] =	vst v63  }
.LBB2_17:
0x400: {  	s0 =	simm.s32 $0x3  }
0x401: {  	_ =	swait.ge [sflag:s0], $0x2000  }
0x402: {  	[sflag:s0] =	ssyncset.done $0x0  }
0x403: {  	s29 =	simm.s32 $0x4;
	[sflag:s0] =	ssyncadd.s32 $0xFFFFE000  }
0x404: {  	_ =	swait.ge [sflag:s29], $0x2000  }
0x405: {  	[sflag:s29] =	ssyncset.done $0x0  }
0x406: {  	[sflag:s29] =	ssyncadd.s32 $0xFFFFE000  }
.LBB2_18:
0x407: {  	s0 =	sand.u32 $0xFFFFFFF8, s31  }
0x408: {  	p0 =	sne.s32 s0, $0x80000008  }
.Ltmp12:
0x409: {  	_ = 	snop;
	(pc) =	sbr.rel @p0 .LBB2_27-.Ltmp12, $1  }
0x40a: {  	_ =	sdelay $0x3  }
0x40b: {  	s0 =	rddreg [dreg:$0x6];
	s2 =	simm.s32 $0x4100  }
0x40c: {  	[tilespmem:s2], [sflag:$0x1] =	stream.strided.gather [hbm4b:s0+s15], $0x2000, s16, s15, $0x38;
	[tilespmem:$0xC100] =	vst v63  }
0x40d: {  	s29 =	rddreg [dreg:$0x8];
	s31 =	simm.s32 $0x0  }
0x40e: {  	[tilespmem:s17], [sflag:$0x2] =	stream.strided.gather [hbm4b:s29+s15], $0x2000, s16, s15, $0x38;
	[tilespmem:$0xC100] =	vst v63  }
.LBB2_20:
0x40f: {  	_ =	swait.ge [sflag:s6], $0x2000  }
0x410: {  	p0 =	seq.s32 s31, $0x0;
	[sflag:s6] =	ssyncset.done $0x0  }
0x411: {  	s0 =	simm.s32 @!p0 $0x3;
	[sflag:s6] =	ssyncadd.s32 $0xFFFFE000  }
0x412: {  	_ =	swait.ge @!p0 [sflag:s0], $0x2000  }
0x413: {  	[sflag:s0] =	ssyncset.done @!p0 $0x0  }
0x414: {  	s21 =	simm.s32 $0x4120;
	[sflag:s0] =	ssyncadd.s32 @!p0 $0xFFFFE000  }
0x415: {  	v16 =	vld [tilespmem:s21+$0x10];
	_ =	sdelay $0x1  }
0x416: {  	v22 =	vld [tilespmem:s21+$0xFFFFFFE0]  }
0x417: {  	v21 =	vld [tilespmem:s21+$0xFFFFFFF0]  }
0x418: {  	v20 =	vld [tilespmem:s21+$0x0]  }
0x419: {  	v9 =	vsub.f32 v16, v7;
	_ =	sdelay $0x1  }
0x41a: {  	v10 =	vsub.f32 v22, v7;
	v9 =	vmul.f32 v9, v8  }
0x41b: {  	v11 =	vsub.f32 v21, v7  }
0x41c: {  	v12 =	vsub.f32 v20, v7;
	v10 =	vmul.f32 v10, v8;
	v9 =	vmax.f32 v9, $0.0e+00  }
0x41d: {  	v11 =	vmul.f32 v11, v8;
	v9 =	vmin.f32 v9, $4.095000000e+03  }
0x41e: {  	v12 =	vmul.f32 v12, v8;
	v10 =	vmax.f32 v10, $0.0e+00;
	v9 =	vtrunc.f32 v9  }
0x41f: {  	v11 =	vmax.f32 v11, $0.0e+00;
	v10 =	vmin.f32 v10, $4.095000000e+03;
	v9 =	vcvt.f32.s32 v9  }
0x420: {  	v12 =	vmax.f32 v12, $0.0e+00;
	v11 =	vmin.f32 v11, $4.095000000e+03;
	v10 =	vtrunc.f32 v10  }
0x421: {  	v12 =	vmin.f32 v12, $4.095000000e+03;
	v11 =	vtrunc.f32 v11;
	v10 =	vcvt.f32.s32 v10  }
0x422: {  	v12 =	vtrunc.f32 v12;
	v11 =	vcvt.f32.s32 v11  }
0x423: {  	v12 =	vcvt.f32.s32 v12;
	_ =	sdelay $0x1  }
0x424: {  	v9 =	vld.idx.msk [tilespmem:v9+s19+$0x0], $0xffff;
	_ =	sdelay $0x1  }
0x425: {  	v13 =	vld.idx.msk [tilespmem:v10+s19+$0x0], $0xffff  }
0x426: {  	v14 =	vld.idx.msk [tilespmem:v11+s19+$0x0], $0xffff  }
0x427: {  	v12 =	vld.idx.msk [tilespmem:v12+s19+$0x0], $0xffff  }
0x428: {  	v10 =	vadd.s32 $0x7, v9;
	_ =	sdelay $0x1  }
0x429: {  	v11 =	vadd.s32 $0x7, v13  }
0x42a: {  	v15 =	vadd.s32 $0x7, v14  }
0x42b: {  	v17 =	vadd.s32 $0x7, v12  }
0x42c: {  	s26 =	simm.s32 $0x4160;
	v10 =	vld.idx.msk [tilespmem:v10+s4+$0x0], $0xffff  }
0x42d: {  	v23 =	vld [tilespmem:s26+$0x10]  }
0x42e: {  	v18 =	vld.idx.msk [tilespmem:v11+s4+$0x0], $0xffff  }
0x42f: {  	v15 =	vld.idx.msk [tilespmem:v15+s4+$0x0], $0xffff  }
0x430: {  	v17 =	vld.idx.msk [tilespmem:v17+s4+$0x0], $0xffff  }
0x431: {  	v11 =	vadd.s32 $0x8, v9;
	vm0 =	vlt.f32 v10, v16  }
0x432: {  	v25 =	vadd.s32 $0x8, v13;
	v26 =	vadd.s32 $0x8, v14;
	v19 =	vsel vm0, v11, v9;
	v11 =	vld [tilespmem:s26+$0xFFFFFFF0]  }
0x433: {  	v9 =	vld [tilespmem:s26+$0x0];
	vm0 =	vlt.f32 v18, v22;
	v18 =	vsub.f32 v23, v7;
	v24 =	vadd.s32 $0x3, v19  }
0x434: {  	v27 =	vadd.s32 $0x8, v12;
	v10 =	vld [tilespmem:s26+$0xFFFFFFE0];
	v13 =	vsel vm0, v25, v13;
	vm0 =	vlt.f32 v15, v21  }
0x435: {  	v14 =	vsel vm0, v26, v14;
	vm0 =	vlt.f32 v17, v20;
	v15 =	vmul.f32 v18, v8  }
0x436: {  	v18 =	vadd.s32 $0x3, v13;
	v12 =	vsel vm0, v27, v12  }
0x437: {  	v27 =	vadd.s32 $0x3, v14;
	v15 =	vmax.f32 v15, $0.0e+00;
	v17 =	vsub.f32 v11, v7  }
0x438: {  	v25 =	vsub.f32 v9, v7;
	v15 =	vmin.f32 v15, $4.095000000e+03;
	v24 =	vld.idx.msk [tilespmem:v24+s4+$0x0], $0xffff  }
0x439: {  	v26 =	vsub.f32 v10, v7;
	v15 =	vtrunc.f32 v15;
	v17 =	vmul.f32 v17, v8  }
0x43a: {  	v25 =	vmul.f32 v25, v8;
	v15 =	vcvt.f32.s32 v15  }
0x43b: {  	v29 =	vadd.s32 $0x4, v19;
	v30 =	vadd.s32 $0x4, v14;
	v26 =	vmul.f32 v26, v8;
	v18 =	vld.idx.msk [tilespmem:v18+s4+$0x0], $0xffff  }
0x43c: {  	v28 =	vadd.s32 $0x3, v12;
	v27 =	vld.idx.msk [tilespmem:v27+s4+$0x0], $0xffff;
	v17 =	vmax.f32 v17, $0.0e+00;
	v25 =	vmax.f32 v25, $0.0e+00  }
0x43d: {  	v25 =	vmin.f32 v25, $4.095000000e+03;
	vm0 =	vlt.f32 v24, v16;
	v24 =	vmax.f32 v26, $0.0e+00  }
0x43e: {  	v25 =	vtrunc.f32 v25;
	v19 =	vsel vm0, v29, v19;
	v24 =	vmin.f32 v24, $4.095000000e+03  }
0x43f: {  	v25 =	vcvt.f32.s32 v25;
	v26 =	vadd.s32 $0x1, v19;
	v24 =	vtrunc.f32 v24  }
0x440: {  	vm0 =	vlt.f32 v18, v22;
	v29 =	vld.idx.msk [tilespmem:v15+s19+$0x0], $0xffff;
	v15 =	vadd.s32 $0x4, v13;
	v24 =	vcvt.f32.s32 v24  }
0x441: {  	v28 =	vld.idx.msk [tilespmem:v28+s4+$0x0], $0xffff;
	v17 =	vmin.f32 v17, $4.095000000e+03;
	v13 =	vsel vm0, v15, v13;
	vm0 =	vlt.f32 v27, v21  }
0x442: {  	v17 =	vtrunc.f32 v17;
	v15 =	vadd.s32 $0x1, v13;
	v14 =	vsel vm0, v30, v14  }
0x443: {  	v17 =	vcvt.f32.s32 v17;
	v27 =	vadd.s32 $0x1, v14  }
0x444: {  	v18 =	vld.idx.msk [tilespmem:v26+s4+$0x0], $0xffff  }
0x445: {  	v25 =	vld.idx.msk [tilespmem:v25+s19+$0x0], $0xffff  }
0x446: {  	vm0 =	vlt.f32 v28, v20;
	v26 =	vadd.s32 $0x4, v12;
	v28 =	vadd.s32 $0x7, v29;
	v24 =	vld.idx.msk [tilespmem:v24+s19+$0x0], $0xffff  }
0x447: {  	v26 =	vsel vm0, v26, v12;
	v15 =	vld.idx.msk [tilespmem:v15+s4+$0x0], $0xffff  }
0x448: {  	v12 =	vadd.s32 $0x1, v26;
	v27 =	vld.idx.msk [tilespmem:v27+s4+$0x0], $0xffff  }
0x449: {  	v17 =	vld.idx.msk [tilespmem:v17+s19+$0x0], $0xffff  }
0x44a: {  	v30 =	vadd.s32 $0x2, v19;
	vm0 =	vlt.f32 v18, v16;
	v31 =	vadd.s32 $0x7, v25  }
0x44b: {  	v28 =	vld.idx.msk [tilespmem:v28+s4+$0x0], $0xffff;
	v18 =	vsel vm0, v30, v19  }
0x44c: {  	v33 =	vadd.s32 $0x2, v13;
	v34 =	vadd.s32 $0x2, v14;
	vm0 =	vlt.f32 v15, v22  }
0x44d: {  	s28 =	simm.s32 $0x41A0;
	v19 =	vadd.s32 $0x7, v24;
	v12 =	vld.idx.msk [tilespmem:v12+s4+$0x0], $0xffff;
	v33 =	vsel vm0, v33, v13;
	vm0 =	vlt.f32 v27, v21  }
0x44e: {  	v30 =	vadd.s32 $0x7, v17;
	v27 =	vsel vm0, v34, v14;
	v14 =	vld [tilespmem:s28+$0xFFFFFFE0]  }
0x44f: {  	v31 =	vld.idx.msk [tilespmem:v31+s4+$0x0], $0xffff  }
0x450: {  	v13 =	vadd.s32 $0x8, v29;
	vm1 =	vlt.f32 v28, v23;
	v32 =	vld.idx.msk [tilespmem:v18+s4+$0x0], $0xffff  }
0x451: {  	v28 =	vsel vm1, v13, v29;
	v13 =	vld [tilespmem:s28+$0x0]  }
0x452: {  	v19 =	vld.idx.msk [tilespmem:v19+s4+$0x0], $0xffff  }
0x453: {  	v30 =	vld.idx.msk [tilespmem:v30+s4+$0x0], $0xffff  }
0x454: {  	v35 =	vadd.s32 $0x2, v26;
	v37 =	vadd.s32 $0x8, v17;
	vm1 =	vlt.f32 v12, v20;
	v12 =	vld [tilespmem:s28+$0xFFFFFFF0]  }
0x455: {  	v38 =	vadd.s32 $0x8, v25;
	v36 =	vadd.s32 $0x8, v24;
	v15 =	vld [tilespmem:s28+$0x10];
	v29 =	vadd.s32 $0x3, v28  }
0x456: {  	v26 =	vsel vm1, v35, v26;
	v48 =	vsub.f32 v14, v7;
	vm0 =	vlt.f32 v32, v16  }
0x457: {  	v46 =	vsub.f32 v13, v7;
	vm0 =	vmneg vm0;
	vm1 =	vlt.f32 v19, v10  }
0x458: {  	v35 =	vmul.f32 v48, v8;
	v19 =	vsel vm0, $0xFFFFFFFF, v5;
	v24 =	vsel vm1, v36, v24  }
0x459: {  	vm0 =	vlt.f32 v30, v11;
	vm1 =	vlt.f32 v31, v9;
	v30 =	vsub.f32 v12, v7  }
0x45a: {  	v32 =	vmul.f32 v46, v8;
	v18 =	vadd.s32 v19, v18;
	v19 =	vsub.f32 v15, v7  }
0x45b: {  	v35 =	vmax.f32 v35, $0.0e+00;
	v17 =	vsel vm0, v37, v17;
	vm2 =	vgt.s32 v18, $0x0  }
0x45c: {  	v29 =	vld.idx.msk [tilespmem:v29+s4+$0x0], $0xffff;
	v31 =	vadd.s32 $0x3, v24;
	v18 =	vnsel vm2, $0x0, v18;
	v19 =	vmul.f32 v19, v8  }
0x45d: {  	v25 =	vsel vm1, v38, v25;
	v35 =	vmin.f32 v35, $4.095000000e+03;
	v18 =	vmin.u32 v18, $0xFFE  }
0x45e: {  	v47 =	vadd.s32 $0x3, v17;
	v30 =	vmul.f32 v30, v8;
	v19 =	vmax.f32 v19, $0.0e+00  }
0x45f: {  	v49 =	vld.idx.msk [tilespmem:v33+s4+$0x0], $0xffff;
	v50 =	vadd.s32 $0x3, v25;
	v35 =	vtrunc.f32 v35;
	v19 =	vmin.f32 v19, $4.095000000e+03  }
0x460: {  	v40 =	vadd.s32 $0x4, v28;
	v51 =	vld.idx.msk [tilespmem:v27+s4+$0x0], $0xffff;
	v35 =	vcvt.f32.s32 v35;
	v19 =	vtrunc.f32 v19  }
0x461: {  	v30 =	vmax.f32 v30, $0.0e+00;
	vm0 =	vlt.f32 v29, v23;
	v31 =	vld.idx.msk [tilespmem:v31+s4+$0x0], $0xffff;
	v19 =	vcvt.f32.s32 v19  }
0x462: {  	v32 =	vmax.f32 v32, $0.0e+00;
	v29 =	vmin.f32 v30, $4.095000000e+03;
	v28 =	vsel vm0, v40, v28;
	v30 =	vld.idx.msk [tilespmem:v18+s22+$0x0], $0xffff  }
0x463: {  	v32 =	vmin.f32 v32, $4.095000000e+03;
	v40 =	vadd.s32 $0x1, v28;
	v29 =	vtrunc.f32 v29;
	v34 =	vld.idx.msk [tilespmem:v47+s4+$0x0], $0xffff  }
0x464: {  	v32 =	vtrunc.f32 v32;
	v37 =	vld.idx.msk [tilespmem:v50+s4+$0x0], $0xffff;
	v29 =	vcvt.f32.s32 v29  }
0x465: {  	v41 =	vadd.s32 $0x4, v24;
	v42 =	vadd.s32 $0x4, v17;
	v32 =	vcvt.f32.s32 v32;
	v18 =	vld.idx.msk [tilespmem:v18+s18+$0x0], $0xffff  }
0x466: {  	v43 =	vadd.s32 $0x4, v25;
	vm2 =	vlt.f32 v51, v21;
	vm0 =	vlt.f32 v49, v22;
	v35 =	vld.idx.msk [tilespmem:v35+s19+$0x0], $0xffff  }
0x467: {  	vm0 =	vmneg vm0;
	vm1 =	vlt.f32 v31, v10;
	v16 =	vmul.f32 v30, v16;
	v30 =	vld.idx.msk [tilespmem:v19+s19+$0x0], $0xffff  }
0x468: {  	v57 =	vsel vm0, $0xFFFFFFFF, v5;
	v31 =	vsel vm1, v41, v24;
	vm1 =	vlt.f32 v34, v11;
	v19 =	vld.idx.msk [tilespmem:v40+s4+$0x0], $0xffff  }
0x469: {  	v39 =	vld.idx.msk [tilespmem:v26+s4+$0x0], $0xffff;
	v33 =	vadd.s32 v57, v33;
	v52 =	vadd.s32 $0x1, v31;
	v17 =	vsel vm1, v42, v17  }
0x46a: {  	vm1 =	vlt.f32 v37, v9;
	v29 =	vld.idx.msk [tilespmem:v29+s19+$0x0], $0xffff;
	v24 =	vadd.f32 v16, v18;
	v16 =	vadd.s32 $0x1, v17  }
0x46b: {  	vm0 =	vgt.s32 v33, $0x0;
	v32 =	vld.idx.msk [tilespmem:v32+s19+$0x0], $0xffff;
	v60 =	vadd.s32 $0x7, v35;
	v18 =	vsel vm1, v43, v25  }
0x46c: {  	v55 =	vadd.s32 $0x2, v28;
	v33 =	vnsel vm0, $0x0, v33;
	v53 =	vadd.s32 $0x1, v18  }
0x46d: {  	vm1 =	vmneg vm2;
	v54 =	vadd.s32 $0x7, v30;
	vm2 =	vlt.f32 v19, v23  }
0x46e: {  	vm3 =	vlt.f32 v39, v20;
	v33 =	vmin.u32 v33, $0xFFE;
	v34 =	vld.idx.msk [tilespmem:v52+s4+$0x0], $0xffff;
	v28 =	vsel vm2, v55, v28  }
0x46f: {  	v63 =	vadd.s32 $0x8, v35;
	v25 =	vadd.s32 $0x2, v31;
	v61 =	vadd.s32 $0x7, v29;
	v16 =	vld.idx.msk [tilespmem:v16+s4+$0x0], $0xffff  }
0x470: {  	v62 =	vadd.s32 $0x7, v32;
	v45 =	vadd.s32 $0x8, v32;
	v58 =	vsel vm1, $0xFFFFFFFF, v5;
	v49 =	vld.idx.msk [tilespmem:v60+s4+$0x0], $0xffff  }
0x471: {  	v56 =	vadd.s32 $0x2, v18;
	v27 =	vadd.s32 v58, v27;
	vm2 =	vmneg vm3;
	v36 =	vld.idx.msk [tilespmem:v53+s4+$0x0], $0xffff  }
0x472: {  	v48 =	vadd.s32 $0x8, v29;
	v19 =	vadd.s32 $0x2, v17;
	v59 =	vsel vm2, $0xFFFFFFFF, v5;
	v37 =	vld.idx.msk [tilespmem:v54+s4+$0x0], $0xffff  }
0x473: {  	vm1 =	vgt.s32 v27, $0x0;
	v26 =	vadd.s32 v59, v26;
	vm0 =	vlt.f32 v34, v10;
	v44 =	vld.idx.msk [tilespmem:v28+s4+$0x0], $0xffff  }
0x474: {  	s29 =	simm.s32 $0x41E0;
	vm2 =	vgt.s32 v26, $0x0;
	v25 =	vsel vm0, v25, v31;
	v31 =	vld.idx.msk [tilespmem:v61+s4+$0x0], $0xffff;
	vm0 =	vlt.f32 v16, v11  }
0x475: {  	v27 =	vnsel vm1, $0x0, v27;
	v26 =	vnsel vm2, $0x0, v26;
	v38 =	vsel vm0, v19, v17;
	v19 =	vld [tilespmem:s29+$0x10]  }
0x476: {  	v27 =	vmin.u32 v27, $0xFFE;
	v26 =	vmin.u32 v26, $0xFFE;
	vm0 =	vlt.f32 v36, v9;
	v17 =	vld [tilespmem:s29+$0x0]  }
0x477: {  	v50 =	vld.idx.msk [tilespmem:v62+s4+$0x0], $0xffff;
	v16 =	vadd.s32 $0x8, v30;
	vm1 =	vlt.f32 v37, v15;
	v37 =	vsel vm0, v56, v18  }
0x478: {  	vm2 =	vlt.f32 v44, v23;
	v30 =	vsel vm1, v16, v30;
	vm1 =	vlt.f32 v49, v14  }
0x479: {  	v18 =	vld [tilespmem:s29+$0xFFFFFFE0];
	vm0 =	vmneg vm2;
	v51 =	vadd.s32 $0x3, v30;
	v35 =	vsel vm1, v63, v35  }
0x47a: {  	v49 =	vadd.s32 $0x4, v30;
	v52 =	vsel vm0, $0xFFFFFFFF, v5;
	vm0 =	vlt.f32 v31, v12  }
0x47b: {  	v16 =	vld [tilespmem:s29+$0xFFFFFFF0];
	v31 =	vsub.f32 v19, v7;
	v54 =	vadd.s32 $0x3, v35;
	v55 =	vsub.f32 v17, v7  }
0x47c: {  	v44 =	vld.idx.msk [tilespmem:v27+s22+$0x0], $0xffff;
	v28 =	vadd.s32 v52, v28;
	v29 =	vsel vm0, v48, v29;
	vm0 =	vlt.f32 v50, v13  }
0x47d: {  	v60 =	vadd.s32 $0x4, v35;
	vm1 =	vgt.s32 v28, $0x0;
	v32 =	vsel vm0, v45, v32  }
0x47e: {  	v46 =	vld.idx.msk [tilespmem:v38+s4+$0x0], $0xffff;
	v31 =	vmul.f32 v31, v8;
	v56 =	vadd.s32 $0x3, v29;
	v57 =	vsub.f32 v18, v7  }
0x47f: {  	v40 =	vmul.f32 v55, v8;
	v63 =	vadd.s32 $0x4, v29;
	v28 =	vnsel vm1, $0x0, v28  }
0x480: {  	v53 =	vsub.f32 v16, v7;
	v58 =	vadd.s32 $0x3, v32;
	v28 =	vmin.u32 v28, $0xFFE;
	v39 =	vld.idx.msk [tilespmem:v51+s4+$0x0], $0xffff  }
0x481: {  	v59 =	vld.idx.msk [tilespmem:v25+s4+$0x0], $0xffff;
	v44 =	vmul.f32 v44, v21;
	v31 =	vmax.f32 v31, $0.0e+00;
	v42 =	vmul.f32 v57, v8  }
0x482: {  	v47 =	vld.idx.msk [tilespmem:v37+s4+$0x0], $0xffff;
	v40 =	vmax.f32 v40, $0.0e+00;
	v51 =	vadd.s32 $0x4, v32;
	v34 =	vmul.f32 v53, v8  }
0x483: {  	v31 =	vmin.f32 v31, $4.095000000e+03;
	v36 =	vld.idx.msk [tilespmem:v54+s4+$0x0], $0xffff;
	v40 =	vmin.f32 v40, $4.095000000e+03;
	vm2 =	vlt.f32 v46, v11  }
0x484: {  	v46 =	vld.idx.msk [tilespmem:v26+s22+$0x0], $0xffff;
	v31 =	vtrunc.f32 v31;
	v61 =	vmax.f32 v42, $0.0e+00;
	v40 =	vtrunc.f32 v40  }
0x485: {  	vm2 =	vmneg vm2;
	v31 =	vcvt.f32.s32 v31;
	v48 =	vld.idx.msk [tilespmem:v28+s22+$0x0], $0xffff;
	vm0 =	vlt.f32 v39, v15  }
0x486: {  	v34 =	vmax.f32 v34, $0.0e+00;
	v41 =	vld.idx.msk [tilespmem:v56+s4+$0x0], $0xffff;
	v40 =	vcvt.f32.s32 v40;
	v42 =	vsel vm0, v49, v30  }
0x487: {  	v34 =	vmin.f32 v34, $4.095000000e+03;
	v30 =	vld.idx.msk [tilespmem:v28+s18+$0x0], $0xffff;
	v28 =	vmin.f32 v61, $4.095000000e+03;
	v62 =	vadd.s32 $0x1, v42  }
0x488: {  	vm3 =	vlt.f32 v47, v9;
	v43 =	vld.idx.msk [tilespmem:v58+s4+$0x0], $0xffff;
	v34 =	vtrunc.f32 v34;
	v28 =	vtrunc.f32 v28  }
0x489: {  	v34 =	vcvt.f32.s32 v34;
	vm0 =	vlt.f32 v59, v10;
	v50 =	vcvt.f32.s32 v28  }
0x48a: {  	v27 =	vld.idx.msk [tilespmem:v27+s18+$0x0], $0xffff;
	vm1 =	vlt.f32 v36, v14;
	v46 =	vmul.f32 v46, v20;
	v23 =	vmul.f32 v48, v23  }
0x48b: {  	v35 =	vsel vm1, v60, v35;
	vm0 =	vmneg vm0;
	v60 =	vsel vm2, $0xFFFFFFFF, v5;
	v28 =	vld.idx.msk [tilespmem:v31+s19+$0x0], $0xffff  }
0x48c: {  	v56 =	vadd.s32 $0x1, v35;
	vm1 =	vlt.f32 v41, v12;
	v45 =	vadd.f32 v23, v30;
	v23 =	vld.idx.msk [tilespmem:v62+s4+$0x0], $0xffff  }
0x48d: {  	v52 =	vld.idx.msk [tilespmem:v33+s22+$0x0], $0xffff;
	v39 =	vadd.s32 $0x2, v35;
	v47 =	vsel vm1, v63, v29;
	vm1 =	vlt.f32 v43, v13  }
0x48e: {  	v31 =	vld.idx.msk [tilespmem:v40+s19+$0x0], $0xffff;
	v57 =	vadd.s32 $0x1, v47;
	v48 =	vsel vm1, v51, v32;
	vm1 =	vmneg vm3  }
0x48f: {  	v59 =	vsel vm0, $0xFFFFFFFF, v5;
	v58 =	vadd.s32 $0x1, v48;
	v61 =	vsel vm1, $0xFFFFFFFF, v5;
	v30 =	vld.idx.msk [tilespmem:v50+s19+$0x0], $0xffff  }
0x490: {  	v29 =	vadd.s32 $0x2, v42;
	v43 =	vadd.s32 $0x2, v47;
	v32 =	vld.idx.msk [tilespmem:v34+s19+$0x0], $0xffff;
	v62 =	vadd.s32 v61, v37  }
0x491: {  	v54 =	vld.idx.msk [tilespmem:v56+s4+$0x0], $0xffff;
	vm2 =	vgt.s32 v62, $0x0;
	v53 =	vadd.s32 $0x7, v28;
	vm0 =	vlt.f32 v23, v15  }
0x492: {  	s8 =	simm.s32 $0x8120;
	v33 =	vld.idx.msk [tilespmem:v33+s18+$0x0], $0xffff;
	v34 =	vadd.s32 $0x2, v48;
	v62 =	vnsel vm2, $0x0, v62;
	v29 =	vsel vm0, v29, v42  }
0x493: {  	[tilespmem:s8+$0x10] =	vst v24;
	v61 =	vadd.s32 $0x7, v31;
	v63 =	vld.idx.msk [tilespmem:v57+s4+$0x0], $0xffff;
	v24 =	vmin.u32 v62, $0xFFE;
	v23 =	vadd.s32 v59, v25  }
0x494: {  	v58 =	vld.idx.msk [tilespmem:v58+s4+$0x0], $0xffff;
	v25 =	vadd.s32 v60, v38;
	vm0 =	vgt.s32 v23, $0x0;
	v57 =	vadd.s32 $0x7, v30  }
0x495: {  	v37 =	vadd.s32 $0x8, v32;
	v59 =	vadd.s32 $0x7, v32;
	v60 =	vld.idx.msk [tilespmem:v26+s18+$0x0], $0xffff;
	v23 =	vnsel vm0, $0x0, v23  }
0x496: {  	v38 =	vadd.s32 $0x8, v31;
	vm0 =	vlt.f32 v54, v14;
	v53 =	vld.idx.msk [tilespmem:v53+s4+$0x0], $0xffff;
	v26 =	vmin.u32 v23, $0xFFE  }
0x497: {  	vm1 =	vgt.s32 v25, $0x0;
	v36 =	vadd.s32 $0x8, v30;
	v23 =	vsel vm0, v39, v35;
	v39 =	vld.idx.msk [tilespmem:v29+s4+$0x0], $0xffff  }
0x498: {  	v25 =	vnsel vm1, $0x0, v25;
	v42 =	vld.idx.msk [tilespmem:v61+s4+$0x0], $0xffff;
	vm0 =	vlt.f32 v63, v12;
	v63 =	vmul.f32 v52, v22  }
0x499: {  	s7 =	simm.s32 $0x8160;
	v25 =	vmin.u32 v25, $0xFFE;
	v21 =	vsel vm0, v43, v47;
	vm0 =	vlt.f32 v58, v13;
	v41 =	vld.idx.msk [tilespmem:v57+s4+$0x0], $0xffff  }
0x49a: {  	s2 =	sshll.u32 s31, $0x11;
	[tilespmem:s7+$0x10] =	vst v45;
	v43 =	vadd.s32 $0x8, v28;
	v40 =	vld.idx.msk [tilespmem:v59+s4+$0x0], $0xffff;
	v22 =	vsel vm0, v34, v48;
	v35 =	vadd.f32 v63, v33  }
0x49b: {  	s9 =	simm.s32 $0xC0;
	s10 =	simm.s32 $0x4220;
	s0 =	sor.u32 s2, s5;
	v33 =	vadd.f32 v44, v27;
	v34 =	vadd.f32 v46, v60;
	vm0 =	vlt.f32 v53, v19;
	v20 =	vld.idx.msk [tilespmem:v26+s22+$0x0], $0xffff  }
.LBB2_21:
0x49c: {  	v44 =	vld [tilespmem:s10+$0x10];
	v28 =	vsel vm0, v43, v28;
	vm0 =	vlt.f32 v39, v15;
	[tilespmem:s8+$0xFFFFFFE0] =	vst v35;
	v27 =	vmovc v12;
	v12 =	vmov v16  }
0x49d: {  	s9 =	sadd.s32 $0x40, s9;
	v16 =	vld [tilespmem:s10+$0xFFFFFFF0];
	v35 =	vadd.s32 $0x3, v28;
	vm0 =	vmneg vm0;
	[tilespmem:s8+$0xFFFFFFF0] =	vst v33;
	v33 =	vmovc v9;
	v9 =	vmovc v13;
	v13 =	vmov v17  }
0x49e: {  	p1 =	slt.u32 s9, $0x1FC0;
	vm1 =	vlt.f32 v41, v18;
	v17 =	vld [tilespmem:s10+$0x0];
	v39 =	vsel vm0, $0xFFFFFFFF, v5;
	[tilespmem:s8+$0x0] =	vst v34;
	v34 =	vmovc v10;
	v10 =	vmovc v14;
	v14 =	vmov v18;
	s8 =	smov.u32 s7  }
0x49f: {  	v30 =	vsel vm1, v36, v30;
	vm0 =	vlt.f32 v40, v12;
	v18 =	vld [tilespmem:s10+$0xFFFFFFE0];
	v29 =	vadd.s32 v39, v29  }
0x4a0: {  	v32 =	vsel vm0, v37, v32;
	vm0 =	vlt.f32 v42, v13;
	v36 =	vld.idx.msk [tilespmem:v23+s4+$0x0], $0xffff;
	vm1 =	vgt.s32 v29, $0x0  }
0x4a1: {  	v31 =	vsel vm0, v38, v31;
	v37 =	vsub.f32 v44, v7;
	v38 =	vld.idx.msk [tilespmem:v21+s4+$0x0], $0xffff;
	v29 =	vnsel vm1, $0x0, v29  }
0x4a2: {  	v40 =	vadd.s32 $0x3, v30;
	v39 =	vsub.f32 v16, v7;
	v35 =	vld.idx.msk [tilespmem:v35+s4+$0x0], $0xffff;
	v29 =	vmin.u32 v29, $0xFFE  }
0x4a3: {  	v42 =	vadd.s32 $0x3, v32;
	v41 =	vsub.f32 v17, v7;
	v37 =	vmul.f32 v37, v8;
	v43 =	vld.idx.msk [tilespmem:v22+s4+$0x0], $0xffff  }
0x4a4: {  	v46 =	vadd.s32 $0x3, v31;
	v45 =	vsub.f32 v18, v7;
	v39 =	vmul.f32 v39, v8;
	v47 =	vld.idx.msk [tilespmem:v25+s22+$0x0], $0xffff  }
0x4a5: {  	v48 =	vadd.s32 $0x4, v30;
	v41 =	vmul.f32 v41, v8;
	v37 =	vmax.f32 v37, $0.0e+00;
	v49 =	vld.idx.msk [tilespmem:v24+s22+$0x0], $0xffff  }
0x4a6: {  	v45 =	vmul.f32 v45, v8;
	v39 =	vmax.f32 v39, $0.0e+00;
	v37 =	vmin.f32 v37, $4.095000000e+03;
	v50 =	vld.idx.msk [tilespmem:v26+s18+$0x0], $0xffff  }
0x4a7: {  	v26 =	vmin.f32 v39, $4.095000000e+03;
	v39 =	vmax.f32 v41, $0.0e+00;
	v37 =	vtrunc.f32 v37;
	v41 =	vld.idx.msk [tilespmem:v29+s22+$0x0], $0xffff  }
0x4a8: {  	v51 =	vadd.s32 $0x4, v28;
	vm0 =	vlt.f32 v35, v19;
	v37 =	vcvt.f32.s32 v37;
	v40 =	vld.idx.msk [tilespmem:v40+s4+$0x0], $0xffff  }
0x4a9: {  	v35 =	vmax.f32 v45, $0.0e+00;
	v39 =	vmin.f32 v39, $4.095000000e+03;
	v45 =	vsel vm0, v51, v28;
	v29 =	vld.idx.msk [tilespmem:v29+s18+$0x0], $0xffff  }
0x4aa: {  	v26 =	vtrunc.f32 v26;
	v28 =	vmin.f32 v35, $4.095000000e+03;
	v35 =	vld.idx.msk [tilespmem:v42+s4+$0x0], $0xffff;
	v42 =	vadd.s32 $0x1, v45  }
0x4ab: {  	v51 =	vadd.s32 $0x4, v32;
	v39 =	vtrunc.f32 v39;
	v28 =	vtrunc.f32 v28;
	v46 =	vld.idx.msk [tilespmem:v46+s4+$0x0], $0xffff  }
0x4ac: {  	v53 =	vadd.s32 $0x4, v31;
	v26 =	vcvt.f32.s32 v26;
	v52 =	vcvt.f32.s32 v28;
	v54 =	vld.idx.msk [tilespmem:v25+s18+$0x0], $0xffff  }
0x4ad: {  	vm0 =	vlt.f32 v36, v10;
	v25 =	vcvt.f32.s32 v39;
	v36 =	vmul.f32 v41, v15;
	v15 =	vmovc v19;
	v55 =	vld.idx.msk [tilespmem:v24+s18+$0x0], $0xffff  }
0x4ae: {  	vm2 =	vlt.f32 v38, v27;
	vm3 =	vlt.f32 v43, v9;
	vm1 =	vlt.f32 v40, v14;
	v28 =	vld.idx.msk [tilespmem:v37+s19+$0x0], $0xffff  }
0x4af: {  	vm0 =	vmneg vm0;
	v19 =	vmovc v44;
	v24 =	vsel vm1, v48, v30;
	v29 =	vadd.f32 v36, v29;
	v37 =	vld.idx.msk [tilespmem:v42+s4+$0x0], $0xffff  }
0x4b0: {  	s7 =	sadd.s32 $0x40, s7;
	v40 =	vadd.s32 $0x2, v24;
	v36 =	vadd.s32 $0x1, v24;
	vm1 =	vlt.f32 v35, v12  }
0x4b1: {  	vm2 =	vmneg vm2;
	v35 =	vsel vm1, v51, v32;
	vm1 =	vlt.f32 v46, v13;
	[tilespmem:s7+$0x10] =	vst v29  }
0x4b2: {  	v42 =	vadd.s32 $0x2, v35;
	v38 =	vadd.s32 $0x1, v35;
	v43 =	vsel vm1, v53, v31;
	v30 =	vld.idx.msk [tilespmem:v52+s19+$0x0], $0xffff  }
0x4b3: {  	vm1 =	vmneg vm3;
	v44 =	vadd.s32 $0x2, v43;
	v32 =	vld.idx.msk [tilespmem:v26+s19+$0x0], $0xffff;
	v26 =	vadd.s32 $0x1, v43  }
0x4b4: {  	v39 =	vsel vm2, $0xFFFFFFFF, v5;
	v41 =	vsel vm1, $0xFFFFFFFF, v5;
	v31 =	vld.idx.msk [tilespmem:v25+s19+$0x0], $0xffff;
	v25 =	vsel vm0, $0xFFFFFFFF, v5  }
0x4b5: {  	v29 =	vadd.s32 $0x2, v45;
	v46 =	vadd.s32 $0x7, v28;
	vm0 =	vlt.f32 v37, v15;
	v48 =	vld.idx.msk [tilespmem:v36+s4+$0x0], $0xffff  }
0x4b6: {  	v21 =	vadd.s32 v39, v21;
	v29 =	vsel vm0, v29, v45;
	v23 =	vadd.s32 v25, v23  }
0x4b7: {  	vm1 =	vgt.s32 v21, $0x0;
	v22 =	vadd.s32 v41, v22;
	vm0 =	vgt.s32 v23, $0x0;
	v45 =	vld.idx.msk [tilespmem:v38+s4+$0x0], $0xffff  }
0x4b8: {  	vm2 =	vgt.s32 v22, $0x0;
	v36 =	vadd.s32 $0x8, v30;
	v41 =	vadd.s32 $0x7, v30;
	v51 =	vld.idx.msk [tilespmem:v26+s4+$0x0], $0xffff  }
0x4b9: {  	v23 =	vnsel vm0, $0x0, v23;
	v37 =	vadd.s32 $0x8, v32;
	v52 =	vadd.s32 $0x7, v32  }
0x4ba: {  	v21 =	vnsel vm1, $0x0, v21;
	v38 =	vadd.s32 $0x8, v31;
	v53 =	vadd.s32 $0x7, v31;
	v46 =	vld.idx.msk [tilespmem:v46+s4+$0x0], $0xffff  }
0x4bb: {  	v22 =	vnsel vm2, $0x0, v22;
	v26 =	vmin.u32 v23, $0xFFE;
	vm0 =	vlt.f32 v48, v14;
	v39 =	vld.idx.msk [tilespmem:v29+s4+$0x0], $0xffff  }
.Ltmp13:
0x4bc: {  	v25 =	vmin.u32 v21, $0xFFE;
	v23 =	vsel vm0, v40, v24;
	v24 =	vmin.u32 v22, $0xFFE;
	(pc) =	sbr.rel @p1 .LBB2_21-.Ltmp13, $4  }
0x4bd: {  	v20 =	vmul.f32 v20, v34;
	vm0 =	vlt.f32 v45, v12;
	v45 =	vmul.f32 v47, v11;
	v41 =	vld.idx.msk [tilespmem:v41+s4+$0x0], $0xffff  }
0x4be: {  	v34 =	vmul.f32 v49, v33;
	v21 =	vsel vm0, v42, v35;
	vm0 =	vlt.f32 v51, v13;
	v40 =	vld.idx.msk [tilespmem:v52+s4+$0x0], $0xffff  }
0x4bf: {  	v35 =	vadd.f32 v20, v50;
	v22 =	vsel vm0, v44, v43;
	v33 =	vadd.f32 v45, v54;
	v42 =	vld.idx.msk [tilespmem:v53+s4+$0x0], $0xffff  }
0x4c0: {  	s10 =	sadd.s32 $0x40, s10;
	v34 =	vadd.f32 v34, v55;
	v11 =	vmovc v27;
	v43 =	vadd.s32 $0x8, v28;
	vm0 =	vlt.f32 v46, v19;
	v20 =	vld.idx.msk [tilespmem:v26+s22+$0x0], $0xffff  }
0x4c1: {  	v27 =	vsel vm0, v43, v28  }
0x4c2: {  	v28 =	vadd.s32 $0x3, v27;
	_ =	sdelay $0x2  }
0x4c3: {  	vm0 =	vlt.f32 v41, v18  }
0x4c4: {  	v30 =	vsel vm0, v36, v30;
	vm0 =	vlt.f32 v40, v16  }
0x4c5: {  	v32 =	vsel vm0, v37, v32;
	vm0 =	vlt.f32 v42, v17;
	v36 =	vadd.s32 $0x3, v30;
	v28 =	vld.idx.msk [tilespmem:v28+s4+$0x0], $0xffff  }
0x4c6: {  	v31 =	vsel vm0, v38, v31;
	v37 =	vadd.s32 $0x3, v32  }
0x4c7: {  	v38 =	vadd.s32 $0x3, v31;
	_ =	sdelay $0x2  }
0x4c8: {  	v62 =	vadd.s32 $0x4, v27;
	v36 =	vld.idx.msk [tilespmem:v36+s4+$0x0], $0xffff;
	vm0 =	vlt.f32 v28, v19  }
0x4c9: {  	v28 =	vld.idx.msk [tilespmem:v37+s4+$0x0], $0xffff;
	v27 =	vsel vm0, v62, v27  }
0x4ca: {  	v38 =	vld.idx.msk [tilespmem:v38+s4+$0x0], $0xffff;
	v63 =	vadd.s32 $0x1, v27;
	_ =	sdelay $0x2  }
0x4cb: {  	v44 =	vadd.s32 $0x4, v30;
	v45 =	vadd.s32 $0x4, v32;
	vm0 =	vlt.f32 v36, v18  }
0x4cc: {  	v46 =	vadd.s32 $0x4, v31;
	v30 =	vsel vm0, v44, v30;
	vm0 =	vlt.f32 v28, v16  }
0x4cd: {  	v47 =	vadd.s32 $0x1, v30;
	v32 =	vsel vm0, v45, v32;
	vm0 =	vlt.f32 v38, v17;
	v28 =	vld.idx.msk [tilespmem:v63+s4+$0x0], $0xffff  }
0x4ce: {  	v48 =	vadd.s32 $0x1, v32;
	v31 =	vsel vm0, v46, v31  }
0x4cf: {  	v36 =	vadd.s32 $0x1, v31  }
0x4d0: {  	v50 =	vld.idx.msk [tilespmem:v21+s4+$0x0], $0xffff;
	vm0 =	vlt.f32 v39, v15  }
0x4d1: {  	v49 =	vld.idx.msk [tilespmem:v23+s4+$0x0], $0xffff;
	vm0 =	vmneg vm0  }
0x4d2: {  	v52 =	vadd.s32 $0x2, v27;
	v51 =	vsel vm0, $0xFFFFFFFF, v5;
	v37 =	vld.idx.msk [tilespmem:v47+s4+$0x0], $0xffff;
	vm0 =	vlt.f32 v28, v19  }
0x4d3: {  	v28 =	vadd.s32 v51, v29;
	v29 =	vld.idx.msk [tilespmem:v48+s4+$0x0], $0xffff;
	v27 =	vsel vm0, v52, v27  }
0x4d4: {  	v36 =	vld.idx.msk [tilespmem:v36+s4+$0x0], $0xffff  }
0x4d5: {  	vm1 =	vlt.f32 v50, v12  }
0x4d6: {  	v53 =	vld.idx.msk [tilespmem:v22+s4+$0x0], $0xffff;
	v54 =	vadd.s32 $0x2, v30;
	v55 =	vadd.s32 $0x2, v32;
	vm0 =	vgt.s32 v28, $0x0  }
0x4d7: {  	v28 =	vnsel vm0, $0x0, v28;
	vm0 =	vlt.f32 v49, v14;
	vm2 =	vlt.f32 v37, v18  }
0x4d8: {  	v30 =	vsel vm2, v54, v30;
	vm0 =	vmneg vm0;
	vm2 =	vlt.f32 v29, v16;
	v56 =	vld.idx.msk [tilespmem:v27+s4+$0x0], $0xffff  }
0x4d9: {  	v29 =	vadd.s32 $0x2, v31;
	v32 =	vsel vm2, v55, v32;
	vm2 =	vlt.f32 v36, v17  }
0x4da: {  	vm1 =	vmneg vm1;
	v57 =	vsel vm0, $0xFFFFFFFF, v5;
	v29 =	vsel vm2, v29, v31  }
0x4db: {  	v58 =	vld.idx.msk [tilespmem:v24+s22+$0x0], $0xffff;
	vm3 =	vlt.f32 v53, v13;
	v59 =	vsel vm1, $0xFFFFFFFF, v5;
	v23 =	vadd.s32 v57, v23  }
0x4dc: {  	v26 =	vld.idx.msk [tilespmem:v26+s18+$0x0], $0xffff;
	v21 =	vadd.s32 v59, v21;
	v28 =	vmin.u32 v28, $0xFFE;
	vm0 =	vgt.s32 v23, $0x0  }
0x4dd: {  	vm2 =	vmneg vm3;
	v23 =	vnsel vm0, $0x0, v23;
	v61 =	vld.idx.msk [tilespmem:v30+s4+$0x0], $0xffff;
	vm1 =	vlt.f32 v56, v19  }
0x4de: {  	v60 =	vsel vm2, $0xFFFFFFFF, v5;
	vm2 =	vgt.s32 v21, $0x0;
	v62 =	vld.idx.msk [tilespmem:v32+s4+$0x0], $0xffff;
	vm1 =	vmneg vm1  }
0x4df: {  	v23 =	vmin.u32 v23, $0xFFE;
	v22 =	vadd.s32 v60, v22;
	v44 =	vld.idx.msk [tilespmem:v29+s4+$0x0], $0xffff;
	v63 =	vsel vm1, $0xFFFFFFFF, v5  }
0x4e0: {  	v24 =	vld.idx.msk [tilespmem:v24+s18+$0x0], $0xffff;
	v21 =	vnsel vm2, $0x0, v21;
	vm3 =	vgt.s32 v22, $0x0;
	v27 =	vadd.s32 v63, v27  }
0x4e1: {  	v31 =	vld.idx.msk [tilespmem:v25+s22+$0x0], $0xffff;
	v21 =	vmin.u32 v21, $0xFFE;
	v22 =	vnsel vm3, $0x0, v22;
	vm0 =	vgt.s32 v27, $0x0  }
0x4e2: {  	v25 =	vld.idx.msk [tilespmem:v25+s18+$0x0], $0xffff;
	v22 =	vmin.u32 v22, $0xFFE;
	v27 =	vnsel vm0, $0x0, v27;
	vm0 =	vlt.f32 v61, v18  }
0x4e3: {  	v45 =	vld.idx.msk [tilespmem:v28+s22+$0x0], $0xffff;
	vm1 =	vlt.f32 v62, v16;
	v27 =	vmin.u32 v27, $0xFFE;
	vm0 =	vmneg vm0  }
0x4e4: {  	v28 =	vld.idx.msk [tilespmem:v28+s18+$0x0], $0xffff;
	vm2 =	vlt.f32 v44, v17;
	vm1 =	vmneg vm1;
	v46 =	vsel vm0, $0xFFFFFFFF, v5  }
0x4e5: {  	v47 =	vld.idx.msk [tilespmem:v23+s22+$0x0], $0xffff;
	vm0 =	vmneg vm2;
	v48 =	vsel vm1, $0xFFFFFFFF, v5;
	v30 =	vadd.s32 v46, v30  }
0x4e6: {  	v23 =	vld.idx.msk [tilespmem:v23+s18+$0x0], $0xffff;
	v50 =	vsel vm0, $0xFFFFFFFF, v5;
	v32 =	vadd.s32 v48, v32;
	vm0 =	vgt.s32 v30, $0x0  }
0x4e7: {  	v49 =	vld.idx.msk [tilespmem:v21+s22+$0x0], $0xffff;
	vm1 =	vgt.s32 v32, $0x0;
	v30 =	vnsel vm0, $0x0, v30  }
0x4e8: {  	v21 =	vld.idx.msk [tilespmem:v21+s18+$0x0], $0xffff;
	v29 =	vadd.s32 v50, v29;
	v32 =	vnsel vm1, $0x0, v32;
	v30 =	vmin.u32 v30, $0xFFE  }
0x4e9: {  	v51 =	vld.idx.msk [tilespmem:v22+s22+$0x0], $0xffff;
	vm0 =	vgt.s32 v29, $0x0;
	v32 =	vmin.u32 v32, $0xFFE  }
0x4ea: {  	v10 =	vmul.f32 v20, v10;
	v52 =	vld.idx.msk [tilespmem:v27+s22+$0x0], $0xffff;
	v29 =	vnsel vm0, $0x0, v29  }
0x4eb: {  	v15 =	vmul.f32 v45, v15;
	v20 =	vld.idx.msk [tilespmem:v22+s18+$0x0], $0xffff;
	v29 =	vmin.u32 v29, $0xFFE  }
0x4ec: {  	[tilespmem:s8+$0xFFFFFFE0] =	vst v35;
	v10 =	vadd.f32 v10, v26;
	v11 =	vmul.f32 v31, v11;
	v27 =	vld.idx.msk [tilespmem:v27+s18+$0x0], $0xffff  }
0x4ed: {  	[tilespmem:s8+$0xFFFFFFF0] =	vst v33;
	v15 =	vadd.f32 v15, v28;
	v22 =	vld.idx.msk [tilespmem:v30+s22+$0x0], $0xffff  }
0x4ee: {  	s13 =	sadd.s32 $0x40, s7;
	v9 =	vmul.f32 v58, v9;
	[tilespmem:s7+$0xFFFFFFE0] =	vst v10;
	v11 =	vadd.f32 v11, v25;
	v26 =	vld.idx.msk [tilespmem:v32+s22+$0x0], $0xffff  }
0x4ef: {  	[tilespmem:s13+$0x10] =	vst v15;
	v10 =	vmul.f32 v47, v14;
	v15 =	vmul.f32 v52, v19;
	v14 =	vld.idx.msk [tilespmem:v30+s18+$0x0], $0xffff  }
0x4f0: {  	[tilespmem:s8+$0x0] =	vst v34;
	v9 =	vadd.f32 v9, v24;
	v19 =	vld.idx.msk [tilespmem:v29+s22+$0x0], $0xffff  }
0x4f1: {  	[tilespmem:s7+$0xFFFFFFF0] =	vst v11;
	v12 =	vmul.f32 v49, v12;
	v11 =	vadd.f32 v15, v27;
	v15 =	vld.idx.msk [tilespmem:v32+s18+$0x0], $0xffff  }
0x4f2: {  	s20 =	sadd.s32 $0x40, s13;
	[tilespmem:s7+$0x0] =	vst v9;
	v10 =	vadd.f32 v10, v23;
	v9 =	vmul.f32 v51, v13;
	v13 =	vld.idx.msk [tilespmem:v29+s18+$0x0], $0xffff  }
0x4f3: {  	[tilespmem:s20+$0x10] =	vst v11;
	v11 =	vadd.f32 v12, v21;
	v12 =	vmul.f32 v22, v18  }
0x4f4: {  	[tilespmem:s13+$0xFFFFFFE0] =	vst v10;
	v9 =	vadd.f32 v9, v20;
	v10 =	vmul.f32 v26, v16  }
0x4f5: {  	[tilespmem:s13+$0xFFFFFFF0] =	vst v11;
	v11 =	vmul.f32 v19, v17;
	v12 =	vadd.f32 v12, v14  }
0x4f6: {  	[tilespmem:s13+$0x0] =	vst v9;
	v9 =	vadd.f32 v10, v15  }
0x4f7: {  	v10 =	vadd.f32 v11, v13;
	[tilespmem:s20+$0xFFFFFFE0] =	vst v12  }
0x4f8: {  	s0 =	sshrl.u32 s0, $0x3;
	[tilespmem:s20+$0xFFFFFFF0] =	vst v9  }
0x4f9: {  	p1 =	seq.s32 s31, $0x7;
	s0 =	sadd.s32 s3, s0;
	[tilespmem:s20+$0x0] =	vst v10  }
0x4fa: {  	[hbm4b:s0+s15] =	stream.strided.scatter [tilespmem:s23], [sflag:$0x3], $0x2000, s16, s15, $0x38;
	[tilespmem:$0xC100] =	vst v63  }
0x4fb: {  	s0 =	sadd.s32 @!p1 s2, s11  }
0x4fc: {  	s8 =	simm.s32 @!p1 $0x400;
	s0 =	sshrl.u32 @!p1 s0, $0x3  }
0x4fd: {  	s9 =	simm.s32 @!p1 $0x4100;
	s7 =	simm.s32 @!p1 $0x80;
	s0 =	sadd.s32 @!p1 s1, s0  }
0x4fe: {  	[tilespmem:s9], [sflag:$0x1] =	stream.strided.gather @!p1 [hbm4b:s0+s7], $0x2000, s8, s7, $0x38;
	[tilespmem:$0xC100] =	vst v63  }
0x4ff: {  	_ =	swait.ge [sflag:s24], $0x2000  }
0x500: {  	[sflag:s24] =	ssyncset.done $0x0  }
0x501: {  	s0 =	simm.s32 @!p0 $0x4;
	[sflag:s24] =	ssyncadd.s32 $0xFFFFE000  }
0x502: {  	_ =	swait.ge @!p0 [sflag:s0], $0x2000  }
0x503: {  	[sflag:s0] =	ssyncset.done @!p0 $0x0  }
0x504: {  	s21 =	simm.s32 $0x6120;
	[sflag:s0] =	ssyncadd.s32 @!p0 $0xFFFFE000  }
0x505: {  	v16 =	vld [tilespmem:s21+$0x10];
	_ =	sdelay $0x1  }
0x506: {  	v22 =	vld [tilespmem:s21+$0xFFFFFFE0]  }
0x507: {  	v21 =	vld [tilespmem:s21+$0xFFFFFFF0]  }
0x508: {  	v20 =	vld [tilespmem:s21+$0x0]  }
0x509: {  	v9 =	vsub.f32 v16, v7;
	_ =	sdelay $0x1  }
0x50a: {  	v10 =	vsub.f32 v22, v7;
	v9 =	vmul.f32 v9, v8  }
0x50b: {  	v11 =	vsub.f32 v21, v7  }
0x50c: {  	v12 =	vsub.f32 v20, v7;
	v10 =	vmul.f32 v10, v8;
	v9 =	vmax.f32 v9, $0.0e+00  }
0x50d: {  	v11 =	vmul.f32 v11, v8;
	v9 =	vmin.f32 v9, $4.095000000e+03  }
0x50e: {  	v12 =	vmul.f32 v12, v8;
	v10 =	vmax.f32 v10, $0.0e+00;
	v9 =	vtrunc.f32 v9  }
0x50f: {  	v11 =	vmax.f32 v11, $0.0e+00;
	v10 =	vmin.f32 v10, $4.095000000e+03;
	v9 =	vcvt.f32.s32 v9  }
0x510: {  	v12 =	vmax.f32 v12, $0.0e+00;
	v11 =	vmin.f32 v11, $4.095000000e+03;
	v10 =	vtrunc.f32 v10  }
0x511: {  	v12 =	vmin.f32 v12, $4.095000000e+03;
	v11 =	vtrunc.f32 v11;
	v10 =	vcvt.f32.s32 v10  }
0x512: {  	v12 =	vtrunc.f32 v12;
	v11 =	vcvt.f32.s32 v11  }
0x513: {  	v12 =	vcvt.f32.s32 v12;
	_ =	sdelay $0x1  }
0x514: {  	v9 =	vld.idx.msk [tilespmem:v9+s19+$0x0], $0xffff;
	_ =	sdelay $0x1  }
0x515: {  	v13 =	vld.idx.msk [tilespmem:v10+s19+$0x0], $0xffff  }
0x516: {  	v14 =	vld.idx.msk [tilespmem:v11+s19+$0x0], $0xffff  }
0x517: {  	v12 =	vld.idx.msk [tilespmem:v12+s19+$0x0], $0xffff  }
0x518: {  	v10 =	vadd.s32 $0x7, v9;
	_ =	sdelay $0x1  }
0x519: {  	v11 =	vadd.s32 $0x7, v13  }
0x51a: {  	v15 =	vadd.s32 $0x7, v14  }
0x51b: {  	v17 =	vadd.s32 $0x7, v12  }
0x51c: {  	s26 =	simm.s32 $0x6160;
	v10 =	vld.idx.msk [tilespmem:v10+s4+$0x0], $0xffff  }
0x51d: {  	v23 =	vld [tilespmem:s26+$0x10]  }
0x51e: {  	v18 =	vld.idx.msk [tilespmem:v11+s4+$0x0], $0xffff  }
0x51f: {  	v15 =	vld.idx.msk [tilespmem:v15+s4+$0x0], $0xffff  }
0x520: {  	v17 =	vld.idx.msk [tilespmem:v17+s4+$0x0], $0xffff  }
0x521: {  	v11 =	vadd.s32 $0x8, v9;
	vm0 =	vlt.f32 v10, v16  }
0x522: {  	v25 =	vadd.s32 $0x8, v13;
	v26 =	vadd.s32 $0x8, v14;
	v19 =	vsel vm0, v11, v9;
	v11 =	vld [tilespmem:s26+$0xFFFFFFF0]  }
0x523: {  	v9 =	vld [tilespmem:s26+$0x0];
	vm0 =	vlt.f32 v18, v22;
	v18 =	vsub.f32 v23, v7;
	v24 =	vadd.s32 $0x3, v19  }
0x524: {  	v27 =	vadd.s32 $0x8, v12;
	v10 =	vld [tilespmem:s26+$0xFFFFFFE0];
	v13 =	vsel vm0, v25, v13;
	vm0 =	vlt.f32 v15, v21  }
0x525: {  	v14 =	vsel vm0, v26, v14;
	vm0 =	vlt.f32 v17, v20;
	v15 =	vmul.f32 v18, v8  }
0x526: {  	v18 =	vadd.s32 $0x3, v13;
	v12 =	vsel vm0, v27, v12  }
0x527: {  	v27 =	vadd.s32 $0x3, v14;
	v15 =	vmax.f32 v15, $0.0e+00;
	v17 =	vsub.f32 v11, v7  }
0x528: {  	v25 =	vsub.f32 v9, v7;
	v15 =	vmin.f32 v15, $4.095000000e+03;
	v24 =	vld.idx.msk [tilespmem:v24+s4+$0x0], $0xffff  }
0x529: {  	v26 =	vsub.f32 v10, v7;
	v15 =	vtrunc.f32 v15;
	v17 =	vmul.f32 v17, v8  }
0x52a: {  	v25 =	vmul.f32 v25, v8;
	v15 =	vcvt.f32.s32 v15  }
0x52b: {  	v29 =	vadd.s32 $0x4, v19;
	v30 =	vadd.s32 $0x4, v14;
	v26 =	vmul.f32 v26, v8;
	v18 =	vld.idx.msk [tilespmem:v18+s4+$0x0], $0xffff  }
0x52c: {  	v28 =	vadd.s32 $0x3, v12;
	v27 =	vld.idx.msk [tilespmem:v27+s4+$0x0], $0xffff;
	v17 =	vmax.f32 v17, $0.0e+00;
	v25 =	vmax.f32 v25, $0.0e+00  }
0x52d: {  	v25 =	vmin.f32 v25, $4.095000000e+03;
	vm0 =	vlt.f32 v24, v16;
	v24 =	vmax.f32 v26, $0.0e+00  }
0x52e: {  	v25 =	vtrunc.f32 v25;
	v19 =	vsel vm0, v29, v19;
	v24 =	vmin.f32 v24, $4.095000000e+03  }
0x52f: {  	v25 =	vcvt.f32.s32 v25;
	v26 =	vadd.s32 $0x1, v19;
	v24 =	vtrunc.f32 v24  }
0x530: {  	vm0 =	vlt.f32 v18, v22;
	v29 =	vld.idx.msk [tilespmem:v15+s19+$0x0], $0xffff;
	v15 =	vadd.s32 $0x4, v13;
	v24 =	vcvt.f32.s32 v24  }
0x531: {  	v28 =	vld.idx.msk [tilespmem:v28+s4+$0x0], $0xffff;
	v17 =	vmin.f32 v17, $4.095000000e+03;
	v13 =	vsel vm0, v15, v13;
	vm0 =	vlt.f32 v27, v21  }
0x532: {  	v17 =	vtrunc.f32 v17;
	v15 =	vadd.s32 $0x1, v13;
	v14 =	vsel vm0, v30, v14  }
0x533: {  	v17 =	vcvt.f32.s32 v17;
	v27 =	vadd.s32 $0x1, v14  }
0x534: {  	v18 =	vld.idx.msk [tilespmem:v26+s4+$0x0], $0xffff  }
0x535: {  	v25 =	vld.idx.msk [tilespmem:v25+s19+$0x0], $0xffff  }
0x536: {  	vm0 =	vlt.f32 v28, v20;
	v26 =	vadd.s32 $0x4, v12;
	v28 =	vadd.s32 $0x7, v29;
	v24 =	vld.idx.msk [tilespmem:v24+s19+$0x0], $0xffff  }
0x537: {  	v26 =	vsel vm0, v26, v12;
	v15 =	vld.idx.msk [tilespmem:v15+s4+$0x0], $0xffff  }
0x538: {  	v12 =	vadd.s32 $0x1, v26;
	v27 =	vld.idx.msk [tilespmem:v27+s4+$0x0], $0xffff  }
0x539: {  	v17 =	vld.idx.msk [tilespmem:v17+s19+$0x0], $0xffff  }
0x53a: {  	v30 =	vadd.s32 $0x2, v19;
	vm0 =	vlt.f32 v18, v16;
	v31 =	vadd.s32 $0x7, v25  }
0x53b: {  	v28 =	vld.idx.msk [tilespmem:v28+s4+$0x0], $0xffff;
	v18 =	vsel vm0, v30, v19  }
0x53c: {  	v54 =	vadd.s32 $0x2, v13;
	v55 =	vadd.s32 $0x2, v14;
	vm0 =	vlt.f32 v15, v22  }
0x53d: {  	s28 =	simm.s32 $0x61A0;
	v19 =	vadd.s32 $0x7, v24;
	v12 =	vld.idx.msk [tilespmem:v12+s4+$0x0], $0xffff;
	v33 =	vsel vm0, v54, v13;
	vm0 =	vlt.f32 v27, v21  }
0x53e: {  	v30 =	vadd.s32 $0x7, v17;
	v27 =	vsel vm0, v55, v14;
	v14 =	vld [tilespmem:s28+$0xFFFFFFE0]  }
0x53f: {  	v31 =	vld.idx.msk [tilespmem:v31+s4+$0x0], $0xffff  }
0x540: {  	v13 =	vadd.s32 $0x8, v29;
	vm1 =	vlt.f32 v28, v23;
	v53 =	vld.idx.msk [tilespmem:v18+s4+$0x0], $0xffff  }
0x541: {  	v28 =	vsel vm1, v13, v29;
	v13 =	vld [tilespmem:s28+$0x0]  }
0x542: {  	v19 =	vld.idx.msk [tilespmem:v19+s4+$0x0], $0xffff  }
0x543: {  	v30 =	vld.idx.msk [tilespmem:v30+s4+$0x0], $0xffff  }
0x544: {  	v56 =	vadd.s32 $0x2, v26;
	v58 =	vadd.s32 $0x8, v17;
	vm1 =	vlt.f32 v12, v20;
	v12 =	vld [tilespmem:s28+$0xFFFFFFF0]  }
0x545: {  	v59 =	vadd.s32 $0x8, v25;
	v57 =	vadd.s32 $0x8, v24;
	v15 =	vld [tilespmem:s28+$0x10];
	v29 =	vadd.s32 $0x3, v28  }
0x546: {  	v26 =	vsel vm1, v56, v26;
	v62 =	vsub.f32 v14, v7;
	vm0 =	vlt.f32 v53, v16  }
0x547: {  	v60 =	vsub.f32 v13, v7;
	vm0 =	vmneg vm0;
	vm1 =	vlt.f32 v19, v10  }
0x548: {  	v35 =	vmul.f32 v62, v8;
	v19 =	vsel vm0, $0xFFFFFFFF, v5;
	v24 =	vsel vm1, v57, v24  }
0x549: {  	vm0 =	vlt.f32 v30, v11;
	vm1 =	vlt.f32 v31, v9;
	v30 =	vsub.f32 v12, v7  }
0x54a: {  	v32 =	vmul.f32 v60, v8;
	v18 =	vadd.s32 v19, v18;
	v19 =	vsub.f32 v15, v7  }
0x54b: {  	v35 =	vmax.f32 v35, $0.0e+00;
	v17 =	vsel vm0, v58, v17;
	vm2 =	vgt.s32 v18, $0x0  }
0x54c: {  	v29 =	vld.idx.msk [tilespmem:v29+s4+$0x0], $0xffff;
	v31 =	vadd.s32 $0x3, v24;
	v18 =	vnsel vm2, $0x0, v18;
	v19 =	vmul.f32 v19, v8  }
0x54d: {  	v25 =	vsel vm1, v59, v25;
	v35 =	vmin.f32 v35, $4.095000000e+03;
	v18 =	vmin.u32 v18, $0xFFE  }
0x54e: {  	v61 =	vadd.s32 $0x3, v17;
	v30 =	vmul.f32 v30, v8;
	v19 =	vmax.f32 v19, $0.0e+00  }
0x54f: {  	v63 =	vld.idx.msk [tilespmem:v33+s4+$0x0], $0xffff;
	v45 =	vadd.s32 $0x3, v25;
	v35 =	vtrunc.f32 v35;
	v19 =	vmin.f32 v19, $4.095000000e+03  }
0x550: {  	v48 =	vadd.s32 $0x4, v28;
	v46 =	vld.idx.msk [tilespmem:v27+s4+$0x0], $0xffff;
	v35 =	vcvt.f32.s32 v35;
	v19 =	vtrunc.f32 v19  }
0x551: {  	v30 =	vmax.f32 v30, $0.0e+00;
	vm0 =	vlt.f32 v29, v23;
	v31 =	vld.idx.msk [tilespmem:v31+s4+$0x0], $0xffff;
	v19 =	vcvt.f32.s32 v19  }
0x552: {  	v32 =	vmax.f32 v32, $0.0e+00;
	v29 =	vmin.f32 v30, $4.095000000e+03;
	v28 =	vsel vm0, v48, v28;
	v30 =	vld.idx.msk [tilespmem:v18+s22+$0x0], $0xffff  }
0x553: {  	v32 =	vmin.f32 v32, $4.095000000e+03;
	v40 =	vadd.s32 $0x1, v28;
	v29 =	vtrunc.f32 v29;
	v34 =	vld.idx.msk [tilespmem:v61+s4+$0x0], $0xffff  }
0x554: {  	v32 =	vtrunc.f32 v32;
	v37 =	vld.idx.msk [tilespmem:v45+s4+$0x0], $0xffff;
	v29 =	vcvt.f32.s32 v29  }
0x555: {  	v49 =	vadd.s32 $0x4, v24;
	v50 =	vadd.s32 $0x4, v17;
	v32 =	vcvt.f32.s32 v32;
	v18 =	vld.idx.msk [tilespmem:v18+s18+$0x0], $0xffff  }
0x556: {  	v51 =	vadd.s32 $0x4, v25;
	vm2 =	vlt.f32 v46, v21;
	vm0 =	vlt.f32 v63, v22;
	v35 =	vld.idx.msk [tilespmem:v35+s19+$0x0], $0xffff  }
0x557: {  	vm0 =	vmneg vm0;
	vm1 =	vlt.f32 v31, v10;
	v16 =	vmul.f32 v30, v16;
	v30 =	vld.idx.msk [tilespmem:v19+s19+$0x0], $0xffff  }
0x558: {  	v57 =	vsel vm0, $0xFFFFFFFF, v5;
	v31 =	vsel vm1, v49, v24;
	vm1 =	vlt.f32 v34, v11;
	v19 =	vld.idx.msk [tilespmem:v40+s4+$0x0], $0xffff  }
0x559: {  	v47 =	vld.idx.msk [tilespmem:v26+s4+$0x0], $0xffff;
	v33 =	vadd.s32 v57, v33;
	v52 =	vadd.s32 $0x1, v31;
	v17 =	vsel vm1, v50, v17  }
0x55a: {  	vm1 =	vlt.f32 v37, v9;
	v29 =	vld.idx.msk [tilespmem:v29+s19+$0x0], $0xffff;
	v24 =	vadd.f32 v16, v18;
	v16 =	vadd.s32 $0x1, v17  }
0x55b: {  	vm0 =	vgt.s32 v33, $0x0;
	v32 =	vld.idx.msk [tilespmem:v32+s19+$0x0], $0xffff;
	v60 =	vadd.s32 $0x7, v35;
	v18 =	vsel vm1, v51, v25  }
0x55c: {  	v55 =	vadd.s32 $0x2, v28;
	v33 =	vnsel vm0, $0x0, v33;
	v53 =	vadd.s32 $0x1, v18  }
0x55d: {  	vm1 =	vmneg vm2;
	v54 =	vadd.s32 $0x7, v30;
	vm2 =	vlt.f32 v19, v23  }
0x55e: {  	vm3 =	vlt.f32 v47, v20;
	v33 =	vmin.u32 v33, $0xFFE;
	v34 =	vld.idx.msk [tilespmem:v52+s4+$0x0], $0xffff;
	v28 =	vsel vm2, v55, v28  }
0x55f: {  	v63 =	vadd.s32 $0x8, v35;
	v25 =	vadd.s32 $0x2, v31;
	v61 =	vadd.s32 $0x7, v29;
	v16 =	vld.idx.msk [tilespmem:v16+s4+$0x0], $0xffff  }
0x560: {  	v62 =	vadd.s32 $0x7, v32;
	v45 =	vadd.s32 $0x8, v32;
	v58 =	vsel vm1, $0xFFFFFFFF, v5;
	v49 =	vld.idx.msk [tilespmem:v60+s4+$0x0], $0xffff  }
0x561: {  	v56 =	vadd.s32 $0x2, v18;
	v27 =	vadd.s32 v58, v27;
	vm2 =	vmneg vm3;
	v36 =	vld.idx.msk [tilespmem:v53+s4+$0x0], $0xffff  }
0x562: {  	v48 =	vadd.s32 $0x8, v29;
	v19 =	vadd.s32 $0x2, v17;
	v59 =	vsel vm2, $0xFFFFFFFF, v5;
	v37 =	vld.idx.msk [tilespmem:v54+s4+$0x0], $0xffff  }
0x563: {  	vm1 =	vgt.s32 v27, $0x0;
	v26 =	vadd.s32 v59, v26;
	vm0 =	vlt.f32 v34, v10;
	v44 =	vld.idx.msk [tilespmem:v28+s4+$0x0], $0xffff  }
0x564: {  	s29 =	simm.s32 $0x61E0;
	vm2 =	vgt.s32 v26, $0x0;
	v25 =	vsel vm0, v25, v31;
	v31 =	vld.idx.msk [tilespmem:v61+s4+$0x0], $0xffff;
	vm0 =	vlt.f32 v16, v11  }
0x565: {  	v27 =	vnsel vm1, $0x0, v27;
	v26 =	vnsel vm2, $0x0, v26;
	v38 =	vsel vm0, v19, v17;
	v19 =	vld [tilespmem:s29+$0x10]  }
0x566: {  	v27 =	vmin.u32 v27, $0xFFE;
	v26 =	vmin.u32 v26, $0xFFE;
	vm0 =	vlt.f32 v36, v9;
	v17 =	vld [tilespmem:s29+$0x0]  }
0x567: {  	v50 =	vld.idx.msk [tilespmem:v62+s4+$0x0], $0xffff;
	v16 =	vadd.s32 $0x8, v30;
	vm1 =	vlt.f32 v37, v15;
	v37 =	vsel vm0, v56, v18  }
0x568: {  	vm2 =	vlt.f32 v44, v23;
	v30 =	vsel vm1, v16, v30;
	vm1 =	vlt.f32 v49, v14  }
0x569: {  	v18 =	vld [tilespmem:s29+$0xFFFFFFE0];
	vm0 =	vmneg vm2;
	v51 =	vadd.s32 $0x3, v30;
	v35 =	vsel vm1, v63, v35  }
0x56a: {  	v49 =	vadd.s32 $0x4, v30;
	v52 =	vsel vm0, $0xFFFFFFFF, v5;
	vm0 =	vlt.f32 v31, v12  }
0x56b: {  	v16 =	vld [tilespmem:s29+$0xFFFFFFF0];
	v31 =	vsub.f32 v19, v7;
	v54 =	vadd.s32 $0x3, v35;
	v55 =	vsub.f32 v17, v7  }
0x56c: {  	v44 =	vld.idx.msk [tilespmem:v27+s22+$0x0], $0xffff;
	v28 =	vadd.s32 v52, v28;
	v29 =	vsel vm0, v48, v29;
	vm0 =	vlt.f32 v50, v13  }
0x56d: {  	v60 =	vadd.s32 $0x4, v35;
	vm1 =	vgt.s32 v28, $0x0;
	v32 =	vsel vm0, v45, v32  }
0x56e: {  	v46 =	vld.idx.msk [tilespmem:v38+s4+$0x0], $0xffff;
	v31 =	vmul.f32 v31, v8;
	v56 =	vadd.s32 $0x3, v29;
	v57 =	vsub.f32 v18, v7  }
0x56f: {  	v40 =	vmul.f32 v55, v8;
	v63 =	vadd.s32 $0x4, v29;
	v28 =	vnsel vm1, $0x0, v28  }
0x570: {  	v53 =	vsub.f32 v16, v7;
	v58 =	vadd.s32 $0x3, v32;
	v28 =	vmin.u32 v28, $0xFFE;
	v39 =	vld.idx.msk [tilespmem:v51+s4+$0x0], $0xffff  }
0x571: {  	v59 =	vld.idx.msk [tilespmem:v25+s4+$0x0], $0xffff;
	v44 =	vmul.f32 v44, v21;
	v31 =	vmax.f32 v31, $0.0e+00;
	v42 =	vmul.f32 v57, v8  }
0x572: {  	v47 =	vld.idx.msk [tilespmem:v37+s4+$0x0], $0xffff;
	v40 =	vmax.f32 v40, $0.0e+00;
	v51 =	vadd.s32 $0x4, v32;
	v34 =	vmul.f32 v53, v8  }
0x573: {  	v31 =	vmin.f32 v31, $4.095000000e+03;
	v36 =	vld.idx.msk [tilespmem:v54+s4+$0x0], $0xffff;
	v40 =	vmin.f32 v40, $4.095000000e+03;
	vm2 =	vlt.f32 v46, v11  }
0x574: {  	v46 =	vld.idx.msk [tilespmem:v26+s22+$0x0], $0xffff;
	v31 =	vtrunc.f32 v31;
	v61 =	vmax.f32 v42, $0.0e+00;
	v40 =	vtrunc.f32 v40  }
0x575: {  	vm2 =	vmneg vm2;
	v31 =	vcvt.f32.s32 v31;
	v48 =	vld.idx.msk [tilespmem:v28+s22+$0x0], $0xffff;
	vm0 =	vlt.f32 v39, v15  }
0x576: {  	v34 =	vmax.f32 v34, $0.0e+00;
	v41 =	vld.idx.msk [tilespmem:v56+s4+$0x0], $0xffff;
	v40 =	vcvt.f32.s32 v40;
	v42 =	vsel vm0, v49, v30  }
0x577: {  	v34 =	vmin.f32 v34, $4.095000000e+03;
	v30 =	vld.idx.msk [tilespmem:v28+s18+$0x0], $0xffff;
	v28 =	vmin.f32 v61, $4.095000000e+03;
	v62 =	vadd.s32 $0x1, v42  }
0x578: {  	vm3 =	vlt.f32 v47, v9;
	v43 =	vld.idx.msk [tilespmem:v58+s4+$0x0], $0xffff;
	v34 =	vtrunc.f32 v34;
	v28 =	vtrunc.f32 v28  }
0x579: {  	v34 =	vcvt.f32.s32 v34;
	vm0 =	vlt.f32 v59, v10;
	v50 =	vcvt.f32.s32 v28  }
0x57a: {  	v27 =	vld.idx.msk [tilespmem:v27+s18+$0x0], $0xffff;
	vm1 =	vlt.f32 v36, v14;
	v46 =	vmul.f32 v46, v20;
	v23 =	vmul.f32 v48, v23  }
0x57b: {  	v35 =	vsel vm1, v60, v35;
	vm0 =	vmneg vm0;
	v60 =	vsel vm2, $0xFFFFFFFF, v5;
	v28 =	vld.idx.msk [tilespmem:v31+s19+$0x0], $0xffff  }
0x57c: {  	v56 =	vadd.s32 $0x1, v35;
	vm1 =	vlt.f32 v41, v12;
	v45 =	vadd.f32 v23, v30;
	v23 =	vld.idx.msk [tilespmem:v62+s4+$0x0], $0xffff  }
0x57d: {  	v52 =	vld.idx.msk [tilespmem:v33+s22+$0x0], $0xffff;
	v39 =	vadd.s32 $0x2, v35;
	v47 =	vsel vm1, v63, v29;
	vm1 =	vlt.f32 v43, v13  }
0x57e: {  	v31 =	vld.idx.msk [tilespmem:v40+s19+$0x0], $0xffff;
	v57 =	vadd.s32 $0x1, v47;
	v48 =	vsel vm1, v51, v32;
	vm1 =	vmneg vm3  }
0x57f: {  	v59 =	vsel vm0, $0xFFFFFFFF, v5;
	v58 =	vadd.s32 $0x1, v48;
	v61 =	vsel vm1, $0xFFFFFFFF, v5;
	v30 =	vld.idx.msk [tilespmem:v50+s19+$0x0], $0xffff  }
0x580: {  	v29 =	vadd.s32 $0x2, v42;
	v43 =	vadd.s32 $0x2, v47;
	v32 =	vld.idx.msk [tilespmem:v34+s19+$0x0], $0xffff;
	v62 =	vadd.s32 v61, v37  }
0x581: {  	v54 =	vld.idx.msk [tilespmem:v56+s4+$0x0], $0xffff;
	vm2 =	vgt.s32 v62, $0x0;
	v53 =	vadd.s32 $0x7, v28;
	vm0 =	vlt.f32 v23, v15  }
0x582: {  	s8 =	simm.s32 $0xA120;
	v33 =	vld.idx.msk [tilespmem:v33+s18+$0x0], $0xffff;
	v34 =	vadd.s32 $0x2, v48;
	v62 =	vnsel vm2, $0x0, v62;
	v29 =	vsel vm0, v29, v42  }
0x583: {  	[tilespmem:s8+$0x10] =	vst v24;
	v61 =	vadd.s32 $0x7, v31;
	v63 =	vld.idx.msk [tilespmem:v57+s4+$0x0], $0xffff;
	v24 =	vmin.u32 v62, $0xFFE;
	v23 =	vadd.s32 v59, v25  }
0x584: {  	v58 =	vld.idx.msk [tilespmem:v58+s4+$0x0], $0xffff;
	v25 =	vadd.s32 v60, v38;
	vm0 =	vgt.s32 v23, $0x0;
	v57 =	vadd.s32 $0x7, v30  }
0x585: {  	v37 =	vadd.s32 $0x8, v32;
	v59 =	vadd.s32 $0x7, v32;
	v60 =	vld.idx.msk [tilespmem:v26+s18+$0x0], $0xffff;
	v23 =	vnsel vm0, $0x0, v23  }
0x586: {  	v38 =	vadd.s32 $0x8, v31;
	vm0 =	vlt.f32 v54, v14;
	v53 =	vld.idx.msk [tilespmem:v53+s4+$0x0], $0xffff;
	v26 =	vmin.u32 v23, $0xFFE  }
0x587: {  	vm1 =	vgt.s32 v25, $0x0;
	v36 =	vadd.s32 $0x8, v30;
	v23 =	vsel vm0, v39, v35;
	v39 =	vld.idx.msk [tilespmem:v29+s4+$0x0], $0xffff  }
0x588: {  	v25 =	vnsel vm1, $0x0, v25;
	v42 =	vld.idx.msk [tilespmem:v61+s4+$0x0], $0xffff;
	vm0 =	vlt.f32 v63, v12;
	v63 =	vmul.f32 v52, v22  }
0x589: {  	s7 =	simm.s32 $0xA160;
	v25 =	vmin.u32 v25, $0xFFE;
	v21 =	vsel vm0, v43, v47;
	vm0 =	vlt.f32 v58, v13;
	v41 =	vld.idx.msk [tilespmem:v57+s4+$0x0], $0xffff  }
0x58a: {  	[tilespmem:s7+$0x10] =	vst v45;
	v43 =	vadd.s32 $0x8, v28;
	v40 =	vld.idx.msk [tilespmem:v59+s4+$0x0], $0xffff;
	v22 =	vsel vm0, v34, v48;
	v35 =	vadd.f32 v63, v33  }
0x58b: {  	s10 =	simm.s32 $0x6220;
	s9 =	simm.s32 $0xC0;
	s0 =	sadd.s32 s14, s2;
	v33 =	vadd.f32 v44, v27;
	v34 =	vadd.f32 v46, v60;
	vm0 =	vlt.f32 v53, v19;
	v20 =	vld.idx.msk [tilespmem:v26+s22+$0x0], $0xffff  }
.LBB2_23:
0x58c: {  	v44 =	vld [tilespmem:s10+$0x10];
	v28 =	vsel vm0, v43, v28;
	vm0 =	vlt.f32 v39, v15;
	[tilespmem:s8+$0xFFFFFFE0] =	vst v35;
	v27 =	vmovc v12;
	v12 =	vmov v16  }
0x58d: {  	s9 =	sadd.s32 $0x40, s9;
	v16 =	vld [tilespmem:s10+$0xFFFFFFF0];
	v35 =	vadd.s32 $0x3, v28;
	vm0 =	vmneg vm0;
	[tilespmem:s8+$0xFFFFFFF0] =	vst v33;
	v33 =	vmovc v9;
	v9 =	vmovc v13;
	v13 =	vmov v17  }
0x58e: {  	p0 =	slt.u32 s9, $0x1FC0;
	vm1 =	vlt.f32 v41, v18;
	v17 =	vld [tilespmem:s10+$0x0];
	v39 =	vsel vm0, $0xFFFFFFFF, v5;
	[tilespmem:s8+$0x0] =	vst v34;
	v34 =	vmovc v10;
	v10 =	vmovc v14;
	v14 =	vmov v18;
	s8 =	smov.u32 s7  }
0x58f: {  	v30 =	vsel vm1, v36, v30;
	vm0 =	vlt.f32 v40, v12;
	v18 =	vld [tilespmem:s10+$0xFFFFFFE0];
	v29 =	vadd.s32 v39, v29  }
0x590: {  	v32 =	vsel vm0, v37, v32;
	vm0 =	vlt.f32 v42, v13;
	v36 =	vld.idx.msk [tilespmem:v23+s4+$0x0], $0xffff;
	vm1 =	vgt.s32 v29, $0x0  }
0x591: {  	v31 =	vsel vm0, v38, v31;
	v37 =	vsub.f32 v44, v7;
	v38 =	vld.idx.msk [tilespmem:v21+s4+$0x0], $0xffff;
	v29 =	vnsel vm1, $0x0, v29  }
0x592: {  	v40 =	vadd.s32 $0x3, v30;
	v39 =	vsub.f32 v16, v7;
	v35 =	vld.idx.msk [tilespmem:v35+s4+$0x0], $0xffff;
	v29 =	vmin.u32 v29, $0xFFE  }
0x593: {  	v42 =	vadd.s32 $0x3, v32;
	v41 =	vsub.f32 v17, v7;
	v37 =	vmul.f32 v37, v8;
	v43 =	vld.idx.msk [tilespmem:v22+s4+$0x0], $0xffff  }
0x594: {  	v46 =	vadd.s32 $0x3, v31;
	v45 =	vsub.f32 v18, v7;
	v39 =	vmul.f32 v39, v8;
	v47 =	vld.idx.msk [tilespmem:v25+s22+$0x0], $0xffff  }
0x595: {  	v48 =	vadd.s32 $0x4, v30;
	v41 =	vmul.f32 v41, v8;
	v37 =	vmax.f32 v37, $0.0e+00;
	v49 =	vld.idx.msk [tilespmem:v24+s22+$0x0], $0xffff  }
0x596: {  	v45 =	vmul.f32 v45, v8;
	v39 =	vmax.f32 v39, $0.0e+00;
	v37 =	vmin.f32 v37, $4.095000000e+03;
	v50 =	vld.idx.msk [tilespmem:v26+s18+$0x0], $0xffff  }
0x597: {  	v26 =	vmin.f32 v39, $4.095000000e+03;
	v39 =	vmax.f32 v41, $0.0e+00;
	v37 =	vtrunc.f32 v37;
	v41 =	vld.idx.msk [tilespmem:v29+s22+$0x0], $0xffff  }
0x598: {  	v51 =	vadd.s32 $0x4, v28;
	vm0 =	vlt.f32 v35, v19;
	v37 =	vcvt.f32.s32 v37;
	v40 =	vld.idx.msk [tilespmem:v40+s4+$0x0], $0xffff  }
0x599: {  	v35 =	vmax.f32 v45, $0.0e+00;
	v39 =	vmin.f32 v39, $4.095000000e+03;
	v45 =	vsel vm0, v51, v28;
	v29 =	vld.idx.msk [tilespmem:v29+s18+$0x0], $0xffff  }
0x59a: {  	v26 =	vtrunc.f32 v26;
	v28 =	vmin.f32 v35, $4.095000000e+03;
	v35 =	vld.idx.msk [tilespmem:v42+s4+$0x0], $0xffff;
	v42 =	vadd.s32 $0x1, v45  }
0x59b: {  	v51 =	vadd.s32 $0x4, v32;
	v39 =	vtrunc.f32 v39;
	v28 =	vtrunc.f32 v28;
	v46 =	vld.idx.msk [tilespmem:v46+s4+$0x0], $0xffff  }
0x59c: {  	v53 =	vadd.s32 $0x4, v31;
	v26 =	vcvt.f32.s32 v26;
	v52 =	vcvt.f32.s32 v28;
	v54 =	vld.idx.msk [tilespmem:v25+s18+$0x0], $0xffff  }
0x59d: {  	vm0 =	vlt.f32 v36, v10;
	v25 =	vcvt.f32.s32 v39;
	v36 =	vmul.f32 v41, v15;
	v15 =	vmovc v19;
	v55 =	vld.idx.msk [tilespmem:v24+s18+$0x0], $0xffff  }
0x59e: {  	vm2 =	vlt.f32 v38, v27;
	vm3 =	vlt.f32 v43, v9;
	vm1 =	vlt.f32 v40, v14;
	v28 =	vld.idx.msk [tilespmem:v37+s19+$0x0], $0xffff  }
0x59f: {  	vm0 =	vmneg vm0;
	v19 =	vmovc v44;
	v24 =	vsel vm1, v48, v30;
	v29 =	vadd.f32 v36, v29;
	v37 =	vld.idx.msk [tilespmem:v42+s4+$0x0], $0xffff  }
0x5a0: {  	s7 =	sadd.s32 $0x40, s7;
	v40 =	vadd.s32 $0x2, v24;
	v36 =	vadd.s32 $0x1, v24;
	vm1 =	vlt.f32 v35, v12  }
0x5a1: {  	vm2 =	vmneg vm2;
	v35 =	vsel vm1, v51, v32;
	vm1 =	vlt.f32 v46, v13;
	[tilespmem:s7+$0x10] =	vst v29  }
0x5a2: {  	v42 =	vadd.s32 $0x2, v35;
	v38 =	vadd.s32 $0x1, v35;
	v43 =	vsel vm1, v53, v31;
	v30 =	vld.idx.msk [tilespmem:v52+s19+$0x0], $0xffff  }
0x5a3: {  	vm1 =	vmneg vm3;
	v44 =	vadd.s32 $0x2, v43;
	v32 =	vld.idx.msk [tilespmem:v26+s19+$0x0], $0xffff;
	v26 =	vadd.s32 $0x1, v43  }
0x5a4: {  	v39 =	vsel vm2, $0xFFFFFFFF, v5;
	v41 =	vsel vm1, $0xFFFFFFFF, v5;
	v31 =	vld.idx.msk [tilespmem:v25+s19+$0x0], $0xffff;
	v25 =	vsel vm0, $0xFFFFFFFF, v5  }
0x5a5: {  	v29 =	vadd.s32 $0x2, v45;
	v46 =	vadd.s32 $0x7, v28;
	vm0 =	vlt.f32 v37, v15;
	v48 =	vld.idx.msk [tilespmem:v36+s4+$0x0], $0xffff  }
0x5a6: {  	v21 =	vadd.s32 v39, v21;
	v29 =	vsel vm0, v29, v45;
	v23 =	vadd.s32 v25, v23  }
0x5a7: {  	vm1 =	vgt.s32 v21, $0x0;
	v22 =	vadd.s32 v41, v22;
	vm0 =	vgt.s32 v23, $0x0;
	v45 =	vld.idx.msk [tilespmem:v38+s4+$0x0], $0xffff  }
0x5a8: {  	vm2 =	vgt.s32 v22, $0x0;
	v36 =	vadd.s32 $0x8, v30;
	v41 =	vadd.s32 $0x7, v30;
	v51 =	vld.idx.msk [tilespmem:v26+s4+$0x0], $0xffff  }
0x5a9: {  	v23 =	vnsel vm0, $0x0, v23;
	v37 =	vadd.s32 $0x8, v32;
	v52 =	vadd.s32 $0x7, v32  }
0x5aa: {  	v21 =	vnsel vm1, $0x0, v21;
	v38 =	vadd.s32 $0x8, v31;
	v53 =	vadd.s32 $0x7, v31;
	v46 =	vld.idx.msk [tilespmem:v46+s4+$0x0], $0xffff  }
0x5ab: {  	v22 =	vnsel vm2, $0x0, v22;
	v26 =	vmin.u32 v23, $0xFFE;
	vm0 =	vlt.f32 v48, v14;
	v39 =	vld.idx.msk [tilespmem:v29+s4+$0x0], $0xffff  }
.Ltmp14:
0x5ac: {  	v25 =	vmin.u32 v21, $0xFFE;
	v23 =	vsel vm0, v40, v24;
	v24 =	vmin.u32 v22, $0xFFE;
	(pc) =	sbr.rel @p0 .LBB2_23-.Ltmp14, $4  }
0x5ad: {  	v20 =	vmul.f32 v20, v34;
	vm0 =	vlt.f32 v45, v12;
	v45 =	vmul.f32 v47, v11;
	v41 =	vld.idx.msk [tilespmem:v41+s4+$0x0], $0xffff  }
0x5ae: {  	v34 =	vmul.f32 v49, v33;
	v21 =	vsel vm0, v42, v35;
	vm0 =	vlt.f32 v51, v13;
	v40 =	vld.idx.msk [tilespmem:v52+s4+$0x0], $0xffff  }
0x5af: {  	v35 =	vadd.f32 v20, v50;
	v22 =	vsel vm0, v44, v43;
	v33 =	vadd.f32 v45, v54;
	v42 =	vld.idx.msk [tilespmem:v53+s4+$0x0], $0xffff  }
0x5b0: {  	s10 =	sadd.s32 $0x40, s10;
	v34 =	vadd.f32 v34, v55;
	v11 =	vmovc v27;
	v43 =	vadd.s32 $0x8, v28;
	vm0 =	vlt.f32 v46, v19;
	v20 =	vld.idx.msk [tilespmem:v26+s22+$0x0], $0xffff  }
0x5b1: {  	v27 =	vsel vm0, v43, v28  }
0x5b2: {  	v28 =	vadd.s32 $0x3, v27  }
0x5b3: {  	vm13 =	vlt.f32 v41, v18  }
0x5b4: {  	v30 =	vsel vm13, v36, v30;
	vm14 =	vlt.f32 v40, v16  }
0x5b5: {  	v32 =	vsel vm14, v37, v32;
	vm15 =	vlt.f32 v42, v17;
	v36 =	vadd.s32 $0x3, v30  }
0x5b6: {  	v31 =	vsel vm15, v38, v31;
	v37 =	vadd.s32 $0x3, v32  }
0x5b7: {  	v38 =	vadd.s32 $0x3, v31;
	v28 =	vld.idx.msk [tilespmem:v28+s4+$0x0], $0xffff;
	_ =	sdelay $0x2  }
0x5b8: {  	v36 =	vld.idx.msk [tilespmem:v36+s4+$0x0], $0xffff  }
0x5b9: {  	v53 =	vld.idx.msk [tilespmem:v37+s4+$0x0], $0xffff  }
0x5ba: {  	v52 =	vadd.s32 $0x4, v27;
	v38 =	vld.idx.msk [tilespmem:v38+s4+$0x0], $0xffff;
	vm4 =	vlt.f32 v28, v19  }
0x5bb: {  	v27 =	vsel vm4, v52, v27  }
0x5bc: {  	v54 =	vadd.s32 $0x1, v27  }
0x5bd: {  	v55 =	vadd.s32 $0x4, v30;
	v56 =	vadd.s32 $0x4, v32;
	vm5 =	vlt.f32 v36, v18  }
0x5be: {  	v57 =	vadd.s32 $0x4, v31;
	v30 =	vsel vm5, v55, v30;
	vm6 =	vlt.f32 v53, v16  }
0x5bf: {  	v59 =	vadd.s32 $0x1, v30;
	v32 =	vsel vm6, v56, v32;
	vm7 =	vlt.f32 v38, v17  }
0x5c0: {  	v60 =	vadd.s32 $0x1, v32;
	v31 =	vsel vm7, v57, v31  }
0x5c1: {  	v36 =	vadd.s32 $0x1, v31;
	v58 =	vld.idx.msk [tilespmem:v54+s4+$0x0], $0xffff;
	_ =	sdelay $0x1  }
0x5c2: {  	v61 =	vld.idx.msk [tilespmem:v23+s4+$0x0], $0xffff  }
0x5c3: {  	vm8 =	vlt.f32 v39, v15;
	v37 =	vld.idx.msk [tilespmem:v59+s4+$0x0], $0xffff  }
0x5c4: {  	vm0 =	vmneg vm8;
	v47 =	vld.idx.msk [tilespmem:v60+s4+$0x0], $0xffff  }
0x5c5: {  	v63 =	vsel vm0, $0xFFFFFFFF, v5;
	v45 =	vadd.s32 $0x2, v27;
	v36 =	vld.idx.msk [tilespmem:v36+s4+$0x0], $0xffff;
	vm9 =	vlt.f32 v58, v19  }
0x5c6: {  	v46 =	vadd.s32 v63, v29;
	v27 =	vsel vm9, v45, v27  }
0x5c7: {  	v62 =	vld.idx.msk [tilespmem:v21+s4+$0x0], $0xffff;
	vm10 =	vgt.s32 v46, $0x0;
	vm11 =	vlt.f32 v61, v14  }
0x5c8: {  	v48 =	vld.idx.msk [tilespmem:v22+s4+$0x0], $0xffff;
	vm0 =	vmneg vm11;
	v49 =	vadd.s32 $0x2, v30;
	vm2 =	vlt.f32 v37, v18  }
0x5c9: {  	v50 =	vadd.s32 $0x2, v32;
	v30 =	vsel vm2, v49, v30;
	vm12 =	vlt.f32 v47, v16  }
0x5ca: {  	v52 =	vadd.s32 $0x2, v31;
	v32 =	vsel vm12, v50, v32;
	vm13 =	vlt.f32 v36, v17  }
0x5cb: {  	v28 =	vnsel vm10, $0x0, v46;
	v53 =	vsel vm0, $0xFFFFFFFF, v5;
	v29 =	vsel vm13, v52, v31;
	v51 =	vld.idx.msk [tilespmem:v27+s4+$0x0], $0xffff  }
0x5cc: {  	v26 =	vld.idx.msk [tilespmem:v26+s18+$0x0], $0xffff;
	vm1 =	vlt.f32 v62, v12;
	v28 =	vmin.u32 v28, $0xFFE;
	v56 =	vadd.s32 v53, v23  }
0x5cd: {  	v44 =	vld.idx.msk [tilespmem:v25+s18+$0x0], $0xffff;
	vm3 =	vlt.f32 v48, v13;
	vm1 =	vmneg vm1;
	vm15 =	vgt.s32 v56, $0x0  }
0x5ce: {  	vm14 =	vmneg vm3;
	v23 =	vnsel vm15, $0x0, v56;
	v54 =	vsel vm1, $0xFFFFFFFF, v5;
	v58 =	vld.idx.msk [tilespmem:v30+s4+$0x0], $0xffff  }
0x5cf: {  	v55 =	vsel vm14, $0xFFFFFFFF, v5;
	v23 =	vmin.u32 v23, $0xFFE;
	v57 =	vadd.s32 v54, v21;
	v60 =	vld.idx.msk [tilespmem:v32+s4+$0x0], $0xffff  }
0x5d0: {  	vm6 =	vgt.s32 v57, $0x0;
	v59 =	vadd.s32 v55, v22;
	v62 =	vld.idx.msk [tilespmem:v29+s4+$0x0], $0xffff;
	vm5 =	vlt.f32 v51, v19  }
0x5d1: {  	v63 =	vld.idx.msk [tilespmem:v28+s22+$0x0], $0xffff;
	vm7 =	vgt.s32 v59, $0x0;
	v21 =	vnsel vm6, $0x0, v57;
	vm1 =	vmneg vm5  }
0x5d2: {  	v28 =	vld.idx.msk [tilespmem:v28+s18+$0x0], $0xffff;
	v22 =	vnsel vm7, $0x0, v59;
	v21 =	vmin.u32 v21, $0xFFE;
	v61 =	vsel vm1, $0xFFFFFFFF, v5  }
0x5d3: {  	v22 =	vmin.u32 v22, $0xFFE;
	v45 =	vld.idx.msk [tilespmem:v24+s18+$0x0], $0xffff;
	vm9 =	vlt.f32 v58, v18;
	v27 =	vadd.s32 v61, v27  }
0x5d4: {  	v37 =	vld.idx.msk [tilespmem:v24+s22+$0x0], $0xffff;
	vm10 =	vlt.f32 v60, v16;
	vm0 =	vmneg vm9;
	vm8 =	vgt.s32 v27, $0x0  }
0x5d5: {  	v47 =	vld.idx.msk [tilespmem:v23+s22+$0x0], $0xffff;
	vm11 =	vlt.f32 v62, v17;
	v46 =	vsel vm0, $0xFFFFFFFF, v5;
	v27 =	vnsel vm8, $0x0, v27  }
0x5d6: {  	v23 =	vld.idx.msk [tilespmem:v23+s18+$0x0], $0xffff;
	vm1 =	vmneg vm10;
	v30 =	vadd.s32 v46, v30;
	v27 =	vmin.u32 v27, $0xFFE  }
0x5d7: {  	v49 =	vld.idx.msk [tilespmem:v21+s22+$0x0], $0xffff;
	vm12 =	vmneg vm11;
	v48 =	vsel vm1, $0xFFFFFFFF, v5;
	vm13 =	vgt.s32 v30, $0x0  }
0x5d8: {  	v21 =	vld.idx.msk [tilespmem:v21+s18+$0x0], $0xffff;
	v50 =	vsel vm12, $0xFFFFFFFF, v5;
	v32 =	vadd.s32 v48, v32;
	v30 =	vnsel vm13, $0x0, v30  }
0x5d9: {  	v31 =	vld.idx.msk [tilespmem:v25+s22+$0x0], $0xffff;
	vm14 =	vgt.s32 v32, $0x0;
	v29 =	vadd.s32 v50, v29;
	v30 =	vmin.u32 v30, $0xFFE  }
0x5da: {  	v54 =	vld.idx.msk [tilespmem:v22+s18+$0x0], $0xffff;
	vm15 =	vgt.s32 v29, $0x0;
	v32 =	vnsel vm14, $0x0, v32  }
0x5db: {  	v29 =	vnsel vm15, $0x0, v29;
	v32 =	vmin.u32 v32, $0xFFE;
	v52 =	vld.idx.msk [tilespmem:v27+s22+$0x0], $0xffff  }
0x5dc: {  	v10 =	vmul.f32 v20, v10;
	v51 =	vld.idx.msk [tilespmem:v22+s22+$0x0], $0xffff;
	v29 =	vmin.u32 v29, $0xFFE  }
0x5dd: {  	[tilespmem:s8+$0xFFFFFFE0] =	vst v35;
	v53 =	vmul.f32 v63, v15;
	v27 =	vld.idx.msk [tilespmem:v27+s18+$0x0], $0xffff  }
0x5de: {  	[tilespmem:s8+$0xFFFFFFF0] =	vst v33;
	v10 =	vadd.f32 v10, v26;
	v11 =	vmul.f32 v31, v11;
	v55 =	vld.idx.msk [tilespmem:v30+s22+$0x0], $0xffff  }
0x5df: {  	[tilespmem:s8+$0x0] =	vst v34;
	v15 =	vadd.f32 v53, v28;
	v9 =	vmul.f32 v37, v9;
	v59 =	vld.idx.msk [tilespmem:v30+s18+$0x0], $0xffff  }
0x5e0: {  	s28 =	sadd.s32 $0x40, s7;
	[tilespmem:s7+$0xFFFFFFE0] =	vst v10;
	v11 =	vadd.f32 v11, v44;
	v56 =	vld.idx.msk [tilespmem:v32+s22+$0x0], $0xffff;
	v57 =	vmul.f32 v52, v19  }
0x5e1: {  	[tilespmem:s28+$0x10] =	vst v15;
	v10 =	vmul.f32 v47, v14;
	v9 =	vadd.f32 v9, v45;
	v58 =	vld.idx.msk [tilespmem:v29+s22+$0x0], $0xffff  }
0x5e2: {  	[tilespmem:s7+$0xFFFFFFF0] =	vst v11;
	v60 =	vmul.f32 v49, v12;
	v61 =	vld.idx.msk [tilespmem:v32+s18+$0x0], $0xffff;
	v11 =	vadd.f32 v57, v27  }
0x5e3: {  	s29 =	sadd.s32 $0x40, s28;
	v10 =	vadd.f32 v10, v23;
	[tilespmem:s7+$0x0] =	vst v9;
	v9 =	vmul.f32 v51, v13;
	v62 =	vld.idx.msk [tilespmem:v29+s18+$0x0], $0xffff  }
0x5e4: {  	v63 =	vmul.f32 v55, v18;
	[tilespmem:s29+$0x10] =	vst v11;
	v11 =	vadd.f32 v60, v21  }
0x5e5: {  	[tilespmem:s28+$0xFFFFFFE0] =	vst v10;
	v9 =	vadd.f32 v9, v54;
	v10 =	vmul.f32 v56, v16  }
0x5e6: {  	v12 =	vadd.f32 v63, v59;
	[tilespmem:s28+$0xFFFFFFF0] =	vst v11;
	v11 =	vmul.f32 v58, v17  }
.Ltmp15:
0x5e7: {  	[tilespmem:s28+$0x0] =	vst v9;
	v9 =	vadd.f32 v10, v61;
	(pc) =	sbr.rel @p1 .LBB2_26-.Ltmp15, $4  }
0x5e8: {  	[tilespmem:s29+$0xFFFFFFE0] =	vst v12;
	v10 =	vadd.f32 v11, v62  }
0x5e9: {  	s0 =	sshrl.u32 s0, $0x3;
	[tilespmem:s29+$0xFFFFFFF0] =	vst v9  }
0x5ea: {  	s0 =	sadd.s32 s3, s0;
	[tilespmem:s29+$0x0] =	vst v10  }
0x5eb: {  	[hbm4b:s0+s15] =	stream.strided.scatter [tilespmem:s25], [sflag:$0x4], $0x2000, s16, s15, $0x38;
	[tilespmem:$0xC100] =	vst v63  }
.Ltmp16:
0x5ec: {  	(pc) =	sbr.rel .LBB2_20-.Ltmp16, $4  }
0x5ed: {  	s0 =	sadd.s32 s2, s12  }
0x5ee: {  	s0 =	sshrl.u32 s0, $0x3  }
0x5ef: {  	s31 =	sadd.s32 $0x1, s31;
	s0 =	sadd.s32 s1, s0  }
0x5f0: {  	[tilespmem:s17], [sflag:$0x2] =	stream.strided.gather [hbm4b:s0+s15], $0x2000, s16, s15, $0x38;
	[tilespmem:$0xC100] =	vst v63  }
.LBB2_26:
0x5f1: {  	s0 =	simm.s32 $0x3  }
0x5f2: {  	_ =	swait.ge [sflag:s0], $0x2000  }
0x5f3: {  	[sflag:s0] =	ssyncset.done $0x0  }
0x5f4: {  	s31 =	simm.s32 $0x4;
	[sflag:s0] =	ssyncadd.s32 $0xFFFFE000  }
0x5f5: {  	_ =	swait.ge [sflag:s31], $0x2000  }
0x5f6: {  	[sflag:s31] =	ssyncset.done $0x0  }
0x5f7: {  	[sflag:s31] =	ssyncadd.s32 $0xFFFFE000  }
.LBB2_27:
0x5f8: {  	p0 =	slt.s32 s30, $0x10  }
.Ltmp17:
0x5f9: {  	_ = 	snop;
	(pc) =	sbr.rel @p0 .LBB2_36-.Ltmp17, $2  }
0x5fa: {  	_ =	sdelay $0x2  }
0x5fb: {  	s2 =	rddreg [dreg:$0xa]  }
0x5fc: {  	s0 =	rddreg [dreg:$0x6];
	s2 =	simm.s32 $0x4100  }
0x5fd: {  	[tilespmem:s2], [sflag:$0x1] =	stream.strided.gather [hbm4b:s0+s15], $0x2000, s16, s15, $0x38;
	[tilespmem:$0xC100] =	vst v63  }
0x5fe: {  	s31 =	rddreg [dreg:$0x8];
	s30 =	simm.s32 $0x0  }
0x5ff: {  	[tilespmem:s17], [sflag:$0x2] =	stream.strided.gather [hbm4b:s31+s15], $0x2000, s16, s15, $0x38;
	[tilespmem:$0xC100] =	vst v63  }
.LBB2_29:
0x600: {  	_ =	swait.ge [sflag:s6], $0x2000  }
0x601: {  	p0 =	seq.s32 s30, $0x0;
	[sflag:s6] =	ssyncset.done $0x0  }
0x602: {  	s0 =	simm.s32 @!p0 $0x3;
	[sflag:s6] =	ssyncadd.s32 $0xFFFFE000  }
0x603: {  	_ =	swait.ge @!p0 [sflag:s0], $0x2000  }
0x604: {  	[sflag:s0] =	ssyncset.done @!p0 $0x0  }
0x605: {  	[sflag:s0] =	ssyncadd.s32 @!p0 $0xFFFFE000  }
0x606: {  	s26 =	simm.s32 $0x4120;
	v8 =	vld.idx.msk [tilespmem:v4+s4+$0x0], $0xffff  }
0x607: {  	v15 =	vld [tilespmem:s26+$0x10];
	_ =	sdelay $0x4  }
0x608: {  	vm0 =	vlt.f32 v8, v15  }
0x609: {  	v9 =	vsel vm0, $0x800, v5  }
0x60a: {  	v19 =	vld [tilespmem:s26+$0xFFFFFFF0];
	v10 =	vor.u32 $0x3FF, v9  }
0x60b: {  	v20 =	vld [tilespmem:s26+$0xFFFFFFE0];
	_ =	sdelay $0x1  }
0x60c: {  	v7 =	vld [tilespmem:s26+$0x0];
	_ =	sdelay $0x1  }
0x60d: {  	vm0 =	vlt.f32 v8, v19;
	v10 =	vld.idx.msk [tilespmem:v10+s4+$0x0], $0xffff  }
0x60e: {  	v11 =	vsel vm0, $0x800, v5;
	vm0 =	vlt.f32 v8, v20  }
0x60f: {  	v12 =	vor.u32 $0x3FF, v11;
	v13 =	vsel vm0, $0x800, v5  }
0x610: {  	vm0 =	vlt.f32 v8, v7;
	v8 =	vor.u32 $0x3FF, v13  }
0x611: {  	v14 =	vsel vm0, $0x800, v5  }
0x612: {  	v16 =	vor.u32 $0x400, v9;
	vm0 =	vlt.f32 v10, v15;
	v10 =	vor.u32 $0x3FF, v14  }
0x613: {  	v9 =	vsel vm0, v16, v9  }
0x614: {  	v12 =	vld.idx.msk [tilespmem:v12+s4+$0x0], $0xffff;
	v16 =	vor.u32 $0x1FF, v9  }
0x615: {  	v8 =	vld.idx.msk [tilespmem:v8+s4+$0x0], $0xffff;
	_ =	sdelay $0x1  }
0x616: {  	v10 =	vld.idx.msk [tilespmem:v10+s4+$0x0], $0xffff;
	_ =	sdelay $0x1  }
0x617: {  	v17 =	vor.u32 $0x400, v11;
	vm0 =	vlt.f32 v12, v19;
	v16 =	vld.idx.msk [tilespmem:v16+s4+$0x0], $0xffff  }
0x618: {  	v12 =	vor.u32 $0x400, v13;
	v11 =	vsel vm0, v17, v11;
	vm0 =	vlt.f32 v8, v20  }
0x619: {  	v8 =	vor.u32 $0x1FF, v11;
	v12 =	vsel vm0, v12, v13  }
0x61a: {  	v13 =	vor.u32 $0x400, v14;
	vm0 =	vlt.f32 v10, v7;
	v10 =	vor.u32 $0x1FF, v12  }
0x61b: {  	v13 =	vsel vm0, v13, v14  }
0x61c: {  	v14 =	vor.u32 $0x200, v9;
	vm0 =	vlt.f32 v16, v15;
	v16 =	vor.u32 $0x1FF, v13  }
0x61d: {  	v9 =	vsel vm0, v14, v9  }
0x61e: {  	v8 =	vld.idx.msk [tilespmem:v8+s4+$0x0], $0xffff;
	v14 =	vor.u32 $0xFF, v9  }
0x61f: {  	v10 =	vld.idx.msk [tilespmem:v10+s4+$0x0], $0xffff;
	_ =	sdelay $0x1  }
0x620: {  	v16 =	vld.idx.msk [tilespmem:v16+s4+$0x0], $0xffff;
	_ =	sdelay $0x1  }
0x621: {  	v17 =	vor.u32 $0x200, v11;
	v14 =	vld.idx.msk [tilespmem:v14+s4+$0x0], $0xffff  }
0x622: {  	vm0 =	vlt.f32 v8, v19;
	v8 =	vor.u32 $0x200, v12;
	vm1 =	vlt.f32 v10, v20  }
0x623: {  	v10 =	vsel vm0, v17, v11;
	v8 =	vsel vm1, v8, v12  }
0x624: {  	v12 =	vor.u32 $0x200, v13;
	vm0 =	vlt.f32 v16, v7;
	v16 =	vor.u32 $0xFF, v8  }
0x625: {  	v11 =	vor.u32 $0xFF, v10;
	v12 =	vsel vm0, v12, v13  }
0x626: {  	v13 =	vor.u32 $0x100, v9;
	vm0 =	vlt.f32 v14, v15;
	v14 =	vor.u32 $0xFF, v12  }
0x627: {  	v9 =	vsel vm0, v13, v9  }
0x628: {  	v13 =	vadd.s32 $0x7F, v9  }
0x629: {  	v16 =	vld.idx.msk [tilespmem:v16+s4+$0x0], $0xffff  }
0x62a: {  	v11 =	vld.idx.msk [tilespmem:v11+s4+$0x0], $0xffff  }
0x62b: {  	v14 =	vld.idx.msk [tilespmem:v14+s4+$0x0], $0xffff;
	_ =	sdelay $0x1  }
0x62c: {  	v13 =	vld.idx.msk [tilespmem:v13+s4+$0x0], $0xffff  }
0x62d: {  	v18 =	vor.u32 $0x100, v10;
	v17 =	vor.u32 $0x100, v8;
	vm1 =	vlt.f32 v16, v20  }
0x62e: {  	vm0 =	vlt.f32 v11, v19;
	v11 =	vor.u32 $0x100, v12;
	v8 =	vsel vm1, v17, v8  }
0x62f: {  	v10 =	vsel vm0, v18, v10;
	vm0 =	vlt.f32 v14, v7;
	v14 =	vadd.s32 $0x7F, v8  }
0x630: {  	v16 =	vadd.s32 $0x7F, v10;
	v11 =	vsel vm0, v11, v12  }
0x631: {  	vm0 =	vlt.f32 v13, v15;
	v13 =	vadd.s32 $0x7F, v11  }
0x632: {  	v12 =	vadd.s32 $0x80, v9  }
0x633: {  	v9 =	vsel vm0, v12, v9  }
0x634: {  	v12 =	vadd.s32 $0x3F, v9;
	v14 =	vld.idx.msk [tilespmem:v14+s4+$0x0], $0xffff  }
0x635: {  	v16 =	vld.idx.msk [tilespmem:v16+s4+$0x0], $0xffff  }
0x636: {  	v13 =	vld.idx.msk [tilespmem:v13+s4+$0x0], $0xffff  }
0x637: {  	s28 =	simm.s32 $0x4160  }
0x638: {  	v21 =	vld [tilespmem:s28+$0x10]  }
0x639: {  	v22 =	vadd.s32 $0x80, v10;
	v18 =	vadd.s32 $0x80, v8;
	v12 =	vld.idx.msk [tilespmem:v12+s4+$0x0], $0xffff;
	vm0 =	vlt.f32 v14, v20  }
0x63a: {  	v17 =	vld.idx.msk [tilespmem:v4+s4+$0x0], $0xffff;
	vm1 =	vlt.f32 v16, v19;
	v14 =	vadd.s32 $0x80, v11;
	v16 =	vsel vm0, v18, v8  }
0x63b: {  	v18 =	vsel vm1, v22, v10;
	vm0 =	vlt.f32 v13, v7;
	v13 =	vadd.s32 $0x3F, v16  }
0x63c: {  	v10 =	vld [tilespmem:s28+$0xFFFFFFF0];
	v22 =	vadd.s32 $0x3F, v18;
	v11 =	vsel vm0, v14, v11  }
0x63d: {  	v8 =	vld [tilespmem:s28+$0xFFFFFFE0];
	v14 =	vadd.s32 $0x3F, v11  }
0x63e: {  	vm0 =	vlt.f32 v12, v15;
	v12 =	vadd.s32 $0x40, v9  }
0x63f: {  	v12 =	vsel vm0, v12, v9;
	vm0 =	vlt.f32 v17, v21;
	v9 =	vld [tilespmem:s28+$0x0]  }
0x640: {  	v23 =	vadd.s32 $0x1F, v12;
	v24 =	vsel vm0, $0x800, v5;
	v13 =	vld.idx.msk [tilespmem:v13+s4+$0x0], $0xffff  }
0x641: {  	vm0 =	vlt.f32 v17, v10;
	v25 =	vor.u32 $0x3FF, v24;
	v22 =	vld.idx.msk [tilespmem:v22+s4+$0x0], $0xffff  }
0x642: {  	v26 =	vsel vm0, $0x800, v5;
	vm0 =	vlt.f32 v17, v8;
	v14 =	vld.idx.msk [tilespmem:v14+s4+$0x0], $0xffff  }
0x643: {  	v28 =	vor.u32 $0x3FF, v26;
	v29 =	vsel vm0, $0x800, v5  }
0x644: {  	vm0 =	vlt.f32 v17, v9;
	v17 =	vor.u32 $0x3FF, v29  }
0x645: {  	v27 =	vadd.s32 $0x40, v16;
	v23 =	vld.idx.msk [tilespmem:v23+s4+$0x0], $0xffff;
	v32 =	vsel vm0, $0x800, v5;
	vm0 =	vlt.f32 v13, v20  }
0x646: {  	v30 =	vadd.s32 $0x40, v18;
	v13 =	vld.idx.msk [tilespmem:v25+s4+$0x0], $0xffff;
	v25 =	vor.u32 $0x3FF, v32;
	v16 =	vsel vm0, v27, v16  }
0x647: {  	vm1 =	vlt.f32 v22, v19;
	vm0 =	vlt.f32 v14, v7;
	v14 =	vadd.s32 $0x1F, v16  }
0x648: {  	v31 =	vadd.s32 $0x40, v11;
	v18 =	vsel vm1, v30, v18;
	v22 =	vld.idx.msk [tilespmem:v28+s4+$0x0], $0xffff  }
0x649: {  	v27 =	vadd.s32 $0x1F, v18;
	v11 =	vsel vm0, v31, v11;
	v17 =	vld.idx.msk [tilespmem:v17+s4+$0x0], $0xffff  }
0x64a: {  	v28 =	vadd.s32 $0x1F, v11;
	vm0 =	vlt.f32 v23, v15;
	v23 =	vadd.s32 $0x20, v12  }
0x64b: {  	v30 =	vor.u32 $0x400, v24;
	v12 =	vsel vm0, v23, v12;
	vm0 =	vlt.f32 v13, v21;
	v13 =	vld.idx.msk [tilespmem:v25+s4+$0x0], $0xffff  }
0x64c: {  	v23 =	vadd.s32 $0xF, v12;
	v24 =	vsel vm0, v30, v24;
	v14 =	vld.idx.msk [tilespmem:v14+s4+$0x0], $0xffff  }
0x64d: {  	v30 =	vor.u32 $0x400, v26;
	vm0 =	vlt.f32 v22, v10;
	v25 =	vor.u32 $0x1FF, v24  }
0x64e: {  	v31 =	vor.u32 $0x400, v29;
	v22 =	vld.idx.msk [tilespmem:v27+s4+$0x0], $0xffff;
	v26 =	vsel vm0, v30, v26;
	vm0 =	vlt.f32 v17, v8  }
0x64f: {  	v30 =	vor.u32 $0x1FF, v26;
	v28 =	vld.idx.msk [tilespmem:v28+s4+$0x0], $0xffff;
	v29 =	vsel vm0, v31, v29  }
0x650: {  	v27 =	vor.u32 $0x400, v32;
	vm0 =	vlt.f32 v13, v9;
	v13 =	vor.u32 $0x1FF, v29  }
0x651: {  	v17 =	vadd.s32 $0x20, v16;
	v23 =	vld.idx.msk [tilespmem:v23+s4+$0x0], $0xffff;
	v27 =	vsel vm0, v27, v32;
	vm0 =	vlt.f32 v14, v20  }
0x652: {  	v14 =	vld.idx.msk [tilespmem:v25+s4+$0x0], $0xffff;
	v25 =	vor.u32 $0x1FF, v27;
	v16 =	vsel vm0, v17, v16  }
0x653: {  	v31 =	vadd.s32 $0x20, v18;
	vm0 =	vlt.f32 v22, v19;
	v17 =	vadd.s32 $0xF, v16  }
0x654: {  	v33 =	vadd.s32 $0x20, v11;
	v22 =	vld.idx.msk [tilespmem:v30+s4+$0x0], $0xffff;
	v18 =	vsel vm0, v31, v18;
	vm0 =	vlt.f32 v28, v7  }
0x655: {  	v28 =	vadd.s32 $0xF, v18;
	v11 =	vsel vm0, v33, v11;
	v13 =	vld.idx.msk [tilespmem:v13+s4+$0x0], $0xffff  }
0x656: {  	v30 =	vadd.s32 $0xF, v11;
	vm0 =	vlt.f32 v23, v15;
	v23 =	vadd.s32 $0x10, v12  }
0x657: {  	vm1 =	vlt.f32 v14, v21;
	v14 =	vor.u32 $0x200, v24;
	v12 =	vsel vm0, v23, v12;
	v23 =	vld.idx.msk [tilespmem:v25+s4+$0x0], $0xffff  }
0x658: {  	v14 =	vsel vm1, v14, v24;
	v24 =	vadd.s32 $0x7, v12;
	v17 =	vld.idx.msk [tilespmem:v17+s4+$0x0], $0xffff  }
0x659: {  	v31 =	vor.u32 $0x200, v26;
	vm0 =	vlt.f32 v22, v10;
	v25 =	vor.u32 $0xFF, v14  }
0x65a: {  	v47 =	vor.u32 $0x200, v29;
	v28 =	vld.idx.msk [tilespmem:v28+s4+$0x0], $0xffff;
	vm1 =	vlt.f32 v13, v8;
	v13 =	vsel vm0, v31, v26  }
0x65b: {  	v30 =	vld.idx.msk [tilespmem:v30+s4+$0x0], $0xffff;
	v29 =	vsel vm1, v47, v29;
	v31 =	vor.u32 $0xFF, v13  }
0x65c: {  	v22 =	vor.u32 $0x200, v27;
	vm0 =	vlt.f32 v23, v9;
	v23 =	vor.u32 $0xFF, v29  }
0x65d: {  	v26 =	vadd.s32 $0x10, v16;
	v24 =	vld.idx.msk [tilespmem:v24+s4+$0x0], $0xffff;
	v22 =	vsel vm0, v22, v27;
	vm0 =	vlt.f32 v17, v20  }
0x65e: {  	v25 =	vld.idx.msk [tilespmem:v25+s4+$0x0], $0xffff;
	v17 =	vor.u32 $0xFF, v22;
	v16 =	vsel vm0, v26, v16  }
0x65f: {  	v48 =	vadd.s32 $0x10, v18;
	vm1 =	vlt.f32 v28, v19;
	v26 =	vadd.s32 $0x7, v16  }
0x660: {  	v33 =	vadd.s32 $0x10, v11;
	v18 =	vsel vm1, v48, v18;
	vm0 =	vlt.f32 v30, v7;
	v27 =	vld.idx.msk [tilespmem:v31+s4+$0x0], $0xffff  }
0x661: {  	v28 =	vadd.s32 $0x7, v18;
	v11 =	vsel vm0, v33, v11;
	v23 =	vld.idx.msk [tilespmem:v23+s4+$0x0], $0xffff  }
0x662: {  	v30 =	vadd.s32 $0x7, v11;
	vm0 =	vlt.f32 v24, v15;
	v24 =	vadd.s32 $0x8, v12  }
0x663: {  	vm1 =	vlt.f32 v25, v21;
	v25 =	vor.u32 $0x100, v14;
	v12 =	vsel vm0, v24, v12;
	v17 =	vld.idx.msk [tilespmem:v17+s4+$0x0], $0xffff  }
0x664: {  	v14 =	vsel vm1, v25, v14;
	v24 =	vadd.s32 $0x3, v12;
	v25 =	vld.idx.msk [tilespmem:v26+s4+$0x0], $0xffff  }
0x665: {  	v49 =	vor.u32 $0x100, v13;
	v26 =	vadd.s32 $0x7F, v14;
	vm0 =	vlt.f32 v27, v10  }
0x666: {  	v31 =	vor.u32 $0x100, v29;
	v27 =	vld.idx.msk [tilespmem:v28+s4+$0x0], $0xffff;
	vm1 =	vlt.f32 v23, v8;
	v13 =	vsel vm0, v49, v13  }
0x667: {  	v23 =	vld.idx.msk [tilespmem:v30+s4+$0x0], $0xffff;
	v29 =	vsel vm1, v31, v29;
	v31 =	vadd.s32 $0x7F, v13  }
0x668: {  	v28 =	vor.u32 $0x100, v22;
	vm0 =	vlt.f32 v17, v9;
	v17 =	vadd.s32 $0x7F, v29  }
0x669: {  	v30 =	vadd.s32 $0x8, v16;
	v24 =	vld.idx.msk [tilespmem:v24+s4+$0x0], $0xffff;
	v22 =	vsel vm0, v28, v22;
	vm0 =	vlt.f32 v25, v20  }
0x66a: {  	v26 =	vld.idx.msk [tilespmem:v26+s4+$0x0], $0xffff;
	v25 =	vadd.s32 $0x7F, v22;
	v16 =	vsel vm0, v30, v16  }
0x66b: {  	v50 =	vadd.s32 $0x8, v18;
	vm0 =	vlt.f32 v27, v19;
	v27 =	vadd.s32 $0x3, v16  }
0x66c: {  	v33 =	vadd.s32 $0x8, v11;
	v18 =	vsel vm0, v50, v18;
	vm0 =	vlt.f32 v23, v7;
	v23 =	vld.idx.msk [tilespmem:v31+s4+$0x0], $0xffff  }
0x66d: {  	v51 =	vadd.s32 $0x80, v13;
	v28 =	vadd.s32 $0x3, v18;
	v30 =	vsel vm0, v33, v11;
	v11 =	vld.idx.msk [tilespmem:v17+s4+$0x0], $0xffff  }
0x66e: {  	v17 =	vadd.s32 $0x3, v30;
	vm0 =	vlt.f32 v24, v15;
	v24 =	vadd.s32 $0x4, v12  }
0x66f: {  	vm1 =	vlt.f32 v26, v21;
	v26 =	vadd.s32 $0x80, v14;
	v24 =	vsel vm0, v24, v12;
	v12 =	vld.idx.msk [tilespmem:v25+s4+$0x0], $0xffff  }
0x670: {  	v52 =	vadd.s32 $0x80, v22;
	v25 =	vsel vm1, v26, v14;
	v14 =	vadd.s32 $0x1, v24;
	v27 =	vld.idx.msk [tilespmem:v27+s4+$0x0], $0xffff  }
0x671: {  	v34 =	vadd.s32 $0x4, v16;
	v35 =	vadd.s32 $0x4, v18;
	v31 =	vadd.s32 $0x3F, v25  }
0x672: {  	v26 =	vadd.s32 $0x80, v29;
	vm0 =	vlt.f32 v23, v10;
	v23 =	vld.idx.msk [tilespmem:v28+s4+$0x0], $0xffff;
	vm1 =	vlt.f32 v11, v8  }
0x673: {  	v28 =	vadd.s32 $0x4, v30;
	v32 =	vsel vm0, v51, v13;
	v11 =	vld.idx.msk [tilespmem:v17+s4+$0x0], $0xffff;
	v17 =	vsel vm1, v26, v29  }
0x674: {  	v53 =	vld.idx.msk [tilespmem:v4+s4+$0x0], $0xffff;
	v26 =	vadd.s32 $0x3F, v32;
	vm0 =	vlt.f32 v12, v9;
	v29 =	vadd.s32 $0x3F, v17  }
0x675: {  	v36 =	vadd.s32 $0x40, v17;
	v13 =	vld.idx.msk [tilespmem:v14+s4+$0x0], $0xffff;
	v22 =	vsel vm0, v52, v22;
	vm0 =	vlt.f32 v27, v20  }
0x676: {  	s29 =	simm.s32 $0x41A0;
	v31 =	vld.idx.msk [tilespmem:v31+s4+$0x0], $0xffff;
	v27 =	vadd.s32 $0x40, v32;
	v33 =	vadd.s32 $0x3F, v22;
	v16 =	vsel vm0, v34, v16  }
0x677: {  	v14 =	vld [tilespmem:s29+$0x10];
	v37 =	vadd.s32 $0x40, v22;
	vm0 =	vlt.f32 v23, v19;
	v23 =	vadd.s32 $0x1, v16  }
0x678: {  	v12 =	vld [tilespmem:s29+$0x0];
	v18 =	vsel vm0, v35, v18;
	vm0 =	vlt.f32 v11, v7;
	v35 =	vadd.s32 $0x2, v16  }
0x679: {  	v11 =	vld [tilespmem:s29+$0xFFFFFFF0];
	v38 =	vadd.s32 $0x1, v18;
	v28 =	vsel vm0, v28, v30;
	v30 =	vadd.s32 $0x2, v24  }
0x67a: {  	v39 =	vadd.s32 $0x2, v18;
	v29 =	vld.idx.msk [tilespmem:v29+s4+$0x0], $0xffff;
	vm0 =	vlt.f32 v13, v15;
	v40 =	vadd.s32 $0x2, v28  }
0x67b: {  	v13 =	vld [tilespmem:s29+$0xFFFFFFE0];
	vm1 =	vlt.f32 v31, v21;
	v31 =	vadd.s32 $0x40, v25;
	v24 =	vsel vm0, v30, v24  }
0x67c: {  	v26 =	vld.idx.msk [tilespmem:v26+s4+$0x0], $0xffff;
	v30 =	vadd.s32 $0x1, v28;
	vm0 =	vlt.f32 v53, v14;
	v25 =	vsel vm1, v31, v25  }
0x67d: {  	v33 =	vld.idx.msk [tilespmem:v33+s4+$0x0], $0xffff;
	v41 =	vsel vm0, $0x800, v5;
	vm0 =	vlt.f32 v53, v12;
	v31 =	vadd.s32 $0x1F, v25  }
0x67e: {  	vm1 =	vlt.f32 v53, v11;
	v43 =	vor.u32 $0x3FF, v41;
	v44 =	vsel vm0, $0x800, v5  }
0x67f: {  	v63 =	vor.u32 $0x400, v41;
	v42 =	vsel vm1, $0x800, v5;
	v48 =	vor.u32 $0x3FF, v44  }
0x680: {  	vm0 =	vlt.f32 v29, v8;
	v29 =	vor.u32 $0x400, v44;
	vm1 =	vlt.f32 v53, v13;
	v45 =	vld.idx.msk [tilespmem:v24+s4+$0x0], $0xffff  }
0x681: {  	v54 =	vor.u32 $0x3FF, v42;
	v47 =	vor.u32 $0x400, v42;
	v17 =	vsel vm0, v36, v17  }
0x682: {  	v46 =	vsel vm1, $0x800, v5;
	vm1 =	vlt.f32 v26, v10;
	vm0 =	vlt.f32 v33, v9;
	v31 =	vld.idx.msk [tilespmem:v31+s4+$0x0], $0xffff  }
0x683: {  	v38 =	vld.idx.msk [tilespmem:v38+s4+$0x0], $0xffff;
	v55 =	vadd.s32 $0x1F, v17;
	v36 =	vadd.s32 $0x20, v17;
	v49 =	vor.u32 $0x3FF, v46  }
0x684: {  	v50 =	vor.u32 $0x400, v46;
	v27 =	vsel vm1, v27, v32;
	v22 =	vsel vm0, v37, v22;
	v26 =	vld.idx.msk [tilespmem:v43+s4+$0x0], $0xffff  }
0x685: {  	v30 =	vld.idx.msk [tilespmem:v30+s4+$0x0], $0xffff;
	v57 =	vadd.s32 $0x1F, v27;
	v59 =	vadd.s32 $0x1F, v22;
	vm0 =	vlt.f32 v45, v15  }
0x686: {  	v60 =	vadd.s32 $0x20, v27;
	v62 =	vadd.s32 $0x20, v22;
	v56 =	vld.idx.msk [tilespmem:v54+s4+$0x0], $0xffff;
	v51 =	vsel vm0, $0x1, v5  }
0x687: {  	v58 =	vld.idx.msk [tilespmem:v48+s4+$0x0], $0xffff;
	vm0 =	vlt.f32 v31, v21;
	v31 =	vadd.s32 $0x20, v25;
	v24 =	vadd.s32 v51, v24  }
0x688: {  	vm2 =	vlt.f32 v38, v19;
	v61 =	vld.idx.msk [tilespmem:v49+s4+$0x0], $0xffff;
	v25 =	vsel vm0, v31, v25;
	v24 =	vmax.u32 v24, $0x1  }
0x689: {  	v23 =	vld.idx.msk [tilespmem:v23+s4+$0x0], $0xffff;
	vm0 =	vlt.f32 v26, v14;
	v31 =	vadd.s32 $0xF, v25;
	v24 =	vmin.u32 v24, $0xFFF  }
0x68a: {  	v18 =	vsel vm2, v39, v18;
	v26 =	vld.idx.msk [tilespmem:v55+s4+$0x0], $0xffff;
	v32 =	vsel vm0, v63, v41;
	v24 =	vadd.s32 $0xFFFFFFFF, v24  }
0x68b: {  	vm3 =	vlt.f32 v30, v7;
	v34 =	vld.idx.msk [tilespmem:v57+s4+$0x0], $0xffff;
	vm1 =	vlt.f32 v56, v11;
	v52 =	vor.u32 $0x1FF, v32  }
0x68c: {  	v28 =	vsel vm3, v40, v28;
	vm0 =	vlt.f32 v58, v12;
	v33 =	vsel vm1, v47, v42  }
0x68d: {  	v53 =	vld.idx.msk [tilespmem:v59+s4+$0x0], $0xffff;
	v29 =	vsel vm0, v29, v44;
	vm1 =	vlt.f32 v61, v13;
	v42 =	vor.u32 $0x1FF, v33  }
0x68e: {  	v54 =	vor.u32 $0x200, v33;
	v55 =	vor.u32 $0x1FF, v29;
	v43 =	vsel vm1, v50, v46;
	v31 =	vld.idx.msk [tilespmem:v31+s4+$0x0], $0xffff  }
0x68f: {  	vm1 =	vlt.f32 v23, v20;
	v56 =	vor.u32 $0x1FF, v43;
	vm0 =	vlt.f32 v26, v8;
	v23 =	vld.idx.msk [tilespmem:v24+s22+$0x0], $0xffff  }
0x690: {  	v58 =	vor.u32 $0x200, v29;
	v17 =	vsel vm0, v36, v17;
	vm0 =	vlt.f32 v34, v10;
	v26 =	vld.idx.msk [tilespmem:v52+s4+$0x0], $0xffff  }
0x691: {  	v57 =	vor.u32 $0x200, v43;
	v30 =	vadd.s32 $0xF, v17;
	v27 =	vsel vm0, v60, v27;
	v24 =	vld.idx.msk [tilespmem:v24+s18+$0x0], $0xffff  }
0x692: {  	v16 =	vsel vm1, v35, v16;
	vm0 =	vlt.f32 v53, v9;
	v59 =	vld.idx.msk [tilespmem:v42+s4+$0x0], $0xffff;
	v60 =	vadd.s32 $0xF, v27  }
0x693: {  	v34 =	vadd.s32 $0x10, v17;
	v22 =	vsel vm0, v62, v22;
	v38 =	vadd.s32 $0x10, v27;
	v49 =	vld.idx.msk [tilespmem:v55+s4+$0x0], $0xffff  }
0x694: {  	v62 =	vadd.s32 $0xF, v22;
	v63 =	vadd.s32 $0x10, v22;
	v61 =	vld.idx.msk [tilespmem:v56+s4+$0x0], $0xffff;
	vm0 =	vlt.f32 v31, v21  }
0x695: {  	v31 =	vadd.s32 $0x10, v25;
	vm1 =	vlt.f32 v26, v14;
	v26 =	vor.u32 $0x200, v32  }
0x696: {  	v31 =	vsel vm0, v31, v25;
	v15 =	vmul.f32 v23, v15;
	v23 =	vld.idx.msk [tilespmem:v30+s4+$0x0], $0xffff;
	v26 =	vsel vm1, v26, v32  }
0x697: {  	v30 =	vadd.s32 $0x7, v31;
	v51 =	vld.idx.msk [tilespmem:v60+s4+$0x0], $0xffff;
	vm0 =	vlt.f32 v59, v11;
	v48 =	vadd.s32 $0x8, v31  }
0x698: {  	v60 =	vld.idx.msk [tilespmem:v28+s4+$0x0], $0xffff;
	v52 =	vor.u32 $0xFF, v26;
	v25 =	vadd.f32 v15, v24;
	v24 =	vsel vm0, v54, v33  }
0x699: {  	v15 =	vld.idx.msk [tilespmem:v62+s4+$0x0], $0xffff;
	vm0 =	vlt.f32 v49, v12;
	v49 =	vor.u32 $0x100, v26;
	vm1 =	vlt.f32 v61, v13  }
0x69a: {  	v55 =	vld.idx.msk [tilespmem:v18+s4+$0x0], $0xffff;
	v54 =	vor.u32 $0xFF, v24;
	v29 =	vsel vm0, v58, v29;
	v37 =	vsel vm1, v57, v43  }
0x69b: {  	v58 =	vor.u32 $0x100, v24;
	v59 =	vor.u32 $0xFF, v29;
	v56 =	vor.u32 $0xFF, v37  }
0x69c: {  	v53 =	vld.idx.msk [tilespmem:v16+s4+$0x0], $0xffff;
	v57 =	vor.u32 $0x100, v37;
	vm0 =	vlt.f32 v23, v8;
	v23 =	vor.u32 $0x100, v29  }
0x69d: {  	vm1 =	vlt.f32 v51, v10;
	v17 =	vsel vm0, v34, v17;
	vm4 =	vlt.f32 v60, v7  }
0x69e: {  	v30 =	vld.idx.msk [tilespmem:v30+s4+$0x0], $0xffff;
	v27 =	vsel vm1, v38, v27;
	vm0 =	vlt.f32 v15, v9;
	v15 =	vadd.s32 $0x7, v17  }
0x69f: {  	v36 =	vld.idx.msk [tilespmem:v52+s4+$0x0], $0xffff;
	v62 =	vadd.s32 $0x8, v17;
	vm1 =	vlt.f32 v55, v19;
	v55 =	vsel vm4, $0x1, v5  }
0x6a0: {  	v61 =	vld.idx.msk [tilespmem:v54+s4+$0x0], $0xffff;
	v38 =	vadd.s32 $0x7, v27;
	v22 =	vsel vm0, v63, v22;
	v63 =	vadd.s32 $0x8, v27  }
0x6a1: {  	vm0 =	vlt.f32 v53, v20;
	v53 =	vsel vm1, $0x1, v5;
	v28 =	vadd.s32 v55, v28;
	v40 =	vld.idx.msk [tilespmem:v56+s4+$0x0], $0xffff  }
0x6a2: {  	v45 =	vadd.s32 $0x7, v22;
	v46 =	vadd.s32 $0x8, v22;
	v51 =	vsel vm0, $0x1, v5  }
0x6a3: {  	v18 =	vadd.s32 v53, v18;
	v28 =	vmax.u32 v28, $0x1;
	vm2 =	vlt.f32 v30, v21;
	v30 =	vld.idx.msk [tilespmem:v59+s4+$0x0], $0xffff  }
0x6a4: {  	v16 =	vadd.s32 v51, v16;
	vm3 =	vlt.f32 v36, v14;
	v31 =	vsel vm2, v48, v31  }
0x6a5: {  	v15 =	vld.idx.msk [tilespmem:v15+s4+$0x0], $0xffff;
	v26 =	vsel vm3, v49, v26;
	v50 =	vadd.s32 $0x3, v31;
	vm0 =	vlt.f32 v61, v11  }
0x6a6: {  	v52 =	vadd.s32 $0x7F, v26;
	v24 =	vsel vm0, v58, v24;
	vm1 =	vlt.f32 v40, v13  }
0x6a7: {  	v18 =	vmax.u32 v18, $0x1;
	v54 =	vld.idx.msk [tilespmem:v38+s4+$0x0], $0xffff;
	v37 =	vsel vm1, v57, v37;
	v57 =	vadd.s32 $0x7F, v24  }
0x6a8: {  	v16 =	vmax.u32 v16, $0x1;
	v56 =	vld.idx.msk [tilespmem:v45+s4+$0x0], $0xffff;
	vm0 =	vlt.f32 v30, v12;
	v30 =	vadd.s32 $0x7F, v37  }
0x6a9: {  	v28 =	vmin.u32 v28, $0xFFF;
	v16 =	vmin.u32 v16, $0xFFF;
	v23 =	vsel vm0, v23, v29  }
0x6aa: {  	v51 =	vadd.s32 $0x4, v31;
	vm0 =	vlt.f32 v15, v8;
	v59 =	vadd.s32 $0x7F, v23;
	v32 =	vld.idx.msk [tilespmem:v50+s4+$0x0], $0xffff  }
0x6ab: {  	v58 =	vadd.s32 $0x80, v37;
	v29 =	vadd.s32 $0x80, v24;
	v17 =	vsel vm0, v62, v17;
	v15 =	vld.idx.msk [tilespmem:v52+s4+$0x0], $0xffff  }
0x6ac: {  	v60 =	vadd.s32 $0x80, v23;
	vm0 =	vlt.f32 v54, v10;
	v61 =	vadd.s32 $0x3, v17;
	v62 =	vld.idx.msk [tilespmem:v57+s4+$0x0], $0xffff  }
0x6ad: {  	v27 =	vsel vm0, v63, v27;
	vm0 =	vlt.f32 v56, v9;
	v63 =	vadd.s32 $0x4, v17;
	v30 =	vld.idx.msk [tilespmem:v30+s4+$0x0], $0xffff  }
0x6ae: {  	v48 =	vadd.s32 $0x3, v27;
	v22 =	vsel vm0, v46, v22;
	v49 =	vadd.s32 $0x4, v27  }
0x6af: {  	v50 =	vadd.s32 $0x3, v22;
	v53 =	vadd.s32 $0x4, v22;
	vm0 =	vlt.f32 v32, v21;
	v52 =	vld.idx.msk [tilespmem:v59+s4+$0x0], $0xffff  }
0x6b0: {  	vm1 =	vlt.f32 v15, v14;
	v15 =	vadd.s32 $0x80, v26;
	v31 =	vsel vm0, v51, v31  }
0x6b1: {  	v33 =	vld.idx.msk [tilespmem:v61+s4+$0x0], $0xffff;
	v26 =	vsel vm1, v15, v26;
	v15 =	vadd.s32 $0x1, v31;
	vm0 =	vlt.f32 v62, v11  }
0x6b2: {  	v59 =	vld.idx.msk [tilespmem:v4+s4+$0x0], $0xffff;
	v54 =	vadd.s32 $0x3F, v26;
	vm1 =	vlt.f32 v30, v13;
	v29 =	vsel vm0, v29, v24  }
0x6b3: {  	v61 =	vadd.s32 $0x40, v26;
	v30 =	vld.idx.msk [tilespmem:v48+s4+$0x0], $0xffff;
	v34 =	vsel vm1, v58, v37;
	v55 =	vadd.s32 $0x3F, v29  }
0x6b4: {  	s2 =	simm.s32 $0x41E0;
	v24 =	vld.idx.msk [tilespmem:v50+s4+$0x0], $0xffff;
	vm0 =	vlt.f32 v52, v12;
	v42 =	vadd.s32 $0x40, v29;
	v58 =	vmin.u32 v18, $0xFFF  }
0x6b5: {  	v18 =	vld [tilespmem:s2+$0x10];
	v37 =	vadd.s32 $0x3F, v34;
	v39 =	vadd.s32 $0x40, v34;
	v40 =	vsel vm0, v60, v23  }
0x6b6: {  	vm0 =	vlt.f32 v33, v8;
	v23 =	vadd.s32 $0xFFFFFFFF, v16;
	v60 =	vadd.s32 $0x2, v31;
	v56 =	vld.idx.msk [tilespmem:v15+s4+$0x0], $0xffff  }
0x6b7: {  	v57 =	vadd.s32 $0x3F, v40;
	v45 =	vadd.s32 $0x40, v40;
	v35 =	vsel vm0, v63, v17;
	v41 =	vld.idx.msk [tilespmem:v54+s4+$0x0], $0xffff  }
0x6b8: {  	v15 =	vld [tilespmem:s2+$0xFFFFFFF0];
	v38 =	vadd.s32 $0x2, v35;
	vm0 =	vlt.f32 v30, v10;
	v30 =	vadd.s32 $0x1, v35  }
0x6b9: {  	v16 =	vld [tilespmem:s2+$0x0];
	v27 =	vsel vm0, v49, v27;
	vm0 =	vlt.f32 v24, v9;
	v24 =	vadd.s32 $0xFFFFFFFF, v58  }
0x6ba: {  	v17 =	vld [tilespmem:s2+$0xFFFFFFE0];
	v47 =	vadd.s32 $0x1, v27;
	v22 =	vsel vm0, v53, v22;
	v32 =	vadd.s32 $0x2, v27  }
0x6bb: {  	v48 =	vadd.s32 $0x1, v22;
	v49 =	vadd.s32 $0x2, v22;
	vm0 =	vlt.f32 v56, v21  }
0x6bc: {  	v36 =	vld.idx.msk [tilespmem:v55+s4+$0x0], $0xffff;
	vm1 =	vlt.f32 v41, v14;
	v31 =	vsel vm0, v60, v31;
	vm0 =	vlt.f32 v59, v18  }
0x6bd: {  	v62 =	vld.idx.msk [tilespmem:v37+s4+$0x0], $0xffff;
	v37 =	vsel vm1, v61, v26;
	vm1 =	vlt.f32 v59, v15;
	v26 =	vadd.s32 $0xFFFFFFFF, v28  }
0x6be: {  	v63 =	vld.idx.msk [tilespmem:v57+s4+$0x0], $0xffff;
	v28 =	vsel vm0, $0x800, v5;
	vm0 =	vlt.f32 v59, v16;
	v41 =	vadd.s32 $0x1F, v37  }
0x6bf: {  	v44 =	vsel vm1, $0x800, v5;
	v60 =	vor.u32 $0x3FF, v28;
	vm1 =	vlt.f32 v59, v17  }
0x6c0: {  	v51 =	vsel vm0, $0x800, v5;
	v61 =	vor.u32 $0x3FF, v44;
	v52 =	vsel vm1, $0x800, v5  }
0x6c1: {  	v54 =	vor.u32 $0x400, v44;
	v55 =	vor.u32 $0x3FF, v51;
	v58 =	vor.u32 $0x400, v51;
	v53 =	vld.idx.msk [tilespmem:v31+s4+$0x0], $0xffff  }
0x6c2: {  	vm0 =	vlt.f32 v62, v13;
	vm1 =	vlt.f32 v36, v11;
	v47 =	vld.idx.msk [tilespmem:v47+s4+$0x0], $0xffff;
	v56 =	vor.u32 $0x3FF, v52  }
0x6c3: {  	v57 =	vor.u32 $0x400, v52;
	v33 =	vsel vm0, v39, v34;
	vm0 =	vlt.f32 v63, v12;
	v41 =	vld.idx.msk [tilespmem:v41+s4+$0x0], $0xffff  }
0x6c4: {  	v29 =	vsel vm1, v42, v29;
	v36 =	vadd.s32 $0x1F, v33;
	v39 =	vsel vm0, v45, v40;
	v34 =	vld.idx.msk [tilespmem:v60+s4+$0x0], $0xffff  }
0x6c5: {  	v42 =	vadd.s32 $0x1F, v29;
	v43 =	vadd.s32 $0x20, v33;
	v50 =	vadd.s32 $0x20, v29;
	v62 =	vld.idx.msk [tilespmem:v61+s4+$0x0], $0xffff  }
0x6c6: {  	v45 =	vadd.s32 $0x1F, v39;
	v60 =	vadd.s32 $0x20, v37;
	v46 =	vld.idx.msk [tilespmem:v55+s4+$0x0], $0xffff;
	vm0 =	vlt.f32 v53, v21  }
0x6c7: {  	v61 =	vor.u32 $0x400, v28;
	vm2 =	vlt.f32 v47, v10;
	v55 =	vld.idx.msk [tilespmem:v56+s4+$0x0], $0xffff;
	v63 =	vsel vm0, $0x1, v5  }
0x6c8: {  	v27 =	vsel vm2, v32, v27;
	vm0 =	vlt.f32 v41, v14;
	v31 =	vadd.s32 v63, v31  }
0x6c9: {  	v30 =	vld.idx.msk [tilespmem:v30+s4+$0x0], $0xffff;
	v37 =	vsel vm0, v60, v37;
	v31 =	vmax.u32 v31, $0x1;
	vm0 =	vlt.f32 v34, v18  }
0x6ca: {  	v36 =	vld.idx.msk [tilespmem:v36+s4+$0x0], $0xffff;
	vm1 =	vlt.f32 v62, v15;
	v34 =	vadd.s32 $0xF, v37;
	v31 =	vmin.u32 v31, $0xFFF  }
0x6cb: {  	v62 =	vld.idx.msk [tilespmem:v42+s4+$0x0], $0xffff;
	v28 =	vsel vm0, v61, v28;
	v42 =	vsel vm1, v54, v44;
	v31 =	vadd.s32 $0xFFFFFFFF, v31  }
0x6cc: {  	v45 =	vld.idx.msk [tilespmem:v45+s4+$0x0], $0xffff;
	vm0 =	vlt.f32 v46, v16;
	vm1 =	vlt.f32 v55, v17;
	v63 =	vor.u32 $0x1FF, v28  }
0x6cd: {  	v41 =	vld.idx.msk [tilespmem:v48+s4+$0x0], $0xffff;
	v46 =	vor.u32 $0x1FF, v42;
	v48 =	vsel vm0, v58, v51;
	v51 =	vsel vm1, v57, v52  }
0x6ce: {  	v53 =	vadd.s32 $0x20, v39;
	v54 =	vld.idx.msk [tilespmem:v23+s22+$0x0], $0xffff;
	v52 =	vor.u32 $0x200, v42;
	v61 =	vor.u32 $0x1FF, v51  }
0x6cf: {  	vm0 =	vlt.f32 v36, v13;
	vm1 =	vlt.f32 v30, v8;
	v60 =	vor.u32 $0x1FF, v48;
	v34 =	vld.idx.msk [tilespmem:v34+s4+$0x0], $0xffff  }
0x6d0: {  	v57 =	vor.u32 $0x200, v51;
	v58 =	vor.u32 $0x200, v48;
	v33 =	vsel vm0, v43, v33;
	v30 =	vld.idx.msk [tilespmem:v31+s22+$0x0], $0xffff  }
0x6d1: {  	vm14 =	vlt.f32 v45, v12;
	v35 =	vsel vm1, v38, v35;
	vm0 =	vlt.f32 v62, v11;
	v62 =	vld.idx.msk [tilespmem:v63+s4+$0x0], $0xffff  }
0x6d2: {  	vm3 =	vlt.f32 v41, v9;
	v29 =	vsel vm0, v50, v29;
	v63 =	vadd.s32 $0xF, v33;
	v43 =	vld.idx.msk [tilespmem:v46+s4+$0x0], $0xffff  }
0x6d3: {  	v41 =	vadd.s32 $0x10, v33;
	v39 =	vsel vm14, v53, v39;
	v53 =	vadd.s32 $0xF, v29;
	v59 =	vld.idx.msk [tilespmem:v61+s4+$0x0], $0xffff  }
0x6d4: {  	v50 =	vadd.s32 $0x10, v39;
	v20 =	vmul.f32 v54, v20;
	v31 =	vld.idx.msk [tilespmem:v31+s18+$0x0], $0xffff;
	v45 =	vadd.s32 $0x10, v29  }
0x6d5: {  	v46 =	vadd.s32 $0xF, v39;
	v60 =	vld.idx.msk [tilespmem:v60+s4+$0x0], $0xffff;
	v61 =	vadd.s32 $0x10, v37;
	vm0 =	vlt.f32 v34, v14  }
0x6d6: {  	v21 =	vmul.f32 v30, v21;
	v30 =	vld.idx.msk [tilespmem:v24+s22+$0x0], $0xffff;
	vm1 =	vlt.f32 v62, v18;
	v62 =	vor.u32 $0x200, v28  }
0x6d7: {  	v34 =	vsel vm0, v61, v37;
	v37 =	vsel vm3, v49, v22;
	v22 =	vld.idx.msk [tilespmem:v63+s4+$0x0], $0xffff;
	vm0 =	vlt.f32 v43, v15  }
0x6d8: {  	v63 =	vld.idx.msk [tilespmem:v53+s4+$0x0], $0xffff;
	v28 =	vsel vm1, v62, v28;
	v36 =	vadd.s32 $0x7, v34;
	vm1 =	vlt.f32 v59, v17  }
0x6d9: {  	v40 =	vsel vm0, v52, v42;
	v59 =	vld.idx.msk [tilespmem:v27+s4+$0x0], $0xffff;
	v53 =	vadd.f32 v21, v31;
	v21 =	vor.u32 $0xFF, v28  }
0x6da: {  	vm0 =	vlt.f32 v60, v16;
	v31 =	vld.idx.msk [tilespmem:v46+s4+$0x0], $0xffff;
	v43 =	vsel vm1, v57, v51;
	v57 =	vor.u32 $0xFF, v40  }
0x6db: {  	v42 =	vld.idx.msk [tilespmem:v35+s4+$0x0], $0xffff;
	v48 =	vsel vm0, v58, v48;
	v61 =	vor.u32 $0x100, v40;
	v60 =	vor.u32 $0xFF, v43  }
0x6dc: {  	v47 =	vor.u32 $0x100, v43;
	v62 =	vor.u32 $0xFF, v48;
	v54 =	vor.u32 $0x100, v48;
	v49 =	vld.idx.msk [tilespmem:v37+s4+$0x0], $0xffff  }
0x6dd: {  	vm0 =	vlt.f32 v22, v13;
	vm1 =	vlt.f32 v63, v11;
	v22 =	vmul.f32 v30, v19;
	v36 =	vld.idx.msk [tilespmem:v36+s4+$0x0], $0xffff  }
0x6de: {  	v29 =	vsel vm1, v45, v29;
	vm1 =	vlt.f32 v59, v10;
	v19 =	vld.idx.msk [tilespmem:v21+s4+$0x0], $0xffff;
	v21 =	vsel vm0, v41, v33  }
0x6df: {  	vm0 =	vlt.f32 v31, v12;
	v31 =	vadd.s32 $0x7, v29;
	v41 =	vadd.s32 $0x8, v29  }
0x6e0: {  	v63 =	vld.idx.msk [tilespmem:v57+s4+$0x0], $0xffff;
	v57 =	vadd.s32 $0x8, v34;
	v59 =	vsel vm1, $0x1, v5;
	v30 =	vadd.s32 $0x7, v21  }
0x6e1: {  	v33 =	vsel vm0, v50, v39;
	v39 =	vadd.s32 $0x8, v21;
	v55 =	vld.idx.msk [tilespmem:v60+s4+$0x0], $0xffff;
	vm0 =	vlt.f32 v42, v8  }
0x6e2: {  	v42 =	vadd.s32 v59, v27;
	v50 =	vadd.s32 $0x7, v33;
	vm3 =	vlt.f32 v49, v9  }
0x6e3: {  	v56 =	vld.idx.msk [tilespmem:v62+s4+$0x0], $0xffff;
	v46 =	vadd.s32 $0x8, v33;
	vm2 =	vlt.f32 v36, v14;
	v60 =	vsel vm3, $0x1, v5  }
0x6e4: {  	vm15 =	vlt.f32 v19, v18;
	v19 =	vor.u32 $0x100, v28;
	v34 =	vsel vm2, v57, v34  }
0x6e5: {  	v37 =	vadd.s32 v60, v37;
	v36 =	vsel vm15, v19, v28;
	v19 =	vadd.s32 $0x3, v34  }
0x6e6: {  	v28 =	vsel vm0, $0x1, v5;
	v30 =	vld.idx.msk [tilespmem:v30+s4+$0x0], $0xffff;
	vm0 =	vlt.f32 v63, v15;
	vm1 =	vlt.f32 v55, v17  }
0x6e7: {  	v31 =	vld.idx.msk [tilespmem:v31+s4+$0x0], $0xffff;
	v37 =	vmax.u32 v37, $0x1;
	v58 =	vadd.s32 $0x7F, v36;
	v40 =	vsel vm0, v61, v40  }
0x6e8: {  	v44 =	vld.idx.msk [tilespmem:v50+s4+$0x0], $0xffff;
	v43 =	vsel vm1, v47, v43;
	vm0 =	vlt.f32 v56, v16;
	v61 =	vadd.s32 $0x7F, v40  }
0x6e9: {  	v35 =	vadd.s32 v28, v35;
	v62 =	vadd.s32 $0x7F, v43;
	v48 =	vsel vm0, v54, v48  }
0x6ea: {  	v59 =	vadd.s32 $0x80, v36;
	v49 =	vadd.s32 $0x80, v43;
	v63 =	vadd.s32 $0x7F, v48  }
0x6eb: {  	v50 =	vadd.s32 $0x80, v40;
	v35 =	vmax.u32 v35, $0x1;
	v19 =	vld.idx.msk [tilespmem:v19+s4+$0x0], $0xffff;
	vm0 =	vlt.f32 v30, v13  }
0x6ec: {  	v52 =	vadd.s32 $0x80, v48;
	v38 =	vld.idx.msk [tilespmem:v58+s4+$0x0], $0xffff;
	v54 =	vsel vm0, v39, v21;
	vm0 =	vlt.f32 v31, v11  }
0x6ed: {  	v39 =	vadd.s32 $0x3, v54;
	v27 =	vsel vm0, v41, v29;
	vm0 =	vlt.f32 v44, v12;
	v57 =	vld.idx.msk [tilespmem:v61+s4+$0x0], $0xffff  }
0x6ee: {  	v21 =	vadd.s32 $0x4, v34;
	v32 =	vld.idx.msk [tilespmem:v62+s4+$0x0], $0xffff;
	v58 =	vadd.s32 $0x3, v27;
	v28 =	vsel vm0, v46, v33  }
0x6ef: {  	v55 =	vadd.s32 $0x4, v54;
	v31 =	vadd.s32 $0x4, v27;
	v45 =	vld.idx.msk [tilespmem:v63+s4+$0x0], $0xffff;
	v33 =	vadd.s32 $0x3, v28  }
0x6f0: {  	s8 =	simm.s32 $0x8120;
	v63 =	vmin.u32 v35, $0xFFF;
	v30 =	vadd.s32 $0x4, v28;
	vm0 =	vlt.f32 v19, v14;
	v19 =	vld.idx.msk [tilespmem:v26+s22+$0x0], $0xffff  }
0x6f1: {  	[tilespmem:s8+$0x10] =	vst v25;
	v25 =	vadd.s32 $0xFFFFFFFF, v63;
	vm1 =	vlt.f32 v38, v18;
	v29 =	vsel vm0, v21, v34;
	v21 =	vld.idx.msk [tilespmem:v23+s18+$0x0], $0xffff  }
0x6f2: {  	v46 =	vsel vm1, v59, v36;
	v34 =	vadd.s32 $0x1, v29;
	v36 =	vmax.u32 v42, $0x1;
	v60 =	vld.idx.msk [tilespmem:v39+s4+$0x0], $0xffff  }
0x6f3: {  	vm0 =	vlt.f32 v57, v15;
	vm1 =	vlt.f32 v32, v17;
	v61 =	vadd.s32 $0x3F, v46;
	v62 =	vld.idx.msk [tilespmem:v58+s4+$0x0], $0xffff  }
0x6f4: {  	v32 =	vmin.u32 v37, $0xFFF;
	v39 =	vsel vm0, v50, v40;
	v41 =	vsel vm1, v49, v43;
	v35 =	vld.idx.msk [tilespmem:v33+s4+$0x0], $0xffff  }
0x6f5: {  	v23 =	vld.idx.msk [tilespmem:v24+s18+$0x0], $0xffff;
	vm0 =	vlt.f32 v45, v16;
	v47 =	vadd.s32 $0x3F, v39;
	v49 =	vadd.s32 $0x3F, v41  }
0x6f6: {  	v24 =	vld.idx.msk [tilespmem:v26+s18+$0x0], $0xffff;
	v44 =	vadd.s32 $0x40, v41;
	v40 =	vsel vm0, v52, v48;
	v45 =	vadd.s32 $0x40, v39  }
0x6f7: {  	s31 =	sshll.u32 s30, $0x11;
	s7 =	simm.s32 $0x8160;
	v33 =	vmin.u32 v36, $0xFFF;
	v48 =	vadd.s32 $0x3F, v40;
	v42 =	vld.idx.msk [tilespmem:v34+s4+$0x0], $0xffff;
	vm0 =	vlt.f32 v60, v13  }
0x6f8: {  	s9 =	simm.s32 $0xC0;
	s0 =	sor.u32 s31, s5;
	[tilespmem:s7+$0x10] =	vst v53;
	v43 =	vadd.s32 $0x40, v40;
	v50 =	vld.idx.msk [tilespmem:v61+s4+$0x0], $0xffff;
	v26 =	vsel vm0, v55, v54;
	vm0 =	vlt.f32 v62, v11  }
.LBB2_30:
0x6f9: {  	v51 =	vld.idx.msk [tilespmem:v4+s4+$0x0], $0xffff;
	s2 =	sadd.s32 $0x40, s2;
	v52 =	vadd.s32 $0x1, v26;
	v34 =	vsel vm0, v31, v27;
	vm0 =	vlt.f32 v35, v12  }
0x6fa: {  	s9 =	sadd.s32 $0x40, s9;
	v35 =	vadd.s32 $0x2, v26;
	v31 =	vld [tilespmem:s2+$0x10];
	v53 =	vadd.s32 $0x1, v34;
	v36 =	vsel vm0, v30, v28  }
0x6fb: {  	p1 =	slt.u32 s9, $0x1FC0;
	v37 =	vadd.s32 $0x2, v34;
	v27 =	vld [tilespmem:s2+$0xFFFFFFF0];
	v54 =	vadd.s32 $0x1, v36;
	v38 =	vadd.s32 $0x2, v36  }
0x6fc: {  	v33 =	vadd.s32 $0xFFFFFFFF, v33;
	v28 =	vadd.s32 $0x2, v29;
	vm0 =	vlt.f32 v42, v14;
	v55 =	vld [tilespmem:s2+$0x0]  }
0x6fd: {  	v42 =	vadd.s32 $0x40, v46;
	vm1 =	vlt.f32 v50, v18;
	v29 =	vsel vm0, v28, v29;
	v30 =	vld [tilespmem:s2+$0xFFFFFFE0]  }
0x6fe: {  	v19 =	vmul.f32 v19, v7;
	v7 =	vmovc v9;
	v28 =	vadd.s32 $0xFFFFFFFF, v32;
	v42 =	vsel vm1, v42, v46;
	v49 =	vld.idx.msk [tilespmem:v49+s4+$0x0], $0xffff  }
0x6ff: {  	v20 =	vadd.f32 v20, v21;
	v9 =	vmovc v12;
	v46 =	vadd.s32 $0x1F, v42;
	vm0 =	vlt.f32 v51, v31;
	v32 =	vld.idx.msk [tilespmem:v47+s4+$0x0], $0xffff  }
0x700: {  	v22 =	vadd.f32 v22, v23;
	v12 =	vmovc v16;
	vm1 =	vlt.f32 v51, v27;
	v21 =	vsel vm0, $0x800, v5;
	v47 =	vld.idx.msk [tilespmem:v48+s4+$0x0], $0xffff  }
0x701: {  	v23 =	vsel vm1, $0x800, v5;
	vm0 =	vlt.f32 v51, v55;
	v48 =	vor.u32 $0x3FF, v21;
	v50 =	vld.idx.msk [tilespmem:v52+s4+$0x0], $0xffff;
	[tilespmem:s8+$0xFFFFFFE0] =	vst v20;
	v16 =	vmovc v55  }
0x702: {  	vm1 =	vlt.f32 v51, v30;
	v20 =	vor.u32 $0x3FF, v23;
	v51 =	vsel vm0, $0x800, v5;
	v52 =	vld.idx.msk [tilespmem:v29+s4+$0x0], $0xffff;
	[tilespmem:s8+$0xFFFFFFF0] =	vst v22  }
0x703: {  	v55 =	vor.u32 $0x400, v23;
	v22 =	vsel vm1, $0x800, v5;
	v56 =	vor.u32 $0x3FF, v51;
	v53 =	vld.idx.msk [tilespmem:v53+s4+$0x0], $0xffff  }
0x704: {  	v59 =	vor.u32 $0x400, v51;
	v57 =	vor.u32 $0x3FF, v22;
	v58 =	vor.u32 $0x400, v22;
	v46 =	vld.idx.msk [tilespmem:v46+s4+$0x0], $0xffff  }
0x705: {  	v19 =	vadd.f32 v19, v24;
	vm0 =	vlt.f32 v49, v17;
	vm1 =	vlt.f32 v32, v15;
	v32 =	vld.idx.msk [tilespmem:v54+s4+$0x0], $0xffff  }
0x706: {  	v41 =	vsel vm0, v44, v41;
	v39 =	vsel vm1, v45, v39;
	vm0 =	vlt.f32 v47, v12;
	v24 =	vld.idx.msk [tilespmem:v48+s4+$0x0], $0xffff  }
0x707: {  	v44 =	vadd.s32 $0x1F, v41;
	v45 =	vadd.s32 $0x1F, v39;
	v40 =	vsel vm0, v43, v40;
	v20 =	vld.idx.msk [tilespmem:v20+s4+$0x0], $0xffff;
	[tilespmem:s8+$0x0] =	vst v19;
	s8 =	smov.u32 s7  }
0x708: {  	v43 =	vadd.s32 $0x20, v41;
	v47 =	vadd.s32 $0x1F, v40;
	vm0 =	vlt.f32 v52, v14;
	v19 =	vld.idx.msk [tilespmem:v56+s4+$0x0], $0xffff  }
0x709: {  	v49 =	vadd.s32 $0x20, v39;
	v52 =	vadd.s32 $0x20, v40;
	v54 =	vsel vm0, $0x1, v5;
	v48 =	vld.idx.msk [tilespmem:v57+s4+$0x0], $0xffff  }
0x70a: {  	vm0 =	vlt.f32 v46, v18;
	v46 =	vadd.s32 $0x20, v42;
	v29 =	vadd.s32 v54, v29;
	v54 =	vld.idx.msk [tilespmem:v25+s22+$0x0], $0xffff  }
0x70b: {  	v56 =	vor.u32 $0x400, v21;
	v42 =	vsel vm0, v46, v42;
	v29 =	vmax.u32 v29, $0x1;
	v46 =	vld.idx.msk [tilespmem:v33+s22+$0x0], $0xffff  }
0x70c: {  	vm0 =	vlt.f32 v24, v31;
	v29 =	vmin.u32 v29, $0xFFF;
	v24 =	vld.idx.msk [tilespmem:v44+s4+$0x0], $0xffff;
	v44 =	vadd.s32 $0xF, v42  }
0x70d: {  	vm1 =	vlt.f32 v20, v27;
	v20 =	vsel vm0, v56, v21;
	v29 =	vadd.s32 $0xFFFFFFFF, v29;
	v45 =	vld.idx.msk [tilespmem:v45+s4+$0x0], $0xffff  }
0x70e: {  	v55 =	vsel vm1, v55, v23;
	vm0 =	vlt.f32 v19, v16;
	v23 =	vor.u32 $0x1FF, v20;
	v47 =	vld.idx.msk [tilespmem:v47+s4+$0x0], $0xffff  }
0x70f: {  	vm1 =	vlt.f32 v48, v30;
	v48 =	vor.u32 $0x1FF, v55;
	v51 =	vsel vm0, v59, v51;
	v19 =	vld.idx.msk [tilespmem:v28+s22+$0x0], $0xffff  }
0x710: {  	v56 =	vor.u32 $0x200, v55;
	v22 =	vsel vm1, v58, v22;
	v57 =	vor.u32 $0x1FF, v51;
	v21 =	vld.idx.msk [tilespmem:v25+s18+$0x0], $0xffff  }
0x711: {  	v59 =	vor.u32 $0x200, v51;
	v25 =	vor.u32 $0x1FF, v22;
	v58 =	vor.u32 $0x200, v22;
	v44 =	vld.idx.msk [tilespmem:v44+s4+$0x0], $0xffff  }
0x712: {  	vm2 =	vlt.f32 v53, v11;
	vm1 =	vlt.f32 v50, v13;
	vm0 =	vlt.f32 v24, v17;
	v24 =	vld.idx.msk [tilespmem:v29+s22+$0x0], $0xffff  }
0x713: {  	vm3 =	vlt.f32 v32, v9;
	v41 =	vsel vm0, v43, v41;
	vm0 =	vlt.f32 v45, v15;
	v50 =	vld.idx.msk [tilespmem:v23+s4+$0x0], $0xffff  }
0x714: {  	v32 =	vadd.s32 $0xF, v41;
	v39 =	vsel vm0, v49, v39;
	vm0 =	vlt.f32 v47, v12;
	v29 =	vld.idx.msk [tilespmem:v29+s18+$0x0], $0xffff  }
0x715: {  	v45 =	vadd.s32 $0x10, v41;
	v47 =	vadd.s32 $0xF, v39;
	v40 =	vsel vm0, v52, v40;
	v43 =	vld.idx.msk [tilespmem:v48+s4+$0x0], $0xffff  }
0x716: {  	v48 =	vadd.s32 $0x10, v39;
	v49 =	vadd.s32 $0xF, v40;
	v52 =	vadd.s32 $0x10, v40;
	v25 =	vld.idx.msk [tilespmem:v25+s4+$0x0], $0xffff  }
0x717: {  	v34 =	vsel vm2, v37, v34;
	v26 =	vsel vm1, v35, v26;
	v35 =	vsel vm3, v38, v36;
	v53 =	vld.idx.msk [tilespmem:v57+s4+$0x0], $0xffff  }
0x718: {  	v36 =	vadd.s32 $0x10, v42;
	vm0 =	vlt.f32 v44, v18;
	v24 =	vmul.f32 v24, v14;
	v14 =	vmovc v18;
	v23 =	vld.idx.msk [tilespmem:v33+s18+$0x0], $0xffff  }
0x719: {  	v36 =	vsel vm0, v36, v42;
	v18 =	vmovc v31;
	vm1 =	vlt.f32 v50, v31;
	v33 =	vor.u32 $0x200, v20;
	v32 =	vld.idx.msk [tilespmem:v32+s4+$0x0], $0xffff  }
0x71a: {  	v37 =	vadd.s32 $0x7, v36;
	v31 =	vsel vm1, v33, v20;
	v24 =	vadd.f32 v24, v29;
	v33 =	vld.idx.msk [tilespmem:v47+s4+$0x0], $0xffff  }
0x71b: {  	s7 =	sadd.s32 $0x40, s7;
	v20 =	vmul.f32 v54, v8;
	v8 =	vmovc v13;
	vm0 =	vlt.f32 v43, v27;
	v29 =	vor.u32 $0xFF, v31;
	v38 =	vld.idx.msk [tilespmem:v49+s4+$0x0], $0xffff  }
0x71c: {  	v13 =	vmov v17;
	vm1 =	vlt.f32 v25, v30;
	v25 =	vsel vm0, v56, v55;
	v42 =	vld.idx.msk [tilespmem:v26+s4+$0x0], $0xffff;
	[tilespmem:s7+$0x10] =	vst v24  }
0x71d: {  	v17 =	vmovc v30;
	v43 =	vsel vm1, v58, v22;
	v44 =	vor.u32 $0xFF, v25;
	vm0 =	vlt.f32 v53, v16;
	v47 =	vld.idx.msk [tilespmem:v34+s4+$0x0], $0xffff  }
0x71e: {  	v30 =	vor.u32 $0xFF, v43;
	v49 =	vor.u32 $0x100, v43;
	v50 =	vsel vm0, v59, v51;
	v51 =	vld.idx.msk [tilespmem:v35+s4+$0x0], $0xffff  }
0x71f: {  	v53 =	vor.u32 $0x100, v25;
	v54 =	vor.u32 $0xFF, v50;
	v55 =	vor.u32 $0x100, v50;
	v37 =	vld.idx.msk [tilespmem:v37+s4+$0x0], $0xffff  }
0x720: {  	v22 =	vmul.f32 v46, v10;
	vm0 =	vlt.f32 v32, v13;
	vm1 =	vlt.f32 v33, v15;
	v29 =	vld.idx.msk [tilespmem:v29+s4+$0x0], $0xffff  }
0x721: {  	v32 =	vsel vm0, v45, v41;
	v33 =	vsel vm1, v48, v39;
	vm0 =	vlt.f32 v38, v12;
	v24 =	vld.idx.msk [tilespmem:v28+s18+$0x0], $0xffff  }
0x722: {  	v10 =	vmovc v11;
	v11 =	vmovc v15;
	v38 =	vadd.s32 $0x7, v32;
	v39 =	vadd.s32 $0x7, v33;
	v40 =	vsel vm0, v52, v40;
	v28 =	vld.idx.msk [tilespmem:v44+s4+$0x0], $0xffff  }
0x723: {  	v15 =	vmovc v27;
	v41 =	vadd.s32 $0x8, v32;
	v44 =	vadd.s32 $0x8, v33;
	v45 =	vadd.s32 $0x7, v40;
	v30 =	vld.idx.msk [tilespmem:v30+s4+$0x0], $0xffff  }
0x724: {  	vm0 =	vlt.f32 v42, v8;
	v46 =	vadd.s32 $0x8, v40;
	vm1 =	vlt.f32 v47, v10;
	v27 =	vld.idx.msk [tilespmem:v54+s4+$0x0], $0xffff  }
0x725: {  	vm3 =	vlt.f32 v51, v9;
	vm2 =	vlt.f32 v37, v14;
	v37 =	vadd.s32 $0x8, v36  }
0x726: {  	vm4 =	vlt.f32 v29, v18;
	v29 =	vor.u32 $0x100, v31;
	v36 =	vsel vm2, v37, v36  }
0x727: {  	v37 =	vsel vm4, v29, v31;
	v31 =	vadd.s32 $0x3, v36;
	v29 =	vld.idx.msk [tilespmem:v38+s4+$0x0], $0xffff;
	v38 =	vsel vm0, $0x1, v5  }
0x728: {  	v42 =	vsel vm1, $0x1, v5;
	vm0 =	vlt.f32 v28, v15;
	v28 =	vadd.s32 $0x7F, v37;
	v39 =	vld.idx.msk [tilespmem:v39+s4+$0x0], $0xffff  }
0x729: {  	vm1 =	vlt.f32 v30, v17;
	v25 =	vsel vm0, v53, v25;
	v30 =	vld.idx.msk [tilespmem:v45+s4+$0x0], $0xffff;
	v45 =	vsel vm3, $0x1, v5  }
0x72a: {  	v43 =	vsel vm1, v49, v43;
	v47 =	vadd.s32 $0x7F, v25;
	vm0 =	vlt.f32 v27, v16  }
0x72b: {  	v48 =	vadd.s32 $0x7F, v43;
	v49 =	vadd.s32 $0x80, v43;
	v50 =	vsel vm0, v55, v50  }
0x72c: {  	v51 =	vadd.s32 $0x80, v25;
	v52 =	vadd.s32 $0x7F, v50;
	v53 =	vadd.s32 $0x80, v50;
	v54 =	vld.idx.msk [tilespmem:v31+s4+$0x0], $0xffff  }
0x72d: {  	v34 =	vadd.s32 v42, v34;
	v26 =	vadd.s32 v38, v26;
	vm0 =	vlt.f32 v29, v13;
	v55 =	vld.idx.msk [tilespmem:v28+s4+$0x0], $0xffff  }
0x72e: {  	v38 =	vsel vm0, v41, v32;
	vm0 =	vlt.f32 v39, v11;
	v32 =	vadd.s32 v45, v35  }
0x72f: {  	v39 =	vadd.s32 $0x3, v38;
	v27 =	vsel vm0, v44, v33;
	vm0 =	vlt.f32 v30, v12;
	v35 =	vld.idx.msk [tilespmem:v47+s4+$0x0], $0xffff  }
0x730: {  	v56 =	vadd.s32 $0x4, v38;
	v41 =	vadd.s32 $0x3, v27;
	v28 =	vsel vm0, v46, v40;
	v33 =	vld.idx.msk [tilespmem:v48+s4+$0x0], $0xffff  }
0x731: {  	v31 =	vadd.s32 $0x4, v27;
	v42 =	vadd.s32 $0x3, v28;
	v30 =	vadd.s32 $0x4, v28;
	v40 =	vld.idx.msk [tilespmem:v52+s4+$0x0], $0xffff  }
0x732: {  	v26 =	vmax.u32 v26, $0x1;
	v29 =	vadd.s32 $0x4, v36;
	vm0 =	vlt.f32 v54, v14  }
0x733: {  	v44 =	vadd.s32 $0x80, v37;
	vm1 =	vlt.f32 v55, v18;
	v29 =	vsel vm0, v29, v36  }
0x734: {  	v34 =	vmax.u32 v34, $0x1;
	v46 =	vsel vm1, v44, v37;
	v37 =	vadd.s32 $0x1, v29;
	v36 =	vld.idx.msk [tilespmem:v39+s4+$0x0], $0xffff  }
0x735: {  	v32 =	vmax.u32 v32, $0x1;
	vm0 =	vlt.f32 v35, v15;
	v52 =	vadd.s32 $0x3F, v46;
	v54 =	vld.idx.msk [tilespmem:v41+s4+$0x0], $0xffff  }
0x736: {  	vm1 =	vlt.f32 v33, v17;
	v39 =	vsel vm0, v51, v25;
	v25 =	vmin.u32 v26, $0xFFF;
	v35 =	vld.idx.msk [tilespmem:v42+s4+$0x0], $0xffff  }
.Ltmp18:
0x737: {  	v41 =	vsel vm1, v49, v43;
	v47 =	vadd.s32 $0x3F, v39;
	vm0 =	vlt.f32 v40, v16;
	(pc) =	sbr.rel @p1 .LBB2_30-.Ltmp18, $4  }
0x738: {  	v49 =	vadd.s32 $0x3F, v41;
	v44 =	vadd.s32 $0x40, v41;
	v40 =	vsel vm0, v53, v50  }
0x739: {  	v45 =	vadd.s32 $0x40, v39;
	v48 =	vadd.s32 $0x3F, v40;
	v43 =	vadd.s32 $0x40, v40;
	v42 =	vld.idx.msk [tilespmem:v37+s4+$0x0], $0xffff  }
0x73a: {  	v32 =	vmin.u32 v32, $0xFFF;
	v33 =	vmin.u32 v34, $0xFFF;
	vm0 =	vlt.f32 v36, v13;
	v50 =	vld.idx.msk [tilespmem:v52+s4+$0x0], $0xffff  }
0x73b: {  	v25 =	vadd.s32 $0xFFFFFFFF, v25;
	v26 =	vsel vm0, v56, v38;
	vm0 =	vlt.f32 v54, v11  }
0x73c: {  	_ =	sdelay $0x3  }
0x73d: {  	v34 =	vld.idx.msk [tilespmem:v49+s4+$0x0], $0xffff;
	_ =	sdelay $0x1  }
0x73e: {  	v36 =	vadd.s32 $0x40, v46;
	v37 =	vld.idx.msk [tilespmem:v47+s4+$0x0], $0xffff;
	vm1 =	vlt.f32 v50, v18  }
0x73f: {  	v38 =	vld.idx.msk [tilespmem:v48+s4+$0x0], $0xffff;
	v36 =	vsel vm1, v36, v46  }
0x740: {  	v46 =	vadd.s32 $0x1F, v36  }
0x741: {  	vm1 =	vlt.f32 v34, v17  }
0x742: {  	v34 =	vsel vm1, v44, v41  }
0x743: {  	vm2 =	vlt.f32 v37, v15;
	v58 =	vadd.s32 $0x1F, v34  }
0x744: {  	v37 =	vsel vm2, v45, v39;
	vm1 =	vlt.f32 v38, v16  }
0x745: {  	v60 =	vadd.s32 $0x1F, v37;
	v40 =	vsel vm1, v43, v40;
	v59 =	vld.idx.msk [tilespmem:v46+s4+$0x0], $0xffff  }
0x746: {  	v43 =	vadd.s32 $0x1F, v40;
	_ =	sdelay $0x1  }
0x747: {  	v38 =	vld.idx.msk [tilespmem:v58+s4+$0x0], $0xffff;
	_ =	sdelay $0x1  }
0x748: {  	v61 =	vadd.s32 $0x20, v36;
	v41 =	vld.idx.msk [tilespmem:v60+s4+$0x0], $0xffff;
	vm1 =	vlt.f32 v59, v18  }
0x749: {  	v62 =	vld.idx.msk [tilespmem:v43+s4+$0x0], $0xffff;
	v36 =	vsel vm1, v61, v36  }
0x74a: {  	v63 =	vadd.s32 $0xF, v36  }
0x74b: {  	v44 =	vadd.s32 $0x20, v34;
	vm1 =	vlt.f32 v38, v17  }
0x74c: {  	v34 =	vsel vm1, v44, v34  }
0x74d: {  	v45 =	vadd.s32 $0x20, v37;
	vm1 =	vlt.f32 v41, v15;
	v48 =	vadd.s32 $0xF, v34  }
0x74e: {  	v47 =	vadd.s32 $0x20, v40;
	v37 =	vsel vm1, v45, v37;
	vm1 =	vlt.f32 v62, v16  }
0x74f: {  	v50 =	vadd.s32 $0xF, v37;
	v38 =	vsel vm1, v47, v40;
	v49 =	vld.idx.msk [tilespmem:v63+s4+$0x0], $0xffff  }
0x750: {  	v40 =	vadd.s32 $0xF, v38;
	_ =	sdelay $0x1  }
0x751: {  	v41 =	vld.idx.msk [tilespmem:v48+s4+$0x0], $0xffff;
	_ =	sdelay $0x1  }
0x752: {  	v51 =	vadd.s32 $0x10, v36;
	v43 =	vld.idx.msk [tilespmem:v50+s4+$0x0], $0xffff;
	vm1 =	vlt.f32 v49, v18  }
0x753: {  	v52 =	vld.idx.msk [tilespmem:v40+s4+$0x0], $0xffff;
	v36 =	vsel vm1, v51, v36  }
0x754: {  	v53 =	vadd.s32 $0x7, v36  }
0x755: {  	v44 =	vadd.s32 $0x10, v34;
	vm1 =	vlt.f32 v41, v17  }
0x756: {  	v34 =	vsel vm1, v44, v34  }
0x757: {  	v45 =	vadd.s32 $0x10, v37;
	vm2 =	vlt.f32 v43, v15;
	v55 =	vadd.s32 $0x7, v34  }
0x758: {  	v54 =	vadd.s32 $0x10, v38;
	v37 =	vsel vm2, v45, v37;
	vm1 =	vlt.f32 v52, v16  }
0x759: {  	v56 =	vadd.s32 $0x7, v37;
	v38 =	vsel vm1, v54, v38;
	v40 =	vld.idx.msk [tilespmem:v53+s4+$0x0], $0xffff  }
0x75a: {  	v41 =	vadd.s32 $0x7, v38;
	_ =	sdelay $0x1  }
0x75b: {  	v39 =	vld.idx.msk [tilespmem:v55+s4+$0x0], $0xffff;
	_ =	sdelay $0x1  }
0x75c: {  	v57 =	vadd.s32 $0x8, v36;
	v43 =	vld.idx.msk [tilespmem:v56+s4+$0x0], $0xffff;
	vm1 =	vlt.f32 v40, v18  }
0x75d: {  	v58 =	vld.idx.msk [tilespmem:v41+s4+$0x0], $0xffff;
	v36 =	vsel vm1, v57, v36  }
0x75e: {  	v59 =	vadd.s32 $0x3, v36  }
0x75f: {  	v61 =	vadd.s32 $0x8, v34;
	vm1 =	vlt.f32 v39, v17  }
0x760: {  	v60 =	vadd.s32 $0x1, v26;
	v34 =	vsel vm1, v61, v34  }
0x761: {  	v62 =	vadd.s32 $0x8, v37;
	vm1 =	vlt.f32 v43, v15;
	v45 =	vadd.s32 $0x3, v34  }
0x762: {  	v63 =	vadd.s32 $0x8, v38;
	v37 =	vsel vm1, v62, v37;
	vm1 =	vlt.f32 v58, v16  }
0x763: {  	v48 =	vadd.s32 $0x3, v37;
	v38 =	vsel vm1, v63, v38;
	v47 =	vld.idx.msk [tilespmem:v59+s4+$0x0], $0xffff  }
0x764: {  	v39 =	vadd.s32 $0x3, v38  }
0x765: {  	v27 =	vsel vm0, v31, v27;
	vm0 =	vlt.f32 v35, v12;
	v31 =	vld.idx.msk [tilespmem:v60+s4+$0x0], $0xffff  }
0x766: {  	v28 =	vsel vm0, v30, v28;
	v49 =	vadd.s32 $0x1, v27;
	v50 =	vld.idx.msk [tilespmem:v45+s4+$0x0], $0xffff  }
0x767: {  	v30 =	vadd.s32 $0x1, v28;
	vm0 =	vlt.f32 v42, v14  }
0x768: {  	v51 =	vadd.s32 $0x2, v29;
	v52 =	vadd.s32 $0x4, v36;
	v41 =	vld.idx.msk [tilespmem:v48+s4+$0x0], $0xffff;
	vm1 =	vlt.f32 v47, v18  }
0x769: {  	v29 =	vsel vm0, v51, v29;
	v39 =	vld.idx.msk [tilespmem:v39+s4+$0x0], $0xffff;
	v36 =	vsel vm1, v52, v36  }
0x76a: {  	vm0 =	vlt.f32 v31, v13;
	v53 =	vadd.s32 $0x2, v26;
	v31 =	vadd.s32 $0x1, v36  }
0x76b: {  	v35 =	vld.idx.msk [tilespmem:v49+s4+$0x0], $0xffff;
	v26 =	vsel vm0, v53, v26;
	v54 =	vadd.s32 $0x4, v34;
	vm0 =	vlt.f32 v50, v17  }
0x76c: {  	v34 =	vsel vm0, v54, v34  }
0x76d: {  	v30 =	vld.idx.msk [tilespmem:v30+s4+$0x0], $0xffff;
	v55 =	vadd.s32 $0x4, v37;
	vm0 =	vlt.f32 v41, v15;
	v58 =	vadd.s32 $0x1, v34  }
0x76e: {  	v57 =	vld.idx.msk [tilespmem:v29+s4+$0x0], $0xffff;
	v56 =	vadd.s32 $0x4, v38;
	v37 =	vsel vm0, v55, v37;
	vm0 =	vlt.f32 v39, v16  }
0x76f: {  	v59 =	vadd.s32 $0x1, v37;
	v38 =	vsel vm0, v56, v38;
	v31 =	vld.idx.msk [tilespmem:v31+s4+$0x0], $0xffff  }
0x770: {  	v60 =	vadd.s32 $0x2, v27;
	vm0 =	vlt.f32 v35, v11;
	v61 =	vadd.s32 $0x1, v38  }
0x771: {  	v27 =	vsel vm0, v60, v27  }
0x772: {  	v33 =	vadd.s32 $0xFFFFFFFF, v33;
	v62 =	vadd.s32 $0x2, v28;
	vm1 =	vlt.f32 v30, v12;
	v63 =	vld.idx.msk [tilespmem:v58+s4+$0x0], $0xffff  }
0x773: {  	v30 =	vld.idx.msk [tilespmem:v26+s4+$0x0], $0xffff;
	v28 =	vsel vm1, v62, v28;
	vm0 =	vlt.f32 v57, v14  }
0x774: {  	v44 =	vsel vm0, $0x1, v5;
	v39 =	vld.idx.msk [tilespmem:v59+s4+$0x0], $0xffff;
	vm0 =	vlt.f32 v31, v18;
	v31 =	vadd.s32 $0x2, v36  }
0x775: {  	v35 =	vld.idx.msk [tilespmem:v61+s4+$0x0], $0xffff;
	v31 =	vsel vm0, v31, v36  }
0x776: {  	v32 =	vadd.s32 $0xFFFFFFFF, v32;
	v7 =	vmul.f32 v19, v7;
	v45 =	vld.idx.msk [tilespmem:v27+s4+$0x0], $0xffff  }
0x777: {  	v53 =	vld.idx.msk [tilespmem:v33+s22+$0x0], $0xffff;
	v47 =	vadd.s32 $0x2, v34;
	v29 =	vadd.s32 v44, v29;
	vm0 =	vlt.f32 v63, v17  }
0x778: {  	v49 =	vadd.s32 $0x2, v37;
	v46 =	vld.idx.msk [tilespmem:v28+s4+$0x0], $0xffff;
	v29 =	vmax.u32 v29, $0x1;
	v34 =	vsel vm0, v47, v34  }
0x779: {  	v33 =	vld.idx.msk [tilespmem:v33+s18+$0x0], $0xffff;
	v50 =	vadd.s32 $0x2, v38;
	v29 =	vmin.u32 v29, $0xFFF;
	vm1 =	vlt.f32 v39, v15  }
0x77a: {  	vm0 =	vlt.f32 v35, v16;
	v52 =	vsel vm1, v49, v37;
	vm1 =	vlt.f32 v30, v13;
	v51 =	vld.idx.msk [tilespmem:v31+s4+$0x0], $0xffff  }
0x77b: {  	v48 =	vld.idx.msk [tilespmem:v25+s22+$0x0], $0xffff;
	vm2 =	vlt.f32 v45, v11;
	v30 =	vsel vm0, v50, v38;
	v55 =	vsel vm1, $0x1, v5  }
0x77c: {  	v25 =	vld.idx.msk [tilespmem:v25+s18+$0x0], $0xffff;
	v29 =	vadd.s32 $0xFFFFFFFF, v29;
	v56 =	vsel vm2, $0x1, v5;
	v26 =	vadd.s32 v55, v26  }
0x77d: {  	vm0 =	vlt.f32 v46, v12;
	v27 =	vadd.s32 v56, v27;
	v26 =	vmax.u32 v26, $0x1;
	v57 =	vld.idx.msk [tilespmem:v34+s4+$0x0], $0xffff  }
0x77e: {  	v54 =	vld.idx.msk [tilespmem:v32+s22+$0x0], $0xffff;
	v41 =	vsel vm0, $0x1, v5;
	v27 =	vmax.u32 v27, $0x1;
	v26 =	vmin.u32 v26, $0xFFF  }
0x77f: {  	v27 =	vmin.u32 v27, $0xFFF;
	v58 =	vld.idx.msk [tilespmem:v52+s4+$0x0], $0xffff;
	v26 =	vadd.s32 $0xFFFFFFFF, v26;
	vm0 =	vlt.f32 v51, v18  }
0x780: {  	v28 =	vadd.s32 v41, v28;
	v27 =	vadd.s32 $0xFFFFFFFF, v27;
	v60 =	vld.idx.msk [tilespmem:v30+s4+$0x0], $0xffff;
	v59 =	vsel vm0, $0x1, v5  }
0x781: {  	v22 =	vadd.f32 v22, v23;
	v32 =	vld.idx.msk [tilespmem:v32+s18+$0x0], $0xffff;
	v28 =	vmax.u32 v28, $0x1;
	v31 =	vadd.s32 v59, v31  }
0x782: {  	v61 =	vld.idx.msk [tilespmem:v29+s22+$0x0], $0xffff;
	v28 =	vmin.u32 v28, $0xFFF;
	vm0 =	vlt.f32 v57, v17;
	v31 =	vmax.u32 v31, $0x1  }
0x783: {  	v29 =	vld.idx.msk [tilespmem:v29+s18+$0x0], $0xffff;
	v28 =	vadd.s32 $0xFFFFFFFF, v28;
	v38 =	vsel vm0, $0x1, v5;
	v31 =	vmin.u32 v31, $0xFFF  }
0x784: {  	vm1 =	vlt.f32 v58, v15;
	v62 =	vld.idx.msk [tilespmem:v26+s22+$0x0], $0xffff;
	v34 =	vadd.s32 v38, v34;
	v31 =	vadd.s32 $0xFFFFFFFF, v31  }
0x785: {  	v45 =	vld.idx.msk [tilespmem:v27+s22+$0x0], $0xffff;
	vm0 =	vlt.f32 v60, v16;
	v63 =	vsel vm1, $0x1, v5;
	v34 =	vmax.u32 v34, $0x1  }
0x786: {  	v26 =	vld.idx.msk [tilespmem:v26+s18+$0x0], $0xffff;
	v42 =	vsel vm0, $0x1, v5;
	v35 =	vadd.s32 v63, v52;
	v34 =	vmin.u32 v34, $0xFFF  }
0x787: {  	v23 =	vld.idx.msk [tilespmem:v27+s18+$0x0], $0xffff;
	v30 =	vadd.s32 v42, v30;
	v35 =	vmax.u32 v35, $0x1;
	v34 =	vadd.s32 $0xFFFFFFFF, v34  }
0x788: {  	v19 =	vadd.f32 v20, v21;
	v46 =	vld.idx.msk [tilespmem:v28+s22+$0x0], $0xffff;
	v30 =	vmax.u32 v30, $0x1;
	v35 =	vmin.u32 v35, $0xFFF  }
0x789: {  	v8 =	vmul.f32 v48, v8;
	v30 =	vmin.u32 v30, $0xFFF;
	v35 =	vadd.s32 $0xFFFFFFFF, v35;
	v47 =	vld.idx.msk [tilespmem:v31+s22+$0x0], $0xffff  }
0x78a: {  	[tilespmem:s8+$0xFFFFFFE0] =	vst v19;
	v7 =	vadd.f32 v7, v24;
	v14 =	vmul.f32 v61, v14;
	v19 =	vld.idx.msk [tilespmem:v28+s18+$0x0], $0xffff;
	v21 =	vadd.s32 $0xFFFFFFFF, v30  }
0x78b: {  	[tilespmem:s8+$0xFFFFFFF0] =	vst v22;
	v8 =	vadd.f32 v8, v25;
	v20 =	vld.idx.msk [tilespmem:v31+s18+$0x0], $0xffff  }
0x78c: {  	[tilespmem:s8+$0x0] =	vst v7;
	v10 =	vmul.f32 v53, v10;
	v14 =	vadd.f32 v14, v29;
	v22 =	vld.idx.msk [tilespmem:v34+s22+$0x0], $0xffff  }
0x78d: {  	s2 =	sadd.s32 $0x40, s7;
	[tilespmem:s7+$0xFFFFFFE0] =	vst v8;
	v7 =	vmul.f32 v54, v9;
	v8 =	vmul.f32 v62, v13;
	v13 =	vld.idx.msk [tilespmem:v34+s18+$0x0], $0xffff  }
0x78e: {  	v10 =	vadd.f32 v10, v33;
	[tilespmem:s2+$0x10] =	vst v14;
	v9 =	vld.idx.msk [tilespmem:v35+s22+$0x0], $0xffff;
	v14 =	vmul.f32 v47, v18  }
0x78f: {  	v7 =	vadd.f32 v7, v32;
	v18 =	vld.idx.msk [tilespmem:v21+s22+$0x0], $0xffff  }
0x790: {  	[tilespmem:s7+$0xFFFFFFF0] =	vst v10;
	v11 =	vmul.f32 v45, v11;
	v10 =	vadd.f32 v14, v20;
	v14 =	vld.idx.msk [tilespmem:v35+s18+$0x0], $0xffff  }
0x791: {  	s21 =	sadd.s32 $0x40, s2;
	[tilespmem:s7+$0x0] =	vst v7;
	v7 =	vmul.f32 v46, v12;
	v8 =	vadd.f32 v8, v26;
	v12 =	vld.idx.msk [tilespmem:v21+s18+$0x0], $0xffff  }
0x792: {  	[tilespmem:s21+$0x10] =	vst v10;
	v10 =	vadd.f32 v11, v23;
	v11 =	vmul.f32 v22, v17  }
0x793: {  	v7 =	vadd.f32 v7, v19;
	[tilespmem:s2+$0xFFFFFFE0] =	vst v8;
	v8 =	vmul.f32 v9, v15  }
0x794: {  	v9 =	vmul.f32 v18, v16;
	[tilespmem:s2+$0xFFFFFFF0] =	vst v10;
	v10 =	vadd.f32 v11, v13  }
0x795: {  	[tilespmem:s2+$0x0] =	vst v7;
	v7 =	vadd.f32 v8, v14  }
0x796: {  	v8 =	vadd.f32 v9, v12;
	[tilespmem:s21+$0xFFFFFFE0] =	vst v10  }
0x797: {  	s0 =	sshrl.u32 s0, $0x3;
	[tilespmem:s21+$0xFFFFFFF0] =	vst v7  }
0x798: {  	p1 =	seq.s32 s30, $0x7;
	s0 =	sadd.s32 s3, s0;
	[tilespmem:s21+$0x0] =	vst v8  }
0x799: {  	[hbm4b:s0+s15] =	stream.strided.scatter [tilespmem:s23], [sflag:$0x3], $0x2000, s16, s15, $0x38;
	[tilespmem:$0xC100] =	vst v63  }
0x79a: {  	s0 =	sadd.s32 @!p1 s31, s11  }
0x79b: {  	s8 =	simm.s32 @!p1 $0x4100;
	s0 =	sshrl.u32 @!p1 s0, $0x3  }
0x79c: {  	s7 =	simm.s32 @!p1 $0x400;
	s2 =	simm.s32 @!p1 $0x80;
	s0 =	sadd.s32 @!p1 s1, s0  }
0x79d: {  	[tilespmem:s8], [sflag:$0x1] =	stream.strided.gather @!p1 [hbm4b:s0+s2], $0x2000, s7, s2, $0x38;
	[tilespmem:$0xC100] =	vst v63  }
0x79e: {  	_ =	swait.ge [sflag:s24], $0x2000  }
0x79f: {  	[sflag:s24] =	ssyncset.done $0x0  }
0x7a0: {  	s0 =	simm.s32 @!p0 $0x4;
	[sflag:s24] =	ssyncadd.s32 $0xFFFFE000  }
0x7a1: {  	_ =	swait.ge @!p0 [sflag:s0], $0x2000  }
0x7a2: {  	[sflag:s0] =	ssyncset.done @!p0 $0x0  }
0x7a3: {  	[sflag:s0] =	ssyncadd.s32 @!p0 $0xFFFFE000  }
0x7a4: {  	s26 =	simm.s32 $0x6120;
	v8 =	vld.idx.msk [tilespmem:v4+s4+$0x0], $0xffff  }
0x7a5: {  	v15 =	vld [tilespmem:s26+$0x10];
	_ =	sdelay $0x4  }
0x7a6: {  	vm0 =	vlt.f32 v8, v15  }
0x7a7: {  	v9 =	vsel vm0, $0x800, v5  }
0x7a8: {  	v19 =	vld [tilespmem:s26+$0xFFFFFFF0];
	v10 =	vor.u32 $0x3FF, v9  }
0x7a9: {  	v20 =	vld [tilespmem:s26+$0xFFFFFFE0];
	_ =	sdelay $0x1  }
0x7aa: {  	v7 =	vld [tilespmem:s26+$0x0];
	_ =	sdelay $0x1  }
0x7ab: {  	vm0 =	vlt.f32 v8, v19;
	v10 =	vld.idx.msk [tilespmem:v10+s4+$0x0], $0xffff  }
0x7ac: {  	v11 =	vsel vm0, $0x800, v5;
	vm0 =	vlt.f32 v8, v20  }
0x7ad: {  	v12 =	vor.u32 $0x3FF, v11;
	v13 =	vsel vm0, $0x800, v5  }
0x7ae: {  	vm0 =	vlt.f32 v8, v7;
	v8 =	vor.u32 $0x3FF, v13  }
0x7af: {  	v14 =	vsel vm0, $0x800, v5  }
0x7b0: {  	v16 =	vor.u32 $0x400, v9;
	vm0 =	vlt.f32 v10, v15;
	v10 =	vor.u32 $0x3FF, v14  }
0x7b1: {  	v9 =	vsel vm0, v16, v9  }
0x7b2: {  	v12 =	vld.idx.msk [tilespmem:v12+s4+$0x0], $0xffff;
	v16 =	vor.u32 $0x1FF, v9  }
0x7b3: {  	v8 =	vld.idx.msk [tilespmem:v8+s4+$0x0], $0xffff;
	_ =	sdelay $0x1  }
0x7b4: {  	v10 =	vld.idx.msk [tilespmem:v10+s4+$0x0], $0xffff;
	_ =	sdelay $0x1  }
0x7b5: {  	v17 =	vor.u32 $0x400, v11;
	vm0 =	vlt.f32 v12, v19;
	v16 =	vld.idx.msk [tilespmem:v16+s4+$0x0], $0xffff  }
0x7b6: {  	v12 =	vor.u32 $0x400, v13;
	v11 =	vsel vm0, v17, v11;
	vm0 =	vlt.f32 v8, v20  }
0x7b7: {  	v8 =	vor.u32 $0x1FF, v11;
	v12 =	vsel vm0, v12, v13  }
0x7b8: {  	v13 =	vor.u32 $0x400, v14;
	vm0 =	vlt.f32 v10, v7;
	v10 =	vor.u32 $0x1FF, v12  }
0x7b9: {  	v13 =	vsel vm0, v13, v14  }
0x7ba: {  	v14 =	vor.u32 $0x200, v9;
	vm0 =	vlt.f32 v16, v15;
	v16 =	vor.u32 $0x1FF, v13  }
0x7bb: {  	v9 =	vsel vm0, v14, v9  }
0x7bc: {  	v8 =	vld.idx.msk [tilespmem:v8+s4+$0x0], $0xffff;
	v14 =	vor.u32 $0xFF, v9  }
0x7bd: {  	v10 =	vld.idx.msk [tilespmem:v10+s4+$0x0], $0xffff;
	_ =	sdelay $0x1  }
0x7be: {  	v16 =	vld.idx.msk [tilespmem:v16+s4+$0x0], $0xffff;
	_ =	sdelay $0x1  }
0x7bf: {  	v17 =	vor.u32 $0x200, v11;
	v14 =	vld.idx.msk [tilespmem:v14+s4+$0x0], $0xffff  }
0x7c0: {  	vm0 =	vlt.f32 v8, v19;
	v8 =	vor.u32 $0x200, v12;
	vm1 =	vlt.f32 v10, v20  }
0x7c1: {  	v10 =	vsel vm0, v17, v11;
	v8 =	vsel vm1, v8, v12  }
0x7c2: {  	v12 =	vor.u32 $0x200, v13;
	vm0 =	vlt.f32 v16, v7;
	v16 =	vor.u32 $0xFF, v8  }
0x7c3: {  	v11 =	vor.u32 $0xFF, v10;
	v12 =	vsel vm0, v12, v13  }
0x7c4: {  	v13 =	vor.u32 $0x100, v9;
	vm0 =	vlt.f32 v14, v15;
	v14 =	vor.u32 $0xFF, v12  }
0x7c5: {  	v9 =	vsel vm0, v13, v9  }
0x7c6: {  	v13 =	vadd.s32 $0x7F, v9  }
0x7c7: {  	v16 =	vld.idx.msk [tilespmem:v16+s4+$0x0], $0xffff  }
0x7c8: {  	v11 =	vld.idx.msk [tilespmem:v11+s4+$0x0], $0xffff  }
0x7c9: {  	v14 =	vld.idx.msk [tilespmem:v14+s4+$0x0], $0xffff;
	_ =	sdelay $0x1  }
0x7ca: {  	v13 =	vld.idx.msk [tilespmem:v13+s4+$0x0], $0xffff  }
0x7cb: {  	v18 =	vor.u32 $0x100, v10;
	v17 =	vor.u32 $0x100, v8;
	vm1 =	vlt.f32 v16, v20  }
0x7cc: {  	vm0 =	vlt.f32 v11, v19;
	v11 =	vor.u32 $0x100, v12;
	v8 =	vsel vm1, v17, v8  }
0x7cd: {  	v10 =	vsel vm0, v18, v10;
	vm0 =	vlt.f32 v14, v7;
	v14 =	vadd.s32 $0x7F, v8  }
0x7ce: {  	v16 =	vadd.s32 $0x7F, v10;
	v11 =	vsel vm0, v11, v12  }
0x7cf: {  	vm0 =	vlt.f32 v13, v15;
	v13 =	vadd.s32 $0x7F, v11  }
0x7d0: {  	v12 =	vadd.s32 $0x80, v9  }
0x7d1: {  	v9 =	vsel vm0, v12, v9  }
0x7d2: {  	v12 =	vadd.s32 $0x3F, v9;
	v14 =	vld.idx.msk [tilespmem:v14+s4+$0x0], $0xffff  }
0x7d3: {  	v16 =	vld.idx.msk [tilespmem:v16+s4+$0x0], $0xffff  }
0x7d4: {  	v13 =	vld.idx.msk [tilespmem:v13+s4+$0x0], $0xffff  }
0x7d5: {  	s28 =	simm.s32 $0x6160  }
0x7d6: {  	v21 =	vld [tilespmem:s28+$0x10]  }
0x7d7: {  	v22 =	vadd.s32 $0x80, v10;
	v18 =	vadd.s32 $0x80, v8;
	v12 =	vld.idx.msk [tilespmem:v12+s4+$0x0], $0xffff;
	vm0 =	vlt.f32 v14, v20  }
0x7d8: {  	v17 =	vld.idx.msk [tilespmem:v4+s4+$0x0], $0xffff;
	vm1 =	vlt.f32 v16, v19;
	v14 =	vadd.s32 $0x80, v11;
	v16 =	vsel vm0, v18, v8  }
0x7d9: {  	v18 =	vsel vm1, v22, v10;
	vm0 =	vlt.f32 v13, v7;
	v13 =	vadd.s32 $0x3F, v16  }
0x7da: {  	v10 =	vld [tilespmem:s28+$0xFFFFFFF0];
	v22 =	vadd.s32 $0x3F, v18;
	v11 =	vsel vm0, v14, v11  }
0x7db: {  	v8 =	vld [tilespmem:s28+$0xFFFFFFE0];
	v14 =	vadd.s32 $0x3F, v11  }
0x7dc: {  	vm0 =	vlt.f32 v12, v15;
	v12 =	vadd.s32 $0x40, v9  }
0x7dd: {  	v12 =	vsel vm0, v12, v9;
	vm0 =	vlt.f32 v17, v21;
	v9 =	vld [tilespmem:s28+$0x0]  }
0x7de: {  	v23 =	vadd.s32 $0x1F, v12;
	v24 =	vsel vm0, $0x800, v5;
	v13 =	vld.idx.msk [tilespmem:v13+s4+$0x0], $0xffff  }
0x7df: {  	vm0 =	vlt.f32 v17, v10;
	v25 =	vor.u32 $0x3FF, v24;
	v22 =	vld.idx.msk [tilespmem:v22+s4+$0x0], $0xffff  }
0x7e0: {  	v26 =	vsel vm0, $0x800, v5;
	vm0 =	vlt.f32 v17, v8;
	v14 =	vld.idx.msk [tilespmem:v14+s4+$0x0], $0xffff  }
0x7e1: {  	v28 =	vor.u32 $0x3FF, v26;
	v29 =	vsel vm0, $0x800, v5  }
0x7e2: {  	vm0 =	vlt.f32 v17, v9;
	v17 =	vor.u32 $0x3FF, v29  }
0x7e3: {  	v27 =	vadd.s32 $0x40, v16;
	v23 =	vld.idx.msk [tilespmem:v23+s4+$0x0], $0xffff;
	v48 =	vsel vm0, $0x800, v5;
	vm0 =	vlt.f32 v13, v20  }
0x7e4: {  	v30 =	vadd.s32 $0x40, v18;
	v13 =	vld.idx.msk [tilespmem:v25+s4+$0x0], $0xffff;
	v25 =	vor.u32 $0x3FF, v48;
	v16 =	vsel vm0, v27, v16  }
0x7e5: {  	vm1 =	vlt.f32 v22, v19;
	vm0 =	vlt.f32 v14, v7;
	v14 =	vadd.s32 $0x1F, v16  }
0x7e6: {  	v31 =	vadd.s32 $0x40, v11;
	v18 =	vsel vm1, v30, v18;
	v22 =	vld.idx.msk [tilespmem:v28+s4+$0x0], $0xffff  }
0x7e7: {  	v27 =	vadd.s32 $0x1F, v18;
	v11 =	vsel vm0, v31, v11;
	v17 =	vld.idx.msk [tilespmem:v17+s4+$0x0], $0xffff  }
0x7e8: {  	v28 =	vadd.s32 $0x1F, v11;
	vm0 =	vlt.f32 v23, v15;
	v23 =	vadd.s32 $0x20, v12  }
0x7e9: {  	v30 =	vor.u32 $0x400, v24;
	v12 =	vsel vm0, v23, v12;
	vm0 =	vlt.f32 v13, v21;
	v13 =	vld.idx.msk [tilespmem:v25+s4+$0x0], $0xffff  }
0x7ea: {  	v23 =	vadd.s32 $0xF, v12;
	v24 =	vsel vm0, v30, v24;
	v14 =	vld.idx.msk [tilespmem:v14+s4+$0x0], $0xffff  }
0x7eb: {  	v30 =	vor.u32 $0x400, v26;
	vm0 =	vlt.f32 v22, v10;
	v25 =	vor.u32 $0x1FF, v24  }
0x7ec: {  	v31 =	vor.u32 $0x400, v29;
	v22 =	vld.idx.msk [tilespmem:v27+s4+$0x0], $0xffff;
	v26 =	vsel vm0, v30, v26;
	vm0 =	vlt.f32 v17, v8  }
0x7ed: {  	v30 =	vor.u32 $0x1FF, v26;
	v28 =	vld.idx.msk [tilespmem:v28+s4+$0x0], $0xffff;
	v29 =	vsel vm0, v31, v29  }
0x7ee: {  	v27 =	vor.u32 $0x400, v48;
	vm0 =	vlt.f32 v13, v9;
	v13 =	vor.u32 $0x1FF, v29  }
0x7ef: {  	v17 =	vadd.s32 $0x20, v16;
	v23 =	vld.idx.msk [tilespmem:v23+s4+$0x0], $0xffff;
	v27 =	vsel vm0, v27, v48;
	vm0 =	vlt.f32 v14, v20  }
0x7f0: {  	v14 =	vld.idx.msk [tilespmem:v25+s4+$0x0], $0xffff;
	v25 =	vor.u32 $0x1FF, v27;
	v16 =	vsel vm0, v17, v16  }
0x7f1: {  	v31 =	vadd.s32 $0x20, v18;
	vm0 =	vlt.f32 v22, v19;
	v17 =	vadd.s32 $0xF, v16  }
0x7f2: {  	v49 =	vadd.s32 $0x20, v11;
	v22 =	vld.idx.msk [tilespmem:v30+s4+$0x0], $0xffff;
	v18 =	vsel vm0, v31, v18;
	vm0 =	vlt.f32 v28, v7  }
0x7f3: {  	v28 =	vadd.s32 $0xF, v18;
	v11 =	vsel vm0, v49, v11;
	v13 =	vld.idx.msk [tilespmem:v13+s4+$0x0], $0xffff  }
0x7f4: {  	v30 =	vadd.s32 $0xF, v11;
	vm0 =	vlt.f32 v23, v15;
	v23 =	vadd.s32 $0x10, v12  }
0x7f5: {  	vm1 =	vlt.f32 v14, v21;
	v14 =	vor.u32 $0x200, v24;
	v12 =	vsel vm0, v23, v12;
	v23 =	vld.idx.msk [tilespmem:v25+s4+$0x0], $0xffff  }
0x7f6: {  	v14 =	vsel vm1, v14, v24;
	v24 =	vadd.s32 $0x7, v12;
	v17 =	vld.idx.msk [tilespmem:v17+s4+$0x0], $0xffff  }
0x7f7: {  	v31 =	vor.u32 $0x200, v26;
	vm0 =	vlt.f32 v22, v10;
	v25 =	vor.u32 $0xFF, v14  }
0x7f8: {  	v50 =	vor.u32 $0x200, v29;
	v28 =	vld.idx.msk [tilespmem:v28+s4+$0x0], $0xffff;
	vm1 =	vlt.f32 v13, v8;
	v13 =	vsel vm0, v31, v26  }
0x7f9: {  	v30 =	vld.idx.msk [tilespmem:v30+s4+$0x0], $0xffff;
	v29 =	vsel vm1, v50, v29;
	v31 =	vor.u32 $0xFF, v13  }
0x7fa: {  	v22 =	vor.u32 $0x200, v27;
	vm0 =	vlt.f32 v23, v9;
	v23 =	vor.u32 $0xFF, v29  }
0x7fb: {  	v26 =	vadd.s32 $0x10, v16;
	v24 =	vld.idx.msk [tilespmem:v24+s4+$0x0], $0xffff;
	v22 =	vsel vm0, v22, v27;
	vm0 =	vlt.f32 v17, v20  }
0x7fc: {  	v25 =	vld.idx.msk [tilespmem:v25+s4+$0x0], $0xffff;
	v17 =	vor.u32 $0xFF, v22;
	v16 =	vsel vm0, v26, v16  }
0x7fd: {  	v51 =	vadd.s32 $0x10, v18;
	vm1 =	vlt.f32 v28, v19;
	v26 =	vadd.s32 $0x7, v16  }
0x7fe: {  	v33 =	vadd.s32 $0x10, v11;
	v18 =	vsel vm1, v51, v18;
	vm0 =	vlt.f32 v30, v7;
	v27 =	vld.idx.msk [tilespmem:v31+s4+$0x0], $0xffff  }
0x7ff: {  	v28 =	vadd.s32 $0x7, v18;
	v11 =	vsel vm0, v33, v11;
	v23 =	vld.idx.msk [tilespmem:v23+s4+$0x0], $0xffff  }
0x800: {  	v30 =	vadd.s32 $0x7, v11;
	vm0 =	vlt.f32 v24, v15;
	v24 =	vadd.s32 $0x8, v12  }
0x801: {  	vm1 =	vlt.f32 v25, v21;
	v25 =	vor.u32 $0x100, v14;
	v12 =	vsel vm0, v24, v12;
	v17 =	vld.idx.msk [tilespmem:v17+s4+$0x0], $0xffff  }
0x802: {  	v14 =	vsel vm1, v25, v14;
	v24 =	vadd.s32 $0x3, v12;
	v25 =	vld.idx.msk [tilespmem:v26+s4+$0x0], $0xffff  }
0x803: {  	v52 =	vor.u32 $0x100, v13;
	v26 =	vadd.s32 $0x7F, v14;
	vm0 =	vlt.f32 v27, v10  }
0x804: {  	v31 =	vor.u32 $0x100, v29;
	v27 =	vld.idx.msk [tilespmem:v28+s4+$0x0], $0xffff;
	vm1 =	vlt.f32 v23, v8;
	v13 =	vsel vm0, v52, v13  }
0x805: {  	v23 =	vld.idx.msk [tilespmem:v30+s4+$0x0], $0xffff;
	v29 =	vsel vm1, v31, v29;
	v31 =	vadd.s32 $0x7F, v13  }
0x806: {  	v28 =	vor.u32 $0x100, v22;
	vm0 =	vlt.f32 v17, v9;
	v17 =	vadd.s32 $0x7F, v29  }
0x807: {  	v30 =	vadd.s32 $0x8, v16;
	v24 =	vld.idx.msk [tilespmem:v24+s4+$0x0], $0xffff;
	v22 =	vsel vm0, v28, v22;
	vm0 =	vlt.f32 v25, v20  }
0x808: {  	v26 =	vld.idx.msk [tilespmem:v26+s4+$0x0], $0xffff;
	v25 =	vadd.s32 $0x7F, v22;
	v16 =	vsel vm0, v30, v16  }
0x809: {  	v53 =	vadd.s32 $0x8, v18;
	vm0 =	vlt.f32 v27, v19;
	v27 =	vadd.s32 $0x3, v16  }
0x80a: {  	v33 =	vadd.s32 $0x8, v11;
	v18 =	vsel vm0, v53, v18;
	vm0 =	vlt.f32 v23, v7;
	v23 =	vld.idx.msk [tilespmem:v31+s4+$0x0], $0xffff  }
0x80b: {  	v54 =	vadd.s32 $0x80, v13;
	v28 =	vadd.s32 $0x3, v18;
	v30 =	vsel vm0, v33, v11;
	v11 =	vld.idx.msk [tilespmem:v17+s4+$0x0], $0xffff  }
0x80c: {  	v17 =	vadd.s32 $0x3, v30;
	vm0 =	vlt.f32 v24, v15;
	v24 =	vadd.s32 $0x4, v12  }
0x80d: {  	vm1 =	vlt.f32 v26, v21;
	v26 =	vadd.s32 $0x80, v14;
	v24 =	vsel vm0, v24, v12;
	v12 =	vld.idx.msk [tilespmem:v25+s4+$0x0], $0xffff  }
0x80e: {  	v55 =	vadd.s32 $0x80, v22;
	v25 =	vsel vm1, v26, v14;
	v14 =	vadd.s32 $0x1, v24;
	v27 =	vld.idx.msk [tilespmem:v27+s4+$0x0], $0xffff  }
0x80f: {  	v56 =	vadd.s32 $0x4, v16;
	v57 =	vadd.s32 $0x4, v18;
	v31 =	vadd.s32 $0x3F, v25  }
0x810: {  	v26 =	vadd.s32 $0x80, v29;
	vm0 =	vlt.f32 v23, v10;
	v23 =	vld.idx.msk [tilespmem:v28+s4+$0x0], $0xffff;
	vm1 =	vlt.f32 v11, v8  }
0x811: {  	v28 =	vadd.s32 $0x4, v30;
	v32 =	vsel vm0, v54, v13;
	v11 =	vld.idx.msk [tilespmem:v17+s4+$0x0], $0xffff;
	v17 =	vsel vm1, v26, v29  }
0x812: {  	v59 =	vld.idx.msk [tilespmem:v4+s4+$0x0], $0xffff;
	v26 =	vadd.s32 $0x3F, v32;
	vm0 =	vlt.f32 v12, v9;
	v29 =	vadd.s32 $0x3F, v17  }
0x813: {  	v58 =	vadd.s32 $0x40, v17;
	v13 =	vld.idx.msk [tilespmem:v14+s4+$0x0], $0xffff;
	v22 =	vsel vm0, v55, v22;
	vm0 =	vlt.f32 v27, v20  }
0x814: {  	s29 =	simm.s32 $0x61A0;
	v31 =	vld.idx.msk [tilespmem:v31+s4+$0x0], $0xffff;
	v27 =	vadd.s32 $0x40, v32;
	v33 =	vadd.s32 $0x3F, v22;
	v16 =	vsel vm0, v56, v16  }
0x815: {  	v14 =	vld [tilespmem:s29+$0x10];
	v60 =	vadd.s32 $0x40, v22;
	vm0 =	vlt.f32 v23, v19;
	v23 =	vadd.s32 $0x1, v16  }
0x816: {  	v12 =	vld [tilespmem:s29+$0x0];
	v18 =	vsel vm0, v57, v18;
	vm0 =	vlt.f32 v11, v7;
	v35 =	vadd.s32 $0x2, v16  }
0x817: {  	v11 =	vld [tilespmem:s29+$0xFFFFFFF0];
	v38 =	vadd.s32 $0x1, v18;
	v28 =	vsel vm0, v28, v30;
	v30 =	vadd.s32 $0x2, v24  }
0x818: {  	v39 =	vadd.s32 $0x2, v18;
	v29 =	vld.idx.msk [tilespmem:v29+s4+$0x0], $0xffff;
	vm0 =	vlt.f32 v13, v15;
	v40 =	vadd.s32 $0x2, v28  }
0x819: {  	v13 =	vld [tilespmem:s29+$0xFFFFFFE0];
	vm1 =	vlt.f32 v31, v21;
	v31 =	vadd.s32 $0x40, v25;
	v24 =	vsel vm0, v30, v24  }
0x81a: {  	v26 =	vld.idx.msk [tilespmem:v26+s4+$0x0], $0xffff;
	v30 =	vadd.s32 $0x1, v28;
	vm0 =	vlt.f32 v59, v14;
	v25 =	vsel vm1, v31, v25  }
0x81b: {  	v33 =	vld.idx.msk [tilespmem:v33+s4+$0x0], $0xffff;
	v41 =	vsel vm0, $0x800, v5;
	vm0 =	vlt.f32 v59, v12;
	v31 =	vadd.s32 $0x1F, v25  }
0x81c: {  	vm1 =	vlt.f32 v59, v11;
	v61 =	vor.u32 $0x3FF, v41;
	v44 =	vsel vm0, $0x800, v5  }
0x81d: {  	v42 =	vsel vm1, $0x800, v5;
	v52 =	vor.u32 $0x3FF, v44;
	vm0 =	vlt.f32 v29, v8  }
0x81e: {  	v29 =	vor.u32 $0x400, v44;
	vm1 =	vlt.f32 v59, v13;
	v62 =	vor.u32 $0x3FF, v42;
	v63 =	vld.idx.msk [tilespmem:v24+s4+$0x0], $0xffff  }
0x81f: {  	v38 =	vld.idx.msk [tilespmem:v38+s4+$0x0], $0xffff;
	v47 =	vor.u32 $0x400, v42;
	v17 =	vsel vm0, v58, v17;
	v46 =	vsel vm1, $0x800, v5  }
0x820: {  	vm1 =	vlt.f32 v26, v10;
	vm0 =	vlt.f32 v33, v9;
	v55 =	vadd.s32 $0x1F, v17;
	v31 =	vld.idx.msk [tilespmem:v31+s4+$0x0], $0xffff  }
0x821: {  	v36 =	vadd.s32 $0x20, v17;
	v53 =	vor.u32 $0x3FF, v46;
	v27 =	vsel vm1, v27, v32  }
0x822: {  	v54 =	vor.u32 $0x400, v46;
	v22 =	vsel vm0, v60, v22;
	v26 =	vld.idx.msk [tilespmem:v61+s4+$0x0], $0xffff;
	v57 =	vadd.s32 $0x1F, v27  }
0x823: {  	v30 =	vld.idx.msk [tilespmem:v30+s4+$0x0], $0xffff;
	v59 =	vadd.s32 $0x1F, v22;
	v60 =	vadd.s32 $0x20, v27;
	vm0 =	vlt.f32 v63, v15  }
0x824: {  	vm2 =	vlt.f32 v38, v19;
	v56 =	vld.idx.msk [tilespmem:v62+s4+$0x0], $0xffff;
	v62 =	vadd.s32 $0x20, v22;
	v51 =	vsel vm0, $0x1, v5  }
0x825: {  	v58 =	vld.idx.msk [tilespmem:v52+s4+$0x0], $0xffff;
	vm0 =	vlt.f32 v31, v21;
	v31 =	vadd.s32 $0x20, v25;
	v24 =	vadd.s32 v51, v24  }
0x826: {  	v63 =	vor.u32 $0x400, v41;
	v61 =	vld.idx.msk [tilespmem:v53+s4+$0x0], $0xffff;
	v25 =	vsel vm0, v31, v25;
	v24 =	vmax.u32 v24, $0x1  }
0x827: {  	v23 =	vld.idx.msk [tilespmem:v23+s4+$0x0], $0xffff;
	vm0 =	vlt.f32 v26, v14;
	v31 =	vadd.s32 $0xF, v25;
	v24 =	vmin.u32 v24, $0xFFF  }
0x828: {  	v18 =	vsel vm2, v39, v18;
	v26 =	vld.idx.msk [tilespmem:v55+s4+$0x0], $0xffff;
	v32 =	vsel vm0, v63, v41;
	v24 =	vadd.s32 $0xFFFFFFFF, v24  }
0x829: {  	vm3 =	vlt.f32 v30, v7;
	v34 =	vld.idx.msk [tilespmem:v57+s4+$0x0], $0xffff;
	vm1 =	vlt.f32 v56, v11;
	v52 =	vor.u32 $0x1FF, v32  }
0x82a: {  	v28 =	vsel vm3, v40, v28;
	vm0 =	vlt.f32 v58, v12;
	v33 =	vsel vm1, v47, v42  }
0x82b: {  	v53 =	vld.idx.msk [tilespmem:v59+s4+$0x0], $0xffff;
	v29 =	vsel vm0, v29, v44;
	vm1 =	vlt.f32 v61, v13;
	v42 =	vor.u32 $0x1FF, v33  }
0x82c: {  	v55 =	vor.u32 $0x1FF, v29;
	v58 =	vor.u32 $0x200, v29;
	v43 =	vsel vm1, v54, v46;
	v31 =	vld.idx.msk [tilespmem:v31+s4+$0x0], $0xffff  }
0x82d: {  	vm1 =	vlt.f32 v23, v20;
	v56 =	vor.u32 $0x1FF, v43;
	vm0 =	vlt.f32 v26, v8;
	v23 =	vld.idx.msk [tilespmem:v24+s22+$0x0], $0xffff  }
0x82e: {  	v54 =	vor.u32 $0x200, v33;
	v17 =	vsel vm0, v36, v17;
	vm0 =	vlt.f32 v34, v10;
	v26 =	vld.idx.msk [tilespmem:v52+s4+$0x0], $0xffff  }
0x82f: {  	v57 =	vor.u32 $0x200, v43;
	v30 =	vadd.s32 $0xF, v17;
	v27 =	vsel vm0, v60, v27;
	v24 =	vld.idx.msk [tilespmem:v24+s18+$0x0], $0xffff  }
0x830: {  	v16 =	vsel vm1, v35, v16;
	vm0 =	vlt.f32 v53, v9;
	v59 =	vld.idx.msk [tilespmem:v42+s4+$0x0], $0xffff;
	v60 =	vadd.s32 $0xF, v27  }
0x831: {  	v34 =	vadd.s32 $0x10, v17;
	v22 =	vsel vm0, v62, v22;
	v38 =	vadd.s32 $0x10, v27;
	v49 =	vld.idx.msk [tilespmem:v55+s4+$0x0], $0xffff  }
0x832: {  	v62 =	vadd.s32 $0xF, v22;
	v63 =	vadd.s32 $0x10, v22;
	v61 =	vld.idx.msk [tilespmem:v56+s4+$0x0], $0xffff;
	vm0 =	vlt.f32 v31, v21  }
0x833: {  	v31 =	vadd.s32 $0x10, v25;
	vm1 =	vlt.f32 v26, v14;
	v26 =	vor.u32 $0x200, v32  }
0x834: {  	v31 =	vsel vm0, v31, v25;
	v15 =	vmul.f32 v23, v15;
	v23 =	vld.idx.msk [tilespmem:v30+s4+$0x0], $0xffff;
	v26 =	vsel vm1, v26, v32  }
0x835: {  	v30 =	vadd.s32 $0x7, v31;
	v51 =	vld.idx.msk [tilespmem:v60+s4+$0x0], $0xffff;
	vm0 =	vlt.f32 v59, v11;
	v48 =	vadd.s32 $0x8, v31  }
0x836: {  	v60 =	vld.idx.msk [tilespmem:v28+s4+$0x0], $0xffff;
	v52 =	vor.u32 $0xFF, v26;
	v25 =	vadd.f32 v15, v24;
	v24 =	vsel vm0, v54, v33  }
0x837: {  	v15 =	vld.idx.msk [tilespmem:v62+s4+$0x0], $0xffff;
	vm0 =	vlt.f32 v49, v12;
	v49 =	vor.u32 $0x100, v26;
	vm1 =	vlt.f32 v61, v13  }
0x838: {  	v55 =	vld.idx.msk [tilespmem:v18+s4+$0x0], $0xffff;
	v54 =	vor.u32 $0xFF, v24;
	v29 =	vsel vm0, v58, v29;
	v37 =	vsel vm1, v57, v43  }
0x839: {  	v58 =	vor.u32 $0x100, v24;
	v59 =	vor.u32 $0xFF, v29;
	v56 =	vor.u32 $0xFF, v37  }
0x83a: {  	v53 =	vld.idx.msk [tilespmem:v16+s4+$0x0], $0xffff;
	v57 =	vor.u32 $0x100, v37;
	vm0 =	vlt.f32 v23, v8;
	v23 =	vor.u32 $0x100, v29  }
0x83b: {  	vm1 =	vlt.f32 v51, v10;
	v17 =	vsel vm0, v34, v17;
	vm4 =	vlt.f32 v60, v7  }
0x83c: {  	v30 =	vld.idx.msk [tilespmem:v30+s4+$0x0], $0xffff;
	v27 =	vsel vm1, v38, v27;
	vm0 =	vlt.f32 v15, v9;
	v15 =	vadd.s32 $0x7, v17  }
0x83d: {  	v36 =	vld.idx.msk [tilespmem:v52+s4+$0x0], $0xffff;
	v62 =	vadd.s32 $0x8, v17;
	vm1 =	vlt.f32 v55, v19;
	v55 =	vsel vm4, $0x1, v5  }
0x83e: {  	v61 =	vld.idx.msk [tilespmem:v54+s4+$0x0], $0xffff;
	v38 =	vadd.s32 $0x7, v27;
	v22 =	vsel vm0, v63, v22;
	v63 =	vadd.s32 $0x8, v27  }
0x83f: {  	vm0 =	vlt.f32 v53, v20;
	v53 =	vsel vm1, $0x1, v5;
	v28 =	vadd.s32 v55, v28;
	v40 =	vld.idx.msk [tilespmem:v56+s4+$0x0], $0xffff  }
0x840: {  	v45 =	vadd.s32 $0x7, v22;
	v46 =	vadd.s32 $0x8, v22;
	v51 =	vsel vm0, $0x1, v5  }
0x841: {  	v18 =	vadd.s32 v53, v18;
	v28 =	vmax.u32 v28, $0x1;
	vm2 =	vlt.f32 v30, v21;
	v30 =	vld.idx.msk [tilespmem:v59+s4+$0x0], $0xffff  }
0x842: {  	v16 =	vadd.s32 v51, v16;
	vm3 =	vlt.f32 v36, v14;
	v31 =	vsel vm2, v48, v31  }
0x843: {  	v15 =	vld.idx.msk [tilespmem:v15+s4+$0x0], $0xffff;
	v26 =	vsel vm3, v49, v26;
	v50 =	vadd.s32 $0x3, v31;
	vm0 =	vlt.f32 v61, v11  }
0x844: {  	v52 =	vadd.s32 $0x7F, v26;
	v24 =	vsel vm0, v58, v24;
	vm1 =	vlt.f32 v40, v13  }
0x845: {  	v18 =	vmax.u32 v18, $0x1;
	v54 =	vld.idx.msk [tilespmem:v38+s4+$0x0], $0xffff;
	v37 =	vsel vm1, v57, v37;
	v57 =	vadd.s32 $0x7F, v24  }
0x846: {  	v16 =	vmax.u32 v16, $0x1;
	v56 =	vld.idx.msk [tilespmem:v45+s4+$0x0], $0xffff;
	vm0 =	vlt.f32 v30, v12;
	v30 =	vadd.s32 $0x7F, v37  }
0x847: {  	v28 =	vmin.u32 v28, $0xFFF;
	v16 =	vmin.u32 v16, $0xFFF;
	v23 =	vsel vm0, v23, v29  }
0x848: {  	v51 =	vadd.s32 $0x4, v31;
	vm0 =	vlt.f32 v15, v8;
	v59 =	vadd.s32 $0x7F, v23;
	v32 =	vld.idx.msk [tilespmem:v50+s4+$0x0], $0xffff  }
0x849: {  	v58 =	vadd.s32 $0x80, v37;
	v29 =	vadd.s32 $0x80, v24;
	v17 =	vsel vm0, v62, v17;
	v15 =	vld.idx.msk [tilespmem:v52+s4+$0x0], $0xffff  }
0x84a: {  	v60 =	vadd.s32 $0x80, v23;
	vm0 =	vlt.f32 v54, v10;
	v61 =	vadd.s32 $0x3, v17;
	v62 =	vld.idx.msk [tilespmem:v57+s4+$0x0], $0xffff  }
0x84b: {  	v27 =	vsel vm0, v63, v27;
	vm0 =	vlt.f32 v56, v9;
	v63 =	vadd.s32 $0x4, v17;
	v30 =	vld.idx.msk [tilespmem:v30+s4+$0x0], $0xffff  }
0x84c: {  	v48 =	vadd.s32 $0x3, v27;
	v22 =	vsel vm0, v46, v22;
	v49 =	vadd.s32 $0x4, v27  }
0x84d: {  	v50 =	vadd.s32 $0x3, v22;
	v53 =	vadd.s32 $0x4, v22;
	vm0 =	vlt.f32 v32, v21;
	v52 =	vld.idx.msk [tilespmem:v59+s4+$0x0], $0xffff  }
0x84e: {  	vm1 =	vlt.f32 v15, v14;
	v15 =	vadd.s32 $0x80, v26;
	v31 =	vsel vm0, v51, v31  }
0x84f: {  	v33 =	vld.idx.msk [tilespmem:v61+s4+$0x0], $0xffff;
	v26 =	vsel vm1, v15, v26;
	v15 =	vadd.s32 $0x1, v31;
	vm0 =	vlt.f32 v62, v11  }
0x850: {  	v59 =	vld.idx.msk [tilespmem:v4+s4+$0x0], $0xffff;
	v54 =	vadd.s32 $0x3F, v26;
	vm1 =	vlt.f32 v30, v13;
	v29 =	vsel vm0, v29, v24  }
0x851: {  	v61 =	vadd.s32 $0x40, v26;
	v30 =	vld.idx.msk [tilespmem:v48+s4+$0x0], $0xffff;
	v34 =	vsel vm1, v58, v37;
	v55 =	vadd.s32 $0x3F, v29  }
0x852: {  	s2 =	simm.s32 $0x61E0;
	v24 =	vld.idx.msk [tilespmem:v50+s4+$0x0], $0xffff;
	vm0 =	vlt.f32 v52, v12;
	v42 =	vadd.s32 $0x40, v29;
	v58 =	vmin.u32 v18, $0xFFF  }
0x853: {  	v18 =	vld [tilespmem:s2+$0x10];
	v37 =	vadd.s32 $0x3F, v34;
	v39 =	vadd.s32 $0x40, v34;
	v40 =	vsel vm0, v60, v23  }
0x854: {  	vm0 =	vlt.f32 v33, v8;
	v23 =	vadd.s32 $0xFFFFFFFF, v16;
	v60 =	vadd.s32 $0x2, v31;
	v56 =	vld.idx.msk [tilespmem:v15+s4+$0x0], $0xffff  }
0x855: {  	v57 =	vadd.s32 $0x3F, v40;
	v45 =	vadd.s32 $0x40, v40;
	v35 =	vsel vm0, v63, v17;
	v41 =	vld.idx.msk [tilespmem:v54+s4+$0x0], $0xffff  }
0x856: {  	v15 =	vld [tilespmem:s2+$0xFFFFFFF0];
	v38 =	vadd.s32 $0x2, v35;
	vm0 =	vlt.f32 v30, v10;
	v30 =	vadd.s32 $0x1, v35  }
0x857: {  	v16 =	vld [tilespmem:s2+$0x0];
	v27 =	vsel vm0, v49, v27;
	vm0 =	vlt.f32 v24, v9;
	v24 =	vadd.s32 $0xFFFFFFFF, v58  }
0x858: {  	v17 =	vld [tilespmem:s2+$0xFFFFFFE0];
	v47 =	vadd.s32 $0x1, v27;
	v22 =	vsel vm0, v53, v22;
	v32 =	vadd.s32 $0x2, v27  }
0x859: {  	v48 =	vadd.s32 $0x1, v22;
	v49 =	vadd.s32 $0x2, v22;
	vm0 =	vlt.f32 v56, v21  }
0x85a: {  	v36 =	vld.idx.msk [tilespmem:v55+s4+$0x0], $0xffff;
	vm1 =	vlt.f32 v41, v14;
	v31 =	vsel vm0, v60, v31;
	vm0 =	vlt.f32 v59, v18  }
0x85b: {  	v62 =	vld.idx.msk [tilespmem:v37+s4+$0x0], $0xffff;
	v37 =	vsel vm1, v61, v26;
	vm1 =	vlt.f32 v59, v15;
	v26 =	vadd.s32 $0xFFFFFFFF, v28  }
0x85c: {  	v63 =	vld.idx.msk [tilespmem:v57+s4+$0x0], $0xffff;
	v28 =	vsel vm0, $0x800, v5;
	vm0 =	vlt.f32 v59, v16;
	v41 =	vadd.s32 $0x1F, v37  }
0x85d: {  	v44 =	vsel vm1, $0x800, v5;
	v60 =	vor.u32 $0x3FF, v28;
	vm1 =	vlt.f32 v59, v17  }
0x85e: {  	v51 =	vsel vm0, $0x800, v5;
	v61 =	vor.u32 $0x3FF, v44;
	v52 =	vsel vm1, $0x800, v5  }
0x85f: {  	v54 =	vor.u32 $0x400, v44;
	v55 =	vor.u32 $0x3FF, v51;
	v58 =	vor.u32 $0x400, v51;
	v53 =	vld.idx.msk [tilespmem:v31+s4+$0x0], $0xffff  }
0x860: {  	vm0 =	vlt.f32 v62, v13;
	vm1 =	vlt.f32 v36, v11;
	v47 =	vld.idx.msk [tilespmem:v47+s4+$0x0], $0xffff;
	v56 =	vor.u32 $0x3FF, v52  }
0x861: {  	v57 =	vor.u32 $0x400, v52;
	v33 =	vsel vm0, v39, v34;
	vm0 =	vlt.f32 v63, v12;
	v41 =	vld.idx.msk [tilespmem:v41+s4+$0x0], $0xffff  }
0x862: {  	v29 =	vsel vm1, v42, v29;
	v36 =	vadd.s32 $0x1F, v33;
	v39 =	vsel vm0, v45, v40;
	v34 =	vld.idx.msk [tilespmem:v60+s4+$0x0], $0xffff  }
0x863: {  	v42 =	vadd.s32 $0x1F, v29;
	v43 =	vadd.s32 $0x20, v33;
	v50 =	vadd.s32 $0x20, v29;
	v62 =	vld.idx.msk [tilespmem:v61+s4+$0x0], $0xffff  }
0x864: {  	v45 =	vadd.s32 $0x1F, v39;
	v60 =	vadd.s32 $0x20, v37;
	v46 =	vld.idx.msk [tilespmem:v55+s4+$0x0], $0xffff;
	vm0 =	vlt.f32 v53, v21  }
0x865: {  	v61 =	vor.u32 $0x400, v28;
	vm2 =	vlt.f32 v47, v10;
	v55 =	vld.idx.msk [tilespmem:v56+s4+$0x0], $0xffff;
	v63 =	vsel vm0, $0x1, v5  }
0x866: {  	v27 =	vsel vm2, v32, v27;
	vm0 =	vlt.f32 v41, v14;
	v31 =	vadd.s32 v63, v31  }
0x867: {  	v30 =	vld.idx.msk [tilespmem:v30+s4+$0x0], $0xffff;
	v37 =	vsel vm0, v60, v37;
	v31 =	vmax.u32 v31, $0x1;
	vm0 =	vlt.f32 v34, v18  }
0x868: {  	v36 =	vld.idx.msk [tilespmem:v36+s4+$0x0], $0xffff;
	vm1 =	vlt.f32 v62, v15;
	v34 =	vadd.s32 $0xF, v37;
	v31 =	vmin.u32 v31, $0xFFF  }
0x869: {  	v62 =	vld.idx.msk [tilespmem:v42+s4+$0x0], $0xffff;
	v28 =	vsel vm0, v61, v28;
	v42 =	vsel vm1, v54, v44;
	v31 =	vadd.s32 $0xFFFFFFFF, v31  }
0x86a: {  	v45 =	vld.idx.msk [tilespmem:v45+s4+$0x0], $0xffff;
	vm0 =	vlt.f32 v46, v16;
	vm1 =	vlt.f32 v55, v17;
	v63 =	vor.u32 $0x1FF, v28  }
0x86b: {  	v41 =	vld.idx.msk [tilespmem:v48+s4+$0x0], $0xffff;
	v46 =	vor.u32 $0x1FF, v42;
	v48 =	vsel vm0, v58, v51;
	v51 =	vsel vm1, v57, v52  }
0x86c: {  	v53 =	vadd.s32 $0x20, v39;
	v54 =	vld.idx.msk [tilespmem:v23+s22+$0x0], $0xffff;
	v52 =	vor.u32 $0x200, v42;
	v61 =	vor.u32 $0x1FF, v51  }
0x86d: {  	vm0 =	vlt.f32 v36, v13;
	vm1 =	vlt.f32 v30, v8;
	v60 =	vor.u32 $0x1FF, v48;
	v34 =	vld.idx.msk [tilespmem:v34+s4+$0x0], $0xffff  }
0x86e: {  	v57 =	vor.u32 $0x200, v51;
	v58 =	vor.u32 $0x200, v48;
	v33 =	vsel vm0, v43, v33;
	v30 =	vld.idx.msk [tilespmem:v31+s22+$0x0], $0xffff  }
0x86f: {  	vm14 =	vlt.f32 v45, v12;
	v35 =	vsel vm1, v38, v35;
	vm0 =	vlt.f32 v62, v11;
	v62 =	vld.idx.msk [tilespmem:v63+s4+$0x0], $0xffff  }
0x870: {  	vm3 =	vlt.f32 v41, v9;
	v29 =	vsel vm0, v50, v29;
	v63 =	vadd.s32 $0xF, v33;
	v43 =	vld.idx.msk [tilespmem:v46+s4+$0x0], $0xffff  }
0x871: {  	v41 =	vadd.s32 $0x10, v33;
	v39 =	vsel vm14, v53, v39;
	v53 =	vadd.s32 $0xF, v29;
	v59 =	vld.idx.msk [tilespmem:v61+s4+$0x0], $0xffff  }
0x872: {  	v50 =	vadd.s32 $0x10, v39;
	v20 =	vmul.f32 v54, v20;
	v31 =	vld.idx.msk [tilespmem:v31+s18+$0x0], $0xffff;
	v45 =	vadd.s32 $0x10, v29  }
0x873: {  	v46 =	vadd.s32 $0xF, v39;
	v60 =	vld.idx.msk [tilespmem:v60+s4+$0x0], $0xffff;
	v61 =	vadd.s32 $0x10, v37;
	vm0 =	vlt.f32 v34, v14  }
0x874: {  	v21 =	vmul.f32 v30, v21;
	v30 =	vld.idx.msk [tilespmem:v24+s22+$0x0], $0xffff;
	vm1 =	vlt.f32 v62, v18;
	v62 =	vor.u32 $0x200, v28  }
0x875: {  	v34 =	vsel vm0, v61, v37;
	v37 =	vsel vm3, v49, v22;
	v22 =	vld.idx.msk [tilespmem:v63+s4+$0x0], $0xffff;
	vm0 =	vlt.f32 v43, v15  }
0x876: {  	v63 =	vld.idx.msk [tilespmem:v53+s4+$0x0], $0xffff;
	v28 =	vsel vm1, v62, v28;
	v36 =	vadd.s32 $0x7, v34;
	vm1 =	vlt.f32 v59, v17  }
0x877: {  	v40 =	vsel vm0, v52, v42;
	v59 =	vld.idx.msk [tilespmem:v27+s4+$0x0], $0xffff;
	v53 =	vadd.f32 v21, v31;
	v21 =	vor.u32 $0xFF, v28  }
0x878: {  	vm0 =	vlt.f32 v60, v16;
	v31 =	vld.idx.msk [tilespmem:v46+s4+$0x0], $0xffff;
	v43 =	vsel vm1, v57, v51;
	v57 =	vor.u32 $0xFF, v40  }
0x879: {  	v42 =	vld.idx.msk [tilespmem:v35+s4+$0x0], $0xffff;
	v48 =	vsel vm0, v58, v48;
	v61 =	vor.u32 $0x100, v40;
	v60 =	vor.u32 $0xFF, v43  }
0x87a: {  	v47 =	vor.u32 $0x100, v43;
	v62 =	vor.u32 $0xFF, v48;
	v54 =	vor.u32 $0x100, v48;
	v49 =	vld.idx.msk [tilespmem:v37+s4+$0x0], $0xffff  }
0x87b: {  	vm0 =	vlt.f32 v22, v13;
	vm1 =	vlt.f32 v63, v11;
	v22 =	vmul.f32 v30, v19;
	v36 =	vld.idx.msk [tilespmem:v36+s4+$0x0], $0xffff  }
0x87c: {  	v29 =	vsel vm1, v45, v29;
	vm1 =	vlt.f32 v59, v10;
	v19 =	vld.idx.msk [tilespmem:v21+s4+$0x0], $0xffff;
	v21 =	vsel vm0, v41, v33  }
0x87d: {  	vm0 =	vlt.f32 v31, v12;
	v31 =	vadd.s32 $0x7, v29;
	v41 =	vadd.s32 $0x8, v29  }
0x87e: {  	v63 =	vld.idx.msk [tilespmem:v57+s4+$0x0], $0xffff;
	v57 =	vadd.s32 $0x8, v34;
	v59 =	vsel vm1, $0x1, v5;
	v30 =	vadd.s32 $0x7, v21  }
0x87f: {  	v33 =	vsel vm0, v50, v39;
	v39 =	vadd.s32 $0x8, v21;
	v55 =	vld.idx.msk [tilespmem:v60+s4+$0x0], $0xffff;
	vm0 =	vlt.f32 v42, v8  }
0x880: {  	v42 =	vadd.s32 v59, v27;
	v50 =	vadd.s32 $0x7, v33;
	vm3 =	vlt.f32 v49, v9  }
0x881: {  	v56 =	vld.idx.msk [tilespmem:v62+s4+$0x0], $0xffff;
	v46 =	vadd.s32 $0x8, v33;
	vm2 =	vlt.f32 v36, v14;
	v60 =	vsel vm3, $0x1, v5  }
0x882: {  	vm15 =	vlt.f32 v19, v18;
	v19 =	vor.u32 $0x100, v28;
	v34 =	vsel vm2, v57, v34  }
0x883: {  	v37 =	vadd.s32 v60, v37;
	v36 =	vsel vm15, v19, v28;
	v19 =	vadd.s32 $0x3, v34  }
0x884: {  	v28 =	vsel vm0, $0x1, v5;
	v30 =	vld.idx.msk [tilespmem:v30+s4+$0x0], $0xffff;
	vm0 =	vlt.f32 v63, v15;
	vm1 =	vlt.f32 v55, v17  }
0x885: {  	v31 =	vld.idx.msk [tilespmem:v31+s4+$0x0], $0xffff;
	v37 =	vmax.u32 v37, $0x1;
	v58 =	vadd.s32 $0x7F, v36;
	v40 =	vsel vm0, v61, v40  }
0x886: {  	v44 =	vld.idx.msk [tilespmem:v50+s4+$0x0], $0xffff;
	v43 =	vsel vm1, v47, v43;
	vm0 =	vlt.f32 v56, v16;
	v61 =	vadd.s32 $0x7F, v40  }
0x887: {  	v35 =	vadd.s32 v28, v35;
	v62 =	vadd.s32 $0x7F, v43;
	v48 =	vsel vm0, v54, v48  }
0x888: {  	v59 =	vadd.s32 $0x80, v36;
	v49 =	vadd.s32 $0x80, v43;
	v63 =	vadd.s32 $0x7F, v48  }
0x889: {  	v50 =	vadd.s32 $0x80, v40;
	v35 =	vmax.u32 v35, $0x1;
	v19 =	vld.idx.msk [tilespmem:v19+s4+$0x0], $0xffff;
	vm0 =	vlt.f32 v30, v13  }
0x88a: {  	v52 =	vadd.s32 $0x80, v48;
	v38 =	vld.idx.msk [tilespmem:v58+s4+$0x0], $0xffff;
	v54 =	vsel vm0, v39, v21;
	vm0 =	vlt.f32 v31, v11  }
0x88b: {  	v39 =	vadd.s32 $0x3, v54;
	v27 =	vsel vm0, v41, v29;
	vm0 =	vlt.f32 v44, v12;
	v57 =	vld.idx.msk [tilespmem:v61+s4+$0x0], $0xffff  }
0x88c: {  	v21 =	vadd.s32 $0x4, v34;
	v32 =	vld.idx.msk [tilespmem:v62+s4+$0x0], $0xffff;
	v58 =	vadd.s32 $0x3, v27;
	v28 =	vsel vm0, v46, v33  }
0x88d: {  	v55 =	vadd.s32 $0x4, v54;
	v31 =	vadd.s32 $0x4, v27;
	v45 =	vld.idx.msk [tilespmem:v63+s4+$0x0], $0xffff;
	v33 =	vadd.s32 $0x3, v28  }
0x88e: {  	s8 =	simm.s32 $0xA120;
	v63 =	vmin.u32 v35, $0xFFF;
	v30 =	vadd.s32 $0x4, v28;
	vm0 =	vlt.f32 v19, v14;
	v19 =	vld.idx.msk [tilespmem:v26+s22+$0x0], $0xffff  }
0x88f: {  	[tilespmem:s8+$0x10] =	vst v25;
	v25 =	vadd.s32 $0xFFFFFFFF, v63;
	vm1 =	vlt.f32 v38, v18;
	v29 =	vsel vm0, v21, v34;
	v21 =	vld.idx.msk [tilespmem:v23+s18+$0x0], $0xffff  }
0x890: {  	v46 =	vsel vm1, v59, v36;
	v34 =	vadd.s32 $0x1, v29;
	v36 =	vmax.u32 v42, $0x1;
	v60 =	vld.idx.msk [tilespmem:v39+s4+$0x0], $0xffff  }
0x891: {  	vm0 =	vlt.f32 v57, v15;
	vm1 =	vlt.f32 v32, v17;
	v61 =	vadd.s32 $0x3F, v46;
	v62 =	vld.idx.msk [tilespmem:v58+s4+$0x0], $0xffff  }
0x892: {  	v32 =	vmin.u32 v37, $0xFFF;
	v39 =	vsel vm0, v50, v40;
	v41 =	vsel vm1, v49, v43;
	v35 =	vld.idx.msk [tilespmem:v33+s4+$0x0], $0xffff  }
0x893: {  	v23 =	vld.idx.msk [tilespmem:v24+s18+$0x0], $0xffff;
	vm0 =	vlt.f32 v45, v16;
	v47 =	vadd.s32 $0x3F, v39;
	v49 =	vadd.s32 $0x3F, v41  }
0x894: {  	v24 =	vld.idx.msk [tilespmem:v26+s18+$0x0], $0xffff;
	v44 =	vadd.s32 $0x40, v41;
	v40 =	vsel vm0, v52, v48;
	v45 =	vadd.s32 $0x40, v39  }
0x895: {  	s7 =	simm.s32 $0xA160;
	v33 =	vmin.u32 v36, $0xFFF;
	v48 =	vadd.s32 $0x3F, v40;
	v42 =	vld.idx.msk [tilespmem:v34+s4+$0x0], $0xffff;
	vm0 =	vlt.f32 v60, v13  }
0x896: {  	s9 =	simm.s32 $0xC0;
	s0 =	sadd.s32 s14, s31;
	[tilespmem:s7+$0x10] =	vst v53;
	v43 =	vadd.s32 $0x40, v40;
	v50 =	vld.idx.msk [tilespmem:v61+s4+$0x0], $0xffff;
	v26 =	vsel vm0, v55, v54;
	vm0 =	vlt.f32 v62, v11  }
.LBB2_32:
0x897: {  	v51 =	vld.idx.msk [tilespmem:v4+s4+$0x0], $0xffff;
	s2 =	sadd.s32 $0x40, s2;
	v52 =	vadd.s32 $0x1, v26;
	v34 =	vsel vm0, v31, v27;
	vm0 =	vlt.f32 v35, v12  }
0x898: {  	s9 =	sadd.s32 $0x40, s9;
	v35 =	vadd.s32 $0x2, v26;
	v31 =	vld [tilespmem:s2+$0x10];
	v53 =	vadd.s32 $0x1, v34;
	v36 =	vsel vm0, v30, v28  }
0x899: {  	p0 =	slt.u32 s9, $0x1FC0;
	v37 =	vadd.s32 $0x2, v34;
	v27 =	vld [tilespmem:s2+$0xFFFFFFF0];
	v54 =	vadd.s32 $0x1, v36;
	v38 =	vadd.s32 $0x2, v36  }
0x89a: {  	v33 =	vadd.s32 $0xFFFFFFFF, v33;
	v28 =	vadd.s32 $0x2, v29;
	vm0 =	vlt.f32 v42, v14;
	v55 =	vld [tilespmem:s2+$0x0]  }
0x89b: {  	v42 =	vadd.s32 $0x40, v46;
	vm1 =	vlt.f32 v50, v18;
	v29 =	vsel vm0, v28, v29;
	v30 =	vld [tilespmem:s2+$0xFFFFFFE0]  }
0x89c: {  	v19 =	vmul.f32 v19, v7;
	v7 =	vmovc v9;
	v28 =	vadd.s32 $0xFFFFFFFF, v32;
	v42 =	vsel vm1, v42, v46;
	v49 =	vld.idx.msk [tilespmem:v49+s4+$0x0], $0xffff  }
0x89d: {  	v20 =	vadd.f32 v20, v21;
	v9 =	vmovc v12;
	v46 =	vadd.s32 $0x1F, v42;
	vm0 =	vlt.f32 v51, v31;
	v32 =	vld.idx.msk [tilespmem:v47+s4+$0x0], $0xffff  }
0x89e: {  	v22 =	vadd.f32 v22, v23;
	v12 =	vmovc v16;
	vm1 =	vlt.f32 v51, v27;
	v21 =	vsel vm0, $0x800, v5;
	v47 =	vld.idx.msk [tilespmem:v48+s4+$0x0], $0xffff  }
0x89f: {  	v23 =	vsel vm1, $0x800, v5;
	vm0 =	vlt.f32 v51, v55;
	v48 =	vor.u32 $0x3FF, v21;
	v50 =	vld.idx.msk [tilespmem:v52+s4+$0x0], $0xffff;
	[tilespmem:s8+$0xFFFFFFE0] =	vst v20;
	v16 =	vmovc v55  }
0x8a0: {  	vm1 =	vlt.f32 v51, v30;
	v20 =	vor.u32 $0x3FF, v23;
	v51 =	vsel vm0, $0x800, v5;
	v52 =	vld.idx.msk [tilespmem:v29+s4+$0x0], $0xffff;
	[tilespmem:s8+$0xFFFFFFF0] =	vst v22  }
0x8a1: {  	v55 =	vor.u32 $0x400, v23;
	v22 =	vsel vm1, $0x800, v5;
	v56 =	vor.u32 $0x3FF, v51;
	v53 =	vld.idx.msk [tilespmem:v53+s4+$0x0], $0xffff  }
0x8a2: {  	v59 =	vor.u32 $0x400, v51;
	v57 =	vor.u32 $0x3FF, v22;
	v58 =	vor.u32 $0x400, v22;
	v46 =	vld.idx.msk [tilespmem:v46+s4+$0x0], $0xffff  }
0x8a3: {  	v19 =	vadd.f32 v19, v24;
	vm0 =	vlt.f32 v49, v17;
	vm1 =	vlt.f32 v32, v15;
	v32 =	vld.idx.msk [tilespmem:v54+s4+$0x0], $0xffff  }
0x8a4: {  	v41 =	vsel vm0, v44, v41;
	v39 =	vsel vm1, v45, v39;
	vm0 =	vlt.f32 v47, v12;
	v24 =	vld.idx.msk [tilespmem:v48+s4+$0x0], $0xffff  }
0x8a5: {  	v44 =	vadd.s32 $0x1F, v41;
	v45 =	vadd.s32 $0x1F, v39;
	v40 =	vsel vm0, v43, v40;
	v20 =	vld.idx.msk [tilespmem:v20+s4+$0x0], $0xffff;
	[tilespmem:s8+$0x0] =	vst v19;
	s8 =	smov.u32 s7  }
0x8a6: {  	v43 =	vadd.s32 $0x20, v41;
	v47 =	vadd.s32 $0x1F, v40;
	vm0 =	vlt.f32 v52, v14;
	v19 =	vld.idx.msk [tilespmem:v56+s4+$0x0], $0xffff  }
0x8a7: {  	v49 =	vadd.s32 $0x20, v39;
	v52 =	vadd.s32 $0x20, v40;
	v54 =	vsel vm0, $0x1, v5;
	v48 =	vld.idx.msk [tilespmem:v57+s4+$0x0], $0xffff  }
0x8a8: {  	vm0 =	vlt.f32 v46, v18;
	v46 =	vadd.s32 $0x20, v42;
	v29 =	vadd.s32 v54, v29;
	v54 =	vld.idx.msk [tilespmem:v25+s22+$0x0], $0xffff  }
0x8a9: {  	v56 =	vor.u32 $0x400, v21;
	v42 =	vsel vm0, v46, v42;
	v29 =	vmax.u32 v29, $0x1;
	v46 =	vld.idx.msk [tilespmem:v33+s22+$0x0], $0xffff  }
0x8aa: {  	vm0 =	vlt.f32 v24, v31;
	v29 =	vmin.u32 v29, $0xFFF;
	v24 =	vld.idx.msk [tilespmem:v44+s4+$0x0], $0xffff;
	v44 =	vadd.s32 $0xF, v42  }
0x8ab: {  	vm1 =	vlt.f32 v20, v27;
	v20 =	vsel vm0, v56, v21;
	v29 =	vadd.s32 $0xFFFFFFFF, v29;
	v45 =	vld.idx.msk [tilespmem:v45+s4+$0x0], $0xffff  }
0x8ac: {  	v55 =	vsel vm1, v55, v23;
	vm0 =	vlt.f32 v19, v16;
	v23 =	vor.u32 $0x1FF, v20;
	v47 =	vld.idx.msk [tilespmem:v47+s4+$0x0], $0xffff  }
0x8ad: {  	vm1 =	vlt.f32 v48, v30;
	v48 =	vor.u32 $0x1FF, v55;
	v51 =	vsel vm0, v59, v51;
	v19 =	vld.idx.msk [tilespmem:v28+s22+$0x0], $0xffff  }
0x8ae: {  	v56 =	vor.u32 $0x200, v55;
	v22 =	vsel vm1, v58, v22;
	v57 =	vor.u32 $0x1FF, v51;
	v21 =	vld.idx.msk [tilespmem:v25+s18+$0x0], $0xffff  }
0x8af: {  	v59 =	vor.u32 $0x200, v51;
	v25 =	vor.u32 $0x1FF, v22;
	v58 =	vor.u32 $0x200, v22;
	v44 =	vld.idx.msk [tilespmem:v44+s4+$0x0], $0xffff  }
0x8b0: {  	vm2 =	vlt.f32 v53, v11;
	vm1 =	vlt.f32 v50, v13;
	vm0 =	vlt.f32 v24, v17;
	v24 =	vld.idx.msk [tilespmem:v29+s22+$0x0], $0xffff  }
0x8b1: {  	vm3 =	vlt.f32 v32, v9;
	v41 =	vsel vm0, v43, v41;
	vm0 =	vlt.f32 v45, v15;
	v50 =	vld.idx.msk [tilespmem:v23+s4+$0x0], $0xffff  }
0x8b2: {  	v32 =	vadd.s32 $0xF, v41;
	v39 =	vsel vm0, v49, v39;
	vm0 =	vlt.f32 v47, v12;
	v29 =	vld.idx.msk [tilespmem:v29+s18+$0x0], $0xffff  }
0x8b3: {  	v45 =	vadd.s32 $0x10, v41;
	v47 =	vadd.s32 $0xF, v39;
	v40 =	vsel vm0, v52, v40;
	v43 =	vld.idx.msk [tilespmem:v48+s4+$0x0], $0xffff  }
0x8b4: {  	v48 =	vadd.s32 $0x10, v39;
	v49 =	vadd.s32 $0xF, v40;
	v52 =	vadd.s32 $0x10, v40;
	v25 =	vld.idx.msk [tilespmem:v25+s4+$0x0], $0xffff  }
0x8b5: {  	v34 =	vsel vm2, v37, v34;
	v26 =	vsel vm1, v35, v26;
	v35 =	vsel vm3, v38, v36;
	v53 =	vld.idx.msk [tilespmem:v57+s4+$0x0], $0xffff  }
0x8b6: {  	v36 =	vadd.s32 $0x10, v42;
	vm0 =	vlt.f32 v44, v18;
	v24 =	vmul.f32 v24, v14;
	v14 =	vmovc v18;
	v23 =	vld.idx.msk [tilespmem:v33+s18+$0x0], $0xffff  }
0x8b7: {  	v36 =	vsel vm0, v36, v42;
	v18 =	vmovc v31;
	vm1 =	vlt.f32 v50, v31;
	v33 =	vor.u32 $0x200, v20;
	v32 =	vld.idx.msk [tilespmem:v32+s4+$0x0], $0xffff  }
0x8b8: {  	v37 =	vadd.s32 $0x7, v36;
	v31 =	vsel vm1, v33, v20;
	v24 =	vadd.f32 v24, v29;
	v33 =	vld.idx.msk [tilespmem:v47+s4+$0x0], $0xffff  }
0x8b9: {  	s7 =	sadd.s32 $0x40, s7;
	v20 =	vmul.f32 v54, v8;
	v8 =	vmovc v13;
	vm0 =	vlt.f32 v43, v27;
	v29 =	vor.u32 $0xFF, v31;
	v38 =	vld.idx.msk [tilespmem:v49+s4+$0x0], $0xffff  }
0x8ba: {  	v13 =	vmov v17;
	vm1 =	vlt.f32 v25, v30;
	v25 =	vsel vm0, v56, v55;
	v42 =	vld.idx.msk [tilespmem:v26+s4+$0x0], $0xffff;
	[tilespmem:s7+$0x10] =	vst v24  }
0x8bb: {  	v17 =	vmovc v30;
	v43 =	vsel vm1, v58, v22;
	v44 =	vor.u32 $0xFF, v25;
	vm0 =	vlt.f32 v53, v16;
	v47 =	vld.idx.msk [tilespmem:v34+s4+$0x0], $0xffff  }
0x8bc: {  	v30 =	vor.u32 $0xFF, v43;
	v49 =	vor.u32 $0x100, v43;
	v50 =	vsel vm0, v59, v51;
	v51 =	vld.idx.msk [tilespmem:v35+s4+$0x0], $0xffff  }
0x8bd: {  	v53 =	vor.u32 $0x100, v25;
	v54 =	vor.u32 $0xFF, v50;
	v55 =	vor.u32 $0x100, v50;
	v37 =	vld.idx.msk [tilespmem:v37+s4+$0x0], $0xffff  }
0x8be: {  	v22 =	vmul.f32 v46, v10;
	vm0 =	vlt.f32 v32, v13;
	vm1 =	vlt.f32 v33, v15;
	v29 =	vld.idx.msk [tilespmem:v29+s4+$0x0], $0xffff  }
0x8bf: {  	v32 =	vsel vm0, v45, v41;
	v33 =	vsel vm1, v48, v39;
	vm0 =	vlt.f32 v38, v12;
	v24 =	vld.idx.msk [tilespmem:v28+s18+$0x0], $0xffff  }
0x8c0: {  	v10 =	vmovc v11;
	v11 =	vmovc v15;
	v38 =	vadd.s32 $0x7, v32;
	v39 =	vadd.s32 $0x7, v33;
	v40 =	vsel vm0, v52, v40;
	v28 =	vld.idx.msk [tilespmem:v44+s4+$0x0], $0xffff  }
0x8c1: {  	v15 =	vmovc v27;
	v41 =	vadd.s32 $0x8, v32;
	v44 =	vadd.s32 $0x8, v33;
	v45 =	vadd.s32 $0x7, v40;
	v30 =	vld.idx.msk [tilespmem:v30+s4+$0x0], $0xffff  }
0x8c2: {  	vm0 =	vlt.f32 v42, v8;
	v46 =	vadd.s32 $0x8, v40;
	vm1 =	vlt.f32 v47, v10;
	v27 =	vld.idx.msk [tilespmem:v54+s4+$0x0], $0xffff  }
0x8c3: {  	vm3 =	vlt.f32 v51, v9;
	vm2 =	vlt.f32 v37, v14;
	v37 =	vadd.s32 $0x8, v36  }
0x8c4: {  	vm4 =	vlt.f32 v29, v18;
	v29 =	vor.u32 $0x100, v31;
	v36 =	vsel vm2, v37, v36  }
0x8c5: {  	v37 =	vsel vm4, v29, v31;
	v31 =	vadd.s32 $0x3, v36;
	v29 =	vld.idx.msk [tilespmem:v38+s4+$0x0], $0xffff;
	v38 =	vsel vm0, $0x1, v5  }
0x8c6: {  	v42 =	vsel vm1, $0x1, v5;
	vm0 =	vlt.f32 v28, v15;
	v28 =	vadd.s32 $0x7F, v37;
	v39 =	vld.idx.msk [tilespmem:v39+s4+$0x0], $0xffff  }
0x8c7: {  	vm1 =	vlt.f32 v30, v17;
	v25 =	vsel vm0, v53, v25;
	v30 =	vld.idx.msk [tilespmem:v45+s4+$0x0], $0xffff;
	v45 =	vsel vm3, $0x1, v5  }
0x8c8: {  	v43 =	vsel vm1, v49, v43;
	v47 =	vadd.s32 $0x7F, v25;
	vm0 =	vlt.f32 v27, v16  }
0x8c9: {  	v48 =	vadd.s32 $0x7F, v43;
	v49 =	vadd.s32 $0x80, v43;
	v50 =	vsel vm0, v55, v50  }
0x8ca: {  	v51 =	vadd.s32 $0x80, v25;
	v52 =	vadd.s32 $0x7F, v50;
	v53 =	vadd.s32 $0x80, v50;
	v54 =	vld.idx.msk [tilespmem:v31+s4+$0x0], $0xffff  }
0x8cb: {  	v34 =	vadd.s32 v42, v34;
	v26 =	vadd.s32 v38, v26;
	vm0 =	vlt.f32 v29, v13;
	v55 =	vld.idx.msk [tilespmem:v28+s4+$0x0], $0xffff  }
0x8cc: {  	v38 =	vsel vm0, v41, v32;
	vm0 =	vlt.f32 v39, v11;
	v32 =	vadd.s32 v45, v35  }
0x8cd: {  	v39 =	vadd.s32 $0x3, v38;
	v27 =	vsel vm0, v44, v33;
	vm0 =	vlt.f32 v30, v12;
	v35 =	vld.idx.msk [tilespmem:v47+s4+$0x0], $0xffff  }
0x8ce: {  	v56 =	vadd.s32 $0x4, v38;
	v41 =	vadd.s32 $0x3, v27;
	v28 =	vsel vm0, v46, v40;
	v33 =	vld.idx.msk [tilespmem:v48+s4+$0x0], $0xffff  }
0x8cf: {  	v31 =	vadd.s32 $0x4, v27;
	v42 =	vadd.s32 $0x3, v28;
	v30 =	vadd.s32 $0x4, v28;
	v40 =	vld.idx.msk [tilespmem:v52+s4+$0x0], $0xffff  }
0x8d0: {  	v26 =	vmax.u32 v26, $0x1;
	v29 =	vadd.s32 $0x4, v36;
	vm0 =	vlt.f32 v54, v14  }
0x8d1: {  	v44 =	vadd.s32 $0x80, v37;
	vm1 =	vlt.f32 v55, v18;
	v29 =	vsel vm0, v29, v36  }
0x8d2: {  	v34 =	vmax.u32 v34, $0x1;
	v46 =	vsel vm1, v44, v37;
	v37 =	vadd.s32 $0x1, v29;
	v36 =	vld.idx.msk [tilespmem:v39+s4+$0x0], $0xffff  }
0x8d3: {  	v32 =	vmax.u32 v32, $0x1;
	vm0 =	vlt.f32 v35, v15;
	v52 =	vadd.s32 $0x3F, v46;
	v54 =	vld.idx.msk [tilespmem:v41+s4+$0x0], $0xffff  }
0x8d4: {  	vm1 =	vlt.f32 v33, v17;
	v39 =	vsel vm0, v51, v25;
	v25 =	vmin.u32 v26, $0xFFF;
	v35 =	vld.idx.msk [tilespmem:v42+s4+$0x0], $0xffff  }
.Ltmp19:
0x8d5: {  	v41 =	vsel vm1, v49, v43;
	v47 =	vadd.s32 $0x3F, v39;
	vm0 =	vlt.f32 v40, v16;
	(pc) =	sbr.rel @p0 .LBB2_32-.Ltmp19, $4  }
0x8d6: {  	v49 =	vadd.s32 $0x3F, v41;
	v44 =	vadd.s32 $0x40, v41;
	v40 =	vsel vm0, v53, v50  }
0x8d7: {  	v45 =	vadd.s32 $0x40, v39;
	v48 =	vadd.s32 $0x3F, v40;
	v43 =	vadd.s32 $0x40, v40;
	v42 =	vld.idx.msk [tilespmem:v37+s4+$0x0], $0xffff  }
0x8d8: {  	v32 =	vmin.u32 v32, $0xFFF;
	v33 =	vmin.u32 v34, $0xFFF;
	vm0 =	vlt.f32 v36, v13;
	v50 =	vld.idx.msk [tilespmem:v52+s4+$0x0], $0xffff  }
0x8d9: {  	v25 =	vadd.s32 $0xFFFFFFFF, v25;
	v26 =	vsel vm0, v56, v38;
	vm0 =	vlt.f32 v54, v11  }
0x8da: {  	_ =	sdelay $0x3  }
0x8db: {  	v34 =	vld.idx.msk [tilespmem:v49+s4+$0x0], $0xffff  }
0x8dc: {  	v37 =	vld.idx.msk [tilespmem:v47+s4+$0x0], $0xffff  }
0x8dd: {  	v38 =	vld.idx.msk [tilespmem:v48+s4+$0x0], $0xffff;
	_ =	sdelay $0x1  }
0x8de: {  	v36 =	vadd.s32 $0x40, v46;
	vm1 =	vlt.f32 v50, v18  }
0x8df: {  	v36 =	vsel vm1, v36, v46;
	vm5 =	vlt.f32 v34, v17  }
0x8e0: {  	v46 =	vadd.s32 $0x1F, v36;
	vm2 =	vlt.f32 v37, v15;
	v34 =	vsel vm5, v44, v41  }
0x8e1: {  	vm6 =	vlt.f32 v38, v16;
	v37 =	vsel vm2, v45, v39;
	v51 =	vadd.s32 $0x1F, v34  }
0x8e2: {  	v40 =	vsel vm6, v43, v40;
	v53 =	vadd.s32 $0x1F, v37  }
0x8e3: {  	v43 =	vadd.s32 $0x1F, v40;
	_ =	sdelay $0x1  }
0x8e4: {  	v52 =	vld.idx.msk [tilespmem:v46+s4+$0x0], $0xffff  }
0x8e5: {  	v38 =	vld.idx.msk [tilespmem:v51+s4+$0x0], $0xffff  }
0x8e6: {  	v41 =	vld.idx.msk [tilespmem:v53+s4+$0x0], $0xffff  }
0x8e7: {  	v55 =	vld.idx.msk [tilespmem:v43+s4+$0x0], $0xffff  }
0x8e8: {  	v54 =	vadd.s32 $0x20, v36  }
0x8e9: {  	v44 =	vadd.s32 $0x20, v34;
	v45 =	vadd.s32 $0x20, v37;
	vm7 =	vlt.f32 v52, v18  }
0x8ea: {  	v57 =	vadd.s32 $0x20, v40;
	v36 =	vsel vm7, v54, v36;
	vm8 =	vlt.f32 v38, v17  }
0x8eb: {  	v56 =	vadd.s32 $0xF, v36;
	vm9 =	vlt.f32 v41, v15;
	v34 =	vsel vm8, v44, v34  }
0x8ec: {  	vm10 =	vlt.f32 v55, v16;
	v37 =	vsel vm9, v45, v37;
	v58 =	vadd.s32 $0xF, v34  }
0x8ed: {  	v38 =	vsel vm10, v57, v40;
	v60 =	vadd.s32 $0xF, v37  }
0x8ee: {  	v40 =	vadd.s32 $0xF, v38;
	_ =	sdelay $0x1  }
0x8ef: {  	v59 =	vld.idx.msk [tilespmem:v56+s4+$0x0], $0xffff  }
0x8f0: {  	v41 =	vld.idx.msk [tilespmem:v58+s4+$0x0], $0xffff  }
0x8f1: {  	v43 =	vld.idx.msk [tilespmem:v60+s4+$0x0], $0xffff  }
0x8f2: {  	v62 =	vld.idx.msk [tilespmem:v40+s4+$0x0], $0xffff  }
0x8f3: {  	v61 =	vadd.s32 $0x10, v36  }
0x8f4: {  	v44 =	vadd.s32 $0x10, v34;
	v45 =	vadd.s32 $0x10, v37;
	vm11 =	vlt.f32 v59, v18  }
0x8f5: {  	v48 =	vadd.s32 $0x10, v38;
	v36 =	vsel vm11, v61, v36;
	vm12 =	vlt.f32 v41, v17  }
0x8f6: {  	v63 =	vadd.s32 $0x7, v36;
	vm13 =	vlt.f32 v43, v15;
	v34 =	vsel vm12, v44, v34  }
0x8f7: {  	vm14 =	vlt.f32 v62, v16;
	v37 =	vsel vm13, v45, v37;
	v49 =	vadd.s32 $0x7, v34  }
0x8f8: {  	v38 =	vsel vm14, v48, v38;
	v50 =	vadd.s32 $0x7, v37  }
0x8f9: {  	v41 =	vadd.s32 $0x7, v38;
	_ =	sdelay $0x1  }
0x8fa: {  	v40 =	vld.idx.msk [tilespmem:v63+s4+$0x0], $0xffff  }
0x8fb: {  	v39 =	vld.idx.msk [tilespmem:v49+s4+$0x0], $0xffff  }
0x8fc: {  	v43 =	vld.idx.msk [tilespmem:v50+s4+$0x0], $0xffff  }
0x8fd: {  	v52 =	vld.idx.msk [tilespmem:v41+s4+$0x0], $0xffff  }
0x8fe: {  	v51 =	vadd.s32 $0x8, v36  }
0x8ff: {  	v55 =	vadd.s32 $0x8, v34;
	v56 =	vadd.s32 $0x8, v37;
	vm15 =	vlt.f32 v40, v18  }
0x900: {  	v57 =	vadd.s32 $0x8, v38;
	v36 =	vsel vm15, v51, v36;
	vm4 =	vlt.f32 v39, v17  }
0x901: {  	v53 =	vadd.s32 $0x3, v36;
	vm5 =	vlt.f32 v43, v15;
	v34 =	vsel vm4, v55, v34  }
0x902: {  	vm6 =	vlt.f32 v52, v16;
	v37 =	vsel vm5, v56, v37;
	v58 =	vadd.s32 $0x3, v34  }
0x903: {  	v38 =	vsel vm6, v57, v38;
	v60 =	vadd.s32 $0x3, v37  }
0x904: {  	v39 =	vadd.s32 $0x3, v38  }
0x905: {  	v27 =	vsel vm0, v31, v27  }
0x906: {  	v62 =	vadd.s32 $0x1, v27;
	v59 =	vld.idx.msk [tilespmem:v53+s4+$0x0], $0xffff  }
0x907: {  	v54 =	vadd.s32 $0x1, v26;
	vm8 =	vlt.f32 v42, v14;
	v45 =	vadd.s32 $0x2, v29;
	v63 =	vld.idx.msk [tilespmem:v58+s4+$0x0], $0xffff  }
0x908: {  	vm7 =	vlt.f32 v35, v12;
	v29 =	vsel vm8, v45, v29;
	v41 =	vld.idx.msk [tilespmem:v60+s4+$0x0], $0xffff  }
0x909: {  	v28 =	vsel vm7, v30, v28;
	v39 =	vld.idx.msk [tilespmem:v39+s4+$0x0], $0xffff  }
0x90a: {  	v30 =	vadd.s32 $0x1, v28;
	v46 =	vadd.s32 $0x4, v36  }
0x90b: {  	v35 =	vld.idx.msk [tilespmem:v62+s4+$0x0], $0xffff;
	v49 =	vadd.s32 $0x4, v34;
	v50 =	vadd.s32 $0x4, v37;
	vm9 =	vlt.f32 v59, v18  }
0x90c: {  	v61 =	vld.idx.msk [tilespmem:v54+s4+$0x0], $0xffff;
	v51 =	vadd.s32 $0x4, v38;
	v36 =	vsel vm9, v46, v36;
	vm11 =	vlt.f32 v63, v17  }
0x90d: {  	v52 =	vld.idx.msk [tilespmem:v29+s4+$0x0], $0xffff;
	v48 =	vadd.s32 $0x1, v36;
	vm12 =	vlt.f32 v41, v15;
	v34 =	vsel vm11, v49, v34  }
0x90e: {  	vm13 =	vlt.f32 v39, v16;
	v37 =	vsel vm12, v50, v37;
	v53 =	vadd.s32 $0x1, v34  }
0x90f: {  	v30 =	vld.idx.msk [tilespmem:v30+s4+$0x0], $0xffff;
	v38 =	vsel vm13, v51, v38;
	v54 =	vadd.s32 $0x1, v37  }
0x910: {  	vm14 =	vlt.f32 v35, v11;
	v55 =	vadd.s32 $0x2, v27;
	v56 =	vadd.s32 $0x1, v38  }
0x911: {  	v47 =	vadd.s32 $0x2, v26;
	vm10 =	vlt.f32 v61, v13;
	v27 =	vsel vm14, v55, v27  }
0x912: {  	v26 =	vsel vm10, v47, v26;
	vm4 =	vlt.f32 v52, v14;
	v31 =	vld.idx.msk [tilespmem:v48+s4+$0x0], $0xffff  }
0x913: {  	v60 =	vsel vm4, $0x1, v5;
	v59 =	vld.idx.msk [tilespmem:v53+s4+$0x0], $0xffff  }
0x914: {  	vm15 =	vlt.f32 v30, v12;
	v57 =	vadd.s32 $0x2, v28;
	v29 =	vadd.s32 v60, v29;
	v39 =	vld.idx.msk [tilespmem:v54+s4+$0x0], $0xffff  }
0x915: {  	v28 =	vsel vm15, v57, v28;
	v29 =	vmax.u32 v29, $0x1;
	v35 =	vld.idx.msk [tilespmem:v56+s4+$0x0], $0xffff  }
0x916: {  	v62 =	vld.idx.msk [tilespmem:v27+s4+$0x0], $0xffff;
	v29 =	vmin.u32 v29, $0xFFF  }
0x917: {  	v58 =	vld.idx.msk [tilespmem:v26+s4+$0x0], $0xffff;
	v29 =	vadd.s32 $0xFFFFFFFF, v29;
	v61 =	vadd.s32 $0x2, v36;
	vm5 =	vlt.f32 v31, v18  }
0x918: {  	v45 =	vadd.s32 $0x2, v34;
	v31 =	vsel vm5, v61, v36;
	vm6 =	vlt.f32 v59, v17  }
0x919: {  	v46 =	vadd.s32 $0x2, v37;
	vm7 =	vlt.f32 v39, v15;
	v34 =	vsel vm6, v45, v34  }
0x91a: {  	v63 =	vld.idx.msk [tilespmem:v28+s4+$0x0], $0xffff;
	v47 =	vadd.s32 $0x2, v38;
	vm8 =	vlt.f32 v35, v16;
	v49 =	vsel vm7, v46, v37  }
0x91b: {  	v40 =	vld.idx.msk [tilespmem:v25+s22+$0x0], $0xffff;
	vm10 =	vlt.f32 v62, v11;
	v50 =	vsel vm8, v47, v38  }
0x91c: {  	vm9 =	vlt.f32 v58, v13;
	v52 =	vsel vm10, $0x1, v5;
	v58 =	vld.idx.msk [tilespmem:v29+s22+$0x0], $0xffff  }
0x91d: {  	v51 =	vsel vm9, $0x1, v5;
	v27 =	vadd.s32 v52, v27;
	v48 =	vld.idx.msk [tilespmem:v31+s4+$0x0], $0xffff  }
0x91e: {  	v32 =	vadd.s32 $0xFFFFFFFF, v32;
	v26 =	vadd.s32 v51, v26;
	v27 =	vmax.u32 v27, $0x1;
	v54 =	vld.idx.msk [tilespmem:v34+s4+$0x0], $0xffff  }
0x91f: {  	v26 =	vmax.u32 v26, $0x1;
	v27 =	vmin.u32 v27, $0xFFF;
	vm11 =	vlt.f32 v63, v12;
	v55 =	vld.idx.msk [tilespmem:v49+s4+$0x0], $0xffff  }
0x920: {  	v26 =	vmin.u32 v26, $0xFFF;
	v27 =	vadd.s32 $0xFFFFFFFF, v27;
	v41 =	vsel vm11, $0x1, v5;
	v57 =	vld.idx.msk [tilespmem:v50+s4+$0x0], $0xffff  }
0x921: {  	v29 =	vld.idx.msk [tilespmem:v29+s18+$0x0], $0xffff;
	v26 =	vadd.s32 $0xFFFFFFFF, v26;
	v28 =	vadd.s32 v41, v28  }
0x922: {  	v53 =	vld.idx.msk [tilespmem:v25+s18+$0x0], $0xffff;
	v28 =	vmax.u32 v28, $0x1;
	vm12 =	vlt.f32 v48, v18  }
0x923: {  	v33 =	vadd.s32 $0xFFFFFFFF, v33;
	v28 =	vmin.u32 v28, $0xFFF;
	v36 =	vld.idx.msk [tilespmem:v32+s22+$0x0], $0xffff;
	v56 =	vsel vm12, $0x1, v5  }
0x924: {  	v7 =	vmul.f32 v19, v7;
	v28 =	vadd.s32 $0xFFFFFFFF, v28;
	v32 =	vld.idx.msk [tilespmem:v32+s18+$0x0], $0xffff;
	v31 =	vadd.s32 v56, v31  }
0x925: {  	v61 =	vld.idx.msk [tilespmem:v27+s22+$0x0], $0xffff;
	vm13 =	vlt.f32 v54, v17;
	vm14 =	vlt.f32 v55, v15;
	vm15 =	vlt.f32 v57, v16  }
0x926: {  	v59 =	vld.idx.msk [tilespmem:v26+s22+$0x0], $0xffff;
	v31 =	vmax.u32 v31, $0x1;
	v38 =	vsel vm13, $0x1, v5;
	v60 =	vsel vm14, $0x1, v5  }
0x927: {  	v26 =	vld.idx.msk [tilespmem:v26+s18+$0x0], $0xffff;
	v42 =	vsel vm15, $0x1, v5;
	v31 =	vmin.u32 v31, $0xFFF;
	v34 =	vadd.s32 v38, v34  }
0x928: {  	v37 =	vld.idx.msk [tilespmem:v33+s22+$0x0], $0xffff;
	v35 =	vadd.s32 v60, v49;
	v31 =	vadd.s32 $0xFFFFFFFF, v31;
	v34 =	vmax.u32 v34, $0x1  }
0x929: {  	v33 =	vld.idx.msk [tilespmem:v33+s18+$0x0], $0xffff;
	v30 =	vadd.s32 v42, v50;
	v35 =	vmax.u32 v35, $0x1;
	v34 =	vmin.u32 v34, $0xFFF  }
0x92a: {  	v62 =	vld.idx.msk [tilespmem:v28+s22+$0x0], $0xffff;
	v30 =	vmax.u32 v30, $0x1;
	v35 =	vmin.u32 v35, $0xFFF;
	v34 =	vadd.s32 $0xFFFFFFFF, v34  }
0x92b: {  	v8 =	vmul.f32 v40, v8;
	v49 =	vld.idx.msk [tilespmem:v27+s18+$0x0], $0xffff;
	v30 =	vmin.u32 v30, $0xFFF;
	v35 =	vadd.s32 $0xFFFFFFFF, v35  }
0x92c: {  	v7 =	vadd.f32 v7, v24;
	v50 =	vld.idx.msk [tilespmem:v28+s18+$0x0], $0xffff;
	v47 =	vadd.s32 $0xFFFFFFFF, v30  }
0x92d: {  	v8 =	vadd.f32 v8, v53;
	v63 =	vld.idx.msk [tilespmem:v31+s22+$0x0], $0xffff  }
0x92e: {  	v22 =	vadd.f32 v22, v23;
	[tilespmem:s8+$0x0] =	vst v7;
	v7 =	vmul.f32 v36, v9;
	v46 =	vld.idx.msk [tilespmem:v31+s18+$0x0], $0xffff  }
0x92f: {  	v45 =	vadd.f32 v20, v21;
	[tilespmem:s7+$0xFFFFFFE0] =	vst v8;
	v8 =	vmul.f32 v59, v13;
	v51 =	vld.idx.msk [tilespmem:v34+s22+$0x0], $0xffff  }
0x930: {  	[tilespmem:s8+$0xFFFFFFF0] =	vst v22;
	v10 =	vmul.f32 v37, v10;
	v7 =	vadd.f32 v7, v32;
	v52 =	vld.idx.msk [tilespmem:v35+s22+$0x0], $0xffff  }
0x931: {  	[tilespmem:s8+$0xFFFFFFE0] =	vst v45;
	v8 =	vadd.f32 v8, v26;
	v48 =	vmul.f32 v58, v14;
	v54 =	vld.idx.msk [tilespmem:v47+s22+$0x0], $0xffff  }
0x932: {  	s2 =	sadd.s32 $0x40, s7;
	v10 =	vadd.f32 v10, v33;
	[tilespmem:s7+$0x0] =	vst v7;
	v57 =	vmul.f32 v61, v11;
	v55 =	vld.idx.msk [tilespmem:v34+s18+$0x0], $0xffff  }
0x933: {  	v7 =	vmul.f32 v62, v12;
	[tilespmem:s2+$0xFFFFFFE0] =	vst v8;
	v14 =	vadd.f32 v48, v29;
	v58 =	vld.idx.msk [tilespmem:v35+s18+$0x0], $0xffff  }
0x934: {  	[tilespmem:s7+$0xFFFFFFF0] =	vst v10;
	v60 =	vadd.f32 v57, v49;
	v59 =	vld.idx.msk [tilespmem:v47+s18+$0x0], $0xffff;
	v53 =	vmul.f32 v63, v18  }
0x935: {  	[tilespmem:s2+$0x10] =	vst v14;
	v7 =	vadd.f32 v7, v50;
	v61 =	vmul.f32 v51, v17  }
0x936: {  	[tilespmem:s2+$0xFFFFFFF0] =	vst v60;
	v56 =	vadd.f32 v53, v46;
	v8 =	vmul.f32 v52, v15  }
0x937: {  	s29 =	sadd.s32 $0x40, s2;
	[tilespmem:s2+$0x0] =	vst v7;
	v62 =	vmul.f32 v54, v16;
	v63 =	vadd.f32 v61, v55  }
.Ltmp20:
0x938: {  	[tilespmem:s29+$0x10] =	vst v56;
	v7 =	vadd.f32 v8, v58;
	(pc) =	sbr.rel @p1 .LBB2_35-.Ltmp20, $4  }
0x939: {  	v8 =	vadd.f32 v62, v59;
	[tilespmem:s29+$0xFFFFFFE0] =	vst v63  }
0x93a: {  	s0 =	sshrl.u32 s0, $0x3;
	[tilespmem:s29+$0xFFFFFFF0] =	vst v7  }
0x93b: {  	s0 =	sadd.s32 s3, s0;
	[tilespmem:s29+$0x0] =	vst v8  }
0x93c: {  	[hbm4b:s0+s15] =	stream.strided.scatter [tilespmem:s25], [sflag:$0x4], $0x2000, s16, s15, $0x38;
	[tilespmem:$0xC100] =	vst v63  }
.Ltmp21:
0x93d: {  	(pc) =	sbr.rel .LBB2_29-.Ltmp21, $4  }
0x93e: {  	s0 =	sadd.s32 s31, s12  }
0x93f: {  	s0 =	sshrl.u32 s0, $0x3  }
0x940: {  	s30 =	sadd.s32 $0x1, s30;
	s0 =	sadd.s32 s1, s0  }
0x941: {  	[tilespmem:s17], [sflag:$0x2] =	stream.strided.gather [hbm4b:s0+s15], $0x2000, s16, s15, $0x38;
	[tilespmem:$0xC100] =	vst v63  }
.LBB2_37:
0x942: {  	_ =	sfence.sel $0x180000  }
0x943: {  	[bflag:$0x0] =	sbarrier.arrive $0xFFFF  }
0x944: {  	_ =	strace $0x90000047  }
0x945: {  	s0 =	stileid.u32;
	[bflag:$0x2] =	sbarrier.arrive $0xFFFF  }
0x946: {  	p0 =	sne.s32 s0, $0x0;
	s0 =	rddreg [dreg:$0x4]  }
0x947: {  	s0 =	sadd.s32 @!p0 $0x100000, s0  }
0x948: {  	[sflag:s0] =	ssyncadd.tile.s32 @!p0 $0x1;
	_ =	shalt  }
.Lfunc_end2:
_tile_overlayer_lowered:
.L_overlay_start_2:
0x949: {  	(tag) =	ssettag $0x2  }
0x94a: {  	s0 =	rddreg [dreg:$0x0];
	s2 =	stileid.u32  }
0x94b: {  	s1 =	rddreg [dreg:$0x1];
	p0 =	sne.s32 s2, $0x0  }
0x94c: {  	s3 =	rddreg [dreg:$0x2];
	[bflag:$0x3] =	sbarrier.arrive $0xFFFF;
	s2 =	simm.s32 @!p0 $0x1C05  }
0x94d: {  	[timem:s3], [sflag:s2] =	dma.local @!p0 [hbm:s0], s1  }
0x94e: {  	s0 =	simm.s32 @!p0 $0x5  }
0x94f: {  	_ =	swait.ge @!p0 [sflag:s0], s1  }
0x950: {  	s1 =	ssub.s32 @!p0 $0x0, s1;
	[sflag:s0] =	ssyncset.done @!p0 $0x0  }
0x951: {  	[sflag:s0] =	ssyncadd.s32 @!p0 s1  }
0x952: {  	[bflag:$0x3] =	sbarrier.arrive $0xFFFF  }
0x953: {  	_ =	shalt  }

</sc_bundles>
